<compile_context>
chip_gen: v7x
topology: tpu7x:2x2x1
jax: 0.10.2.dev20260603
libtpu: 0.0.44.dev20260713+nightly
codegen_flags: <defaults>
</compile_context>

<pallas_src>
import functools

import jax
import jax.numpy as jnp
import numpy as np
from jax import lax
from jax.experimental import pallas as pl
from jax.experimental.pallas import tpu as pltpu
from jax.experimental.pallas import tpu_sc as plsc

_ROWS = 128
_N = 32768
_K = 16
_L = 16
_NB = 8192
_NCHUNK = _N // _L
_CAP = 4128
_CAPG = _CAP - 32
_P = 64
_PC = _P // _L

_I32_MIN = np.int32(-2147483648)
_I32_MAXMAG = np.int32(0x7FFFFFFF)

_DNUMS = lax.GatherDimensionNumbers(
    offset_dims=(), collapsed_slice_dims=(0,), start_index_map=(0,))


def _shuf(v, perm):
    return lax.gather(v, perm[:, None], dimension_numbers=_DNUMS,
                      slice_sizes=(1,),
                      mode=lax.GatherScatterMode.PROMISE_IN_BOUNDS)


def _bcast(v, j):
    return _shuf(v, jnp.full((_L,), j, jnp.int32))


def _allmax(v):
    idx = lax.iota(jnp.int32, _L)
    for sh in (1, 2, 4, 8):
        v = jnp.maximum(v, _shuf(v, idx ^ jnp.int32(sh)))
    return v


def _allsum(v):
    idx = lax.iota(jnp.int32, _L)
    for sh in (1, 2, 4, 8):
        v = v + _shuf(v, idx ^ jnp.int32(sh))
    return v


def _sc_body(corr_hbm, sel_hbm, out_hbm, row_v, hist_v, suf_v, mark_v,
             code_v, bkt_v, seg_v, sel_v, out_v):
    info = plsc.get_sparse_core_info()
    nc_cores = info.num_cores
    wid = lax.axis_index("s") * nc_cores + lax.axis_index("c")
    rows_per = _ROWS // (nc_cores * info.num_subcores)

    pltpu.sync_copy(sel_hbm, sel_v)
    sel = sel_v[...]

    zeros16 = jnp.zeros((_L,), jnp.int32)
    ones16 = jnp.ones((_L,), jnp.int32)
    zf16 = jnp.zeros((_L,), jnp.float32)
    lane = lax.iota(jnp.int32, _L)

    def _zero(i, _):
        hist_v[pl.ds(i * _L, _L)] = zf16
        mark_v[pl.ds(i * _L, _L)] = zeros16
        return 0

    lax.fori_loop(0, _NB // _L, _zero, 0)
    suf_v[pl.ds(_NB, _L)] = zeros16

    def _per_row(r, _carry):
        row_idx = wid * rows_per + r
        pltpu.sync_copy(corr_hbm.at[row_idx], row_v)

        def _mm(i, mm):
            mn, mx = mm
            v = row_v[pl.ds(i * _L, _L)]
            fb = lax.bitcast_convert_type(v, jnp.int32)
            m = jnp.where(fb >= 0, fb, fb ^ _I32_MAXMAG)
            return jnp.minimum(mn, m), jnp.maximum(mx, m)

        big = jnp.full((_L,), _I32_MAXMAG, jnp.int32)
        with jax.named_scope("p1_minmax"):
            mn_v, mx_v = lax.fori_loop(0, _NCHUNK, _mm, (big, ~big), unroll=4)
        mn_i = ~_allmax(~mn_v)
        mx_i = _allmax(mx_v)
        mn_s = lax.bitcast_convert_type(
            jnp.where(mn_i >= 0, mn_i, mn_i ^ _I32_MAXMAG), jnp.float32)
        mx_s = lax.bitcast_convert_type(
            jnp.where(mx_i >= 0, mx_i, mx_i ^ _I32_MAXMAG), jnp.float32)
        d_s = jnp.maximum(mx_s - mn_s, jnp.full((_L,), 1e-30, jnp.float32))
        sc_s = jnp.full((_L,), float(_NB), jnp.float32) / d_s
        nbm1 = jnp.full((_L,), _NB - 1, jnp.int32)

        onesf = jnp.ones((_L,), jnp.float32)

        def _bucket(v):
            b = ((v - mn_s) * sc_s).astype(jnp.int32)
            return jnp.minimum(b, nbm1)

        def _hist(i, _):
            v = row_v[pl.ds(i * _L, _L)]
            plsc.addupdate_scatter(hist_v, [_bucket(v)], onesf)
            return 0

        with jax.named_scope("p2_hist"):
            lax.fori_loop(0, _NCHUNK, _hist, 0, unroll=4)

        last = jnp.full((_L,), _L - 1, jnp.int32)

        def _suf(j, carry):
            cj = _NB // _L - 1 - j
            h = hist_v[pl.ds(cj * _L, _L)].astype(jnp.int32)
            hr = lax.rev(h, (0,))
            cs = plsc.cumsum(hr) + carry
            suf_v[pl.ds(cj * _L, _L)] = lax.rev(cs, (0,))
            hist_v[pl.ds(cj * _L, _L)] = zf16
            return _shuf(cs, last)

        with jax.named_scope("p3_suf"):
            lax.fori_loop(0, _NB // _L, _suf, zeros16, unroll=2)

        kp1 = sel + ones16

        def _bs(_, lohi):
            lo, hi = lohi
            mid = (lo + hi) // 2
            sm = plsc.load_gather(suf_v, [mid])
            pred = sm >= kp1
            return jnp.where(pred, mid, lo), jnp.where(pred, hi, mid)

        lo0 = zeros16
        hi0 = jnp.full((_L,), _NB, jnp.int32)
        bvec, _ = lax.fori_loop(0, 13, _bs, (lo0, hi0))
        s1vec = plsc.load_gather(suf_v, [bvec + ones16])

        plsc.store_scatter(mark_v, [bvec], ones16)

        capg = jnp.full((_L,), _CAPG, jnp.int32)

        def _compact(i, off):
            v = row_v[pl.ds(i * _L, _L)]
            b = _bucket(v)
            mk = plsc.load_gather(mark_v, [b])
            fb = lax.bitcast_convert_type(v, jnp.int32)
            m = jnp.where(fb >= 0, fb, fb ^ _I32_MAXMAG)
            s_code = m ^ _I32_MIN
            mkb = mk > 0
            cs = plsc.cumsum(jnp.where(mkb, ones16, zeros16))
            idx = off + cs - ones16
            msk = mkb & (idx < capg)
            plsc.store_scatter(code_v, [idx], s_code, mask=msk)
            plsc.store_scatter(bkt_v, [idx], b, mask=msk)
            pc = plsc.all_reduce_population_count(mkb)
            return jnp.minimum(off + pc, capg)

        with jax.named_scope("p5_compact"):
            offs = lax.fori_loop(0, _NCHUNK, _compact, zeros16, unroll=2)
        ncand = jnp.sum(jnp.where(lane == 0, offs, zeros16))
        code_v[pl.ds(ncand, _L)] = zeros16
        bkt_v[pl.ds(ncand, _L)] = zeros16 - ones16
        nchunks = (ncand + jnp.int32(_L - 1)) // jnp.int32(_L)

        plsc.store_scatter(mark_v, [bvec], zeros16)

        def _zseg(i, _):
            seg_v[pl.ds(i * _L, _L)] = zeros16
            return 0

        lax.fori_loop(0, _K * _P // _L, _zseg, 0)

        tvec = sel - s1vec + ones16
        pcap = jnp.full((_L,), _P, jnp.int32)
        res_u = jnp.zeros((_L,), jnp.uint32)
        one_u = jnp.full((_L,), 1, jnp.uint32)

        scope6 = jax.named_scope("p6_ranks")
        scope6.__enter__()
        for j in range(_K):
            bj = _bcast(bvec, j)

            def _rseg(i, off):
                bc = bkt_v[pl.ds(i * _L, _L)]
                cc = code_v[pl.ds(i * _L, _L)]
                mkb = bc == bj
                cs = plsc.cumsum(jnp.where(mkb, ones16, zeros16))
                pos = off + cs - ones16
                msk = mkb & (pos < pcap)
                plsc.store_scatter(seg_v, [pos + jnp.int32(j * _P)], cc,
                                   mask=msk)
                pc = plsc.all_reduce_population_count(mkb)
                return jnp.minimum(off + pc, pcap)

            lax.fori_loop(0, nchunks, _rseg, zeros16)

            tsplat = _bcast(tvec, j)

            def _bit(i, carry):
                prefix, bitv = carry
                cand = prefix | bitv
                acc = zeros16
                for t in range(_PC):
                    cu = lax.bitcast_convert_type(
                        seg_v[pl.ds(j * _P + t * _L, _L)], jnp.uint32)
                    acc = acc + jnp.where(cu >= cand, ones16, zeros16)
                cnt = _allsum(acc)
                pred = cnt >= tsplat
                return (jnp.where(pred, cand, prefix),
                        lax.shift_right_logical(bitv, one_u))

            bit0 = jnp.full((_L,), 0x80000000, jnp.uint32)
            pref, _unused = lax.fori_loop(
                0, 32, _bit, (jnp.zeros((_L,), jnp.uint32), bit0), unroll=2)
            res_u = jnp.where(lane == j, pref, res_u)

        scope6.__exit__(None, None, None)
        m = lax.bitcast_convert_type(res_u, jnp.int32) ^ _I32_MIN
        fbits = jnp.where(m >= 0, m, m ^ _I32_MAXMAG)
        out_v[...] = lax.bitcast_convert_type(fbits, jnp.float32)
        pltpu.sync_copy(out_v, out_hbm.at[row_idx])
        return _carry

    lax.fori_loop(0, rows_per, _per_row, 0)


@jax.jit
def kernel(corr, select_indices):
    mesh = plsc.VectorSubcoreMesh(core_axis_name="c", subcore_axis_name="s")
    f = pl.kernel(
        _sc_body,
        out_type=jax.ShapeDtypeStruct((_ROWS, _K), jnp.float32),
        mesh=mesh,
        compiler_params=pltpu.CompilerParams(needs_layout_passes=False),
        scratch_types=[
            pltpu.VMEM((_N,), jnp.float32),
            pltpu.VMEM((_NB,), jnp.float32),
            pltpu.VMEM((_NB + _L,), jnp.int32),
            pltpu.VMEM((_NB,), jnp.int32),
            pltpu.VMEM((_CAP,), jnp.int32),
            pltpu.VMEM((_CAP,), jnp.int32),
            pltpu.VMEM((_K * _P,), jnp.int32),
            pltpu.VMEM((_L,), jnp.int32),
            pltpu.VMEM((_L,), jnp.float32),
        ],
    )
    return f(corr, select_indices)

# --- scband reference (transcript-rebuilt; emitter-appended) ---
"""Pipeline reference for scband-poolopt-on-corrmat-30734785970475 (READ-ONLY COPY).

The authoritative reference and input builder live on the scoring server;
editing this copy changes nothing except your own understanding.
"""

import jax, jax.numpy as jnp
import numpy as np

SELECT_INDICES = [0, 1, 2, 4, 8, 16, 32, 64, 128, 256, 512, 1024, 2048, 4096, 8192, 16384]


def setup_inputs(seed: int = 0) -> dict:
    key = jax.random.key(seed)
    corr = jax.random.normal(key, (128, 32768), dtype=jnp.float32)
    select_indices = jnp.asarray(SELECT_INDICES, dtype=jnp.int32)
    return {"corr": corr, "select_indices": select_indices}


def reference(corr, select_indices):
    # torch.sort(corr, 1, descending=True) -> sort descending along axis 1
    sort_corr = -jnp.sort(-corr, axis=1)
    # torch.index_select(sort_corr, 1, sort_indices)
    sort_corr_pool = jnp.take(sort_corr, select_indices, axis=1)
    return sort_corr_pool

if __name__ == "__main__":
    import jax
    _d = setup_inputs()
    print(jax.jit(kernel)(*tuple(_d.values())))

</pallas_src>

<mosaic_0001>
#map = affine_map<(d0, d1) -> (0, 0)>
#map1 = affine_map<(d0, d1) -> (0)>
module attributes {stable_mosaic.version = 14 : i64} {
  func.func @_sc_body(%arg0: i32, %arg1: i32, %arg2: memref<128x32768xf32, #tpu.memory_space<hbm>>, %arg3: memref<16xi32, #tpu.memory_space<hbm>>, %arg4: memref<128x16xf32, #tpu.memory_space<hbm>>, %arg5: memref<32768xf32, #tpu.memory_space<vmem>>, %arg6: memref<8192xf32, #tpu.memory_space<vmem>>, %arg7: memref<8208xi32, #tpu.memory_space<vmem>>, %arg8: memref<8192xi32, #tpu.memory_space<vmem>>, %arg9: memref<4128xi32, #tpu.memory_space<vmem>>, %arg10: memref<4128xi32, #tpu.memory_space<vmem>>, %arg11: memref<1024xi32, #tpu.memory_space<vmem>>, %arg12: memref<16xi32, #tpu.memory_space<vmem>>, %arg13: memref<16xf32, #tpu.memory_space<vmem>>) attributes {dimension_semantics = [#tpu.dimension_semantics<core_parallel>, #tpu.dimension_semantics<subcore_parallel>], iteration_bounds = array<i64: 2, 16>, scalar_prefetch = 0 : i64, scratch_operands = 9 : i64, tpu.core_type = #tpu.core_type<sc_vector_subcore>, window_params = [{transform_indices = #map}, {transform_indices = #map1}, {transform_indices = #map}]} {
    %mul3A = arith.constant 2 : i32
    %mul3A_0 = arith.muli %arg1, %mul3A : i32
    %add3A = arith.addi %mul3A_0, %arg0 : i32
    "tpu.region"() ({
      %run_scoped3A = tpu.sem_alloc : memref<!tpu.dma_semaphore, #tpu.memory_space<semaphore_mem>>
      tpu.enqueue_dma source(%arg3 : memref<16xi32, #tpu.memory_space<hbm>>) target(%arg12 : memref<16xi32, #tpu.memory_space<vmem>>) target_semaphore(%run_scoped3A : memref<!tpu.dma_semaphore, #tpu.memory_space<semaphore_mem>>)
      tpu.wait_dma2 semaphore(%run_scoped3A : memref<!tpu.dma_semaphore, #tpu.memory_space<semaphore_mem>>) src(%arg3 : memref<16xi32, #tpu.memory_space<hbm>>) dst(%arg12 : memref<16xi32, #tpu.memory_space<vmem>>)
      tpu.yield
    }) : () -> ()
    %get3A = arith.constant 0 : index
    %get3A_1 = tpu.vector_load %arg12[%get3A] {strides = array<i32>} : memref<16xi32, #tpu.memory_space<vmem>>, vector<16xi32>,
    %broadcast_in_dim3A = arith.constant 0 : i32
    %broadcast_in_dim3A_2 = vector.broadcast %broadcast_in_dim3A : i32 to vector<16xi32>
    %broadcast_in_dim3A_3 = arith.constant 1 : i32
    %broadcast_in_dim3A_4 = vector.broadcast %broadcast_in_dim3A_3 : i32 to vector<16xi32>
    %broadcast_in_dim3A_5 = arith.constant 0.000000e+00 : f32
    %broadcast_in_dim3A_6 = vector.broadcast %broadcast_in_dim3A_5 : f32 to vector<16xf32>
    %iota3A = tpu.iota {dimensions = array<i32: 0>} : vector<16xi32>
    %scan3A = arith.constant 0 : i32
    %scan3A_7 = arith.constant 0 : i32
    %scan3A_8 = arith.constant 512 : i32
    %scan3A_9 = arith.addi %scan3A_7, %scan3A_8 : i32
    %scan3A_10 = arith.constant 1 : i32
    %scan3A_11 = scf.for %scan3A_20 = %scan3A_7 to %scan3A_9 step %scan3A_10 iter_args(%scan3A_21 = %scan3A) -> (i32)  : i32 {
      %mul3A_22 = arith.constant 16 : i32
      %mul3A_23 = arith.muli %scan3A_20, %mul3A_22 : i32
      %swap3A_24 = arith.index_cast %mul3A_23 : i32 to index
      %swap3A_25 = tpu.vector_load %arg6[%swap3A_24] {strides = array<i32>} : memref<8192xf32, #tpu.memory_space<vmem>>, vector<16xf32>,
      tpu.vector_store %arg6[%swap3A_24], %broadcast_in_dim3A_6 {strides = array<i32>} : memref<8192xf32, #tpu.memory_space<vmem>>, vector<16xf32>,
      %mul3A_26 = arith.constant 16 : i32
      %mul3A_27 = arith.muli %scan3A_20, %mul3A_26 : i32
      %swap3A_28 = arith.index_cast %mul3A_27 : i32 to index
      %swap3A_29 = tpu.vector_load %arg8[%swap3A_28] {strides = array<i32>} : memref<8192xi32, #tpu.memory_space<vmem>>, vector<16xi32>,
      tpu.vector_store %arg8[%swap3A_28], %broadcast_in_dim3A_2 {strides = array<i32>} : memref<8192xi32, #tpu.memory_space<vmem>>, vector<16xi32>,
      %scan3A_30 = arith.constant 0 : i32
      scf.yield %scan3A_30 : i32
    }
    %scan3A_12 = arith.constant 512 : i32
    %swap3A = arith.constant 8192 : index
    %swap3A_13 = tpu.vector_load %arg7[%swap3A] {strides = array<i32>} : memref<8208xi32, #tpu.memory_space<vmem>>, vector<16xi32>,
    tpu.vector_store %arg7[%swap3A], %broadcast_in_dim3A_2 {strides = array<i32>} : memref<8208xi32, #tpu.memory_space<vmem>>, vector<16xi32>,
    %scan3A_14 = arith.constant 0 : i32
    %scan3A_15 = arith.constant 0 : i32
    %scan3A_16 = arith.constant 4 : i32
    %scan3A_17 = arith.addi %scan3A_15, %scan3A_16 : i32
    %scan3A_18 = arith.constant 1 : i32
    scf.for %scan3A_20 = %scan3A_15 to %scan3A_17 step %scan3A_18  : i32 {
      %mul3A_21 = arith.constant 4 : i32
      %mul3A_22 = arith.muli %add3A, %mul3A_21 : i32
      %add3A_23 = arith.addi %mul3A_22, %scan3A_20 : i32
      "tpu.region"() ({
        %run_scoped3A = tpu.sem_alloc : memref<!tpu.dma_semaphore, #tpu.memory_space<semaphore_mem>>
        %dma_start3A = arith.constant 0 : i32
        %dma_start3A_768 = tpu.memref_slice %arg2[%add3A_23, %dma_start3A] : memref<128x32768xf32, #tpu.memory_space<hbm>> -> memref<1x32768xf32, #tpu.memory_space<hbm>>
        %dma_start3A_769 = tpu.memref_squeeze %dma_start3A_768 : memref<1x32768xf32, #tpu.memory_space<hbm>> -> memref<32768xf32, #tpu.memory_space<hbm>>
        %dma_start3A_770 = arith.constant 0 : i32
        %dma_start3A_771 = tpu.memref_slice %arg2[%add3A_23, %dma_start3A_770] : memref<128x32768xf32, #tpu.memory_space<hbm>> -> memref<1x32768xf32, #tpu.memory_space<hbm>>
        %dma_start3A_772 = tpu.memref_squeeze %dma_start3A_771 : memref<1x32768xf32, #tpu.memory_space<hbm>> -> memref<32768xf32, #tpu.memory_space<hbm>>
        tpu.enqueue_dma source(%dma_start3A_772 : memref<32768xf32, #tpu.memory_space<hbm>>) target(%arg5 : memref<32768xf32, #tpu.memory_space<vmem>>) target_semaphore(%run_scoped3A : memref<!tpu.dma_semaphore, #tpu.memory_space<semaphore_mem>>)
        %dma_wait3A = arith.constant 0 : i32
        %dma_wait3A_773 = tpu.memref_slice %arg2[%add3A_23, %dma_wait3A] : memref<128x32768xf32, #tpu.memory_space<hbm>> -> memref<1x32768xf32, #tpu.memory_space<hbm>>
        %dma_wait3A_774 = tpu.memref_squeeze %dma_wait3A_773 : memref<1x32768xf32, #tpu.memory_space<hbm>> -> memref<32768xf32, #tpu.memory_space<hbm>>
        %dma_wait3A_775 = arith.constant 0 : i32
        %dma_wait3A_776 = tpu.memref_slice %arg2[%add3A_23, %dma_wait3A_775] : memref<128x32768xf32, #tpu.memory_space<hbm>> -> memref<1x32768xf32, #tpu.memory_space<hbm>>
        %dma_wait3A_777 = tpu.memref_squeeze %dma_wait3A_776 : memref<1x32768xf32, #tpu.memory_space<hbm>> -> memref<32768xf32, #tpu.memory_space<hbm>>
        tpu.wait_dma2 semaphore(%run_scoped3A : memref<!tpu.dma_semaphore, #tpu.memory_space<semaphore_mem>>) src(%dma_wait3A_777 : memref<32768xf32, #tpu.memory_space<hbm>>) dst(%arg5 : memref<32768xf32, #tpu.memory_space<vmem>>)
        tpu.yield
      }) : () -> ()
      %broadcast_in_dim3A_24 = arith.constant 2147483647 : i32
      %broadcast_in_dim3A_25 = vector.broadcast %broadcast_in_dim3A_24 : i32 to vector<16xi32>
      "tpu.trace_start"() <{level = 10 : i32, message = "p1_minmax"}> : () -> ()
      %not3A = arith.constant dense<-1> : vector<16xi32>
      %not3A_26 = arith.xori %broadcast_in_dim3A_25, %not3A : vector<16xi32>
      %scan3A_27 = arith.constant 0 : i32
      %scan3A_28 = arith.constant 2048 : i32
      %scan3A_29 = arith.addi %scan3A_27, %scan3A_28 : i32
      %scan3A_30 = arith.constant 4 : i32
      %scan3A_31:2 = scf.for %scan3A_768 = %scan3A_27 to %scan3A_29 step %scan3A_30 iter_args(%scan3A_769 = %broadcast_in_dim3A_25, %scan3A_770 = %not3A_26) -> (vector<16xi32>, vector<16xi32>)  : i32 {
        %mul3A_771 = arith.constant 16 : i32
        %mul3A_772 = arith.muli %scan3A_768, %mul3A_771 : i32
        %get3A_773 = arith.index_cast %mul3A_772 : i32 to index
        %get3A_774 = tpu.vector_load %arg5[%get3A_773] {strides = array<i32>} : memref<32768xf32, #tpu.memory_space<vmem>>, vector<16xf32>,
        %bitcast_convert_type3A_775 = tpu.bitcast %get3A_774 : vector<16xf32> -> vector<16xi32>
        %ge3A_776 = arith.constant 0 : i32
        %ge3A_777 = vector.broadcast %ge3A_776 : i32 to vector<16xi32>
        %ge3A_778 = arith.cmpi sge, %bitcast_convert_type3A_775, %ge3A_777 : vector<16xi32>
        %xor3A_779 = arith.constant 2147483647 : i32
        %xor3A_780 = vector.broadcast %xor3A_779 : i32 to vector<16xi32>
        %xor3A_781 = arith.xori %bitcast_convert_type3A_775, %xor3A_780 : vector<16xi32>
        %select_n3A_782 = arith.select %ge3A_778, %bitcast_convert_type3A_775, %xor3A_781 : vector<16xi1>, vector<16xi32>
        %min3A = arith.minsi %scan3A_769, %select_n3A_782 : vector<16xi32>
        %max3A_783 = arith.maxsi %scan3A_770, %select_n3A_782 : vector<16xi32>
        %scan3A_784 = arith.constant 1 : i32
        %scan3A_785 = arith.addi %scan3A_768, %scan3A_784 : i32
        %mul3A_786 = arith.constant 16 : i32
        %mul3A_787 = arith.muli %scan3A_785, %mul3A_786 : i32
        %get3A_788 = arith.index_cast %mul3A_787 : i32 to index
        %get3A_789 = tpu.vector_load %arg5[%get3A_788] {strides = array<i32>} : memref<32768xf32, #tpu.memory_space<vmem>>, vector<16xf32>,
        %bitcast_convert_type3A_790 = tpu.bitcast %get3A_789 : vector<16xf32> -> vector<16xi32>
        %ge3A_791 = arith.constant 0 : i32
        %ge3A_792 = vector.broadcast %ge3A_791 : i32 to vector<16xi32>
        %ge3A_793 = arith.cmpi sge, %bitcast_convert_type3A_790, %ge3A_792 : vector<16xi32>
        %xor3A_794 = arith.constant 2147483647 : i32
        %xor3A_795 = vector.broadcast %xor3A_794 : i32 to vector<16xi32>
        %xor3A_796 = arith.xori %bitcast_convert_type3A_790, %xor3A_795 : vector<16xi32>
        %select_n3A_797 = arith.select %ge3A_793, %bitcast_convert_type3A_790, %xor3A_796 : vector<16xi1>, vector<16xi32>
        %min3A_798 = arith.minsi %min3A, %select_n3A_797 : vector<16xi32>
        %max3A_799 = arith.maxsi %max3A_783, %select_n3A_797 : vector<16xi32>
        %scan3A_800 = arith.constant 2 : i32
        %scan3A_801 = arith.addi %scan3A_768, %scan3A_800 : i32
        %mul3A_802 = arith.constant 16 : i32
        %mul3A_803 = arith.muli %scan3A_801, %mul3A_802 : i32
        %get3A_804 = arith.index_cast %mul3A_803 : i32 to index
        %get3A_805 = tpu.vector_load %arg5[%get3A_804] {strides = array<i32>} : memref<32768xf32, #tpu.memory_space<vmem>>, vector<16xf32>,
        %bitcast_convert_type3A_806 = tpu.bitcast %get3A_805 : vector<16xf32> -> vector<16xi32>
        %ge3A_807 = arith.constant 0 : i32
        %ge3A_808 = vector.broadcast %ge3A_807 : i32 to vector<16xi32>
        %ge3A_809 = arith.cmpi sge, %bitcast_convert_type3A_806, %ge3A_808 : vector<16xi32>
        %xor3A_810 = arith.constant 2147483647 : i32
        %xor3A_811 = vector.broadcast %xor3A_810 : i32 to vector<16xi32>
        %xor3A_812 = arith.xori %bitcast_convert_type3A_806, %xor3A_811 : vector<16xi32>
        %select_n3A_813 = arith.select %ge3A_809, %bitcast_convert_type3A_806, %xor3A_812 : vector<16xi1>, vector<16xi32>
        %min3A_814 = arith.minsi %min3A_798, %select_n3A_813 : vector<16xi32>
        %max3A_815 = arith.maxsi %max3A_799, %select_n3A_813 : vector<16xi32>
        %scan3A_816 = arith.constant 3 : i32
        %scan3A_817 = arith.addi %scan3A_768, %scan3A_816 : i32
        %mul3A_818 = arith.constant 16 : i32
        %mul3A_819 = arith.muli %scan3A_817, %mul3A_818 : i32
        %get3A_820 = arith.index_cast %mul3A_819 : i32 to index
        %get3A_821 = tpu.vector_load %arg5[%get3A_820] {strides = array<i32>} : memref<32768xf32, #tpu.memory_space<vmem>>, vector<16xf32>,
        %bitcast_convert_type3A_822 = tpu.bitcast %get3A_821 : vector<16xf32> -> vector<16xi32>
        %ge3A_823 = arith.constant 0 : i32
        %ge3A_824 = vector.broadcast %ge3A_823 : i32 to vector<16xi32>
        %ge3A_825 = arith.cmpi sge, %bitcast_convert_type3A_822, %ge3A_824 : vector<16xi32>
        %xor3A_826 = arith.constant 2147483647 : i32
        %xor3A_827 = vector.broadcast %xor3A_826 : i32 to vector<16xi32>
        %xor3A_828 = arith.xori %bitcast_convert_type3A_822, %xor3A_827 : vector<16xi32>
        %select_n3A_829 = arith.select %ge3A_825, %bitcast_convert_type3A_822, %xor3A_828 : vector<16xi1>, vector<16xi32>
        %min3A_830 = arith.minsi %min3A_814, %select_n3A_829 : vector<16xi32>
        %max3A_831 = arith.maxsi %max3A_815, %select_n3A_829 : vector<16xi32>
        scf.yield %min3A_830, %max3A_831 : vector<16xi32>, vector<16xi32>
      }
      %scan3A_32 = arith.constant 2048 : i32
      "tpu.trace_stop"() : () -> ()
      %not3A_33 = arith.constant dense<-1> : vector<16xi32>
      %not3A_34 = arith.xori %scan3A_31#0, %not3A_33 : vector<16xi32>
      %iota3A_35 = tpu.iota {dimensions = array<i32: 0>} : vector<16xi32>
      %xor3A = arith.constant 1 : i32
      %xor3A_36 = vector.broadcast %xor3A : i32 to vector<16xi32>
      %xor3A_37 = arith.xori %iota3A_35, %xor3A_36 : vector<16xi32>
      %broadcast_in_dim3A_38 = vector.shape_cast %xor3A_37 : vector<16xi32> to vector<16x1xi32>
      %gather3A = vector.shape_cast %broadcast_in_dim3A_38 : vector<16x1xi32> to vector<16xi32>
      %gather3A_39 = tpu.dynamic_gather %not3A_34[%gather3A] in [0] : vector<16xi32>, vector<16xi32> -> vector<16xi32>
      %max3A = arith.maxsi %not3A_34, %gather3A_39 : vector<16xi32>
      %xor3A_40 = arith.constant 2 : i32
      %xor3A_41 = vector.broadcast %xor3A_40 : i32 to vector<16xi32>
      %xor3A_42 = arith.xori %iota3A_35, %xor3A_41 : vector<16xi32>
      %broadcast_in_dim3A_43 = vector.shape_cast %xor3A_42 : vector<16xi32> to vector<16x1xi32>
      %gather3A_44 = vector.shape_cast %broadcast_in_dim3A_43 : vector<16x1xi32> to vector<16xi32>
      %gather3A_45 = tpu.dynamic_gather %max3A[%gather3A_44] in [0] : vector<16xi32>, vector<16xi32> -> vector<16xi32>
      %max3A_46 = arith.maxsi %max3A, %gather3A_45 : vector<16xi32>
      %xor3A_47 = arith.constant 4 : i32
      %xor3A_48 = vector.broadcast %xor3A_47 : i32 to vector<16xi32>
      %xor3A_49 = arith.xori %iota3A_35, %xor3A_48 : vector<16xi32>
      %broadcast_in_dim3A_50 = vector.shape_cast %xor3A_49 : vector<16xi32> to vector<16x1xi32>
      %gather3A_51 = vector.shape_cast %broadcast_in_dim3A_50 : vector<16x1xi32> to vector<16xi32>
      %gather3A_52 = tpu.dynamic_gather %max3A_46[%gather3A_51] in [0] : vector<16xi32>, vector<16xi32> -> vector<16xi32>
      %max3A_53 = arith.maxsi %max3A_46, %gather3A_52 : vector<16xi32>
      %xor3A_54 = arith.constant 8 : i32
      %xor3A_55 = vector.broadcast %xor3A_54 : i32 to vector<16xi32>
      %xor3A_56 = arith.xori %iota3A_35, %xor3A_55 : vector<16xi32>
      %broadcast_in_dim3A_57 = vector.shape_cast %xor3A_56 : vector<16xi32> to vector<16x1xi32>
      %gather3A_58 = vector.shape_cast %broadcast_in_dim3A_57 : vector<16x1xi32> to vector<16xi32>
      %gather3A_59 = tpu.dynamic_gather %max3A_53[%gather3A_58] in [0] : vector<16xi32>, vector<16xi32> -> vector<16xi32>
      %max3A_60 = arith.maxsi %max3A_53, %gather3A_59 : vector<16xi32>
      %not3A_61 = arith.constant dense<-1> : vector<16xi32>
      %not3A_62 = arith.xori %max3A_60, %not3A_61 : vector<16xi32>
      %iota3A_63 = tpu.iota {dimensions = array<i32: 0>} : vector<16xi32>
      %xor3A_64 = arith.constant 1 : i32
      %xor3A_65 = vector.broadcast %xor3A_64 : i32 to vector<16xi32>
      %xor3A_66 = arith.xori %iota3A_63, %xor3A_65 : vector<16xi32>
      %broadcast_in_dim3A_67 = vector.shape_cast %xor3A_66 : vector<16xi32> to vector<16x1xi32>
      %gather3A_68 = vector.shape_cast %broadcast_in_dim3A_67 : vector<16x1xi32> to vector<16xi32>
      %gather3A_69 = tpu.dynamic_gather %scan3A_31#1[%gather3A_68] in [0] : vector<16xi32>, vector<16xi32> -> vector<16xi32>
      %max3A_70 = arith.maxsi %scan3A_31#1, %gather3A_69 : vector<16xi32>
      %xor3A_71 = arith.constant 2 : i32
      %xor3A_72 = vector.broadcast %xor3A_71 : i32 to vector<16xi32>
      %xor3A_73 = arith.xori %iota3A_63, %xor3A_72 : vector<16xi32>
      %broadcast_in_dim3A_74 = vector.shape_cast %xor3A_73 : vector<16xi32> to vector<16x1xi32>
      %gather3A_75 = vector.shape_cast %broadcast_in_dim3A_74 : vector<16x1xi32> to vector<16xi32>
      %gather3A_76 = tpu.dynamic_gather %max3A_70[%gather3A_75] in [0] : vector<16xi32>, vector<16xi32> -> vector<16xi32>
      %max3A_77 = arith.maxsi %max3A_70, %gather3A_76 : vector<16xi32>
      %xor3A_78 = arith.constant 4 : i32
      %xor3A_79 = vector.broadcast %xor3A_78 : i32 to vector<16xi32>
      %xor3A_80 = arith.xori %iota3A_63, %xor3A_79 : vector<16xi32>
      %broadcast_in_dim3A_81 = vector.shape_cast %xor3A_80 : vector<16xi32> to vector<16x1xi32>
      %gather3A_82 = vector.shape_cast %broadcast_in_dim3A_81 : vector<16x1xi32> to vector<16xi32>
      %gather3A_83 = tpu.dynamic_gather %max3A_77[%gather3A_82] in [0] : vector<16xi32>, vector<16xi32> -> vector<16xi32>
      %max3A_84 = arith.maxsi %max3A_77, %gather3A_83 : vector<16xi32>
      %xor3A_85 = arith.constant 8 : i32
      %xor3A_86 = vector.broadcast %xor3A_85 : i32 to vector<16xi32>
      %xor3A_87 = arith.xori %iota3A_63, %xor3A_86 : vector<16xi32>
      %broadcast_in_dim3A_88 = vector.shape_cast %xor3A_87 : vector<16xi32> to vector<16x1xi32>
      %gather3A_89 = vector.shape_cast %broadcast_in_dim3A_88 : vector<16x1xi32> to vector<16xi32>
      %gather3A_90 = tpu.dynamic_gather %max3A_84[%gather3A_89] in [0] : vector<16xi32>, vector<16xi32> -> vector<16xi32>
      %max3A_91 = arith.maxsi %max3A_84, %gather3A_90 : vector<16xi32>
      %ge3A = arith.constant 0 : i32
      %ge3A_92 = vector.broadcast %ge3A : i32 to vector<16xi32>
      %ge3A_93 = arith.cmpi sge, %not3A_62, %ge3A_92 : vector<16xi32>
      %xor3A_94 = arith.constant 2147483647 : i32
      %xor3A_95 = vector.broadcast %xor3A_94 : i32 to vector<16xi32>
      %xor3A_96 = arith.xori %not3A_62, %xor3A_95 : vector<16xi32>
      %select_n3A = arith.select %ge3A_93, %not3A_62, %xor3A_96 : vector<16xi1>, vector<16xi32>
      %bitcast_convert_type3A = tpu.bitcast %select_n3A : vector<16xi32> -> vector<16xf32>
      %ge3A_97 = arith.constant 0 : i32
      %ge3A_98 = vector.broadcast %ge3A_97 : i32 to vector<16xi32>
      %ge3A_99 = arith.cmpi sge, %max3A_91, %ge3A_98 : vector<16xi32>
      %xor3A_100 = arith.constant 2147483647 : i32
      %xor3A_101 = vector.broadcast %xor3A_100 : i32 to vector<16xi32>
      %xor3A_102 = arith.xori %max3A_91, %xor3A_101 : vector<16xi32>
      %select_n3A_103 = arith.select %ge3A_99, %max3A_91, %xor3A_102 : vector<16xi1>, vector<16xi32>
      %bitcast_convert_type3A_104 = tpu.bitcast %select_n3A_103 : vector<16xi32> -> vector<16xf32>
      %sub3A = arith.subf %bitcast_convert_type3A_104, %bitcast_convert_type3A : vector<16xf32>
      %broadcast_in_dim3A_105 = arith.constant 1.000000e-30 : f32
      %broadcast_in_dim3A_106 = vector.broadcast %broadcast_in_dim3A_105 : f32 to vector<16xf32>
      %max3A_107 = arith.maximumf %sub3A, %broadcast_in_dim3A_106 : vector<16xf32>
      %broadcast_in_dim3A_108 = arith.constant 8.192000e+03 : f32
      %broadcast_in_dim3A_109 = vector.broadcast %broadcast_in_dim3A_108 : f32 to vector<16xf32>
      %div3A = arith.divf %broadcast_in_dim3A_109, %max3A_107 : vector<16xf32>
      %broadcast_in_dim3A_110 = arith.constant 8191 : i32
      %broadcast_in_dim3A_111 = vector.broadcast %broadcast_in_dim3A_110 : i32 to vector<16xi32>
      %broadcast_in_dim3A_112 = arith.constant 1.000000e+00 : f32
      %broadcast_in_dim3A_113 = vector.broadcast %broadcast_in_dim3A_112 : f32 to vector<16xf32>
      "tpu.trace_start"() <{level = 10 : i32, message = "p2_hist"}> : () -> ()
      %scan3A_114 = arith.constant 0 : i32
      %scan3A_115 = arith.constant 0 : i32
      %scan3A_116 = arith.constant 2048 : i32
      %scan3A_117 = arith.addi %scan3A_115, %scan3A_116 : i32
      %scan3A_118 = arith.constant 4 : i32
      %scan3A_119 = scf.for %scan3A_768 = %scan3A_115 to %scan3A_117 step %scan3A_118 iter_args(%scan3A_769 = %scan3A_114) -> (i32)  : i32 {
        %mul3A_770 = arith.constant 16 : i32
        %mul3A_771 = arith.muli %scan3A_768, %mul3A_770 : i32
        %get3A_772 = arith.index_cast %mul3A_771 : i32 to index
        %get3A_773 = tpu.vector_load %arg5[%get3A_772] {strides = array<i32>} : memref<32768xf32, #tpu.memory_space<vmem>>, vector<16xf32>,
        %sub3A_774 = arith.subf %get3A_773, %bitcast_convert_type3A : vector<16xf32>
        %mul3A_775 = arith.mulf %sub3A_774, %div3A : vector<16xf32>
        %convert_element_type3A = arith.fptosi %mul3A_775 : vector<16xf32> to vector<16xi32>
        %min3A = arith.minsi %convert_element_type3A, %broadcast_in_dim3A_111 : vector<16xi32>
        tpu.vector_store_idx %arg6[%min3A], %broadcast_in_dim3A_113 {add = true} : memref<8192xf32, #tpu.memory_space<vmem>>[vector<16xi32>], vector<16xf32>,
        %scan3A_776 = arith.constant 0 : i32
        %scan3A_777 = arith.constant 1 : i32
        %scan3A_778 = arith.addi %scan3A_768, %scan3A_777 : i32
        %mul3A_779 = arith.constant 16 : i32
        %mul3A_780 = arith.muli %scan3A_778, %mul3A_779 : i32
        %get3A_781 = arith.index_cast %mul3A_780 : i32 to index
        %get3A_782 = tpu.vector_load %arg5[%get3A_781] {strides = array<i32>} : memref<32768xf32, #tpu.memory_space<vmem>>, vector<16xf32>,
        %sub3A_783 = arith.subf %get3A_782, %bitcast_convert_type3A : vector<16xf32>
        %mul3A_784 = arith.mulf %sub3A_783, %div3A : vector<16xf32>
        %convert_element_type3A_785 = arith.fptosi %mul3A_784 : vector<16xf32> to vector<16xi32>
        %min3A_786 = arith.minsi %convert_element_type3A_785, %broadcast_in_dim3A_111 : vector<16xi32>
        tpu.vector_store_idx %arg6[%min3A_786], %broadcast_in_dim3A_113 {add = true} : memref<8192xf32, #tpu.memory_space<vmem>>[vector<16xi32>], vector<16xf32>,
        %scan3A_787 = arith.constant 0 : i32
        %scan3A_788 = arith.constant 2 : i32
        %scan3A_789 = arith.addi %scan3A_768, %scan3A_788 : i32
        %mul3A_790 = arith.constant 16 : i32
        %mul3A_791 = arith.muli %scan3A_789, %mul3A_790 : i32
        %get3A_792 = arith.index_cast %mul3A_791 : i32 to index
        %get3A_793 = tpu.vector_load %arg5[%get3A_792] {strides = array<i32>} : memref<32768xf32, #tpu.memory_space<vmem>>, vector<16xf32>,
        %sub3A_794 = arith.subf %get3A_793, %bitcast_convert_type3A : vector<16xf32>
        %mul3A_795 = arith.mulf %sub3A_794, %div3A : vector<16xf32>
        %convert_element_type3A_796 = arith.fptosi %mul3A_795 : vector<16xf32> to vector<16xi32>
        %min3A_797 = arith.minsi %convert_element_type3A_796, %broadcast_in_dim3A_111 : vector<16xi32>
        tpu.vector_store_idx %arg6[%min3A_797], %broadcast_in_dim3A_113 {add = true} : memref<8192xf32, #tpu.memory_space<vmem>>[vector<16xi32>], vector<16xf32>,
        %scan3A_798 = arith.constant 0 : i32
        %scan3A_799 = arith.constant 3 : i32
        %scan3A_800 = arith.addi %scan3A_768, %scan3A_799 : i32
        %mul3A_801 = arith.constant 16 : i32
        %mul3A_802 = arith.muli %scan3A_800, %mul3A_801 : i32
        %get3A_803 = arith.index_cast %mul3A_802 : i32 to index
        %get3A_804 = tpu.vector_load %arg5[%get3A_803] {strides = array<i32>} : memref<32768xf32, #tpu.memory_space<vmem>>, vector<16xf32>,
        %sub3A_805 = arith.subf %get3A_804, %bitcast_convert_type3A : vector<16xf32>
        %mul3A_806 = arith.mulf %sub3A_805, %div3A : vector<16xf32>
        %convert_element_type3A_807 = arith.fptosi %mul3A_806 : vector<16xf32> to vector<16xi32>
        %min3A_808 = arith.minsi %convert_element_type3A_807, %broadcast_in_dim3A_111 : vector<16xi32>
        tpu.vector_store_idx %arg6[%min3A_808], %broadcast_in_dim3A_113 {add = true} : memref<8192xf32, #tpu.memory_space<vmem>>[vector<16xi32>], vector<16xf32>,
        %scan3A_809 = arith.constant 0 : i32
        scf.yield %scan3A_809 : i32
      }
      %scan3A_120 = arith.constant 2048 : i32
      %broadcast_in_dim3A_121 = arith.constant 15 : i32
      "tpu.trace_stop"() : () -> ()
      %broadcast_in_dim3A_122 = vector.broadcast %broadcast_in_dim3A_121 : i32 to vector<16xi32>
      "tpu.trace_start"() <{level = 10 : i32, message = "p3_suf"}> : () -> ()
      %scan3A_123 = arith.constant 0 : i32
      %scan3A_124 = arith.constant 512 : i32
      %scan3A_125 = arith.addi %scan3A_123, %scan3A_124 : i32
      %scan3A_126 = arith.constant 2 : i32
      %scan3A_127 = scf.for %scan3A_768 = %scan3A_123 to %scan3A_125 step %scan3A_126 iter_args(%scan3A_769 = %broadcast_in_dim3A_2) -> (vector<16xi32>)  : i32 {
        %sub3A_770 = arith.constant 511 : i32
        %sub3A_771 = arith.subi %sub3A_770, %scan3A_768 : i32
        %mul3A_772 = arith.constant 16 : i32
        %mul3A_773 = arith.muli %sub3A_771, %mul3A_772 : i32
        %get3A_774 = arith.index_cast %mul3A_773 : i32 to index
        %get3A_775 = tpu.vector_load %arg6[%get3A_774] {strides = array<i32>} : memref<8192xf32, #tpu.memory_space<vmem>>, vector<16xf32>,
        %convert_element_type3A = arith.fptosi %get3A_775 : vector<16xf32> to vector<16xi32>
        %rev3A = arith.constant 15 : i32
        %rev3A_776 = vector.broadcast %rev3A : i32 to vector<16xi32>
        %rev3A_777 = tpu.iota {dimensions = array<i32: 0>} : vector<16xi32>
        %rev3A_778 = arith.subi %rev3A_776, %rev3A_777 : vector<16xi32>
        %rev3A_779 = tpu.dynamic_gather %convert_element_type3A[%rev3A_778] in [0] : vector<16xi32>, vector<16xi32> -> vector<16xi32>
        %broadcast_in_dim3A_780 = arith.constant true
        %broadcast_in_dim3A_781 = vector.broadcast %broadcast_in_dim3A_780 : i1 to vector<16xi1>
        %masked_cumsum3A = tpu.scan <sum>, %rev3A_779 masked %broadcast_in_dim3A_781 : vector<16xi32>, vector<16xi1> -> vector<16xi32>
        %add3A_782 = arith.addi %masked_cumsum3A, %scan3A_769 : vector<16xi32>
        %rev3A_783 = arith.constant 15 : i32
        %rev3A_784 = vector.broadcast %rev3A_783 : i32 to vector<16xi32>
        %rev3A_785 = tpu.iota {dimensions = array<i32: 0>} : vector<16xi32>
        %rev3A_786 = arith.subi %rev3A_784, %rev3A_785 : vector<16xi32>
        %rev3A_787 = tpu.dynamic_gather %add3A_782[%rev3A_786] in [0] : vector<16xi32>, vector<16xi32> -> vector<16xi32>
        %mul3A_788 = arith.constant 16 : i32
        %mul3A_789 = arith.muli %sub3A_771, %mul3A_788 : i32
        %swap3A_790 = arith.index_cast %mul3A_789 : i32 to index
        %swap3A_791 = tpu.vector_load %arg7[%swap3A_790] {strides = array<i32>} : memref<8208xi32, #tpu.memory_space<vmem>>, vector<16xi32>,
        tpu.vector_store %arg7[%swap3A_790], %rev3A_787 {strides = array<i32>} : memref<8208xi32, #tpu.memory_space<vmem>>, vector<16xi32>,
        %mul3A_792 = arith.constant 16 : i32
        %mul3A_793 = arith.muli %sub3A_771, %mul3A_792 : i32
        %swap3A_794 = arith.index_cast %mul3A_793 : i32 to index
        %swap3A_795 = tpu.vector_load %arg6[%swap3A_794] {strides = array<i32>} : memref<8192xf32, #tpu.memory_space<vmem>>, vector<16xf32>,
        tpu.vector_store %arg6[%swap3A_794], %broadcast_in_dim3A_6 {strides = array<i32>} : memref<8192xf32, #tpu.memory_space<vmem>>, vector<16xf32>,
        %broadcast_in_dim3A_796 = vector.shape_cast %broadcast_in_dim3A_122 : vector<16xi32> to vector<16x1xi32>
        %gather3A_797 = vector.shape_cast %broadcast_in_dim3A_796 : vector<16x1xi32> to vector<16xi32>
        %gather3A_798 = tpu.dynamic_gather %add3A_782[%gather3A_797] in [0] : vector<16xi32>, vector<16xi32> -> vector<16xi32>
        %scan3A_799 = arith.constant 1 : i32
        %scan3A_800 = arith.addi %scan3A_768, %scan3A_799 : i32
        %sub3A_801 = arith.constant 511 : i32
        %sub3A_802 = arith.subi %sub3A_801, %scan3A_800 : i32
        %mul3A_803 = arith.constant 16 : i32
        %mul3A_804 = arith.muli %sub3A_802, %mul3A_803 : i32
        %get3A_805 = arith.index_cast %mul3A_804 : i32 to index
        %get3A_806 = tpu.vector_load %arg6[%get3A_805] {strides = array<i32>} : memref<8192xf32, #tpu.memory_space<vmem>>, vector<16xf32>,
        %convert_element_type3A_807 = arith.fptosi %get3A_806 : vector<16xf32> to vector<16xi32>
        %rev3A_808 = arith.constant 15 : i32
        %rev3A_809 = vector.broadcast %rev3A_808 : i32 to vector<16xi32>
        %rev3A_810 = tpu.iota {dimensions = array<i32: 0>} : vector<16xi32>
        %rev3A_811 = arith.subi %rev3A_809, %rev3A_810 : vector<16xi32>
        %rev3A_812 = tpu.dynamic_gather %convert_element_type3A_807[%rev3A_811] in [0] : vector<16xi32>, vector<16xi32> -> vector<16xi32>
        %broadcast_in_dim3A_813 = arith.constant true
        %broadcast_in_dim3A_814 = vector.broadcast %broadcast_in_dim3A_813 : i1 to vector<16xi1>
        %masked_cumsum3A_815 = tpu.scan <sum>, %rev3A_812 masked %broadcast_in_dim3A_814 : vector<16xi32>, vector<16xi1> -> vector<16xi32>
        %add3A_816 = arith.addi %masked_cumsum3A_815, %gather3A_798 : vector<16xi32>
        %rev3A_817 = arith.constant 15 : i32
        %rev3A_818 = vector.broadcast %rev3A_817 : i32 to vector<16xi32>
        %rev3A_819 = tpu.iota {dimensions = array<i32: 0>} : vector<16xi32>
        %rev3A_820 = arith.subi %rev3A_818, %rev3A_819 : vector<16xi32>
        %rev3A_821 = tpu.dynamic_gather %add3A_816[%rev3A_820] in [0] : vector<16xi32>, vector<16xi32> -> vector<16xi32>
        %mul3A_822 = arith.constant 16 : i32
        %mul3A_823 = arith.muli %sub3A_802, %mul3A_822 : i32
        %swap3A_824 = arith.index_cast %mul3A_823 : i32 to index
        %swap3A_825 = tpu.vector_load %arg7[%swap3A_824] {strides = array<i32>} : memref<8208xi32, #tpu.memory_space<vmem>>, vector<16xi32>,
        tpu.vector_store %arg7[%swap3A_824], %rev3A_821 {strides = array<i32>} : memref<8208xi32, #tpu.memory_space<vmem>>, vector<16xi32>,
        %mul3A_826 = arith.constant 16 : i32
        %mul3A_827 = arith.muli %sub3A_802, %mul3A_826 : i32
        %swap3A_828 = arith.index_cast %mul3A_827 : i32 to index
        %swap3A_829 = tpu.vector_load %arg6[%swap3A_828] {strides = array<i32>} : memref<8192xf32, #tpu.memory_space<vmem>>, vector<16xf32>,
        tpu.vector_store %arg6[%swap3A_828], %broadcast_in_dim3A_6 {strides = array<i32>} : memref<8192xf32, #tpu.memory_space<vmem>>, vector<16xf32>,
        %broadcast_in_dim3A_830 = vector.shape_cast %broadcast_in_dim3A_122 : vector<16xi32> to vector<16x1xi32>
        %gather3A_831 = vector.shape_cast %broadcast_in_dim3A_830 : vector<16x1xi32> to vector<16xi32>
        %gather3A_832 = tpu.dynamic_gather %add3A_816[%gather3A_831] in [0] : vector<16xi32>, vector<16xi32> -> vector<16xi32>
        scf.yield %gather3A_832 : vector<16xi32>
      }
      %scan3A_128 = arith.constant 512 : i32
      "tpu.trace_stop"() : () -> ()
      %add3A_129 = arith.addi %get3A_1, %broadcast_in_dim3A_4 : vector<16xi32>
      %broadcast_in_dim3A_130 = arith.constant 8192 : i32
      %broadcast_in_dim3A_131 = vector.broadcast %broadcast_in_dim3A_130 : i32 to vector<16xi32>
      %scan3A_132 = arith.constant 0 : i32
      %scan3A_133 = arith.constant 13 : i32
      %scan3A_134 = arith.addi %scan3A_132, %scan3A_133 : i32
      %scan3A_135 = arith.constant 1 : i32
      %scan3A_136:2 = scf.for %scan3A_768 = %scan3A_132 to %scan3A_134 step %scan3A_135 iter_args(%scan3A_769 = %broadcast_in_dim3A_2, %scan3A_770 = %broadcast_in_dim3A_131) -> (vector<16xi32>, vector<16xi32>)  : i32 {
        %add3A_771 = arith.addi %scan3A_769, %scan3A_770 : vector<16xi32>
        %jit3A_772 = arith.constant 2 : i32
        %div3A_773 = vector.broadcast %jit3A_772 : i32 to vector<16xi32>
        %div3A_774 = arith.divsi %add3A_771, %div3A_773 : vector<16xi32>
        %sign3A_775 = arith.constant 0 : i32
        %sign3A_776 = vector.broadcast %sign3A_775 : i32 to vector<16xi32>
        %sign3A_777 = arith.cmpi sgt, %add3A_771, %sign3A_776 : vector<16xi32>
        %sign3A_778 = arith.extui %sign3A_777 : vector<16xi1> to vector<16xi32>
        %sign3A_779 = arith.constant 0 : i32
        %sign3A_780 = vector.broadcast %sign3A_779 : i32 to vector<16xi32>
        %sign3A_781 = arith.cmpi slt, %add3A_771, %sign3A_780 : vector<16xi32>
        %sign3A_782 = arith.extui %sign3A_781 : vector<16xi1> to vector<16xi32>
        %sign3A_783 = arith.subi %sign3A_778, %sign3A_782 : vector<16xi32>
        %sign3A_784 = arith.constant 0 : i32
        %sign3A_785 = arith.cmpi sgt, %jit3A_772, %sign3A_784 : i32
        %sign3A_786 = arith.extui %sign3A_785 : i1 to i32
        %sign3A_787 = arith.constant 0 : i32
        %sign3A_788 = arith.cmpi slt, %jit3A_772, %sign3A_787 : i32
        %sign3A_789 = arith.extui %sign3A_788 : i1 to i32
        %sign3A_790 = arith.subi %sign3A_786, %sign3A_789 : i32
        %ne3A_791 = vector.broadcast %sign3A_790 : i32 to vector<16xi32>
        %ne3A_792 = arith.cmpi ne, %sign3A_783, %ne3A_791 : vector<16xi32>
        %rem3A_793 = vector.broadcast %jit3A_772 : i32 to vector<16xi32>
        %rem3A_794 = arith.remsi %add3A_771, %rem3A_793 : vector<16xi32>
        %ne3A_795 = arith.constant 0 : i32
        %ne3A_796 = vector.broadcast %ne3A_795 : i32 to vector<16xi32>
        %ne3A_797 = arith.cmpi ne, %rem3A_794, %ne3A_796 : vector<16xi32>
        %and3A_798 = arith.andi %ne3A_792, %ne3A_797 : vector<16xi1>
        %sub3A_799 = arith.constant 1 : i32
        %sub3A_800 = vector.broadcast %sub3A_799 : i32 to vector<16xi32>
        %sub3A_801 = arith.subi %div3A_774, %sub3A_800 : vector<16xi32>
        %select_n3A_802 = arith.select %and3A_798, %sub3A_801, %div3A_774 : vector<16xi1>, vector<16xi32>
        %gather3A_803 = tpu.vector_load_idx %arg7[%select_n3A_802] : memref<8208xi32, #tpu.memory_space<vmem>>[vector<16xi32>], vector<16xi32>,
        %ge3A_804 = arith.cmpi sge, %gather3A_803, %add3A_129 : vector<16xi32>
        %select_n3A_805 = arith.select %ge3A_804, %select_n3A_802, %scan3A_769 : vector<16xi1>, vector<16xi32>
        %select_n3A_806 = arith.select %ge3A_804, %scan3A_770, %select_n3A_802 : vector<16xi1>, vector<16xi32>
        scf.yield %select_n3A_805, %select_n3A_806 : vector<16xi32>, vector<16xi32>
      }
      %scan3A_137 = arith.constant 13 : i32
      %add3A_138 = arith.addi %scan3A_136#0, %broadcast_in_dim3A_4 : vector<16xi32>
      %gather3A_139 = tpu.vector_load_idx %arg7[%add3A_138] : memref<8208xi32, #tpu.memory_space<vmem>>[vector<16xi32>], vector<16xi32>,
      tpu.vector_store_idx %arg8[%scan3A_136#0], %broadcast_in_dim3A_4 : memref<8192xi32, #tpu.memory_space<vmem>>[vector<16xi32>], vector<16xi32>,
      %broadcast_in_dim3A_140 = arith.constant 4096 : i32
      %broadcast_in_dim3A_141 = vector.broadcast %broadcast_in_dim3A_140 : i32 to vector<16xi32>
      "tpu.trace_start"() <{level = 10 : i32, message = "p5_compact"}> : () -> ()
      %scan3A_142 = arith.constant 0 : i32
      %scan3A_143 = arith.constant 2048 : i32
      %scan3A_144 = arith.addi %scan3A_142, %scan3A_143 : i32
      %scan3A_145 = arith.constant 2 : i32
      %scan3A_146 = scf.for %scan3A_768 = %scan3A_142 to %scan3A_144 step %scan3A_145 iter_args(%scan3A_769 = %broadcast_in_dim3A_2) -> (vector<16xi32>)  : i32 {
        %mul3A_770 = arith.constant 16 : i32
        %mul3A_771 = arith.muli %scan3A_768, %mul3A_770 : i32
        %get3A_772 = arith.index_cast %mul3A_771 : i32 to index
        %get3A_773 = tpu.vector_load %arg5[%get3A_772] {strides = array<i32>} : memref<32768xf32, #tpu.memory_space<vmem>>, vector<16xf32>,
        %sub3A_774 = arith.subf %get3A_773, %bitcast_convert_type3A : vector<16xf32>
        %mul3A_775 = arith.mulf %sub3A_774, %div3A : vector<16xf32>
        %convert_element_type3A = arith.fptosi %mul3A_775 : vector<16xf32> to vector<16xi32>
        %min3A = arith.minsi %convert_element_type3A, %broadcast_in_dim3A_111 : vector<16xi32>
        %gather3A_776 = tpu.vector_load_idx %arg8[%min3A] : memref<8192xi32, #tpu.memory_space<vmem>>[vector<16xi32>], vector<16xi32>,
        %bitcast_convert_type3A_777 = tpu.bitcast %get3A_773 : vector<16xf32> -> vector<16xi32>
        %ge3A_778 = arith.constant 0 : i32
        %ge3A_779 = vector.broadcast %ge3A_778 : i32 to vector<16xi32>
        %ge3A_780 = arith.cmpi sge, %bitcast_convert_type3A_777, %ge3A_779 : vector<16xi32>
        %xor3A_781 = arith.constant 2147483647 : i32
        %xor3A_782 = vector.broadcast %xor3A_781 : i32 to vector<16xi32>
        %xor3A_783 = arith.xori %bitcast_convert_type3A_777, %xor3A_782 : vector<16xi32>
        %select_n3A_784 = arith.select %ge3A_780, %bitcast_convert_type3A_777, %xor3A_783 : vector<16xi1>, vector<16xi32>
        %xor3A_785 = arith.constant -2147483648 : i32
        %xor3A_786 = vector.broadcast %xor3A_785 : i32 to vector<16xi32>
        %xor3A_787 = arith.xori %select_n3A_784, %xor3A_786 : vector<16xi32>
        %gt3A = arith.constant 0 : i32
        %gt3A_788 = vector.broadcast %gt3A : i32 to vector<16xi32>
        %gt3A_789 = arith.cmpi sgt, %gather3A_776, %gt3A_788 : vector<16xi32>
        %select_n3A_790 = arith.select %gt3A_789, %broadcast_in_dim3A_4, %broadcast_in_dim3A_2 : vector<16xi1>, vector<16xi32>
        %broadcast_in_dim3A_791 = arith.constant true
        %broadcast_in_dim3A_792 = vector.broadcast %broadcast_in_dim3A_791 : i1 to vector<16xi1>
        %masked_cumsum3A = tpu.scan <sum>, %select_n3A_790 masked %broadcast_in_dim3A_792 : vector<16xi32>, vector<16xi1> -> vector<16xi32>
        %add3A_793 = arith.addi %scan3A_769, %masked_cumsum3A : vector<16xi32>
        %sub3A_794 = arith.subi %add3A_793, %broadcast_in_dim3A_4 : vector<16xi32>
        %lt3A = arith.cmpi slt, %sub3A_794, %broadcast_in_dim3A_141 : vector<16xi32>
        %and3A_795 = arith.andi %gt3A_789, %lt3A : vector<16xi1>
        tpu.vector_store_idx %arg9[%sub3A_794], %xor3A_787 masked %and3A_795 : memref<4128xi32, #tpu.memory_space<vmem>>[vector<16xi32>], vector<16xi32>, vector<16xi1>
        tpu.vector_store_idx %arg10[%sub3A_794], %min3A masked %and3A_795 : memref<4128xi32, #tpu.memory_space<vmem>>[vector<16xi32>], vector<16xi32>, vector<16xi1>
        %all_reduce_population_count3A = tpu.all_reduce %gt3A_789 {dim = 0 : i64, kind = #tpu.reduction_kind<sum>} : vector<16xi1> -> vector<16xi32>
        %add3A_796 = arith.addi %scan3A_769, %all_reduce_population_count3A : vector<16xi32>
        %min3A_797 = arith.minsi %add3A_796, %broadcast_in_dim3A_141 : vector<16xi32>
        %scan3A_798 = arith.constant 1 : i32
        %scan3A_799 = arith.addi %scan3A_768, %scan3A_798 : i32
        %mul3A_800 = arith.constant 16 : i32
        %mul3A_801 = arith.muli %scan3A_799, %mul3A_800 : i32
        %get3A_802 = arith.index_cast %mul3A_801 : i32 to index
        %get3A_803 = tpu.vector_load %arg5[%get3A_802] {strides = array<i32>} : memref<32768xf32, #tpu.memory_space<vmem>>, vector<16xf32>,
        %sub3A_804 = arith.subf %get3A_803, %bitcast_convert_type3A : vector<16xf32>
        %mul3A_805 = arith.mulf %sub3A_804, %div3A : vector<16xf32>
        %convert_element_type3A_806 = arith.fptosi %mul3A_805 : vector<16xf32> to vector<16xi32>
        %min3A_807 = arith.minsi %convert_element_type3A_806, %broadcast_in_dim3A_111 : vector<16xi32>
        %gather3A_808 = tpu.vector_load_idx %arg8[%min3A_807] : memref<8192xi32, #tpu.memory_space<vmem>>[vector<16xi32>], vector<16xi32>,
        %bitcast_convert_type3A_809 = tpu.bitcast %get3A_803 : vector<16xf32> -> vector<16xi32>
        %ge3A_810 = arith.constant 0 : i32
        %ge3A_811 = vector.broadcast %ge3A_810 : i32 to vector<16xi32>
        %ge3A_812 = arith.cmpi sge, %bitcast_convert_type3A_809, %ge3A_811 : vector<16xi32>
        %xor3A_813 = arith.constant 2147483647 : i32
        %xor3A_814 = vector.broadcast %xor3A_813 : i32 to vector<16xi32>
        %xor3A_815 = arith.xori %bitcast_convert_type3A_809, %xor3A_814 : vector<16xi32>
        %select_n3A_816 = arith.select %ge3A_812, %bitcast_convert_type3A_809, %xor3A_815 : vector<16xi1>, vector<16xi32>
        %xor3A_817 = arith.constant -2147483648 : i32
        %xor3A_818 = vector.broadcast %xor3A_817 : i32 to vector<16xi32>
        %xor3A_819 = arith.xori %select_n3A_816, %xor3A_818 : vector<16xi32>
        %gt3A_820 = arith.constant 0 : i32
        %gt3A_821 = vector.broadcast %gt3A_820 : i32 to vector<16xi32>
        %gt3A_822 = arith.cmpi sgt, %gather3A_808, %gt3A_821 : vector<16xi32>
        %select_n3A_823 = arith.select %gt3A_822, %broadcast_in_dim3A_4, %broadcast_in_dim3A_2 : vector<16xi1>, vector<16xi32>
        %broadcast_in_dim3A_824 = arith.constant true
        %broadcast_in_dim3A_825 = vector.broadcast %broadcast_in_dim3A_824 : i1 to vector<16xi1>
        %masked_cumsum3A_826 = tpu.scan <sum>, %select_n3A_823 masked %broadcast_in_dim3A_825 : vector<16xi32>, vector<16xi1> -> vector<16xi32>
        %add3A_827 = arith.addi %min3A_797, %masked_cumsum3A_826 : vector<16xi32>
        %sub3A_828 = arith.subi %add3A_827, %broadcast_in_dim3A_4 : vector<16xi32>
        %lt3A_829 = arith.cmpi slt, %sub3A_828, %broadcast_in_dim3A_141 : vector<16xi32>
        %and3A_830 = arith.andi %gt3A_822, %lt3A_829 : vector<16xi1>
        tpu.vector_store_idx %arg9[%sub3A_828], %xor3A_819 masked %and3A_830 : memref<4128xi32, #tpu.memory_space<vmem>>[vector<16xi32>], vector<16xi32>, vector<16xi1>
        tpu.vector_store_idx %arg10[%sub3A_828], %min3A_807 masked %and3A_830 : memref<4128xi32, #tpu.memory_space<vmem>>[vector<16xi32>], vector<16xi32>, vector<16xi1>
        %all_reduce_population_count3A_831 = tpu.all_reduce %gt3A_822 {dim = 0 : i64, kind = #tpu.reduction_kind<sum>} : vector<16xi1> -> vector<16xi32>
        %add3A_832 = arith.addi %min3A_797, %all_reduce_population_count3A_831 : vector<16xi32>
        %min3A_833 = arith.minsi %add3A_832, %broadcast_in_dim3A_141 : vector<16xi32>
        scf.yield %min3A_833 : vector<16xi32>
      }
      %scan3A_147 = arith.constant 2048 : i32
      %eq3A = arith.constant 0 : i32
      "tpu.trace_stop"() : () -> ()
      %eq3A_148 = vector.broadcast %eq3A : i32 to vector<16xi32>
      %eq3A_149 = arith.cmpi eq, %iota3A, %eq3A_148 : vector<16xi32>
      %select_n3A_150 = arith.select %eq3A_149, %scan3A_146, %broadcast_in_dim3A_2 : vector<16xi1>, vector<16xi32>
      %reduce_sum3A = arith.constant true
      %reduce_sum3A_151 = vector.broadcast %reduce_sum3A : i1 to vector<16xi1>
      %reduce_sum3A_152 = tpu.scan <sum>, %select_n3A_150 masked %reduce_sum3A_151 : vector<16xi32>, vector<16xi1> -> vector<16xi32>
      %reduce_sum3A_153 = vector.extract %reduce_sum3A_152[15] : i32 from vector<16xi32>
      %swap3A_154 = arith.index_cast %reduce_sum3A_153 : i32 to index
      %swap3A_155 = tpu.vector_load %arg9[%swap3A_154] {strides = array<i32>} : memref<4128xi32, #tpu.memory_space<vmem>>, vector<16xi32>,
      tpu.vector_store %arg9[%swap3A_154], %broadcast_in_dim3A_2 {strides = array<i32>} : memref<4128xi32, #tpu.memory_space<vmem>>, vector<16xi32>,
      %sub3A_156 = arith.subi %broadcast_in_dim3A_2, %broadcast_in_dim3A_4 : vector<16xi32>
      %swap3A_157 = arith.index_cast %reduce_sum3A_153 : i32 to index
      %swap3A_158 = tpu.vector_load %arg10[%swap3A_157] {strides = array<i32>} : memref<4128xi32, #tpu.memory_space<vmem>>, vector<16xi32>,
      tpu.vector_store %arg10[%swap3A_157], %sub3A_156 {strides = array<i32>} : memref<4128xi32, #tpu.memory_space<vmem>>, vector<16xi32>,
      %add3A_159 = arith.constant 15 : i32
      %add3A_160 = arith.addi %reduce_sum3A_153, %add3A_159 : i32
      %jit3A = arith.constant 16 : i32
      %div3A_161 = arith.divsi %add3A_160, %jit3A : i32
      %sign3A = arith.constant 0 : i32
      %sign3A_162 = arith.cmpi sgt, %add3A_160, %sign3A : i32
      %sign3A_163 = arith.extui %sign3A_162 : i1 to i32
      %sign3A_164 = arith.constant 0 : i32
      %sign3A_165 = arith.cmpi slt, %add3A_160, %sign3A_164 : i32
      %sign3A_166 = arith.extui %sign3A_165 : i1 to i32
      %sign3A_167 = arith.subi %sign3A_163, %sign3A_166 : i32
      %sign3A_168 = arith.constant 0 : i32
      %sign3A_169 = arith.cmpi sgt, %jit3A, %sign3A_168 : i32
      %sign3A_170 = arith.extui %sign3A_169 : i1 to i32
      %sign3A_171 = arith.constant 0 : i32
      %sign3A_172 = arith.cmpi slt, %jit3A, %sign3A_171 : i32
      %sign3A_173 = arith.extui %sign3A_172 : i1 to i32
      %sign3A_174 = arith.subi %sign3A_170, %sign3A_173 : i32
      %ne3A = arith.cmpi ne, %sign3A_167, %sign3A_174 : i32
      %rem3A = arith.remsi %add3A_160, %jit3A : i32
      %ne3A_175 = arith.constant 0 : i32
      %ne3A_176 = arith.cmpi ne, %rem3A, %ne3A_175 : i32
      %and3A = arith.andi %ne3A, %ne3A_176 : i1
      %sub3A_177 = arith.constant 1 : i32
      %sub3A_178 = arith.subi %div3A_161, %sub3A_177 : i32
      %select_n3A_179 = arith.select %and3A, %sub3A_178, %div3A_161 : i32
      tpu.vector_store_idx %arg8[%scan3A_136#0], %broadcast_in_dim3A_2 : memref<8192xi32, #tpu.memory_space<vmem>>[vector<16xi32>], vector<16xi32>,
      %scan3A_180 = arith.constant 0 : i32
      %scan3A_181 = arith.constant 0 : i32
      %scan3A_182 = arith.constant 64 : i32
      %scan3A_183 = arith.addi %scan3A_181, %scan3A_182 : i32
      %scan3A_184 = arith.constant 1 : i32
      %scan3A_185 = scf.for %scan3A_768 = %scan3A_181 to %scan3A_183 step %scan3A_184 iter_args(%scan3A_769 = %scan3A_180) -> (i32)  : i32 {
        %mul3A_770 = arith.constant 16 : i32
        %mul3A_771 = arith.muli %scan3A_768, %mul3A_770 : i32
        %swap3A_772 = arith.index_cast %mul3A_771 : i32 to index
        %swap3A_773 = tpu.vector_load %arg11[%swap3A_772] {strides = array<i32>} : memref<1024xi32, #tpu.memory_space<vmem>>, vector<16xi32>,
        tpu.vector_store %arg11[%swap3A_772], %broadcast_in_dim3A_2 {strides = array<i32>} : memref<1024xi32, #tpu.memory_space<vmem>>, vector<16xi32>,
        %scan3A_774 = arith.constant 0 : i32
        scf.yield %scan3A_774 : i32
      }
      %scan3A_186 = arith.constant 64 : i32
      %sub3A_187 = arith.subi %get3A_1, %gather3A_139 : vector<16xi32>
      %add3A_188 = arith.addi %sub3A_187, %broadcast_in_dim3A_4 : vector<16xi32>
      %broadcast_in_dim3A_189 = arith.constant 64 : i32
      %broadcast_in_dim3A_190 = vector.broadcast %broadcast_in_dim3A_189 : i32 to vector<16xi32>
      %broadcast_in_dim3A_191 = arith.constant 0 : i32
      %broadcast_in_dim3A_192 = vector.broadcast %broadcast_in_dim3A_191 : i32 to vector<16xi32>
      %broadcast_in_dim3A_193 = arith.constant 1 : i32
      %broadcast_in_dim3A_194 = vector.broadcast %broadcast_in_dim3A_193 : i32 to vector<16xi32>
      %broadcast_in_dim3A_195 = arith.constant 0 : i32
      "tpu.trace_start"() <{level = 10 : i32, message = "p6_ranks"}> : () -> ()
      %broadcast_in_dim3A_196 = vector.broadcast %broadcast_in_dim3A_195 : i32 to vector<16xi32>
      %broadcast_in_dim3A_197 = vector.shape_cast %broadcast_in_dim3A_196 : vector<16xi32> to vector<16x1xi32>
      %gather3A_198 = vector.shape_cast %broadcast_in_dim3A_197 : vector<16x1xi32> to vector<16xi32>
      %gather3A_199 = tpu.dynamic_gather %scan3A_136#0[%gather3A_198] in [0] : vector<16xi32>, vector<16xi32> -> vector<16xi32>
      %while3A = arith.constant 0 : i32
      %while3A_200 = arith.subi %select_n3A_179, %while3A : i32
      %while3A_201 = arith.addi %while3A, %while3A_200 : i32
      %while3A_202 = arith.constant 1 : i32
      %while3A_203 = arith.divsi %while3A_200, %while3A_202 : i32
      %while3A_204 = arith.muli %while3A_203, %while3A_202 : i32
      %while3A_205 = arith.addi %while3A, %while3A_204 : i32
      %while3A_206 = arith.constant 1 : i32
      %while3A_207 = scf.for %while3A_768 = %while3A to %while3A_205 step %while3A_206 iter_args(%while3A_769 = %broadcast_in_dim3A_2) -> (vector<16xi32>)  : i32 {
        %mul3A_770 = arith.constant 16 : i32
        %mul3A_771 = arith.muli %while3A_768, %mul3A_770 : i32
        %get3A_772 = arith.index_cast %mul3A_771 : i32 to index
        %get3A_773 = tpu.vector_load %arg10[%get3A_772] {strides = array<i32>} : memref<4128xi32, #tpu.memory_space<vmem>>, vector<16xi32>,
        %mul3A_774 = arith.constant 16 : i32
        %mul3A_775 = arith.muli %while3A_768, %mul3A_774 : i32
        %get3A_776 = arith.index_cast %mul3A_775 : i32 to index
        %get3A_777 = tpu.vector_load %arg9[%get3A_776] {strides = array<i32>} : memref<4128xi32, #tpu.memory_space<vmem>>, vector<16xi32>,
        %eq3A_778 = arith.cmpi eq, %get3A_773, %gather3A_199 : vector<16xi32>
        %select_n3A_779 = arith.select %eq3A_778, %broadcast_in_dim3A_4, %broadcast_in_dim3A_2 : vector<16xi1>, vector<16xi32>
        %broadcast_in_dim3A_780 = arith.constant true
        %broadcast_in_dim3A_781 = vector.broadcast %broadcast_in_dim3A_780 : i1 to vector<16xi1>
        %masked_cumsum3A = tpu.scan <sum>, %select_n3A_779 masked %broadcast_in_dim3A_781 : vector<16xi32>, vector<16xi1> -> vector<16xi32>
        %add3A_782 = arith.addi %while3A_769, %masked_cumsum3A : vector<16xi32>
        %sub3A_783 = arith.subi %add3A_782, %broadcast_in_dim3A_4 : vector<16xi32>
        %lt3A = arith.cmpi slt, %sub3A_783, %broadcast_in_dim3A_190 : vector<16xi32>
        %and3A_784 = arith.andi %eq3A_778, %lt3A : vector<16xi1>
        %add3A_785 = arith.constant 0 : i32
        %add3A_786 = vector.broadcast %add3A_785 : i32 to vector<16xi32>
        %add3A_787 = arith.addi %sub3A_783, %add3A_786 : vector<16xi32>
        tpu.vector_store_idx %arg11[%add3A_787], %get3A_777 masked %and3A_784 : memref<1024xi32, #tpu.memory_space<vmem>>[vector<16xi32>], vector<16xi32>, vector<16xi1>
        %all_reduce_population_count3A = tpu.all_reduce %eq3A_778 {dim = 0 : i64, kind = #tpu.reduction_kind<sum>} : vector<16xi1> -> vector<16xi32>
        %add3A_788 = arith.addi %while3A_769, %all_reduce_population_count3A : vector<16xi32>
        %min3A = arith.minsi %add3A_788, %broadcast_in_dim3A_190 : vector<16xi32>
        scf.yield %min3A : vector<16xi32>
      }
      %while3A_208 = arith.constant 1 : i32
      %while3A_209 = scf.for %while3A_768 = %while3A_205 to %while3A_201 step %while3A_208 iter_args(%while3A_769 = %while3A_207) -> (vector<16xi32>)  : i32 {
        %mul3A_770 = arith.constant 16 : i32
        %mul3A_771 = arith.muli %while3A_768, %mul3A_770 : i32
        %get3A_772 = arith.index_cast %mul3A_771 : i32 to index
        %get3A_773 = tpu.vector_load %arg10[%get3A_772] {strides = array<i32>} : memref<4128xi32, #tpu.memory_space<vmem>>, vector<16xi32>,
        %mul3A_774 = arith.constant 16 : i32
        %mul3A_775 = arith.muli %while3A_768, %mul3A_774 : i32
        %get3A_776 = arith.index_cast %mul3A_775 : i32 to index
        %get3A_777 = tpu.vector_load %arg9[%get3A_776] {strides = array<i32>} : memref<4128xi32, #tpu.memory_space<vmem>>, vector<16xi32>,
        %eq3A_778 = arith.cmpi eq, %get3A_773, %gather3A_199 : vector<16xi32>
        %select_n3A_779 = arith.select %eq3A_778, %broadcast_in_dim3A_4, %broadcast_in_dim3A_2 : vector<16xi1>, vector<16xi32>
        %broadcast_in_dim3A_780 = arith.constant true
        %broadcast_in_dim3A_781 = vector.broadcast %broadcast_in_dim3A_780 : i1 to vector<16xi1>
        %masked_cumsum3A = tpu.scan <sum>, %select_n3A_779 masked %broadcast_in_dim3A_781 : vector<16xi32>, vector<16xi1> -> vector<16xi32>
        %add3A_782 = arith.addi %while3A_769, %masked_cumsum3A : vector<16xi32>
        %sub3A_783 = arith.subi %add3A_782, %broadcast_in_dim3A_4 : vector<16xi32>
        %lt3A = arith.cmpi slt, %sub3A_783, %broadcast_in_dim3A_190 : vector<16xi32>
        %and3A_784 = arith.andi %eq3A_778, %lt3A : vector<16xi1>
        %add3A_785 = arith.constant 0 : i32
        %add3A_786 = vector.broadcast %add3A_785 : i32 to vector<16xi32>
        %add3A_787 = arith.addi %sub3A_783, %add3A_786 : vector<16xi32>
        tpu.vector_store_idx %arg11[%add3A_787], %get3A_777 masked %and3A_784 : memref<1024xi32, #tpu.memory_space<vmem>>[vector<16xi32>], vector<16xi32>, vector<16xi1>
        %all_reduce_population_count3A = tpu.all_reduce %eq3A_778 {dim = 0 : i64, kind = #tpu.reduction_kind<sum>} : vector<16xi1> -> vector<16xi32>
        %add3A_788 = arith.addi %while3A_769, %all_reduce_population_count3A : vector<16xi32>
        %min3A = arith.minsi %add3A_788, %broadcast_in_dim3A_190 : vector<16xi32>
        scf.yield %min3A : vector<16xi32>
      }
      %broadcast_in_dim3A_210 = arith.constant 0 : i32
      %broadcast_in_dim3A_211 = vector.broadcast %broadcast_in_dim3A_210 : i32 to vector<16xi32>
      %broadcast_in_dim3A_212 = vector.shape_cast %broadcast_in_dim3A_211 : vector<16xi32> to vector<16x1xi32>
      %gather3A_213 = vector.shape_cast %broadcast_in_dim3A_212 : vector<16x1xi32> to vector<16xi32>
      %gather3A_214 = tpu.dynamic_gather %add3A_188[%gather3A_213] in [0] : vector<16xi32>, vector<16xi32> -> vector<16xi32>
      %broadcast_in_dim3A_215 = arith.constant -2147483648 : i32
      %broadcast_in_dim3A_216 = vector.broadcast %broadcast_in_dim3A_215 : i32 to vector<16xi32>
      %broadcast_in_dim3A_217 = arith.constant 0 : i32
      %broadcast_in_dim3A_218 = vector.broadcast %broadcast_in_dim3A_217 : i32 to vector<16xi32>
      %scan3A_219 = arith.constant 0 : i32
      %scan3A_220 = arith.constant 32 : i32
      %scan3A_221 = arith.addi %scan3A_219, %scan3A_220 : i32
      %scan3A_222 = arith.constant 2 : i32
      %scan3A_223:2 = scf.for %scan3A_768 = %scan3A_219 to %scan3A_221 step %scan3A_222 iter_args(%scan3A_769 = %broadcast_in_dim3A_218, %scan3A_770 = %broadcast_in_dim3A_216) -> (vector<16xi32>, vector<16xi32>)  : i32 {
        %or3A = arith.ori %scan3A_769, %scan3A_770 : vector<16xi32>
        %get3A_771 = arith.constant 0 : index
        %get3A_772 = tpu.vector_load %arg11[%get3A_771] {strides = array<i32>} : memref<1024xi32, #tpu.memory_space<vmem>>, vector<16xi32>,
        %bitcast_convert_type3A_773 = tpu.bitcast %get3A_772 : vector<16xi32> -> vector<16xi32>
        %ge3A_774 = arith.cmpi uge, %bitcast_convert_type3A_773, %or3A : vector<16xi32>
        %select_n3A_775 = arith.select %ge3A_774, %broadcast_in_dim3A_4, %broadcast_in_dim3A_2 : vector<16xi1>, vector<16xi32>
        %add3A_776 = arith.addi %broadcast_in_dim3A_2, %select_n3A_775 : vector<16xi32>
        %get3A_777 = arith.constant 16 : index
        %get3A_778 = tpu.vector_load %arg11[%get3A_777] {strides = array<i32>} : memref<1024xi32, #tpu.memory_space<vmem>>, vector<16xi32>,
        %bitcast_convert_type3A_779 = tpu.bitcast %get3A_778 : vector<16xi32> -> vector<16xi32>
        %ge3A_780 = arith.cmpi uge, %bitcast_convert_type3A_779, %or3A : vector<16xi32>
        %select_n3A_781 = arith.select %ge3A_780, %broadcast_in_dim3A_4, %broadcast_in_dim3A_2 : vector<16xi1>, vector<16xi32>
        %add3A_782 = arith.addi %add3A_776, %select_n3A_781 : vector<16xi32>
        %get3A_783 = arith.constant 32 : index
        %get3A_784 = tpu.vector_load %arg11[%get3A_783] {strides = array<i32>} : memref<1024xi32, #tpu.memory_space<vmem>>, vector<16xi32>,
        %bitcast_convert_type3A_785 = tpu.bitcast %get3A_784 : vector<16xi32> -> vector<16xi32>
        %ge3A_786 = arith.cmpi uge, %bitcast_convert_type3A_785, %or3A : vector<16xi32>
        %select_n3A_787 = arith.select %ge3A_786, %broadcast_in_dim3A_4, %broadcast_in_dim3A_2 : vector<16xi1>, vector<16xi32>
        %add3A_788 = arith.addi %add3A_782, %select_n3A_787 : vector<16xi32>
        %get3A_789 = arith.constant 48 : index
        %get3A_790 = tpu.vector_load %arg11[%get3A_789] {strides = array<i32>} : memref<1024xi32, #tpu.memory_space<vmem>>, vector<16xi32>,
        %bitcast_convert_type3A_791 = tpu.bitcast %get3A_790 : vector<16xi32> -> vector<16xi32>
        %ge3A_792 = arith.cmpi uge, %bitcast_convert_type3A_791, %or3A : vector<16xi32>
        %select_n3A_793 = arith.select %ge3A_792, %broadcast_in_dim3A_4, %broadcast_in_dim3A_2 : vector<16xi1>, vector<16xi32>
        %add3A_794 = arith.addi %add3A_788, %select_n3A_793 : vector<16xi32>
        %iota3A_795 = tpu.iota {dimensions = array<i32: 0>} : vector<16xi32>
        %xor3A_796 = arith.constant 1 : i32
        %xor3A_797 = vector.broadcast %xor3A_796 : i32 to vector<16xi32>
        %xor3A_798 = arith.xori %iota3A_795, %xor3A_797 : vector<16xi32>
        %broadcast_in_dim3A_799 = vector.shape_cast %xor3A_798 : vector<16xi32> to vector<16x1xi32>
        %gather3A_800 = vector.shape_cast %broadcast_in_dim3A_799 : vector<16x1xi32> to vector<16xi32>
        %gather3A_801 = tpu.dynamic_gather %add3A_794[%gather3A_800] in [0] : vector<16xi32>, vector<16xi32> -> vector<16xi32>
        %add3A_802 = arith.addi %add3A_794, %gather3A_801 : vector<16xi32>
        %xor3A_803 = arith.constant 2 : i32
        %xor3A_804 = vector.broadcast %xor3A_803 : i32 to vector<16xi32>
        %xor3A_805 = arith.xori %iota3A_795, %xor3A_804 : vector<16xi32>
        %broadcast_in_dim3A_806 = vector.shape_cast %xor3A_805 : vector<16xi32> to vector<16x1xi32>
        %gather3A_807 = vector.shape_cast %broadcast_in_dim3A_806 : vector<16x1xi32> to vector<16xi32>
        %gather3A_808 = tpu.dynamic_gather %add3A_802[%gather3A_807] in [0] : vector<16xi32>, vector<16xi32> -> vector<16xi32>
        %add3A_809 = arith.addi %add3A_802, %gather3A_808 : vector<16xi32>
        %xor3A_810 = arith.constant 4 : i32
        %xor3A_811 = vector.broadcast %xor3A_810 : i32 to vector<16xi32>
        %xor3A_812 = arith.xori %iota3A_795, %xor3A_811 : vector<16xi32>
        %broadcast_in_dim3A_813 = vector.shape_cast %xor3A_812 : vector<16xi32> to vector<16x1xi32>
        %gather3A_814 = vector.shape_cast %broadcast_in_dim3A_813 : vector<16x1xi32> to vector<16xi32>
        %gather3A_815 = tpu.dynamic_gather %add3A_809[%gather3A_814] in [0] : vector<16xi32>, vector<16xi32> -> vector<16xi32>
        %add3A_816 = arith.addi %add3A_809, %gather3A_815 : vector<16xi32>
        %xor3A_817 = arith.constant 8 : i32
        %xor3A_818 = vector.broadcast %xor3A_817 : i32 to vector<16xi32>
        %xor3A_819 = arith.xori %iota3A_795, %xor3A_818 : vector<16xi32>
        %broadcast_in_dim3A_820 = vector.shape_cast %xor3A_819 : vector<16xi32> to vector<16x1xi32>
        %gather3A_821 = vector.shape_cast %broadcast_in_dim3A_820 : vector<16x1xi32> to vector<16xi32>
        %gather3A_822 = tpu.dynamic_gather %add3A_816[%gather3A_821] in [0] : vector<16xi32>, vector<16xi32> -> vector<16xi32>
        %add3A_823 = arith.addi %add3A_816, %gather3A_822 : vector<16xi32>
        %ge3A_824 = arith.cmpi sge, %add3A_823, %gather3A_214 : vector<16xi32>
        %select_n3A_825 = arith.select %ge3A_824, %or3A, %scan3A_769 : vector<16xi1>, vector<16xi32>
        %shift_right_logical3A = arith.shrui %scan3A_770, %broadcast_in_dim3A_194 : vector<16xi32>
        %scan3A_826 = arith.constant 1 : i32
        %scan3A_827 = arith.addi %scan3A_768, %scan3A_826 : i32
        %or3A_828 = arith.ori %select_n3A_825, %shift_right_logical3A : vector<16xi32>
        %get3A_829 = arith.constant 0 : index
        %get3A_830 = tpu.vector_load %arg11[%get3A_829] {strides = array<i32>} : memref<1024xi32, #tpu.memory_space<vmem>>, vector<16xi32>,
        %bitcast_convert_type3A_831 = tpu.bitcast %get3A_830 : vector<16xi32> -> vector<16xi32>
        %ge3A_832 = arith.cmpi uge, %bitcast_convert_type3A_831, %or3A_828 : vector<16xi32>
        %select_n3A_833 = arith.select %ge3A_832, %broadcast_in_dim3A_4, %broadcast_in_dim3A_2 : vector<16xi1>, vector<16xi32>
        %add3A_834 = arith.addi %broadcast_in_dim3A_2, %select_n3A_833 : vector<16xi32>
        %get3A_835 = arith.constant 16 : index
        %get3A_836 = tpu.vector_load %arg11[%get3A_835] {strides = array<i32>} : memref<1024xi32, #tpu.memory_space<vmem>>, vector<16xi32>,
        %bitcast_convert_type3A_837 = tpu.bitcast %get3A_836 : vector<16xi32> -> vector<16xi32>
        %ge3A_838 = arith.cmpi uge, %bitcast_convert_type3A_837, %or3A_828 : vector<16xi32>
        %select_n3A_839 = arith.select %ge3A_838, %broadcast_in_dim3A_4, %broadcast_in_dim3A_2 : vector<16xi1>, vector<16xi32>
        %add3A_840 = arith.addi %add3A_834, %select_n3A_839 : vector<16xi32>
        %get3A_841 = arith.constant 32 : index
        %get3A_842 = tpu.vector_load %arg11[%get3A_841] {strides = array<i32>} : memref<1024xi32, #tpu.memory_space<vmem>>, vector<16xi32>,
        %bitcast_convert_type3A_843 = tpu.bitcast %get3A_842 : vector<16xi32> -> vector<16xi32>
        %ge3A_844 = arith.cmpi uge, %bitcast_convert_type3A_843, %or3A_828 : vector<16xi32>
        %select_n3A_845 = arith.select %ge3A_844, %broadcast_in_dim3A_4, %broadcast_in_dim3A_2 : vector<16xi1>, vector<16xi32>
        %add3A_846 = arith.addi %add3A_840, %select_n3A_845 : vector<16xi32>
        %get3A_847 = arith.constant 48 : index
        %get3A_848 = tpu.vector_load %arg11[%get3A_847] {strides = array<i32>} : memref<1024xi32, #tpu.memory_space<vmem>>, vector<16xi32>,
        %bitcast_convert_type3A_849 = tpu.bitcast %get3A_848 : vector<16xi32> -> vector<16xi32>
        %ge3A_850 = arith.cmpi uge, %bitcast_convert_type3A_849, %or3A_828 : vector<16xi32>
        %select_n3A_851 = arith.select %ge3A_850, %broadcast_in_dim3A_4, %broadcast_in_dim3A_2 : vector<16xi1>, vector<16xi32>
        %add3A_852 = arith.addi %add3A_846, %select_n3A_851 : vector<16xi32>
        %iota3A_853 = tpu.iota {dimensions = array<i32: 0>} : vector<16xi32>
        %xor3A_854 = arith.constant 1 : i32
        %xor3A_855 = vector.broadcast %xor3A_854 : i32 to vector<16xi32>
        %xor3A_856 = arith.xori %iota3A_853, %xor3A_855 : vector<16xi32>
        %broadcast_in_dim3A_857 = vector.shape_cast %xor3A_856 : vector<16xi32> to vector<16x1xi32>
        %gather3A_858 = vector.shape_cast %broadcast_in_dim3A_857 : vector<16x1xi32> to vector<16xi32>
        %gather3A_859 = tpu.dynamic_gather %add3A_852[%gather3A_858] in [0] : vector<16xi32>, vector<16xi32> -> vector<16xi32>
        %add3A_860 = arith.addi %add3A_852, %gather3A_859 : vector<16xi32>
        %xor3A_861 = arith.constant 2 : i32
        %xor3A_862 = vector.broadcast %xor3A_861 : i32 to vector<16xi32>
        %xor3A_863 = arith.xori %iota3A_853, %xor3A_862 : vector<16xi32>
        %broadcast_in_dim3A_864 = vector.shape_cast %xor3A_863 : vector<16xi32> to vector<16x1xi32>
        %gather3A_865 = vector.shape_cast %broadcast_in_dim3A_864 : vector<16x1xi32> to vector<16xi32>
        %gather3A_866 = tpu.dynamic_gather %add3A_860[%gather3A_865] in [0] : vector<16xi32>, vector<16xi32> -> vector<16xi32>
        %add3A_867 = arith.addi %add3A_860, %gather3A_866 : vector<16xi32>
        %xor3A_868 = arith.constant 4 : i32
        %xor3A_869 = vector.broadcast %xor3A_868 : i32 to vector<16xi32>
        %xor3A_870 = arith.xori %iota3A_853, %xor3A_869 : vector<16xi32>
        %broadcast_in_dim3A_871 = vector.shape_cast %xor3A_870 : vector<16xi32> to vector<16x1xi32>
        %gather3A_872 = vector.shape_cast %broadcast_in_dim3A_871 : vector<16x1xi32> to vector<16xi32>
        %gather3A_873 = tpu.dynamic_gather %add3A_867[%gather3A_872] in [0] : vector<16xi32>, vector<16xi32> -> vector<16xi32>
        %add3A_874 = arith.addi %add3A_867, %gather3A_873 : vector<16xi32>
        %xor3A_875 = arith.constant 8 : i32
        %xor3A_876 = vector.broadcast %xor3A_875 : i32 to vector<16xi32>
        %xor3A_877 = arith.xori %iota3A_853, %xor3A_876 : vector<16xi32>
        %broadcast_in_dim3A_878 = vector.shape_cast %xor3A_877 : vector<16xi32> to vector<16x1xi32>
        %gather3A_879 = vector.shape_cast %broadcast_in_dim3A_878 : vector<16x1xi32> to vector<16xi32>
        %gather3A_880 = tpu.dynamic_gather %add3A_874[%gather3A_879] in [0] : vector<16xi32>, vector<16xi32> -> vector<16xi32>
        %add3A_881 = arith.addi %add3A_874, %gather3A_880 : vector<16xi32>
        %ge3A_882 = arith.cmpi sge, %add3A_881, %gather3A_214 : vector<16xi32>
        %select_n3A_883 = arith.select %ge3A_882, %or3A_828, %select_n3A_825 : vector<16xi1>, vector<16xi32>
        %shift_right_logical3A_884 = arith.shrui %shift_right_logical3A, %broadcast_in_dim3A_194 : vector<16xi32>
        scf.yield %select_n3A_883, %shift_right_logical3A_884 : vector<16xi32>, vector<16xi32>
      }
      %scan3A_224 = arith.constant 32 : i32
      %eq3A_225 = arith.constant 0 : i32
      %eq3A_226 = vector.broadcast %eq3A_225 : i32 to vector<16xi32>
      %eq3A_227 = arith.cmpi eq, %iota3A, %eq3A_226 : vector<16xi32>
      %select_n3A_228 = arith.select %eq3A_227, %scan3A_223#0, %broadcast_in_dim3A_192 : vector<16xi1>, vector<16xi32>
      %broadcast_in_dim3A_229 = arith.constant 1 : i32
      %broadcast_in_dim3A_230 = vector.broadcast %broadcast_in_dim3A_229 : i32 to vector<16xi32>
      %broadcast_in_dim3A_231 = vector.shape_cast %broadcast_in_dim3A_230 : vector<16xi32> to vector<16x1xi32>
      %gather3A_232 = vector.shape_cast %broadcast_in_dim3A_231 : vector<16x1xi32> to vector<16xi32>
      %gather3A_233 = tpu.dynamic_gather %scan3A_136#0[%gather3A_232] in [0] : vector<16xi32>, vector<16xi32> -> vector<16xi32>
      %while3A_234 = arith.constant 0 : i32
      %while3A_235 = arith.subi %select_n3A_179, %while3A_234 : i32
      %while3A_236 = arith.addi %while3A_234, %while3A_235 : i32
      %while3A_237 = arith.constant 1 : i32
      %while3A_238 = arith.divsi %while3A_235, %while3A_237 : i32
      %while3A_239 = arith.muli %while3A_238, %while3A_237 : i32
      %while3A_240 = arith.addi %while3A_234, %while3A_239 : i32
      %while3A_241 = arith.constant 1 : i32
      %while3A_242 = scf.for %while3A_768 = %while3A_234 to %while3A_240 step %while3A_241 iter_args(%while3A_769 = %broadcast_in_dim3A_2) -> (vector<16xi32>)  : i32 {
        %mul3A_770 = arith.constant 16 : i32
        %mul3A_771 = arith.muli %while3A_768, %mul3A_770 : i32
        %get3A_772 = arith.index_cast %mul3A_771 : i32 to index
        %get3A_773 = tpu.vector_load %arg10[%get3A_772] {strides = array<i32>} : memref<4128xi32, #tpu.memory_space<vmem>>, vector<16xi32>,
        %mul3A_774 = arith.constant 16 : i32
        %mul3A_775 = arith.muli %while3A_768, %mul3A_774 : i32
        %get3A_776 = arith.index_cast %mul3A_775 : i32 to index
        %get3A_777 = tpu.vector_load %arg9[%get3A_776] {strides = array<i32>} : memref<4128xi32, #tpu.memory_space<vmem>>, vector<16xi32>,
        %eq3A_778 = arith.cmpi eq, %get3A_773, %gather3A_233 : vector<16xi32>
        %select_n3A_779 = arith.select %eq3A_778, %broadcast_in_dim3A_4, %broadcast_in_dim3A_2 : vector<16xi1>, vector<16xi32>
        %broadcast_in_dim3A_780 = arith.constant true
        %broadcast_in_dim3A_781 = vector.broadcast %broadcast_in_dim3A_780 : i1 to vector<16xi1>
        %masked_cumsum3A = tpu.scan <sum>, %select_n3A_779 masked %broadcast_in_dim3A_781 : vector<16xi32>, vector<16xi1> -> vector<16xi32>
        %add3A_782 = arith.addi %while3A_769, %masked_cumsum3A : vector<16xi32>
        %sub3A_783 = arith.subi %add3A_782, %broadcast_in_dim3A_4 : vector<16xi32>
        %lt3A = arith.cmpi slt, %sub3A_783, %broadcast_in_dim3A_190 : vector<16xi32>
        %and3A_784 = arith.andi %eq3A_778, %lt3A : vector<16xi1>
        %add3A_785 = arith.constant 64 : i32
        %add3A_786 = vector.broadcast %add3A_785 : i32 to vector<16xi32>
        %add3A_787 = arith.addi %sub3A_783, %add3A_786 : vector<16xi32>
        tpu.vector_store_idx %arg11[%add3A_787], %get3A_777 masked %and3A_784 : memref<1024xi32, #tpu.memory_space<vmem>>[vector<16xi32>], vector<16xi32>, vector<16xi1>
        %all_reduce_population_count3A = tpu.all_reduce %eq3A_778 {dim = 0 : i64, kind = #tpu.reduction_kind<sum>} : vector<16xi1> -> vector<16xi32>
        %add3A_788 = arith.addi %while3A_769, %all_reduce_population_count3A : vector<16xi32>
        %min3A = arith.minsi %add3A_788, %broadcast_in_dim3A_190 : vector<16xi32>
        scf.yield %min3A : vector<16xi32>
      }
      %while3A_243 = arith.constant 1 : i32
      %while3A_244 = scf.for %while3A_768 = %while3A_240 to %while3A_236 step %while3A_243 iter_args(%while3A_769 = %while3A_242) -> (vector<16xi32>)  : i32 {
        %mul3A_770 = arith.constant 16 : i32
        %mul3A_771 = arith.muli %while3A_768, %mul3A_770 : i32
        %get3A_772 = arith.index_cast %mul3A_771 : i32 to index
        %get3A_773 = tpu.vector_load %arg10[%get3A_772] {strides = array<i32>} : memref<4128xi32, #tpu.memory_space<vmem>>, vector<16xi32>,
        %mul3A_774 = arith.constant 16 : i32
        %mul3A_775 = arith.muli %while3A_768, %mul3A_774 : i32
        %get3A_776 = arith.index_cast %mul3A_775 : i32 to index
        %get3A_777 = tpu.vector_load %arg9[%get3A_776] {strides = array<i32>} : memref<4128xi32, #tpu.memory_space<vmem>>, vector<16xi32>,
        %eq3A_778 = arith.cmpi eq, %get3A_773, %gather3A_233 : vector<16xi32>
        %select_n3A_779 = arith.select %eq3A_778, %broadcast_in_dim3A_4, %broadcast_in_dim3A_2 : vector<16xi1>, vector<16xi32>
        %broadcast_in_dim3A_780 = arith.constant true
        %broadcast_in_dim3A_781 = vector.broadcast %broadcast_in_dim3A_780 : i1 to vector<16xi1>
        %masked_cumsum3A = tpu.scan <sum>, %select_n3A_779 masked %broadcast_in_dim3A_781 : vector<16xi32>, vector<16xi1> -> vector<16xi32>
        %add3A_782 = arith.addi %while3A_769, %masked_cumsum3A : vector<16xi32>
        %sub3A_783 = arith.subi %add3A_782, %broadcast_in_dim3A_4 : vector<16xi32>
        %lt3A = arith.cmpi slt, %sub3A_783, %broadcast_in_dim3A_190 : vector<16xi32>
        %and3A_784 = arith.andi %eq3A_778, %lt3A : vector<16xi1>
        %add3A_785 = arith.constant 64 : i32
        %add3A_786 = vector.broadcast %add3A_785 : i32 to vector<16xi32>
        %add3A_787 = arith.addi %sub3A_783, %add3A_786 : vector<16xi32>
        tpu.vector_store_idx %arg11[%add3A_787], %get3A_777 masked %and3A_784 : memref<1024xi32, #tpu.memory_space<vmem>>[vector<16xi32>], vector<16xi32>, vector<16xi1>
        %all_reduce_population_count3A = tpu.all_reduce %eq3A_778 {dim = 0 : i64, kind = #tpu.reduction_kind<sum>} : vector<16xi1> -> vector<16xi32>
        %add3A_788 = arith.addi %while3A_769, %all_reduce_population_count3A : vector<16xi32>
        %min3A = arith.minsi %add3A_788, %broadcast_in_dim3A_190 : vector<16xi32>
        scf.yield %min3A : vector<16xi32>
      }
      %broadcast_in_dim3A_245 = arith.constant 1 : i32
      %broadcast_in_dim3A_246 = vector.broadcast %broadcast_in_dim3A_245 : i32 to vector<16xi32>
      %broadcast_in_dim3A_247 = vector.shape_cast %broadcast_in_dim3A_246 : vector<16xi32> to vector<16x1xi32>
      %gather3A_248 = vector.shape_cast %broadcast_in_dim3A_247 : vector<16x1xi32> to vector<16xi32>
      %gather3A_249 = tpu.dynamic_gather %add3A_188[%gather3A_248] in [0] : vector<16xi32>, vector<16xi32> -> vector<16xi32>
      %broadcast_in_dim3A_250 = arith.constant -2147483648 : i32
      %broadcast_in_dim3A_251 = vector.broadcast %broadcast_in_dim3A_250 : i32 to vector<16xi32>
      %broadcast_in_dim3A_252 = arith.constant 0 : i32
      %broadcast_in_dim3A_253 = vector.broadcast %broadcast_in_dim3A_252 : i32 to vector<16xi32>
      %scan3A_254 = arith.constant 0 : i32
      %scan3A_255 = arith.constant 32 : i32
      %scan3A_256 = arith.addi %scan3A_254, %scan3A_255 : i32
      %scan3A_257 = arith.constant 2 : i32
      %scan3A_258:2 = scf.for %scan3A_768 = %scan3A_254 to %scan3A_256 step %scan3A_257 iter_args(%scan3A_769 = %broadcast_in_dim3A_253, %scan3A_770 = %broadcast_in_dim3A_251) -> (vector<16xi32>, vector<16xi32>)  : i32 {
        %or3A = arith.ori %scan3A_769, %scan3A_770 : vector<16xi32>
        %get3A_771 = arith.constant 64 : index
        %get3A_772 = tpu.vector_load %arg11[%get3A_771] {strides = array<i32>} : memref<1024xi32, #tpu.memory_space<vmem>>, vector<16xi32>,
        %bitcast_convert_type3A_773 = tpu.bitcast %get3A_772 : vector<16xi32> -> vector<16xi32>
        %ge3A_774 = arith.cmpi uge, %bitcast_convert_type3A_773, %or3A : vector<16xi32>
        %select_n3A_775 = arith.select %ge3A_774, %broadcast_in_dim3A_4, %broadcast_in_dim3A_2 : vector<16xi1>, vector<16xi32>
        %add3A_776 = arith.addi %broadcast_in_dim3A_2, %select_n3A_775 : vector<16xi32>
        %get3A_777 = arith.constant 80 : index
        %get3A_778 = tpu.vector_load %arg11[%get3A_777] {strides = array<i32>} : memref<1024xi32, #tpu.memory_space<vmem>>, vector<16xi32>,
        %bitcast_convert_type3A_779 = tpu.bitcast %get3A_778 : vector<16xi32> -> vector<16xi32>
        %ge3A_780 = arith.cmpi uge, %bitcast_convert_type3A_779, %or3A : vector<16xi32>
        %select_n3A_781 = arith.select %ge3A_780, %broadcast_in_dim3A_4, %broadcast_in_dim3A_2 : vector<16xi1>, vector<16xi32>
        %add3A_782 = arith.addi %add3A_776, %select_n3A_781 : vector<16xi32>
        %get3A_783 = arith.constant 96 : index
        %get3A_784 = tpu.vector_load %arg11[%get3A_783] {strides = array<i32>} : memref<1024xi32, #tpu.memory_space<vmem>>, vector<16xi32>,
        %bitcast_convert_type3A_785 = tpu.bitcast %get3A_784 : vector<16xi32> -> vector<16xi32>
        %ge3A_786 = arith.cmpi uge, %bitcast_convert_type3A_785, %or3A : vector<16xi32>
        %select_n3A_787 = arith.select %ge3A_786, %broadcast_in_dim3A_4, %broadcast_in_dim3A_2 : vector<16xi1>, vector<16xi32>
        %add3A_788 = arith.addi %add3A_782, %select_n3A_787 : vector<16xi32>
        %get3A_789 = arith.constant 112 : index
        %get3A_790 = tpu.vector_load %arg11[%get3A_789] {strides = array<i32>} : memref<1024xi32, #tpu.memory_space<vmem>>, vector<16xi32>,
        %bitcast_convert_type3A_791 = tpu.bitcast %get3A_790 : vector<16xi32> -> vector<16xi32>
        %ge3A_792 = arith.cmpi uge, %bitcast_convert_type3A_791, %or3A : vector<16xi32>
        %select_n3A_793 = arith.select %ge3A_792, %broadcast_in_dim3A_4, %broadcast_in_dim3A_2 : vector<16xi1>, vector<16xi32>
        %add3A_794 = arith.addi %add3A_788, %select_n3A_793 : vector<16xi32>
        %iota3A_795 = tpu.iota {dimensions = array<i32: 0>} : vector<16xi32>
        %xor3A_796 = arith.constant 1 : i32
        %xor3A_797 = vector.broadcast %xor3A_796 : i32 to vector<16xi32>
        %xor3A_798 = arith.xori %iota3A_795, %xor3A_797 : vector<16xi32>
        %broadcast_in_dim3A_799 = vector.shape_cast %xor3A_798 : vector<16xi32> to vector<16x1xi32>
        %gather3A_800 = vector.shape_cast %broadcast_in_dim3A_799 : vector<16x1xi32> to vector<16xi32>
        %gather3A_801 = tpu.dynamic_gather %add3A_794[%gather3A_800] in [0] : vector<16xi32>, vector<16xi32> -> vector<16xi32>
        %add3A_802 = arith.addi %add3A_794, %gather3A_801 : vector<16xi32>
        %xor3A_803 = arith.constant 2 : i32
        %xor3A_804 = vector.broadcast %xor3A_803 : i32 to vector<16xi32>
        %xor3A_805 = arith.xori %iota3A_795, %xor3A_804 : vector<16xi32>
        %broadcast_in_dim3A_806 = vector.shape_cast %xor3A_805 : vector<16xi32> to vector<16x1xi32>
        %gather3A_807 = vector.shape_cast %broadcast_in_dim3A_806 : vector<16x1xi32> to vector<16xi32>
        %gather3A_808 = tpu.dynamic_gather %add3A_802[%gather3A_807] in [0] : vector<16xi32>, vector<16xi32> -> vector<16xi32>
        %add3A_809 = arith.addi %add3A_802, %gather3A_808 : vector<16xi32>
        %xor3A_810 = arith.constant 4 : i32
        %xor3A_811 = vector.broadcast %xor3A_810 : i32 to vector<16xi32>
        %xor3A_812 = arith.xori %iota3A_795, %xor3A_811 : vector<16xi32>
        %broadcast_in_dim3A_813 = vector.shape_cast %xor3A_812 : vector<16xi32> to vector<16x1xi32>
        %gather3A_814 = vector.shape_cast %broadcast_in_dim3A_813 : vector<16x1xi32> to vector<16xi32>
        %gather3A_815 = tpu.dynamic_gather %add3A_809[%gather3A_814] in [0] : vector<16xi32>, vector<16xi32> -> vector<16xi32>
        %add3A_816 = arith.addi %add3A_809, %gather3A_815 : vector<16xi32>
        %xor3A_817 = arith.constant 8 : i32
        %xor3A_818 = vector.broadcast %xor3A_817 : i32 to vector<16xi32>
        %xor3A_819 = arith.xori %iota3A_795, %xor3A_818 : vector<16xi32>
        %broadcast_in_dim3A_820 = vector.shape_cast %xor3A_819 : vector<16xi32> to vector<16x1xi32>
        %gather3A_821 = vector.shape_cast %broadcast_in_dim3A_820 : vector<16x1xi32> to vector<16xi32>
        %gather3A_822 = tpu.dynamic_gather %add3A_816[%gather3A_821] in [0] : vector<16xi32>, vector<16xi32> -> vector<16xi32>
        %add3A_823 = arith.addi %add3A_816, %gather3A_822 : vector<16xi32>
        %ge3A_824 = arith.cmpi sge, %add3A_823, %gather3A_249 : vector<16xi32>
        %select_n3A_825 = arith.select %ge3A_824, %or3A, %scan3A_769 : vector<16xi1>, vector<16xi32>
        %shift_right_logical3A = arith.shrui %scan3A_770, %broadcast_in_dim3A_194 : vector<16xi32>
        %scan3A_826 = arith.constant 1 : i32
        %scan3A_827 = arith.addi %scan3A_768, %scan3A_826 : i32
        %or3A_828 = arith.ori %select_n3A_825, %shift_right_logical3A : vector<16xi32>
        %get3A_829 = arith.constant 64 : index
        %get3A_830 = tpu.vector_load %arg11[%get3A_829] {strides = array<i32>} : memref<1024xi32, #tpu.memory_space<vmem>>, vector<16xi32>,
        %bitcast_convert_type3A_831 = tpu.bitcast %get3A_830 : vector<16xi32> -> vector<16xi32>
        %ge3A_832 = arith.cmpi uge, %bitcast_convert_type3A_831, %or3A_828 : vector<16xi32>
        %select_n3A_833 = arith.select %ge3A_832, %broadcast_in_dim3A_4, %broadcast_in_dim3A_2 : vector<16xi1>, vector<16xi32>
        %add3A_834 = arith.addi %broadcast_in_dim3A_2, %select_n3A_833 : vector<16xi32>
        %get3A_835 = arith.constant 80 : index
        %get3A_836 = tpu.vector_load %arg11[%get3A_835] {strides = array<i32>} : memref<1024xi32, #tpu.memory_space<vmem>>, vector<16xi32>,
        %bitcast_convert_type3A_837 = tpu.bitcast %get3A_836 : vector<16xi32> -> vector<16xi32>
        %ge3A_838 = arith.cmpi uge, %bitcast_convert_type3A_837, %or3A_828 : vector<16xi32>
        %select_n3A_839 = arith.select %ge3A_838, %broadcast_in_dim3A_4, %broadcast_in_dim3A_2 : vector<16xi1>, vector<16xi32>
        %add3A_840 = arith.addi %add3A_834, %select_n3A_839 : vector<16xi32>
        %get3A_841 = arith.constant 96 : index
        %get3A_842 = tpu.vector_load %arg11[%get3A_841] {strides = array<i32>} : memref<1024xi32, #tpu.memory_space<vmem>>, vector<16xi32>,
        %bitcast_convert_type3A_843 = tpu.bitcast %get3A_842 : vector<16xi32> -> vector<16xi32>
        %ge3A_844 = arith.cmpi uge, %bitcast_convert_type3A_843, %or3A_828 : vector<16xi32>
        %select_n3A_845 = arith.select %ge3A_844, %broadcast_in_dim3A_4, %broadcast_in_dim3A_2 : vector<16xi1>, vector<16xi32>
        %add3A_846 = arith.addi %add3A_840, %select_n3A_845 : vector<16xi32>
        %get3A_847 = arith.constant 112 : index
        %get3A_848 = tpu.vector_load %arg11[%get3A_847] {strides = array<i32>} : memref<1024xi32, #tpu.memory_space<vmem>>, vector<16xi32>,
        %bitcast_convert_type3A_849 = tpu.bitcast %get3A_848 : vector<16xi32> -> vector<16xi32>
        %ge3A_850 = arith.cmpi uge, %bitcast_convert_type3A_849, %or3A_828 : vector<16xi32>
        %select_n3A_851 = arith.select %ge3A_850, %broadcast_in_dim3A_4, %broadcast_in_dim3A_2 : vector<16xi1>, vector<16xi32>
        %add3A_852 = arith.addi %add3A_846, %select_n3A_851 : vector<16xi32>
        %iota3A_853 = tpu.iota {dimensions = array<i32: 0>} : vector<16xi32>
        %xor3A_854 = arith.constant 1 : i32
        %xor3A_855 = vector.broadcast %xor3A_854 : i32 to vector<16xi32>
        %xor3A_856 = arith.xori %iota3A_853, %xor3A_855 : vector<16xi32>
        %broadcast_in_dim3A_857 = vector.shape_cast %xor3A_856 : vector<16xi32> to vector<16x1xi32>
        %gather3A_858 = vector.shape_cast %broadcast_in_dim3A_857 : vector<16x1xi32> to vector<16xi32>
        %gather3A_859 = tpu.dynamic_gather %add3A_852[%gather3A_858] in [0] : vector<16xi32>, vector<16xi32> -> vector<16xi32>
        %add3A_860 = arith.addi %add3A_852, %gather3A_859 : vector<16xi32>
        %xor3A_861 = arith.constant 2 : i32
        %xor3A_862 = vector.broadcast %xor3A_861 : i32 to vector<16xi32>
        %xor3A_863 = arith.xori %iota3A_853, %xor3A_862 : vector<16xi32>
        %broadcast_in_dim3A_864 = vector.shape_cast %xor3A_863 : vector<16xi32> to vector<16x1xi32>
        %gather3A_865 = vector.shape_cast %broadcast_in_dim3A_864 : vector<16x1xi32> to vector<16xi32>
        %gather3A_866 = tpu.dynamic_gather %add3A_860[%gather3A_865] in [0] : vector<16xi32>, vector<16xi32> -> vector<16xi32>
        %add3A_867 = arith.addi %add3A_860, %gather3A_866 : vector<16xi32>
        %xor3A_868 = arith.constant 4 : i32
        %xor3A_869 = vector.broadcast %xor3A_868 : i32 to vector<16xi32>
        %xor3A_870 = arith.xori %iota3A_853, %xor3A_869 : vector<16xi32>
        %broadcast_in_dim3A_871 = vector.shape_cast %xor3A_870 : vector<16xi32> to vector<16x1xi32>
        %gather3A_872 = vector.shape_cast %broadcast_in_dim3A_871 : vector<16x1xi32> to vector<16xi32>
        %gather3A_873 = tpu.dynamic_gather %add3A_867[%gather3A_872] in [0] : vector<16xi32>, vector<16xi32> -> vector<16xi32>
        %add3A_874 = arith.addi %add3A_867, %gather3A_873 : vector<16xi32>
        %xor3A_875 = arith.constant 8 : i32
        %xor3A_876 = vector.broadcast %xor3A_875 : i32 to vector<16xi32>
        %xor3A_877 = arith.xori %iota3A_853, %xor3A_876 : vector<16xi32>
        %broadcast_in_dim3A_878 = vector.shape_cast %xor3A_877 : vector<16xi32> to vector<16x1xi32>
        %gather3A_879 = vector.shape_cast %broadcast_in_dim3A_878 : vector<16x1xi32> to vector<16xi32>
        %gather3A_880 = tpu.dynamic_gather %add3A_874[%gather3A_879] in [0] : vector<16xi32>, vector<16xi32> -> vector<16xi32>
        %add3A_881 = arith.addi %add3A_874, %gather3A_880 : vector<16xi32>
        %ge3A_882 = arith.cmpi sge, %add3A_881, %gather3A_249 : vector<16xi32>
        %select_n3A_883 = arith.select %ge3A_882, %or3A_828, %select_n3A_825 : vector<16xi1>, vector<16xi32>
        %shift_right_logical3A_884 = arith.shrui %shift_right_logical3A, %broadcast_in_dim3A_194 : vector<16xi32>
        scf.yield %select_n3A_883, %shift_right_logical3A_884 : vector<16xi32>, vector<16xi32>
      }
      %scan3A_259 = arith.constant 32 : i32
      %eq3A_260 = arith.constant 1 : i32
      %eq3A_261 = vector.broadcast %eq3A_260 : i32 to vector<16xi32>
      %eq3A_262 = arith.cmpi eq, %iota3A, %eq3A_261 : vector<16xi32>
      %select_n3A_263 = arith.select %eq3A_262, %scan3A_258#0, %select_n3A_228 : vector<16xi1>, vector<16xi32>
      %broadcast_in_dim3A_264 = arith.constant 2 : i32
      %broadcast_in_dim3A_265 = vector.broadcast %broadcast_in_dim3A_264 : i32 to vector<16xi32>
      %broadcast_in_dim3A_266 = vector.shape_cast %broadcast_in_dim3A_265 : vector<16xi32> to vector<16x1xi32>
      %gather3A_267 = vector.shape_cast %broadcast_in_dim3A_266 : vector<16x1xi32> to vector<16xi32>
      %gather3A_268 = tpu.dynamic_gather %scan3A_136#0[%gather3A_267] in [0] : vector<16xi32>, vector<16xi32> -> vector<16xi32>
      %while3A_269 = arith.constant 0 : i32
      %while3A_270 = arith.subi %select_n3A_179, %while3A_269 : i32
      %while3A_271 = arith.addi %while3A_269, %while3A_270 : i32
      %while3A_272 = arith.constant 1 : i32
      %while3A_273 = arith.divsi %while3A_270, %while3A_272 : i32
      %while3A_274 = arith.muli %while3A_273, %while3A_272 : i32
      %while3A_275 = arith.addi %while3A_269, %while3A_274 : i32
      %while3A_276 = arith.constant 1 : i32
      %while3A_277 = scf.for %while3A_768 = %while3A_269 to %while3A_275 step %while3A_276 iter_args(%while3A_769 = %broadcast_in_dim3A_2) -> (vector<16xi32>)  : i32 {
        %mul3A_770 = arith.constant 16 : i32
        %mul3A_771 = arith.muli %while3A_768, %mul3A_770 : i32
        %get3A_772 = arith.index_cast %mul3A_771 : i32 to index
        %get3A_773 = tpu.vector_load %arg10[%get3A_772] {strides = array<i32>} : memref<4128xi32, #tpu.memory_space<vmem>>, vector<16xi32>,
        %mul3A_774 = arith.constant 16 : i32
        %mul3A_775 = arith.muli %while3A_768, %mul3A_774 : i32
        %get3A_776 = arith.index_cast %mul3A_775 : i32 to index
        %get3A_777 = tpu.vector_load %arg9[%get3A_776] {strides = array<i32>} : memref<4128xi32, #tpu.memory_space<vmem>>, vector<16xi32>,
        %eq3A_778 = arith.cmpi eq, %get3A_773, %gather3A_268 : vector<16xi32>
        %select_n3A_779 = arith.select %eq3A_778, %broadcast_in_dim3A_4, %broadcast_in_dim3A_2 : vector<16xi1>, vector<16xi32>
        %broadcast_in_dim3A_780 = arith.constant true
        %broadcast_in_dim3A_781 = vector.broadcast %broadcast_in_dim3A_780 : i1 to vector<16xi1>
        %masked_cumsum3A = tpu.scan <sum>, %select_n3A_779 masked %broadcast_in_dim3A_781 : vector<16xi32>, vector<16xi1> -> vector<16xi32>
        %add3A_782 = arith.addi %while3A_769, %masked_cumsum3A : vector<16xi32>
        %sub3A_783 = arith.subi %add3A_782, %broadcast_in_dim3A_4 : vector<16xi32>
        %lt3A = arith.cmpi slt, %sub3A_783, %broadcast_in_dim3A_190 : vector<16xi32>
        %and3A_784 = arith.andi %eq3A_778, %lt3A : vector<16xi1>
        %add3A_785 = arith.constant 128 : i32
        %add3A_786 = vector.broadcast %add3A_785 : i32 to vector<16xi32>
        %add3A_787 = arith.addi %sub3A_783, %add3A_786 : vector<16xi32>
        tpu.vector_store_idx %arg11[%add3A_787], %get3A_777 masked %and3A_784 : memref<1024xi32, #tpu.memory_space<vmem>>[vector<16xi32>], vector<16xi32>, vector<16xi1>
        %all_reduce_population_count3A = tpu.all_reduce %eq3A_778 {dim = 0 : i64, kind = #tpu.reduction_kind<sum>} : vector<16xi1> -> vector<16xi32>
        %add3A_788 = arith.addi %while3A_769, %all_reduce_population_count3A : vector<16xi32>
        %min3A = arith.minsi %add3A_788, %broadcast_in_dim3A_190 : vector<16xi32>
        scf.yield %min3A : vector<16xi32>
      }
      %while3A_278 = arith.constant 1 : i32
      %while3A_279 = scf.for %while3A_768 = %while3A_275 to %while3A_271 step %while3A_278 iter_args(%while3A_769 = %while3A_277) -> (vector<16xi32>)  : i32 {
        %mul3A_770 = arith.constant 16 : i32
        %mul3A_771 = arith.muli %while3A_768, %mul3A_770 : i32
        %get3A_772 = arith.index_cast %mul3A_771 : i32 to index
        %get3A_773 = tpu.vector_load %arg10[%get3A_772] {strides = array<i32>} : memref<4128xi32, #tpu.memory_space<vmem>>, vector<16xi32>,
        %mul3A_774 = arith.constant 16 : i32
        %mul3A_775 = arith.muli %while3A_768, %mul3A_774 : i32
        %get3A_776 = arith.index_cast %mul3A_775 : i32 to index
        %get3A_777 = tpu.vector_load %arg9[%get3A_776] {strides = array<i32>} : memref<4128xi32, #tpu.memory_space<vmem>>, vector<16xi32>,
        %eq3A_778 = arith.cmpi eq, %get3A_773, %gather3A_268 : vector<16xi32>
        %select_n3A_779 = arith.select %eq3A_778, %broadcast_in_dim3A_4, %broadcast_in_dim3A_2 : vector<16xi1>, vector<16xi32>
        %broadcast_in_dim3A_780 = arith.constant true
        %broadcast_in_dim3A_781 = vector.broadcast %broadcast_in_dim3A_780 : i1 to vector<16xi1>
        %masked_cumsum3A = tpu.scan <sum>, %select_n3A_779 masked %broadcast_in_dim3A_781 : vector<16xi32>, vector<16xi1> -> vector<16xi32>
        %add3A_782 = arith.addi %while3A_769, %masked_cumsum3A : vector<16xi32>
        %sub3A_783 = arith.subi %add3A_782, %broadcast_in_dim3A_4 : vector<16xi32>
        %lt3A = arith.cmpi slt, %sub3A_783, %broadcast_in_dim3A_190 : vector<16xi32>
        %and3A_784 = arith.andi %eq3A_778, %lt3A : vector<16xi1>
        %add3A_785 = arith.constant 128 : i32
        %add3A_786 = vector.broadcast %add3A_785 : i32 to vector<16xi32>
        %add3A_787 = arith.addi %sub3A_783, %add3A_786 : vector<16xi32>
        tpu.vector_store_idx %arg11[%add3A_787], %get3A_777 masked %and3A_784 : memref<1024xi32, #tpu.memory_space<vmem>>[vector<16xi32>], vector<16xi32>, vector<16xi1>
        %all_reduce_population_count3A = tpu.all_reduce %eq3A_778 {dim = 0 : i64, kind = #tpu.reduction_kind<sum>} : vector<16xi1> -> vector<16xi32>
        %add3A_788 = arith.addi %while3A_769, %all_reduce_population_count3A : vector<16xi32>
        %min3A = arith.minsi %add3A_788, %broadcast_in_dim3A_190 : vector<16xi32>
        scf.yield %min3A : vector<16xi32>
      }
      %broadcast_in_dim3A_280 = arith.constant 2 : i32
      %broadcast_in_dim3A_281 = vector.broadcast %broadcast_in_dim3A_280 : i32 to vector<16xi32>
      %broadcast_in_dim3A_282 = vector.shape_cast %broadcast_in_dim3A_281 : vector<16xi32> to vector<16x1xi32>
      %gather3A_283 = vector.shape_cast %broadcast_in_dim3A_282 : vector<16x1xi32> to vector<16xi32>
      %gather3A_284 = tpu.dynamic_gather %add3A_188[%gather3A_283] in [0] : vector<16xi32>, vector<16xi32> -> vector<16xi32>
      %broadcast_in_dim3A_285 = arith.constant -2147483648 : i32
      %broadcast_in_dim3A_286 = vector.broadcast %broadcast_in_dim3A_285 : i32 to vector<16xi32>
      %broadcast_in_dim3A_287 = arith.constant 0 : i32
      %broadcast_in_dim3A_288 = vector.broadcast %broadcast_in_dim3A_287 : i32 to vector<16xi32>
      %scan3A_289 = arith.constant 0 : i32
      %scan3A_290 = arith.constant 32 : i32
      %scan3A_291 = arith.addi %scan3A_289, %scan3A_290 : i32
      %scan3A_292 = arith.constant 2 : i32
      %scan3A_293:2 = scf.for %scan3A_768 = %scan3A_289 to %scan3A_291 step %scan3A_292 iter_args(%scan3A_769 = %broadcast_in_dim3A_288, %scan3A_770 = %broadcast_in_dim3A_286) -> (vector<16xi32>, vector<16xi32>)  : i32 {
        %or3A = arith.ori %scan3A_769, %scan3A_770 : vector<16xi32>
        %get3A_771 = arith.constant 128 : index
        %get3A_772 = tpu.vector_load %arg11[%get3A_771] {strides = array<i32>} : memref<1024xi32, #tpu.memory_space<vmem>>, vector<16xi32>,
        %bitcast_convert_type3A_773 = tpu.bitcast %get3A_772 : vector<16xi32> -> vector<16xi32>
        %ge3A_774 = arith.cmpi uge, %bitcast_convert_type3A_773, %or3A : vector<16xi32>
        %select_n3A_775 = arith.select %ge3A_774, %broadcast_in_dim3A_4, %broadcast_in_dim3A_2 : vector<16xi1>, vector<16xi32>
        %add3A_776 = arith.addi %broadcast_in_dim3A_2, %select_n3A_775 : vector<16xi32>
        %get3A_777 = arith.constant 144 : index
        %get3A_778 = tpu.vector_load %arg11[%get3A_777] {strides = array<i32>} : memref<1024xi32, #tpu.memory_space<vmem>>, vector<16xi32>,
        %bitcast_convert_type3A_779 = tpu.bitcast %get3A_778 : vector<16xi32> -> vector<16xi32>
        %ge3A_780 = arith.cmpi uge, %bitcast_convert_type3A_779, %or3A : vector<16xi32>
        %select_n3A_781 = arith.select %ge3A_780, %broadcast_in_dim3A_4, %broadcast_in_dim3A_2 : vector<16xi1>, vector<16xi32>
        %add3A_782 = arith.addi %add3A_776, %select_n3A_781 : vector<16xi32>
        %get3A_783 = arith.constant 160 : index
        %get3A_784 = tpu.vector_load %arg11[%get3A_783] {strides = array<i32>} : memref<1024xi32, #tpu.memory_space<vmem>>, vector<16xi32>,
        %bitcast_convert_type3A_785 = tpu.bitcast %get3A_784 : vector<16xi32> -> vector<16xi32>
        %ge3A_786 = arith.cmpi uge, %bitcast_convert_type3A_785, %or3A : vector<16xi32>
        %select_n3A_787 = arith.select %ge3A_786, %broadcast_in_dim3A_4, %broadcast_in_dim3A_2 : vector<16xi1>, vector<16xi32>
        %add3A_788 = arith.addi %add3A_782, %select_n3A_787 : vector<16xi32>
        %get3A_789 = arith.constant 176 : index
        %get3A_790 = tpu.vector_load %arg11[%get3A_789] {strides = array<i32>} : memref<1024xi32, #tpu.memory_space<vmem>>, vector<16xi32>,
        %bitcast_convert_type3A_791 = tpu.bitcast %get3A_790 : vector<16xi32> -> vector<16xi32>
        %ge3A_792 = arith.cmpi uge, %bitcast_convert_type3A_791, %or3A : vector<16xi32>
        %select_n3A_793 = arith.select %ge3A_792, %broadcast_in_dim3A_4, %broadcast_in_dim3A_2 : vector<16xi1>, vector<16xi32>
        %add3A_794 = arith.addi %add3A_788, %select_n3A_793 : vector<16xi32>
        %iota3A_795 = tpu.iota {dimensions = array<i32: 0>} : vector<16xi32>
        %xor3A_796 = arith.constant 1 : i32
        %xor3A_797 = vector.broadcast %xor3A_796 : i32 to vector<16xi32>
        %xor3A_798 = arith.xori %iota3A_795, %xor3A_797 : vector<16xi32>
        %broadcast_in_dim3A_799 = vector.shape_cast %xor3A_798 : vector<16xi32> to vector<16x1xi32>
        %gather3A_800 = vector.shape_cast %broadcast_in_dim3A_799 : vector<16x1xi32> to vector<16xi32>
        %gather3A_801 = tpu.dynamic_gather %add3A_794[%gather3A_800] in [0] : vector<16xi32>, vector<16xi32> -> vector<16xi32>
        %add3A_802 = arith.addi %add3A_794, %gather3A_801 : vector<16xi32>
        %xor3A_803 = arith.constant 2 : i32
        %xor3A_804 = vector.broadcast %xor3A_803 : i32 to vector<16xi32>
        %xor3A_805 = arith.xori %iota3A_795, %xor3A_804 : vector<16xi32>
        %broadcast_in_dim3A_806 = vector.shape_cast %xor3A_805 : vector<16xi32> to vector<16x1xi32>
        %gather3A_807 = vector.shape_cast %broadcast_in_dim3A_806 : vector<16x1xi32> to vector<16xi32>
        %gather3A_808 = tpu.dynamic_gather %add3A_802[%gather3A_807] in [0] : vector<16xi32>, vector<16xi32> -> vector<16xi32>
        %add3A_809 = arith.addi %add3A_802, %gather3A_808 : vector<16xi32>
        %xor3A_810 = arith.constant 4 : i32
        %xor3A_811 = vector.broadcast %xor3A_810 : i32 to vector<16xi32>
        %xor3A_812 = arith.xori %iota3A_795, %xor3A_811 : vector<16xi32>
        %broadcast_in_dim3A_813 = vector.shape_cast %xor3A_812 : vector<16xi32> to vector<16x1xi32>
        %gather3A_814 = vector.shape_cast %broadcast_in_dim3A_813 : vector<16x1xi32> to vector<16xi32>
        %gather3A_815 = tpu.dynamic_gather %add3A_809[%gather3A_814] in [0] : vector<16xi32>, vector<16xi32> -> vector<16xi32>
        %add3A_816 = arith.addi %add3A_809, %gather3A_815 : vector<16xi32>
        %xor3A_817 = arith.constant 8 : i32
        %xor3A_818 = vector.broadcast %xor3A_817 : i32 to vector<16xi32>
        %xor3A_819 = arith.xori %iota3A_795, %xor3A_818 : vector<16xi32>
        %broadcast_in_dim3A_820 = vector.shape_cast %xor3A_819 : vector<16xi32> to vector<16x1xi32>
        %gather3A_821 = vector.shape_cast %broadcast_in_dim3A_820 : vector<16x1xi32> to vector<16xi32>
        %gather3A_822 = tpu.dynamic_gather %add3A_816[%gather3A_821] in [0] : vector<16xi32>, vector<16xi32> -> vector<16xi32>
        %add3A_823 = arith.addi %add3A_816, %gather3A_822 : vector<16xi32>
        %ge3A_824 = arith.cmpi sge, %add3A_823, %gather3A_284 : vector<16xi32>
        %select_n3A_825 = arith.select %ge3A_824, %or3A, %scan3A_769 : vector<16xi1>, vector<16xi32>
        %shift_right_logical3A = arith.shrui %scan3A_770, %broadcast_in_dim3A_194 : vector<16xi32>
        %scan3A_826 = arith.constant 1 : i32
        %scan3A_827 = arith.addi %scan3A_768, %scan3A_826 : i32
        %or3A_828 = arith.ori %select_n3A_825, %shift_right_logical3A : vector<16xi32>
        %get3A_829 = arith.constant 128 : index
        %get3A_830 = tpu.vector_load %arg11[%get3A_829] {strides = array<i32>} : memref<1024xi32, #tpu.memory_space<vmem>>, vector<16xi32>,
        %bitcast_convert_type3A_831 = tpu.bitcast %get3A_830 : vector<16xi32> -> vector<16xi32>
        %ge3A_832 = arith.cmpi uge, %bitcast_convert_type3A_831, %or3A_828 : vector<16xi32>
        %select_n3A_833 = arith.select %ge3A_832, %broadcast_in_dim3A_4, %broadcast_in_dim3A_2 : vector<16xi1>, vector<16xi32>
        %add3A_834 = arith.addi %broadcast_in_dim3A_2, %select_n3A_833 : vector<16xi32>
        %get3A_835 = arith.constant 144 : index
        %get3A_836 = tpu.vector_load %arg11[%get3A_835] {strides = array<i32>} : memref<1024xi32, #tpu.memory_space<vmem>>, vector<16xi32>,
        %bitcast_convert_type3A_837 = tpu.bitcast %get3A_836 : vector<16xi32> -> vector<16xi32>
        %ge3A_838 = arith.cmpi uge, %bitcast_convert_type3A_837, %or3A_828 : vector<16xi32>
        %select_n3A_839 = arith.select %ge3A_838, %broadcast_in_dim3A_4, %broadcast_in_dim3A_2 : vector<16xi1>, vector<16xi32>
        %add3A_840 = arith.addi %add3A_834, %select_n3A_839 : vector<16xi32>
        %get3A_841 = arith.constant 160 : index
        %get3A_842 = tpu.vector_load %arg11[%get3A_841] {strides = array<i32>} : memref<1024xi32, #tpu.memory_space<vmem>>, vector<16xi32>,
        %bitcast_convert_type3A_843 = tpu.bitcast %get3A_842 : vector<16xi32> -> vector<16xi32>
        %ge3A_844 = arith.cmpi uge, %bitcast_convert_type3A_843, %or3A_828 : vector<16xi32>
        %select_n3A_845 = arith.select %ge3A_844, %broadcast_in_dim3A_4, %broadcast_in_dim3A_2 : vector<16xi1>, vector<16xi32>
        %add3A_846 = arith.addi %add3A_840, %select_n3A_845 : vector<16xi32>
        %get3A_847 = arith.constant 176 : index
        %get3A_848 = tpu.vector_load %arg11[%get3A_847] {strides = array<i32>} : memref<1024xi32, #tpu.memory_space<vmem>>, vector<16xi32>,
        %bitcast_convert_type3A_849 = tpu.bitcast %get3A_848 : vector<16xi32> -> vector<16xi32>
        %ge3A_850 = arith.cmpi uge, %bitcast_convert_type3A_849, %or3A_828 : vector<16xi32>
        %select_n3A_851 = arith.select %ge3A_850, %broadcast_in_dim3A_4, %broadcast_in_dim3A_2 : vector<16xi1>, vector<16xi32>
        %add3A_852 = arith.addi %add3A_846, %select_n3A_851 : vector<16xi32>
        %iota3A_853 = tpu.iota {dimensions = array<i32: 0>} : vector<16xi32>
        %xor3A_854 = arith.constant 1 : i32
        %xor3A_855 = vector.broadcast %xor3A_854 : i32 to vector<16xi32>
        %xor3A_856 = arith.xori %iota3A_853, %xor3A_855 : vector<16xi32>
        %broadcast_in_dim3A_857 = vector.shape_cast %xor3A_856 : vector<16xi32> to vector<16x1xi32>
        %gather3A_858 = vector.shape_cast %broadcast_in_dim3A_857 : vector<16x1xi32> to vector<16xi32>
        %gather3A_859 = tpu.dynamic_gather %add3A_852[%gather3A_858] in [0] : vector<16xi32>, vector<16xi32> -> vector<16xi32>
        %add3A_860 = arith.addi %add3A_852, %gather3A_859 : vector<16xi32>
        %xor3A_861 = arith.constant 2 : i32
        %xor3A_862 = vector.broadcast %xor3A_861 : i32 to vector<16xi32>
        %xor3A_863 = arith.xori %iota3A_853, %xor3A_862 : vector<16xi32>
        %broadcast_in_dim3A_864 = vector.shape_cast %xor3A_863 : vector<16xi32> to vector<16x1xi32>
        %gather3A_865 = vector.shape_cast %broadcast_in_dim3A_864 : vector<16x1xi32> to vector<16xi32>
        %gather3A_866 = tpu.dynamic_gather %add3A_860[%gather3A_865] in [0] : vector<16xi32>, vector<16xi32> -> vector<16xi32>
        %add3A_867 = arith.addi %add3A_860, %gather3A_866 : vector<16xi32>
        %xor3A_868 = arith.constant 4 : i32
        %xor3A_869 = vector.broadcast %xor3A_868 : i32 to vector<16xi32>
        %xor3A_870 = arith.xori %iota3A_853, %xor3A_869 : vector<16xi32>
        %broadcast_in_dim3A_871 = vector.shape_cast %xor3A_870 : vector<16xi32> to vector<16x1xi32>
        %gather3A_872 = vector.shape_cast %broadcast_in_dim3A_871 : vector<16x1xi32> to vector<16xi32>
        %gather3A_873 = tpu.dynamic_gather %add3A_867[%gather3A_872] in [0] : vector<16xi32>, vector<16xi32> -> vector<16xi32>
        %add3A_874 = arith.addi %add3A_867, %gather3A_873 : vector<16xi32>
        %xor3A_875 = arith.constant 8 : i32
        %xor3A_876 = vector.broadcast %xor3A_875 : i32 to vector<16xi32>
        %xor3A_877 = arith.xori %iota3A_853, %xor3A_876 : vector<16xi32>
        %broadcast_in_dim3A_878 = vector.shape_cast %xor3A_877 : vector<16xi32> to vector<16x1xi32>
        %gather3A_879 = vector.shape_cast %broadcast_in_dim3A_878 : vector<16x1xi32> to vector<16xi32>
        %gather3A_880 = tpu.dynamic_gather %add3A_874[%gather3A_879] in [0] : vector<16xi32>, vector<16xi32> -> vector<16xi32>
        %add3A_881 = arith.addi %add3A_874, %gather3A_880 : vector<16xi32>
        %ge3A_882 = arith.cmpi sge, %add3A_881, %gather3A_284 : vector<16xi32>
        %select_n3A_883 = arith.select %ge3A_882, %or3A_828, %select_n3A_825 : vector<16xi1>, vector<16xi32>
        %shift_right_logical3A_884 = arith.shrui %shift_right_logical3A, %broadcast_in_dim3A_194 : vector<16xi32>
        scf.yield %select_n3A_883, %shift_right_logical3A_884 : vector<16xi32>, vector<16xi32>
      }
      %scan3A_294 = arith.constant 32 : i32
      %eq3A_295 = arith.constant 2 : i32
      %eq3A_296 = vector.broadcast %eq3A_295 : i32 to vector<16xi32>
      %eq3A_297 = arith.cmpi eq, %iota3A, %eq3A_296 : vector<16xi32>
      %select_n3A_298 = arith.select %eq3A_297, %scan3A_293#0, %select_n3A_263 : vector<16xi1>, vector<16xi32>
      %broadcast_in_dim3A_299 = arith.constant 3 : i32
      %broadcast_in_dim3A_300 = vector.broadcast %broadcast_in_dim3A_299 : i32 to vector<16xi32>
      %broadcast_in_dim3A_301 = vector.shape_cast %broadcast_in_dim3A_300 : vector<16xi32> to vector<16x1xi32>
      %gather3A_302 = vector.shape_cast %broadcast_in_dim3A_301 : vector<16x1xi32> to vector<16xi32>
      %gather3A_303 = tpu.dynamic_gather %scan3A_136#0[%gather3A_302] in [0] : vector<16xi32>, vector<16xi32> -> vector<16xi32>
      %while3A_304 = arith.constant 0 : i32
      %while3A_305 = arith.subi %select_n3A_179, %while3A_304 : i32
      %while3A_306 = arith.addi %while3A_304, %while3A_305 : i32
      %while3A_307 = arith.constant 1 : i32
      %while3A_308 = arith.divsi %while3A_305, %while3A_307 : i32
      %while3A_309 = arith.muli %while3A_308, %while3A_307 : i32
      %while3A_310 = arith.addi %while3A_304, %while3A_309 : i32
      %while3A_311 = arith.constant 1 : i32
      %while3A_312 = scf.for %while3A_768 = %while3A_304 to %while3A_310 step %while3A_311 iter_args(%while3A_769 = %broadcast_in_dim3A_2) -> (vector<16xi32>)  : i32 {
        %mul3A_770 = arith.constant 16 : i32
        %mul3A_771 = arith.muli %while3A_768, %mul3A_770 : i32
        %get3A_772 = arith.index_cast %mul3A_771 : i32 to index
        %get3A_773 = tpu.vector_load %arg10[%get3A_772] {strides = array<i32>} : memref<4128xi32, #tpu.memory_space<vmem>>, vector<16xi32>,
        %mul3A_774 = arith.constant 16 : i32
        %mul3A_775 = arith.muli %while3A_768, %mul3A_774 : i32
        %get3A_776 = arith.index_cast %mul3A_775 : i32 to index
        %get3A_777 = tpu.vector_load %arg9[%get3A_776] {strides = array<i32>} : memref<4128xi32, #tpu.memory_space<vmem>>, vector<16xi32>,
        %eq3A_778 = arith.cmpi eq, %get3A_773, %gather3A_303 : vector<16xi32>
        %select_n3A_779 = arith.select %eq3A_778, %broadcast_in_dim3A_4, %broadcast_in_dim3A_2 : vector<16xi1>, vector<16xi32>
        %broadcast_in_dim3A_780 = arith.constant true
        %broadcast_in_dim3A_781 = vector.broadcast %broadcast_in_dim3A_780 : i1 to vector<16xi1>
        %masked_cumsum3A = tpu.scan <sum>, %select_n3A_779 masked %broadcast_in_dim3A_781 : vector<16xi32>, vector<16xi1> -> vector<16xi32>
        %add3A_782 = arith.addi %while3A_769, %masked_cumsum3A : vector<16xi32>
        %sub3A_783 = arith.subi %add3A_782, %broadcast_in_dim3A_4 : vector<16xi32>
        %lt3A = arith.cmpi slt, %sub3A_783, %broadcast_in_dim3A_190 : vector<16xi32>
        %and3A_784 = arith.andi %eq3A_778, %lt3A : vector<16xi1>
        %add3A_785 = arith.constant 192 : i32
        %add3A_786 = vector.broadcast %add3A_785 : i32 to vector<16xi32>
        %add3A_787 = arith.addi %sub3A_783, %add3A_786 : vector<16xi32>
        tpu.vector_store_idx %arg11[%add3A_787], %get3A_777 masked %and3A_784 : memref<1024xi32, #tpu.memory_space<vmem>>[vector<16xi32>], vector<16xi32>, vector<16xi1>
        %all_reduce_population_count3A = tpu.all_reduce %eq3A_778 {dim = 0 : i64, kind = #tpu.reduction_kind<sum>} : vector<16xi1> -> vector<16xi32>
        %add3A_788 = arith.addi %while3A_769, %all_reduce_population_count3A : vector<16xi32>
        %min3A = arith.minsi %add3A_788, %broadcast_in_dim3A_190 : vector<16xi32>
        scf.yield %min3A : vector<16xi32>
      }
      %while3A_313 = arith.constant 1 : i32
      %while3A_314 = scf.for %while3A_768 = %while3A_310 to %while3A_306 step %while3A_313 iter_args(%while3A_769 = %while3A_312) -> (vector<16xi32>)  : i32 {
        %mul3A_770 = arith.constant 16 : i32
        %mul3A_771 = arith.muli %while3A_768, %mul3A_770 : i32
        %get3A_772 = arith.index_cast %mul3A_771 : i32 to index
        %get3A_773 = tpu.vector_load %arg10[%get3A_772] {strides = array<i32>} : memref<4128xi32, #tpu.memory_space<vmem>>, vector<16xi32>,
        %mul3A_774 = arith.constant 16 : i32
        %mul3A_775 = arith.muli %while3A_768, %mul3A_774 : i32
        %get3A_776 = arith.index_cast %mul3A_775 : i32 to index
        %get3A_777 = tpu.vector_load %arg9[%get3A_776] {strides = array<i32>} : memref<4128xi32, #tpu.memory_space<vmem>>, vector<16xi32>,
        %eq3A_778 = arith.cmpi eq, %get3A_773, %gather3A_303 : vector<16xi32>
        %select_n3A_779 = arith.select %eq3A_778, %broadcast_in_dim3A_4, %broadcast_in_dim3A_2 : vector<16xi1>, vector<16xi32>
        %broadcast_in_dim3A_780 = arith.constant true
        %broadcast_in_dim3A_781 = vector.broadcast %broadcast_in_dim3A_780 : i1 to vector<16xi1>
        %masked_cumsum3A = tpu.scan <sum>, %select_n3A_779 masked %broadcast_in_dim3A_781 : vector<16xi32>, vector<16xi1> -> vector<16xi32>
        %add3A_782 = arith.addi %while3A_769, %masked_cumsum3A : vector<16xi32>
        %sub3A_783 = arith.subi %add3A_782, %broadcast_in_dim3A_4 : vector<16xi32>
        %lt3A = arith.cmpi slt, %sub3A_783, %broadcast_in_dim3A_190 : vector<16xi32>
        %and3A_784 = arith.andi %eq3A_778, %lt3A : vector<16xi1>
        %add3A_785 = arith.constant 192 : i32
        %add3A_786 = vector.broadcast %add3A_785 : i32 to vector<16xi32>
        %add3A_787 = arith.addi %sub3A_783, %add3A_786 : vector<16xi32>
        tpu.vector_store_idx %arg11[%add3A_787], %get3A_777 masked %and3A_784 : memref<1024xi32, #tpu.memory_space<vmem>>[vector<16xi32>], vector<16xi32>, vector<16xi1>
        %all_reduce_population_count3A = tpu.all_reduce %eq3A_778 {dim = 0 : i64, kind = #tpu.reduction_kind<sum>} : vector<16xi1> -> vector<16xi32>
        %add3A_788 = arith.addi %while3A_769, %all_reduce_population_count3A : vector<16xi32>
        %min3A = arith.minsi %add3A_788, %broadcast_in_dim3A_190 : vector<16xi32>
        scf.yield %min3A : vector<16xi32>
      }
      %broadcast_in_dim3A_315 = arith.constant 3 : i32
      %broadcast_in_dim3A_316 = vector.broadcast %broadcast_in_dim3A_315 : i32 to vector<16xi32>
      %broadcast_in_dim3A_317 = vector.shape_cast %broadcast_in_dim3A_316 : vector<16xi32> to vector<16x1xi32>
      %gather3A_318 = vector.shape_cast %broadcast_in_dim3A_317 : vector<16x1xi32> to vector<16xi32>
      %gather3A_319 = tpu.dynamic_gather %add3A_188[%gather3A_318] in [0] : vector<16xi32>, vector<16xi32> -> vector<16xi32>
      %broadcast_in_dim3A_320 = arith.constant -2147483648 : i32
      %broadcast_in_dim3A_321 = vector.broadcast %broadcast_in_dim3A_320 : i32 to vector<16xi32>
      %broadcast_in_dim3A_322 = arith.constant 0 : i32
      %broadcast_in_dim3A_323 = vector.broadcast %broadcast_in_dim3A_322 : i32 to vector<16xi32>
      %scan3A_324 = arith.constant 0 : i32
      %scan3A_325 = arith.constant 32 : i32
      %scan3A_326 = arith.addi %scan3A_324, %scan3A_325 : i32
      %scan3A_327 = arith.constant 2 : i32
      %scan3A_328:2 = scf.for %scan3A_768 = %scan3A_324 to %scan3A_326 step %scan3A_327 iter_args(%scan3A_769 = %broadcast_in_dim3A_323, %scan3A_770 = %broadcast_in_dim3A_321) -> (vector<16xi32>, vector<16xi32>)  : i32 {
        %or3A = arith.ori %scan3A_769, %scan3A_770 : vector<16xi32>
        %get3A_771 = arith.constant 192 : index
        %get3A_772 = tpu.vector_load %arg11[%get3A_771] {strides = array<i32>} : memref<1024xi32, #tpu.memory_space<vmem>>, vector<16xi32>,
        %bitcast_convert_type3A_773 = tpu.bitcast %get3A_772 : vector<16xi32> -> vector<16xi32>
        %ge3A_774 = arith.cmpi uge, %bitcast_convert_type3A_773, %or3A : vector<16xi32>
        %select_n3A_775 = arith.select %ge3A_774, %broadcast_in_dim3A_4, %broadcast_in_dim3A_2 : vector<16xi1>, vector<16xi32>
        %add3A_776 = arith.addi %broadcast_in_dim3A_2, %select_n3A_775 : vector<16xi32>
        %get3A_777 = arith.constant 208 : index
        %get3A_778 = tpu.vector_load %arg11[%get3A_777] {strides = array<i32>} : memref<1024xi32, #tpu.memory_space<vmem>>, vector<16xi32>,
        %bitcast_convert_type3A_779 = tpu.bitcast %get3A_778 : vector<16xi32> -> vector<16xi32>
        %ge3A_780 = arith.cmpi uge, %bitcast_convert_type3A_779, %or3A : vector<16xi32>
        %select_n3A_781 = arith.select %ge3A_780, %broadcast_in_dim3A_4, %broadcast_in_dim3A_2 : vector<16xi1>, vector<16xi32>
        %add3A_782 = arith.addi %add3A_776, %select_n3A_781 : vector<16xi32>
        %get3A_783 = arith.constant 224 : index
        %get3A_784 = tpu.vector_load %arg11[%get3A_783] {strides = array<i32>} : memref<1024xi32, #tpu.memory_space<vmem>>, vector<16xi32>,
        %bitcast_convert_type3A_785 = tpu.bitcast %get3A_784 : vector<16xi32> -> vector<16xi32>
        %ge3A_786 = arith.cmpi uge, %bitcast_convert_type3A_785, %or3A : vector<16xi32>
        %select_n3A_787 = arith.select %ge3A_786, %broadcast_in_dim3A_4, %broadcast_in_dim3A_2 : vector<16xi1>, vector<16xi32>
        %add3A_788 = arith.addi %add3A_782, %select_n3A_787 : vector<16xi32>
        %get3A_789 = arith.constant 240 : index
        %get3A_790 = tpu.vector_load %arg11[%get3A_789] {strides = array<i32>} : memref<1024xi32, #tpu.memory_space<vmem>>, vector<16xi32>,
        %bitcast_convert_type3A_791 = tpu.bitcast %get3A_790 : vector<16xi32> -> vector<16xi32>
        %ge3A_792 = arith.cmpi uge, %bitcast_convert_type3A_791, %or3A : vector<16xi32>
        %select_n3A_793 = arith.select %ge3A_792, %broadcast_in_dim3A_4, %broadcast_in_dim3A_2 : vector<16xi1>, vector<16xi32>
        %add3A_794 = arith.addi %add3A_788, %select_n3A_793 : vector<16xi32>
        %iota3A_795 = tpu.iota {dimensions = array<i32: 0>} : vector<16xi32>
        %xor3A_796 = arith.constant 1 : i32
        %xor3A_797 = vector.broadcast %xor3A_796 : i32 to vector<16xi32>
        %xor3A_798 = arith.xori %iota3A_795, %xor3A_797 : vector<16xi32>
        %broadcast_in_dim3A_799 = vector.shape_cast %xor3A_798 : vector<16xi32> to vector<16x1xi32>
        %gather3A_800 = vector.shape_cast %broadcast_in_dim3A_799 : vector<16x1xi32> to vector<16xi32>
        %gather3A_801 = tpu.dynamic_gather %add3A_794[%gather3A_800] in [0] : vector<16xi32>, vector<16xi32> -> vector<16xi32>
        %add3A_802 = arith.addi %add3A_794, %gather3A_801 : vector<16xi32>
        %xor3A_803 = arith.constant 2 : i32
        %xor3A_804 = vector.broadcast %xor3A_803 : i32 to vector<16xi32>
        %xor3A_805 = arith.xori %iota3A_795, %xor3A_804 : vector<16xi32>
        %broadcast_in_dim3A_806 = vector.shape_cast %xor3A_805 : vector<16xi32> to vector<16x1xi32>
        %gather3A_807 = vector.shape_cast %broadcast_in_dim3A_806 : vector<16x1xi32> to vector<16xi32>
        %gather3A_808 = tpu.dynamic_gather %add3A_802[%gather3A_807] in [0] : vector<16xi32>, vector<16xi32> -> vector<16xi32>
        %add3A_809 = arith.addi %add3A_802, %gather3A_808 : vector<16xi32>
        %xor3A_810 = arith.constant 4 : i32
        %xor3A_811 = vector.broadcast %xor3A_810 : i32 to vector<16xi32>
        %xor3A_812 = arith.xori %iota3A_795, %xor3A_811 : vector<16xi32>
        %broadcast_in_dim3A_813 = vector.shape_cast %xor3A_812 : vector<16xi32> to vector<16x1xi32>
        %gather3A_814 = vector.shape_cast %broadcast_in_dim3A_813 : vector<16x1xi32> to vector<16xi32>
        %gather3A_815 = tpu.dynamic_gather %add3A_809[%gather3A_814] in [0] : vector<16xi32>, vector<16xi32> -> vector<16xi32>
        %add3A_816 = arith.addi %add3A_809, %gather3A_815 : vector<16xi32>
        %xor3A_817 = arith.constant 8 : i32
        %xor3A_818 = vector.broadcast %xor3A_817 : i32 to vector<16xi32>
        %xor3A_819 = arith.xori %iota3A_795, %xor3A_818 : vector<16xi32>
        %broadcast_in_dim3A_820 = vector.shape_cast %xor3A_819 : vector<16xi32> to vector<16x1xi32>
        %gather3A_821 = vector.shape_cast %broadcast_in_dim3A_820 : vector<16x1xi32> to vector<16xi32>
        %gather3A_822 = tpu.dynamic_gather %add3A_816[%gather3A_821] in [0] : vector<16xi32>, vector<16xi32> -> vector<16xi32>
        %add3A_823 = arith.addi %add3A_816, %gather3A_822 : vector<16xi32>
        %ge3A_824 = arith.cmpi sge, %add3A_823, %gather3A_319 : vector<16xi32>
        %select_n3A_825 = arith.select %ge3A_824, %or3A, %scan3A_769 : vector<16xi1>, vector<16xi32>
        %shift_right_logical3A = arith.shrui %scan3A_770, %broadcast_in_dim3A_194 : vector<16xi32>
        %scan3A_826 = arith.constant 1 : i32
        %scan3A_827 = arith.addi %scan3A_768, %scan3A_826 : i32
        %or3A_828 = arith.ori %select_n3A_825, %shift_right_logical3A : vector<16xi32>
        %get3A_829 = arith.constant 192 : index
        %get3A_830 = tpu.vector_load %arg11[%get3A_829] {strides = array<i32>} : memref<1024xi32, #tpu.memory_space<vmem>>, vector<16xi32>,
        %bitcast_convert_type3A_831 = tpu.bitcast %get3A_830 : vector<16xi32> -> vector<16xi32>
        %ge3A_832 = arith.cmpi uge, %bitcast_convert_type3A_831, %or3A_828 : vector<16xi32>
        %select_n3A_833 = arith.select %ge3A_832, %broadcast_in_dim3A_4, %broadcast_in_dim3A_2 : vector<16xi1>, vector<16xi32>
        %add3A_834 = arith.addi %broadcast_in_dim3A_2, %select_n3A_833 : vector<16xi32>
        %get3A_835 = arith.constant 208 : index
        %get3A_836 = tpu.vector_load %arg11[%get3A_835] {strides = array<i32>} : memref<1024xi32, #tpu.memory_space<vmem>>, vector<16xi32>,
        %bitcast_convert_type3A_837 = tpu.bitcast %get3A_836 : vector<16xi32> -> vector<16xi32>
        %ge3A_838 = arith.cmpi uge, %bitcast_convert_type3A_837, %or3A_828 : vector<16xi32>
        %select_n3A_839 = arith.select %ge3A_838, %broadcast_in_dim3A_4, %broadcast_in_dim3A_2 : vector<16xi1>, vector<16xi32>
        %add3A_840 = arith.addi %add3A_834, %select_n3A_839 : vector<16xi32>
        %get3A_841 = arith.constant 224 : index
        %get3A_842 = tpu.vector_load %arg11[%get3A_841] {strides = array<i32>} : memref<1024xi32, #tpu.memory_space<vmem>>, vector<16xi32>,
        %bitcast_convert_type3A_843 = tpu.bitcast %get3A_842 : vector<16xi32> -> vector<16xi32>
        %ge3A_844 = arith.cmpi uge, %bitcast_convert_type3A_843, %or3A_828 : vector<16xi32>
        %select_n3A_845 = arith.select %ge3A_844, %broadcast_in_dim3A_4, %broadcast_in_dim3A_2 : vector<16xi1>, vector<16xi32>
        %add3A_846 = arith.addi %add3A_840, %select_n3A_845 : vector<16xi32>
        %get3A_847 = arith.constant 240 : index
        %get3A_848 = tpu.vector_load %arg11[%get3A_847] {strides = array<i32>} : memref<1024xi32, #tpu.memory_space<vmem>>, vector<16xi32>,
        %bitcast_convert_type3A_849 = tpu.bitcast %get3A_848 : vector<16xi32> -> vector<16xi32>
        %ge3A_850 = arith.cmpi uge, %bitcast_convert_type3A_849, %or3A_828 : vector<16xi32>
        %select_n3A_851 = arith.select %ge3A_850, %broadcast_in_dim3A_4, %broadcast_in_dim3A_2 : vector<16xi1>, vector<16xi32>
        %add3A_852 = arith.addi %add3A_846, %select_n3A_851 : vector<16xi32>
        %iota3A_853 = tpu.iota {dimensions = array<i32: 0>} : vector<16xi32>
        %xor3A_854 = arith.constant 1 : i32
        %xor3A_855 = vector.broadcast %xor3A_854 : i32 to vector<16xi32>
        %xor3A_856 = arith.xori %iota3A_853, %xor3A_855 : vector<16xi32>
        %broadcast_in_dim3A_857 = vector.shape_cast %xor3A_856 : vector<16xi32> to vector<16x1xi32>
        %gather3A_858 = vector.shape_cast %broadcast_in_dim3A_857 : vector<16x1xi32> to vector<16xi32>
        %gather3A_859 = tpu.dynamic_gather %add3A_852[%gather3A_858] in [0] : vector<16xi32>, vector<16xi32> -> vector<16xi32>
        %add3A_860 = arith.addi %add3A_852, %gather3A_859 : vector<16xi32>
        %xor3A_861 = arith.constant 2 : i32
        %xor3A_862 = vector.broadcast %xor3A_861 : i32 to vector<16xi32>
        %xor3A_863 = arith.xori %iota3A_853, %xor3A_862 : vector<16xi32>
        %broadcast_in_dim3A_864 = vector.shape_cast %xor3A_863 : vector<16xi32> to vector<16x1xi32>
        %gather3A_865 = vector.shape_cast %broadcast_in_dim3A_864 : vector<16x1xi32> to vector<16xi32>
        %gather3A_866 = tpu.dynamic_gather %add3A_860[%gather3A_865] in [0] : vector<16xi32>, vector<16xi32> -> vector<16xi32>
        %add3A_867 = arith.addi %add3A_860, %gather3A_866 : vector<16xi32>
        %xor3A_868 = arith.constant 4 : i32
        %xor3A_869 = vector.broadcast %xor3A_868 : i32 to vector<16xi32>
        %xor3A_870 = arith.xori %iota3A_853, %xor3A_869 : vector<16xi32>
        %broadcast_in_dim3A_871 = vector.shape_cast %xor3A_870 : vector<16xi32> to vector<16x1xi32>
        %gather3A_872 = vector.shape_cast %broadcast_in_dim3A_871 : vector<16x1xi32> to vector<16xi32>
        %gather3A_873 = tpu.dynamic_gather %add3A_867[%gather3A_872] in [0] : vector<16xi32>, vector<16xi32> -> vector<16xi32>
        %add3A_874 = arith.addi %add3A_867, %gather3A_873 : vector<16xi32>
        %xor3A_875 = arith.constant 8 : i32
        %xor3A_876 = vector.broadcast %xor3A_875 : i32 to vector<16xi32>
        %xor3A_877 = arith.xori %iota3A_853, %xor3A_876 : vector<16xi32>
        %broadcast_in_dim3A_878 = vector.shape_cast %xor3A_877 : vector<16xi32> to vector<16x1xi32>
        %gather3A_879 = vector.shape_cast %broadcast_in_dim3A_878 : vector<16x1xi32> to vector<16xi32>
        %gather3A_880 = tpu.dynamic_gather %add3A_874[%gather3A_879] in [0] : vector<16xi32>, vector<16xi32> -> vector<16xi32>
        %add3A_881 = arith.addi %add3A_874, %gather3A_880 : vector<16xi32>
        %ge3A_882 = arith.cmpi sge, %add3A_881, %gather3A_319 : vector<16xi32>
        %select_n3A_883 = arith.select %ge3A_882, %or3A_828, %select_n3A_825 : vector<16xi1>, vector<16xi32>
        %shift_right_logical3A_884 = arith.shrui %shift_right_logical3A, %broadcast_in_dim3A_194 : vector<16xi32>
        scf.yield %select_n3A_883, %shift_right_logical3A_884 : vector<16xi32>, vector<16xi32>
      }
      %scan3A_329 = arith.constant 32 : i32
      %eq3A_330 = arith.constant 3 : i32
      %eq3A_331 = vector.broadcast %eq3A_330 : i32 to vector<16xi32>
      %eq3A_332 = arith.cmpi eq, %iota3A, %eq3A_331 : vector<16xi32>
      %select_n3A_333 = arith.select %eq3A_332, %scan3A_328#0, %select_n3A_298 : vector<16xi1>, vector<16xi32>
      %broadcast_in_dim3A_334 = arith.constant 4 : i32
      %broadcast_in_dim3A_335 = vector.broadcast %broadcast_in_dim3A_334 : i32 to vector<16xi32>
      %broadcast_in_dim3A_336 = vector.shape_cast %broadcast_in_dim3A_335 : vector<16xi32> to vector<16x1xi32>
      %gather3A_337 = vector.shape_cast %broadcast_in_dim3A_336 : vector<16x1xi32> to vector<16xi32>
      %gather3A_338 = tpu.dynamic_gather %scan3A_136#0[%gather3A_337] in [0] : vector<16xi32>, vector<16xi32> -> vector<16xi32>
      %while3A_339 = arith.constant 0 : i32
      %while3A_340 = arith.subi %select_n3A_179, %while3A_339 : i32
      %while3A_341 = arith.addi %while3A_339, %while3A_340 : i32
      %while3A_342 = arith.constant 1 : i32
      %while3A_343 = arith.divsi %while3A_340, %while3A_342 : i32
      %while3A_344 = arith.muli %while3A_343, %while3A_342 : i32
      %while3A_345 = arith.addi %while3A_339, %while3A_344 : i32
      %while3A_346 = arith.constant 1 : i32
      %while3A_347 = scf.for %while3A_768 = %while3A_339 to %while3A_345 step %while3A_346 iter_args(%while3A_769 = %broadcast_in_dim3A_2) -> (vector<16xi32>)  : i32 {
        %mul3A_770 = arith.constant 16 : i32
        %mul3A_771 = arith.muli %while3A_768, %mul3A_770 : i32
        %get3A_772 = arith.index_cast %mul3A_771 : i32 to index
        %get3A_773 = tpu.vector_load %arg10[%get3A_772] {strides = array<i32>} : memref<4128xi32, #tpu.memory_space<vmem>>, vector<16xi32>,
        %mul3A_774 = arith.constant 16 : i32
        %mul3A_775 = arith.muli %while3A_768, %mul3A_774 : i32
        %get3A_776 = arith.index_cast %mul3A_775 : i32 to index
        %get3A_777 = tpu.vector_load %arg9[%get3A_776] {strides = array<i32>} : memref<4128xi32, #tpu.memory_space<vmem>>, vector<16xi32>,
        %eq3A_778 = arith.cmpi eq, %get3A_773, %gather3A_338 : vector<16xi32>
        %select_n3A_779 = arith.select %eq3A_778, %broadcast_in_dim3A_4, %broadcast_in_dim3A_2 : vector<16xi1>, vector<16xi32>
        %broadcast_in_dim3A_780 = arith.constant true
        %broadcast_in_dim3A_781 = vector.broadcast %broadcast_in_dim3A_780 : i1 to vector<16xi1>
        %masked_cumsum3A = tpu.scan <sum>, %select_n3A_779 masked %broadcast_in_dim3A_781 : vector<16xi32>, vector<16xi1> -> vector<16xi32>
        %add3A_782 = arith.addi %while3A_769, %masked_cumsum3A : vector<16xi32>
        %sub3A_783 = arith.subi %add3A_782, %broadcast_in_dim3A_4 : vector<16xi32>
        %lt3A = arith.cmpi slt, %sub3A_783, %broadcast_in_dim3A_190 : vector<16xi32>
        %and3A_784 = arith.andi %eq3A_778, %lt3A : vector<16xi1>
        %add3A_785 = arith.constant 256 : i32
        %add3A_786 = vector.broadcast %add3A_785 : i32 to vector<16xi32>
        %add3A_787 = arith.addi %sub3A_783, %add3A_786 : vector<16xi32>
        tpu.vector_store_idx %arg11[%add3A_787], %get3A_777 masked %and3A_784 : memref<1024xi32, #tpu.memory_space<vmem>>[vector<16xi32>], vector<16xi32>, vector<16xi1>
        %all_reduce_population_count3A = tpu.all_reduce %eq3A_778 {dim = 0 : i64, kind = #tpu.reduction_kind<sum>} : vector<16xi1> -> vector<16xi32>
        %add3A_788 = arith.addi %while3A_769, %all_reduce_population_count3A : vector<16xi32>
        %min3A = arith.minsi %add3A_788, %broadcast_in_dim3A_190 : vector<16xi32>
        scf.yield %min3A : vector<16xi32>
      }
      %while3A_348 = arith.constant 1 : i32
      %while3A_349 = scf.for %while3A_768 = %while3A_345 to %while3A_341 step %while3A_348 iter_args(%while3A_769 = %while3A_347) -> (vector<16xi32>)  : i32 {
        %mul3A_770 = arith.constant 16 : i32
        %mul3A_771 = arith.muli %while3A_768, %mul3A_770 : i32
        %get3A_772 = arith.index_cast %mul3A_771 : i32 to index
        %get3A_773 = tpu.vector_load %arg10[%get3A_772] {strides = array<i32>} : memref<4128xi32, #tpu.memory_space<vmem>>, vector<16xi32>,
        %mul3A_774 = arith.constant 16 : i32
        %mul3A_775 = arith.muli %while3A_768, %mul3A_774 : i32
        %get3A_776 = arith.index_cast %mul3A_775 : i32 to index
        %get3A_777 = tpu.vector_load %arg9[%get3A_776] {strides = array<i32>} : memref<4128xi32, #tpu.memory_space<vmem>>, vector<16xi32>,
        %eq3A_778 = arith.cmpi eq, %get3A_773, %gather3A_338 : vector<16xi32>
        %select_n3A_779 = arith.select %eq3A_778, %broadcast_in_dim3A_4, %broadcast_in_dim3A_2 : vector<16xi1>, vector<16xi32>
        %broadcast_in_dim3A_780 = arith.constant true
        %broadcast_in_dim3A_781 = vector.broadcast %broadcast_in_dim3A_780 : i1 to vector<16xi1>
        %masked_cumsum3A = tpu.scan <sum>, %select_n3A_779 masked %broadcast_in_dim3A_781 : vector<16xi32>, vector<16xi1> -> vector<16xi32>
        %add3A_782 = arith.addi %while3A_769, %masked_cumsum3A : vector<16xi32>
        %sub3A_783 = arith.subi %add3A_782, %broadcast_in_dim3A_4 : vector<16xi32>
        %lt3A = arith.cmpi slt, %sub3A_783, %broadcast_in_dim3A_190 : vector<16xi32>
        %and3A_784 = arith.andi %eq3A_778, %lt3A : vector<16xi1>
        %add3A_785 = arith.constant 256 : i32
        %add3A_786 = vector.broadcast %add3A_785 : i32 to vector<16xi32>
        %add3A_787 = arith.addi %sub3A_783, %add3A_786 : vector<16xi32>
        tpu.vector_store_idx %arg11[%add3A_787], %get3A_777 masked %and3A_784 : memref<1024xi32, #tpu.memory_space<vmem>>[vector<16xi32>], vector<16xi32>, vector<16xi1>
        %all_reduce_population_count3A = tpu.all_reduce %eq3A_778 {dim = 0 : i64, kind = #tpu.reduction_kind<sum>} : vector<16xi1> -> vector<16xi32>
        %add3A_788 = arith.addi %while3A_769, %all_reduce_population_count3A : vector<16xi32>
        %min3A = arith.minsi %add3A_788, %broadcast_in_dim3A_190 : vector<16xi32>
        scf.yield %min3A : vector<16xi32>
      }
      %broadcast_in_dim3A_350 = arith.constant 4 : i32
      %broadcast_in_dim3A_351 = vector.broadcast %broadcast_in_dim3A_350 : i32 to vector<16xi32>
      %broadcast_in_dim3A_352 = vector.shape_cast %broadcast_in_dim3A_351 : vector<16xi32> to vector<16x1xi32>
      %gather3A_353 = vector.shape_cast %broadcast_in_dim3A_352 : vector<16x1xi32> to vector<16xi32>
      %gather3A_354 = tpu.dynamic_gather %add3A_188[%gather3A_353] in [0] : vector<16xi32>, vector<16xi32> -> vector<16xi32>
      %broadcast_in_dim3A_355 = arith.constant -2147483648 : i32
      %broadcast_in_dim3A_356 = vector.broadcast %broadcast_in_dim3A_355 : i32 to vector<16xi32>
      %broadcast_in_dim3A_357 = arith.constant 0 : i32
      %broadcast_in_dim3A_358 = vector.broadcast %broadcast_in_dim3A_357 : i32 to vector<16xi32>
      %scan3A_359 = arith.constant 0 : i32
      %scan3A_360 = arith.constant 32 : i32
      %scan3A_361 = arith.addi %scan3A_359, %scan3A_360 : i32
      %scan3A_362 = arith.constant 2 : i32
      %scan3A_363:2 = scf.for %scan3A_768 = %scan3A_359 to %scan3A_361 step %scan3A_362 iter_args(%scan3A_769 = %broadcast_in_dim3A_358, %scan3A_770 = %broadcast_in_dim3A_356) -> (vector<16xi32>, vector<16xi32>)  : i32 {
        %or3A = arith.ori %scan3A_769, %scan3A_770 : vector<16xi32>
        %get3A_771 = arith.constant 256 : index
        %get3A_772 = tpu.vector_load %arg11[%get3A_771] {strides = array<i32>} : memref<1024xi32, #tpu.memory_space<vmem>>, vector<16xi32>,
        %bitcast_convert_type3A_773 = tpu.bitcast %get3A_772 : vector<16xi32> -> vector<16xi32>
        %ge3A_774 = arith.cmpi uge, %bitcast_convert_type3A_773, %or3A : vector<16xi32>
        %select_n3A_775 = arith.select %ge3A_774, %broadcast_in_dim3A_4, %broadcast_in_dim3A_2 : vector<16xi1>, vector<16xi32>
        %add3A_776 = arith.addi %broadcast_in_dim3A_2, %select_n3A_775 : vector<16xi32>
        %get3A_777 = arith.constant 272 : index
        %get3A_778 = tpu.vector_load %arg11[%get3A_777] {strides = array<i32>} : memref<1024xi32, #tpu.memory_space<vmem>>, vector<16xi32>,
        %bitcast_convert_type3A_779 = tpu.bitcast %get3A_778 : vector<16xi32> -> vector<16xi32>
        %ge3A_780 = arith.cmpi uge, %bitcast_convert_type3A_779, %or3A : vector<16xi32>
        %select_n3A_781 = arith.select %ge3A_780, %broadcast_in_dim3A_4, %broadcast_in_dim3A_2 : vector<16xi1>, vector<16xi32>
        %add3A_782 = arith.addi %add3A_776, %select_n3A_781 : vector<16xi32>
        %get3A_783 = arith.constant 288 : index
        %get3A_784 = tpu.vector_load %arg11[%get3A_783] {strides = array<i32>} : memref<1024xi32, #tpu.memory_space<vmem>>, vector<16xi32>,
        %bitcast_convert_type3A_785 = tpu.bitcast %get3A_784 : vector<16xi32> -> vector<16xi32>
        %ge3A_786 = arith.cmpi uge, %bitcast_convert_type3A_785, %or3A : vector<16xi32>
        %select_n3A_787 = arith.select %ge3A_786, %broadcast_in_dim3A_4, %broadcast_in_dim3A_2 : vector<16xi1>, vector<16xi32>
        %add3A_788 = arith.addi %add3A_782, %select_n3A_787 : vector<16xi32>
        %get3A_789 = arith.constant 304 : index
        %get3A_790 = tpu.vector_load %arg11[%get3A_789] {strides = array<i32>} : memref<1024xi32, #tpu.memory_space<vmem>>, vector<16xi32>,
        %bitcast_convert_type3A_791 = tpu.bitcast %get3A_790 : vector<16xi32> -> vector<16xi32>
        %ge3A_792 = arith.cmpi uge, %bitcast_convert_type3A_791, %or3A : vector<16xi32>
        %select_n3A_793 = arith.select %ge3A_792, %broadcast_in_dim3A_4, %broadcast_in_dim3A_2 : vector<16xi1>, vector<16xi32>
        %add3A_794 = arith.addi %add3A_788, %select_n3A_793 : vector<16xi32>
        %iota3A_795 = tpu.iota {dimensions = array<i32: 0>} : vector<16xi32>
        %xor3A_796 = arith.constant 1 : i32
        %xor3A_797 = vector.broadcast %xor3A_796 : i32 to vector<16xi32>
        %xor3A_798 = arith.xori %iota3A_795, %xor3A_797 : vector<16xi32>
        %broadcast_in_dim3A_799 = vector.shape_cast %xor3A_798 : vector<16xi32> to vector<16x1xi32>
        %gather3A_800 = vector.shape_cast %broadcast_in_dim3A_799 : vector<16x1xi32> to vector<16xi32>
        %gather3A_801 = tpu.dynamic_gather %add3A_794[%gather3A_800] in [0] : vector<16xi32>, vector<16xi32> -> vector<16xi32>
        %add3A_802 = arith.addi %add3A_794, %gather3A_801 : vector<16xi32>
        %xor3A_803 = arith.constant 2 : i32
        %xor3A_804 = vector.broadcast %xor3A_803 : i32 to vector<16xi32>
        %xor3A_805 = arith.xori %iota3A_795, %xor3A_804 : vector<16xi32>
        %broadcast_in_dim3A_806 = vector.shape_cast %xor3A_805 : vector<16xi32> to vector<16x1xi32>
        %gather3A_807 = vector.shape_cast %broadcast_in_dim3A_806 : vector<16x1xi32> to vector<16xi32>
        %gather3A_808 = tpu.dynamic_gather %add3A_802[%gather3A_807] in [0] : vector<16xi32>, vector<16xi32> -> vector<16xi32>
        %add3A_809 = arith.addi %add3A_802, %gather3A_808 : vector<16xi32>
        %xor3A_810 = arith.constant 4 : i32
        %xor3A_811 = vector.broadcast %xor3A_810 : i32 to vector<16xi32>
        %xor3A_812 = arith.xori %iota3A_795, %xor3A_811 : vector<16xi32>
        %broadcast_in_dim3A_813 = vector.shape_cast %xor3A_812 : vector<16xi32> to vector<16x1xi32>
        %gather3A_814 = vector.shape_cast %broadcast_in_dim3A_813 : vector<16x1xi32> to vector<16xi32>
        %gather3A_815 = tpu.dynamic_gather %add3A_809[%gather3A_814] in [0] : vector<16xi32>, vector<16xi32> -> vector<16xi32>
        %add3A_816 = arith.addi %add3A_809, %gather3A_815 : vector<16xi32>
        %xor3A_817 = arith.constant 8 : i32
        %xor3A_818 = vector.broadcast %xor3A_817 : i32 to vector<16xi32>
        %xor3A_819 = arith.xori %iota3A_795, %xor3A_818 : vector<16xi32>
        %broadcast_in_dim3A_820 = vector.shape_cast %xor3A_819 : vector<16xi32> to vector<16x1xi32>
        %gather3A_821 = vector.shape_cast %broadcast_in_dim3A_820 : vector<16x1xi32> to vector<16xi32>
        %gather3A_822 = tpu.dynamic_gather %add3A_816[%gather3A_821] in [0] : vector<16xi32>, vector<16xi32> -> vector<16xi32>
        %add3A_823 = arith.addi %add3A_816, %gather3A_822 : vector<16xi32>
        %ge3A_824 = arith.cmpi sge, %add3A_823, %gather3A_354 : vector<16xi32>
        %select_n3A_825 = arith.select %ge3A_824, %or3A, %scan3A_769 : vector<16xi1>, vector<16xi32>
        %shift_right_logical3A = arith.shrui %scan3A_770, %broadcast_in_dim3A_194 : vector<16xi32>
        %scan3A_826 = arith.constant 1 : i32
        %scan3A_827 = arith.addi %scan3A_768, %scan3A_826 : i32
        %or3A_828 = arith.ori %select_n3A_825, %shift_right_logical3A : vector<16xi32>
        %get3A_829 = arith.constant 256 : index
        %get3A_830 = tpu.vector_load %arg11[%get3A_829] {strides = array<i32>} : memref<1024xi32, #tpu.memory_space<vmem>>, vector<16xi32>,
        %bitcast_convert_type3A_831 = tpu.bitcast %get3A_830 : vector<16xi32> -> vector<16xi32>
        %ge3A_832 = arith.cmpi uge, %bitcast_convert_type3A_831, %or3A_828 : vector<16xi32>
        %select_n3A_833 = arith.select %ge3A_832, %broadcast_in_dim3A_4, %broadcast_in_dim3A_2 : vector<16xi1>, vector<16xi32>
        %add3A_834 = arith.addi %broadcast_in_dim3A_2, %select_n3A_833 : vector<16xi32>
        %get3A_835 = arith.constant 272 : index
        %get3A_836 = tpu.vector_load %arg11[%get3A_835] {strides = array<i32>} : memref<1024xi32, #tpu.memory_space<vmem>>, vector<16xi32>,
        %bitcast_convert_type3A_837 = tpu.bitcast %get3A_836 : vector<16xi32> -> vector<16xi32>
        %ge3A_838 = arith.cmpi uge, %bitcast_convert_type3A_837, %or3A_828 : vector<16xi32>
        %select_n3A_839 = arith.select %ge3A_838, %broadcast_in_dim3A_4, %broadcast_in_dim3A_2 : vector<16xi1>, vector<16xi32>
        %add3A_840 = arith.addi %add3A_834, %select_n3A_839 : vector<16xi32>
        %get3A_841 = arith.constant 288 : index
        %get3A_842 = tpu.vector_load %arg11[%get3A_841] {strides = array<i32>} : memref<1024xi32, #tpu.memory_space<vmem>>, vector<16xi32>,
        %bitcast_convert_type3A_843 = tpu.bitcast %get3A_842 : vector<16xi32> -> vector<16xi32>
        %ge3A_844 = arith.cmpi uge, %bitcast_convert_type3A_843, %or3A_828 : vector<16xi32>
        %select_n3A_845 = arith.select %ge3A_844, %broadcast_in_dim3A_4, %broadcast_in_dim3A_2 : vector<16xi1>, vector<16xi32>
        %add3A_846 = arith.addi %add3A_840, %select_n3A_845 : vector<16xi32>
        %get3A_847 = arith.constant 304 : index
        %get3A_848 = tpu.vector_load %arg11[%get3A_847] {strides = array<i32>} : memref<1024xi32, #tpu.memory_space<vmem>>, vector<16xi32>,
        %bitcast_convert_type3A_849 = tpu.bitcast %get3A_848 : vector<16xi32> -> vector<16xi32>
        %ge3A_850 = arith.cmpi uge, %bitcast_convert_type3A_849, %or3A_828 : vector<16xi32>
        %select_n3A_851 = arith.select %ge3A_850, %broadcast_in_dim3A_4, %broadcast_in_dim3A_2 : vector<16xi1>, vector<16xi32>
        %add3A_852 = arith.addi %add3A_846, %select_n3A_851 : vector<16xi32>
        %iota3A_853 = tpu.iota {dimensions = array<i32: 0>} : vector<16xi32>
        %xor3A_854 = arith.constant 1 : i32
        %xor3A_855 = vector.broadcast %xor3A_854 : i32 to vector<16xi32>
        %xor3A_856 = arith.xori %iota3A_853, %xor3A_855 : vector<16xi32>
        %broadcast_in_dim3A_857 = vector.shape_cast %xor3A_856 : vector<16xi32> to vector<16x1xi32>
        %gather3A_858 = vector.shape_cast %broadcast_in_dim3A_857 : vector<16x1xi32> to vector<16xi32>
        %gather3A_859 = tpu.dynamic_gather %add3A_852[%gather3A_858] in [0] : vector<16xi32>, vector<16xi32> -> vector<16xi32>
        %add3A_860 = arith.addi %add3A_852, %gather3A_859 : vector<16xi32>
        %xor3A_861 = arith.constant 2 : i32
        %xor3A_862 = vector.broadcast %xor3A_861 : i32 to vector<16xi32>
        %xor3A_863 = arith.xori %iota3A_853, %xor3A_862 : vector<16xi32>
        %broadcast_in_dim3A_864 = vector.shape_cast %xor3A_863 : vector<16xi32> to vector<16x1xi32>
        %gather3A_865 = vector.shape_cast %broadcast_in_dim3A_864 : vector<16x1xi32> to vector<16xi32>
        %gather3A_866 = tpu.dynamic_gather %add3A_860[%gather3A_865] in [0] : vector<16xi32>, vector<16xi32> -> vector<16xi32>
        %add3A_867 = arith.addi %add3A_860, %gather3A_866 : vector<16xi32>
        %xor3A_868 = arith.constant 4 : i32
        %xor3A_869 = vector.broadcast %xor3A_868 : i32 to vector<16xi32>
        %xor3A_870 = arith.xori %iota3A_853, %xor3A_869 : vector<16xi32>
        %broadcast_in_dim3A_871 = vector.shape_cast %xor3A_870 : vector<16xi32> to vector<16x1xi32>
        %gather3A_872 = vector.shape_cast %broadcast_in_dim3A_871 : vector<16x1xi32> to vector<16xi32>
        %gather3A_873 = tpu.dynamic_gather %add3A_867[%gather3A_872] in [0] : vector<16xi32>, vector<16xi32> -> vector<16xi32>
        %add3A_874 = arith.addi %add3A_867, %gather3A_873 : vector<16xi32>
        %xor3A_875 = arith.constant 8 : i32
        %xor3A_876 = vector.broadcast %xor3A_875 : i32 to vector<16xi32>
        %xor3A_877 = arith.xori %iota3A_853, %xor3A_876 : vector<16xi32>
        %broadcast_in_dim3A_878 = vector.shape_cast %xor3A_877 : vector<16xi32> to vector<16x1xi32>
        %gather3A_879 = vector.shape_cast %broadcast_in_dim3A_878 : vector<16x1xi32> to vector<16xi32>
        %gather3A_880 = tpu.dynamic_gather %add3A_874[%gather3A_879] in [0] : vector<16xi32>, vector<16xi32> -> vector<16xi32>
        %add3A_881 = arith.addi %add3A_874, %gather3A_880 : vector<16xi32>
        %ge3A_882 = arith.cmpi sge, %add3A_881, %gather3A_354 : vector<16xi32>
        %select_n3A_883 = arith.select %ge3A_882, %or3A_828, %select_n3A_825 : vector<16xi1>, vector<16xi32>
        %shift_right_logical3A_884 = arith.shrui %shift_right_logical3A, %broadcast_in_dim3A_194 : vector<16xi32>
        scf.yield %select_n3A_883, %shift_right_logical3A_884 : vector<16xi32>, vector<16xi32>
      }
      %scan3A_364 = arith.constant 32 : i32
      %eq3A_365 = arith.constant 4 : i32
      %eq3A_366 = vector.broadcast %eq3A_365 : i32 to vector<16xi32>
      %eq3A_367 = arith.cmpi eq, %iota3A, %eq3A_366 : vector<16xi32>
      %select_n3A_368 = arith.select %eq3A_367, %scan3A_363#0, %select_n3A_333 : vector<16xi1>, vector<16xi32>
      %broadcast_in_dim3A_369 = arith.constant 5 : i32
      %broadcast_in_dim3A_370 = vector.broadcast %broadcast_in_dim3A_369 : i32 to vector<16xi32>
      %broadcast_in_dim3A_371 = vector.shape_cast %broadcast_in_dim3A_370 : vector<16xi32> to vector<16x1xi32>
      %gather3A_372 = vector.shape_cast %broadcast_in_dim3A_371 : vector<16x1xi32> to vector<16xi32>
      %gather3A_373 = tpu.dynamic_gather %scan3A_136#0[%gather3A_372] in [0] : vector<16xi32>, vector<16xi32> -> vector<16xi32>
      %while3A_374 = arith.constant 0 : i32
      %while3A_375 = arith.subi %select_n3A_179, %while3A_374 : i32
      %while3A_376 = arith.addi %while3A_374, %while3A_375 : i32
      %while3A_377 = arith.constant 1 : i32
      %while3A_378 = arith.divsi %while3A_375, %while3A_377 : i32
      %while3A_379 = arith.muli %while3A_378, %while3A_377 : i32
      %while3A_380 = arith.addi %while3A_374, %while3A_379 : i32
      %while3A_381 = arith.constant 1 : i32
      %while3A_382 = scf.for %while3A_768 = %while3A_374 to %while3A_380 step %while3A_381 iter_args(%while3A_769 = %broadcast_in_dim3A_2) -> (vector<16xi32>)  : i32 {
        %mul3A_770 = arith.constant 16 : i32
        %mul3A_771 = arith.muli %while3A_768, %mul3A_770 : i32
        %get3A_772 = arith.index_cast %mul3A_771 : i32 to index
        %get3A_773 = tpu.vector_load %arg10[%get3A_772] {strides = array<i32>} : memref<4128xi32, #tpu.memory_space<vmem>>, vector<16xi32>,
        %mul3A_774 = arith.constant 16 : i32
        %mul3A_775 = arith.muli %while3A_768, %mul3A_774 : i32
        %get3A_776 = arith.index_cast %mul3A_775 : i32 to index
        %get3A_777 = tpu.vector_load %arg9[%get3A_776] {strides = array<i32>} : memref<4128xi32, #tpu.memory_space<vmem>>, vector<16xi32>,
        %eq3A_778 = arith.cmpi eq, %get3A_773, %gather3A_373 : vector<16xi32>
        %select_n3A_779 = arith.select %eq3A_778, %broadcast_in_dim3A_4, %broadcast_in_dim3A_2 : vector<16xi1>, vector<16xi32>
        %broadcast_in_dim3A_780 = arith.constant true
        %broadcast_in_dim3A_781 = vector.broadcast %broadcast_in_dim3A_780 : i1 to vector<16xi1>
        %masked_cumsum3A = tpu.scan <sum>, %select_n3A_779 masked %broadcast_in_dim3A_781 : vector<16xi32>, vector<16xi1> -> vector<16xi32>
        %add3A_782 = arith.addi %while3A_769, %masked_cumsum3A : vector<16xi32>
        %sub3A_783 = arith.subi %add3A_782, %broadcast_in_dim3A_4 : vector<16xi32>
        %lt3A = arith.cmpi slt, %sub3A_783, %broadcast_in_dim3A_190 : vector<16xi32>
        %and3A_784 = arith.andi %eq3A_778, %lt3A : vector<16xi1>
        %add3A_785 = arith.constant 320 : i32
        %add3A_786 = vector.broadcast %add3A_785 : i32 to vector<16xi32>
        %add3A_787 = arith.addi %sub3A_783, %add3A_786 : vector<16xi32>
        tpu.vector_store_idx %arg11[%add3A_787], %get3A_777 masked %and3A_784 : memref<1024xi32, #tpu.memory_space<vmem>>[vector<16xi32>], vector<16xi32>, vector<16xi1>
        %all_reduce_population_count3A = tpu.all_reduce %eq3A_778 {dim = 0 : i64, kind = #tpu.reduction_kind<sum>} : vector<16xi1> -> vector<16xi32>
        %add3A_788 = arith.addi %while3A_769, %all_reduce_population_count3A : vector<16xi32>
        %min3A = arith.minsi %add3A_788, %broadcast_in_dim3A_190 : vector<16xi32>
        scf.yield %min3A : vector<16xi32>
      }
      %while3A_383 = arith.constant 1 : i32
      %while3A_384 = scf.for %while3A_768 = %while3A_380 to %while3A_376 step %while3A_383 iter_args(%while3A_769 = %while3A_382) -> (vector<16xi32>)  : i32 {
        %mul3A_770 = arith.constant 16 : i32
        %mul3A_771 = arith.muli %while3A_768, %mul3A_770 : i32
        %get3A_772 = arith.index_cast %mul3A_771 : i32 to index
        %get3A_773 = tpu.vector_load %arg10[%get3A_772] {strides = array<i32>} : memref<4128xi32, #tpu.memory_space<vmem>>, vector<16xi32>,
        %mul3A_774 = arith.constant 16 : i32
        %mul3A_775 = arith.muli %while3A_768, %mul3A_774 : i32
        %get3A_776 = arith.index_cast %mul3A_775 : i32 to index
        %get3A_777 = tpu.vector_load %arg9[%get3A_776] {strides = array<i32>} : memref<4128xi32, #tpu.memory_space<vmem>>, vector<16xi32>,
        %eq3A_778 = arith.cmpi eq, %get3A_773, %gather3A_373 : vector<16xi32>
        %select_n3A_779 = arith.select %eq3A_778, %broadcast_in_dim3A_4, %broadcast_in_dim3A_2 : vector<16xi1>, vector<16xi32>
        %broadcast_in_dim3A_780 = arith.constant true
        %broadcast_in_dim3A_781 = vector.broadcast %broadcast_in_dim3A_780 : i1 to vector<16xi1>
        %masked_cumsum3A = tpu.scan <sum>, %select_n3A_779 masked %broadcast_in_dim3A_781 : vector<16xi32>, vector<16xi1> -> vector<16xi32>
        %add3A_782 = arith.addi %while3A_769, %masked_cumsum3A : vector<16xi32>
        %sub3A_783 = arith.subi %add3A_782, %broadcast_in_dim3A_4 : vector<16xi32>
        %lt3A = arith.cmpi slt, %sub3A_783, %broadcast_in_dim3A_190 : vector<16xi32>
        %and3A_784 = arith.andi %eq3A_778, %lt3A : vector<16xi1>
        %add3A_785 = arith.constant 320 : i32
        %add3A_786 = vector.broadcast %add3A_785 : i32 to vector<16xi32>
        %add3A_787 = arith.addi %sub3A_783, %add3A_786 : vector<16xi32>
        tpu.vector_store_idx %arg11[%add3A_787], %get3A_777 masked %and3A_784 : memref<1024xi32, #tpu.memory_space<vmem>>[vector<16xi32>], vector<16xi32>, vector<16xi1>
        %all_reduce_population_count3A = tpu.all_reduce %eq3A_778 {dim = 0 : i64, kind = #tpu.reduction_kind<sum>} : vector<16xi1> -> vector<16xi32>
        %add3A_788 = arith.addi %while3A_769, %all_reduce_population_count3A : vector<16xi32>
        %min3A = arith.minsi %add3A_788, %broadcast_in_dim3A_190 : vector<16xi32>
        scf.yield %min3A : vector<16xi32>
      }
      %broadcast_in_dim3A_385 = arith.constant 5 : i32
      %broadcast_in_dim3A_386 = vector.broadcast %broadcast_in_dim3A_385 : i32 to vector<16xi32>
      %broadcast_in_dim3A_387 = vector.shape_cast %broadcast_in_dim3A_386 : vector<16xi32> to vector<16x1xi32>
      %gather3A_388 = vector.shape_cast %broadcast_in_dim3A_387 : vector<16x1xi32> to vector<16xi32>
      %gather3A_389 = tpu.dynamic_gather %add3A_188[%gather3A_388] in [0] : vector<16xi32>, vector<16xi32> -> vector<16xi32>
      %broadcast_in_dim3A_390 = arith.constant -2147483648 : i32
      %broadcast_in_dim3A_391 = vector.broadcast %broadcast_in_dim3A_390 : i32 to vector<16xi32>
      %broadcast_in_dim3A_392 = arith.constant 0 : i32
      %broadcast_in_dim3A_393 = vector.broadcast %broadcast_in_dim3A_392 : i32 to vector<16xi32>
      %scan3A_394 = arith.constant 0 : i32
      %scan3A_395 = arith.constant 32 : i32
      %scan3A_396 = arith.addi %scan3A_394, %scan3A_395 : i32
      %scan3A_397 = arith.constant 2 : i32
      %scan3A_398:2 = scf.for %scan3A_768 = %scan3A_394 to %scan3A_396 step %scan3A_397 iter_args(%scan3A_769 = %broadcast_in_dim3A_393, %scan3A_770 = %broadcast_in_dim3A_391) -> (vector<16xi32>, vector<16xi32>)  : i32 {
        %or3A = arith.ori %scan3A_769, %scan3A_770 : vector<16xi32>
        %get3A_771 = arith.constant 320 : index
        %get3A_772 = tpu.vector_load %arg11[%get3A_771] {strides = array<i32>} : memref<1024xi32, #tpu.memory_space<vmem>>, vector<16xi32>,
        %bitcast_convert_type3A_773 = tpu.bitcast %get3A_772 : vector<16xi32> -> vector<16xi32>
        %ge3A_774 = arith.cmpi uge, %bitcast_convert_type3A_773, %or3A : vector<16xi32>
        %select_n3A_775 = arith.select %ge3A_774, %broadcast_in_dim3A_4, %broadcast_in_dim3A_2 : vector<16xi1>, vector<16xi32>
        %add3A_776 = arith.addi %broadcast_in_dim3A_2, %select_n3A_775 : vector<16xi32>
        %get3A_777 = arith.constant 336 : index
        %get3A_778 = tpu.vector_load %arg11[%get3A_777] {strides = array<i32>} : memref<1024xi32, #tpu.memory_space<vmem>>, vector<16xi32>,
        %bitcast_convert_type3A_779 = tpu.bitcast %get3A_778 : vector<16xi32> -> vector<16xi32>
        %ge3A_780 = arith.cmpi uge, %bitcast_convert_type3A_779, %or3A : vector<16xi32>
        %select_n3A_781 = arith.select %ge3A_780, %broadcast_in_dim3A_4, %broadcast_in_dim3A_2 : vector<16xi1>, vector<16xi32>
        %add3A_782 = arith.addi %add3A_776, %select_n3A_781 : vector<16xi32>
        %get3A_783 = arith.constant 352 : index
        %get3A_784 = tpu.vector_load %arg11[%get3A_783] {strides = array<i32>} : memref<1024xi32, #tpu.memory_space<vmem>>, vector<16xi32>,
        %bitcast_convert_type3A_785 = tpu.bitcast %get3A_784 : vector<16xi32> -> vector<16xi32>
        %ge3A_786 = arith.cmpi uge, %bitcast_convert_type3A_785, %or3A : vector<16xi32>
        %select_n3A_787 = arith.select %ge3A_786, %broadcast_in_dim3A_4, %broadcast_in_dim3A_2 : vector<16xi1>, vector<16xi32>
        %add3A_788 = arith.addi %add3A_782, %select_n3A_787 : vector<16xi32>
        %get3A_789 = arith.constant 368 : index
        %get3A_790 = tpu.vector_load %arg11[%get3A_789] {strides = array<i32>} : memref<1024xi32, #tpu.memory_space<vmem>>, vector<16xi32>,
        %bitcast_convert_type3A_791 = tpu.bitcast %get3A_790 : vector<16xi32> -> vector<16xi32>
        %ge3A_792 = arith.cmpi uge, %bitcast_convert_type3A_791, %or3A : vector<16xi32>
        %select_n3A_793 = arith.select %ge3A_792, %broadcast_in_dim3A_4, %broadcast_in_dim3A_2 : vector<16xi1>, vector<16xi32>
        %add3A_794 = arith.addi %add3A_788, %select_n3A_793 : vector<16xi32>
        %iota3A_795 = tpu.iota {dimensions = array<i32: 0>} : vector<16xi32>
        %xor3A_796 = arith.constant 1 : i32
        %xor3A_797 = vector.broadcast %xor3A_796 : i32 to vector<16xi32>
        %xor3A_798 = arith.xori %iota3A_795, %xor3A_797 : vector<16xi32>
        %broadcast_in_dim3A_799 = vector.shape_cast %xor3A_798 : vector<16xi32> to vector<16x1xi32>
        %gather3A_800 = vector.shape_cast %broadcast_in_dim3A_799 : vector<16x1xi32> to vector<16xi32>
        %gather3A_801 = tpu.dynamic_gather %add3A_794[%gather3A_800] in [0] : vector<16xi32>, vector<16xi32> -> vector<16xi32>
        %add3A_802 = arith.addi %add3A_794, %gather3A_801 : vector<16xi32>
        %xor3A_803 = arith.constant 2 : i32
        %xor3A_804 = vector.broadcast %xor3A_803 : i32 to vector<16xi32>
        %xor3A_805 = arith.xori %iota3A_795, %xor3A_804 : vector<16xi32>
        %broadcast_in_dim3A_806 = vector.shape_cast %xor3A_805 : vector<16xi32> to vector<16x1xi32>
        %gather3A_807 = vector.shape_cast %broadcast_in_dim3A_806 : vector<16x1xi32> to vector<16xi32>
        %gather3A_808 = tpu.dynamic_gather %add3A_802[%gather3A_807] in [0] : vector<16xi32>, vector<16xi32> -> vector<16xi32>
        %add3A_809 = arith.addi %add3A_802, %gather3A_808 : vector<16xi32>
        %xor3A_810 = arith.constant 4 : i32
        %xor3A_811 = vector.broadcast %xor3A_810 : i32 to vector<16xi32>
        %xor3A_812 = arith.xori %iota3A_795, %xor3A_811 : vector<16xi32>
        %broadcast_in_dim3A_813 = vector.shape_cast %xor3A_812 : vector<16xi32> to vector<16x1xi32>
        %gather3A_814 = vector.shape_cast %broadcast_in_dim3A_813 : vector<16x1xi32> to vector<16xi32>
        %gather3A_815 = tpu.dynamic_gather %add3A_809[%gather3A_814] in [0] : vector<16xi32>, vector<16xi32> -> vector<16xi32>
        %add3A_816 = arith.addi %add3A_809, %gather3A_815 : vector<16xi32>
        %xor3A_817 = arith.constant 8 : i32
        %xor3A_818 = vector.broadcast %xor3A_817 : i32 to vector<16xi32>
        %xor3A_819 = arith.xori %iota3A_795, %xor3A_818 : vector<16xi32>
        %broadcast_in_dim3A_820 = vector.shape_cast %xor3A_819 : vector<16xi32> to vector<16x1xi32>
        %gather3A_821 = vector.shape_cast %broadcast_in_dim3A_820 : vector<16x1xi32> to vector<16xi32>
        %gather3A_822 = tpu.dynamic_gather %add3A_816[%gather3A_821] in [0] : vector<16xi32>, vector<16xi32> -> vector<16xi32>
        %add3A_823 = arith.addi %add3A_816, %gather3A_822 : vector<16xi32>
        %ge3A_824 = arith.cmpi sge, %add3A_823, %gather3A_389 : vector<16xi32>
        %select_n3A_825 = arith.select %ge3A_824, %or3A, %scan3A_769 : vector<16xi1>, vector<16xi32>
        %shift_right_logical3A = arith.shrui %scan3A_770, %broadcast_in_dim3A_194 : vector<16xi32>
        %scan3A_826 = arith.constant 1 : i32
        %scan3A_827 = arith.addi %scan3A_768, %scan3A_826 : i32
        %or3A_828 = arith.ori %select_n3A_825, %shift_right_logical3A : vector<16xi32>
        %get3A_829 = arith.constant 320 : index
        %get3A_830 = tpu.vector_load %arg11[%get3A_829] {strides = array<i32>} : memref<1024xi32, #tpu.memory_space<vmem>>, vector<16xi32>,
        %bitcast_convert_type3A_831 = tpu.bitcast %get3A_830 : vector<16xi32> -> vector<16xi32>
        %ge3A_832 = arith.cmpi uge, %bitcast_convert_type3A_831, %or3A_828 : vector<16xi32>
        %select_n3A_833 = arith.select %ge3A_832, %broadcast_in_dim3A_4, %broadcast_in_dim3A_2 : vector<16xi1>, vector<16xi32>
        %add3A_834 = arith.addi %broadcast_in_dim3A_2, %select_n3A_833 : vector<16xi32>
        %get3A_835 = arith.constant 336 : index
        %get3A_836 = tpu.vector_load %arg11[%get3A_835] {strides = array<i32>} : memref<1024xi32, #tpu.memory_space<vmem>>, vector<16xi32>,
        %bitcast_convert_type3A_837 = tpu.bitcast %get3A_836 : vector<16xi32> -> vector<16xi32>
        %ge3A_838 = arith.cmpi uge, %bitcast_convert_type3A_837, %or3A_828 : vector<16xi32>
        %select_n3A_839 = arith.select %ge3A_838, %broadcast_in_dim3A_4, %broadcast_in_dim3A_2 : vector<16xi1>, vector<16xi32>
        %add3A_840 = arith.addi %add3A_834, %select_n3A_839 : vector<16xi32>
        %get3A_841 = arith.constant 352 : index
        %get3A_842 = tpu.vector_load %arg11[%get3A_841] {strides = array<i32>} : memref<1024xi32, #tpu.memory_space<vmem>>, vector<16xi32>,
        %bitcast_convert_type3A_843 = tpu.bitcast %get3A_842 : vector<16xi32> -> vector<16xi32>
        %ge3A_844 = arith.cmpi uge, %bitcast_convert_type3A_843, %or3A_828 : vector<16xi32>
        %select_n3A_845 = arith.select %ge3A_844, %broadcast_in_dim3A_4, %broadcast_in_dim3A_2 : vector<16xi1>, vector<16xi32>
        %add3A_846 = arith.addi %add3A_840, %select_n3A_845 : vector<16xi32>
        %get3A_847 = arith.constant 368 : index
        %get3A_848 = tpu.vector_load %arg11[%get3A_847] {strides = array<i32>} : memref<1024xi32, #tpu.memory_space<vmem>>, vector<16xi32>,
        %bitcast_convert_type3A_849 = tpu.bitcast %get3A_848 : vector<16xi32> -> vector<16xi32>
        %ge3A_850 = arith.cmpi uge, %bitcast_convert_type3A_849, %or3A_828 : vector<16xi32>
        %select_n3A_851 = arith.select %ge3A_850, %broadcast_in_dim3A_4, %broadcast_in_dim3A_2 : vector<16xi1>, vector<16xi32>
        %add3A_852 = arith.addi %add3A_846, %select_n3A_851 : vector<16xi32>
        %iota3A_853 = tpu.iota {dimensions = array<i32: 0>} : vector<16xi32>
        %xor3A_854 = arith.constant 1 : i32
        %xor3A_855 = vector.broadcast %xor3A_854 : i32 to vector<16xi32>
        %xor3A_856 = arith.xori %iota3A_853, %xor3A_855 : vector<16xi32>
        %broadcast_in_dim3A_857 = vector.shape_cast %xor3A_856 : vector<16xi32> to vector<16x1xi32>
        %gather3A_858 = vector.shape_cast %broadcast_in_dim3A_857 : vector<16x1xi32> to vector<16xi32>
        %gather3A_859 = tpu.dynamic_gather %add3A_852[%gather3A_858] in [0] : vector<16xi32>, vector<16xi32> -> vector<16xi32>
        %add3A_860 = arith.addi %add3A_852, %gather3A_859 : vector<16xi32>
        %xor3A_861 = arith.constant 2 : i32
        %xor3A_862 = vector.broadcast %xor3A_861 : i32 to vector<16xi32>
        %xor3A_863 = arith.xori %iota3A_853, %xor3A_862 : vector<16xi32>
        %broadcast_in_dim3A_864 = vector.shape_cast %xor3A_863 : vector<16xi32> to vector<16x1xi32>
        %gather3A_865 = vector.shape_cast %broadcast_in_dim3A_864 : vector<16x1xi32> to vector<16xi32>
        %gather3A_866 = tpu.dynamic_gather %add3A_860[%gather3A_865] in [0] : vector<16xi32>, vector<16xi32> -> vector<16xi32>
        %add3A_867 = arith.addi %add3A_860, %gather3A_866 : vector<16xi32>
        %xor3A_868 = arith.constant 4 : i32
        %xor3A_869 = vector.broadcast %xor3A_868 : i32 to vector<16xi32>
        %xor3A_870 = arith.xori %iota3A_853, %xor3A_869 : vector<16xi32>
        %broadcast_in_dim3A_871 = vector.shape_cast %xor3A_870 : vector<16xi32> to vector<16x1xi32>
        %gather3A_872 = vector.shape_cast %broadcast_in_dim3A_871 : vector<16x1xi32> to vector<16xi32>
        %gather3A_873 = tpu.dynamic_gather %add3A_867[%gather3A_872] in [0] : vector<16xi32>, vector<16xi32> -> vector<16xi32>
        %add3A_874 = arith.addi %add3A_867, %gather3A_873 : vector<16xi32>
        %xor3A_875 = arith.constant 8 : i32
        %xor3A_876 = vector.broadcast %xor3A_875 : i32 to vector<16xi32>
        %xor3A_877 = arith.xori %iota3A_853, %xor3A_876 : vector<16xi32>
        %broadcast_in_dim3A_878 = vector.shape_cast %xor3A_877 : vector<16xi32> to vector<16x1xi32>
        %gather3A_879 = vector.shape_cast %broadcast_in_dim3A_878 : vector<16x1xi32> to vector<16xi32>
        %gather3A_880 = tpu.dynamic_gather %add3A_874[%gather3A_879] in [0] : vector<16xi32>, vector<16xi32> -> vector<16xi32>
        %add3A_881 = arith.addi %add3A_874, %gather3A_880 : vector<16xi32>
        %ge3A_882 = arith.cmpi sge, %add3A_881, %gather3A_389 : vector<16xi32>
        %select_n3A_883 = arith.select %ge3A_882, %or3A_828, %select_n3A_825 : vector<16xi1>, vector<16xi32>
        %shift_right_logical3A_884 = arith.shrui %shift_right_logical3A, %broadcast_in_dim3A_194 : vector<16xi32>
        scf.yield %select_n3A_883, %shift_right_logical3A_884 : vector<16xi32>, vector<16xi32>
      }
      %scan3A_399 = arith.constant 32 : i32
      %eq3A_400 = arith.constant 5 : i32
      %eq3A_401 = vector.broadcast %eq3A_400 : i32 to vector<16xi32>
      %eq3A_402 = arith.cmpi eq, %iota3A, %eq3A_401 : vector<16xi32>
      %select_n3A_403 = arith.select %eq3A_402, %scan3A_398#0, %select_n3A_368 : vector<16xi1>, vector<16xi32>
      %broadcast_in_dim3A_404 = arith.constant 6 : i32
      %broadcast_in_dim3A_405 = vector.broadcast %broadcast_in_dim3A_404 : i32 to vector<16xi32>
      %broadcast_in_dim3A_406 = vector.shape_cast %broadcast_in_dim3A_405 : vector<16xi32> to vector<16x1xi32>
      %gather3A_407 = vector.shape_cast %broadcast_in_dim3A_406 : vector<16x1xi32> to vector<16xi32>
      %gather3A_408 = tpu.dynamic_gather %scan3A_136#0[%gather3A_407] in [0] : vector<16xi32>, vector<16xi32> -> vector<16xi32>
      %while3A_409 = arith.constant 0 : i32
      %while3A_410 = arith.subi %select_n3A_179, %while3A_409 : i32
      %while3A_411 = arith.addi %while3A_409, %while3A_410 : i32
      %while3A_412 = arith.constant 1 : i32
      %while3A_413 = arith.divsi %while3A_410, %while3A_412 : i32
      %while3A_414 = arith.muli %while3A_413, %while3A_412 : i32
      %while3A_415 = arith.addi %while3A_409, %while3A_414 : i32
      %while3A_416 = arith.constant 1 : i32
      %while3A_417 = scf.for %while3A_768 = %while3A_409 to %while3A_415 step %while3A_416 iter_args(%while3A_769 = %broadcast_in_dim3A_2) -> (vector<16xi32>)  : i32 {
        %mul3A_770 = arith.constant 16 : i32
        %mul3A_771 = arith.muli %while3A_768, %mul3A_770 : i32
        %get3A_772 = arith.index_cast %mul3A_771 : i32 to index
        %get3A_773 = tpu.vector_load %arg10[%get3A_772] {strides = array<i32>} : memref<4128xi32, #tpu.memory_space<vmem>>, vector<16xi32>,
        %mul3A_774 = arith.constant 16 : i32
        %mul3A_775 = arith.muli %while3A_768, %mul3A_774 : i32
        %get3A_776 = arith.index_cast %mul3A_775 : i32 to index
        %get3A_777 = tpu.vector_load %arg9[%get3A_776] {strides = array<i32>} : memref<4128xi32, #tpu.memory_space<vmem>>, vector<16xi32>,
        %eq3A_778 = arith.cmpi eq, %get3A_773, %gather3A_408 : vector<16xi32>
        %select_n3A_779 = arith.select %eq3A_778, %broadcast_in_dim3A_4, %broadcast_in_dim3A_2 : vector<16xi1>, vector<16xi32>
        %broadcast_in_dim3A_780 = arith.constant true
        %broadcast_in_dim3A_781 = vector.broadcast %broadcast_in_dim3A_780 : i1 to vector<16xi1>
        %masked_cumsum3A = tpu.scan <sum>, %select_n3A_779 masked %broadcast_in_dim3A_781 : vector<16xi32>, vector<16xi1> -> vector<16xi32>
        %add3A_782 = arith.addi %while3A_769, %masked_cumsum3A : vector<16xi32>
        %sub3A_783 = arith.subi %add3A_782, %broadcast_in_dim3A_4 : vector<16xi32>
        %lt3A = arith.cmpi slt, %sub3A_783, %broadcast_in_dim3A_190 : vector<16xi32>
        %and3A_784 = arith.andi %eq3A_778, %lt3A : vector<16xi1>
        %add3A_785 = arith.constant 384 : i32
        %add3A_786 = vector.broadcast %add3A_785 : i32 to vector<16xi32>
        %add3A_787 = arith.addi %sub3A_783, %add3A_786 : vector<16xi32>
        tpu.vector_store_idx %arg11[%add3A_787], %get3A_777 masked %and3A_784 : memref<1024xi32, #tpu.memory_space<vmem>>[vector<16xi32>], vector<16xi32>, vector<16xi1>
        %all_reduce_population_count3A = tpu.all_reduce %eq3A_778 {dim = 0 : i64, kind = #tpu.reduction_kind<sum>} : vector<16xi1> -> vector<16xi32>
        %add3A_788 = arith.addi %while3A_769, %all_reduce_population_count3A : vector<16xi32>
        %min3A = arith.minsi %add3A_788, %broadcast_in_dim3A_190 : vector<16xi32>
        scf.yield %min3A : vector<16xi32>
      }
      %while3A_418 = arith.constant 1 : i32
      %while3A_419 = scf.for %while3A_768 = %while3A_415 to %while3A_411 step %while3A_418 iter_args(%while3A_769 = %while3A_417) -> (vector<16xi32>)  : i32 {
        %mul3A_770 = arith.constant 16 : i32
        %mul3A_771 = arith.muli %while3A_768, %mul3A_770 : i32
        %get3A_772 = arith.index_cast %mul3A_771 : i32 to index
        %get3A_773 = tpu.vector_load %arg10[%get3A_772] {strides = array<i32>} : memref<4128xi32, #tpu.memory_space<vmem>>, vector<16xi32>,
        %mul3A_774 = arith.constant 16 : i32
        %mul3A_775 = arith.muli %while3A_768, %mul3A_774 : i32
        %get3A_776 = arith.index_cast %mul3A_775 : i32 to index
        %get3A_777 = tpu.vector_load %arg9[%get3A_776] {strides = array<i32>} : memref<4128xi32, #tpu.memory_space<vmem>>, vector<16xi32>,
        %eq3A_778 = arith.cmpi eq, %get3A_773, %gather3A_408 : vector<16xi32>
        %select_n3A_779 = arith.select %eq3A_778, %broadcast_in_dim3A_4, %broadcast_in_dim3A_2 : vector<16xi1>, vector<16xi32>
        %broadcast_in_dim3A_780 = arith.constant true
        %broadcast_in_dim3A_781 = vector.broadcast %broadcast_in_dim3A_780 : i1 to vector<16xi1>
        %masked_cumsum3A = tpu.scan <sum>, %select_n3A_779 masked %broadcast_in_dim3A_781 : vector<16xi32>, vector<16xi1> -> vector<16xi32>
        %add3A_782 = arith.addi %while3A_769, %masked_cumsum3A : vector<16xi32>
        %sub3A_783 = arith.subi %add3A_782, %broadcast_in_dim3A_4 : vector<16xi32>
        %lt3A = arith.cmpi slt, %sub3A_783, %broadcast_in_dim3A_190 : vector<16xi32>
        %and3A_784 = arith.andi %eq3A_778, %lt3A : vector<16xi1>
        %add3A_785 = arith.constant 384 : i32
        %add3A_786 = vector.broadcast %add3A_785 : i32 to vector<16xi32>
        %add3A_787 = arith.addi %sub3A_783, %add3A_786 : vector<16xi32>
        tpu.vector_store_idx %arg11[%add3A_787], %get3A_777 masked %and3A_784 : memref<1024xi32, #tpu.memory_space<vmem>>[vector<16xi32>], vector<16xi32>, vector<16xi1>
        %all_reduce_population_count3A = tpu.all_reduce %eq3A_778 {dim = 0 : i64, kind = #tpu.reduction_kind<sum>} : vector<16xi1> -> vector<16xi32>
        %add3A_788 = arith.addi %while3A_769, %all_reduce_population_count3A : vector<16xi32>
        %min3A = arith.minsi %add3A_788, %broadcast_in_dim3A_190 : vector<16xi32>
        scf.yield %min3A : vector<16xi32>
      }
      %broadcast_in_dim3A_420 = arith.constant 6 : i32
      %broadcast_in_dim3A_421 = vector.broadcast %broadcast_in_dim3A_420 : i32 to vector<16xi32>
      %broadcast_in_dim3A_422 = vector.shape_cast %broadcast_in_dim3A_421 : vector<16xi32> to vector<16x1xi32>
      %gather3A_423 = vector.shape_cast %broadcast_in_dim3A_422 : vector<16x1xi32> to vector<16xi32>
      %gather3A_424 = tpu.dynamic_gather %add3A_188[%gather3A_423] in [0] : vector<16xi32>, vector<16xi32> -> vector<16xi32>
      %broadcast_in_dim3A_425 = arith.constant -2147483648 : i32
      %broadcast_in_dim3A_426 = vector.broadcast %broadcast_in_dim3A_425 : i32 to vector<16xi32>
      %broadcast_in_dim3A_427 = arith.constant 0 : i32
      %broadcast_in_dim3A_428 = vector.broadcast %broadcast_in_dim3A_427 : i32 to vector<16xi32>
      %scan3A_429 = arith.constant 0 : i32
      %scan3A_430 = arith.constant 32 : i32
      %scan3A_431 = arith.addi %scan3A_429, %scan3A_430 : i32
      %scan3A_432 = arith.constant 2 : i32
      %scan3A_433:2 = scf.for %scan3A_768 = %scan3A_429 to %scan3A_431 step %scan3A_432 iter_args(%scan3A_769 = %broadcast_in_dim3A_428, %scan3A_770 = %broadcast_in_dim3A_426) -> (vector<16xi32>, vector<16xi32>)  : i32 {
        %or3A = arith.ori %scan3A_769, %scan3A_770 : vector<16xi32>
        %get3A_771 = arith.constant 384 : index
        %get3A_772 = tpu.vector_load %arg11[%get3A_771] {strides = array<i32>} : memref<1024xi32, #tpu.memory_space<vmem>>, vector<16xi32>,
        %bitcast_convert_type3A_773 = tpu.bitcast %get3A_772 : vector<16xi32> -> vector<16xi32>
        %ge3A_774 = arith.cmpi uge, %bitcast_convert_type3A_773, %or3A : vector<16xi32>
        %select_n3A_775 = arith.select %ge3A_774, %broadcast_in_dim3A_4, %broadcast_in_dim3A_2 : vector<16xi1>, vector<16xi32>
        %add3A_776 = arith.addi %broadcast_in_dim3A_2, %select_n3A_775 : vector<16xi32>
        %get3A_777 = arith.constant 400 : index
        %get3A_778 = tpu.vector_load %arg11[%get3A_777] {strides = array<i32>} : memref<1024xi32, #tpu.memory_space<vmem>>, vector<16xi32>,
        %bitcast_convert_type3A_779 = tpu.bitcast %get3A_778 : vector<16xi32> -> vector<16xi32>
        %ge3A_780 = arith.cmpi uge, %bitcast_convert_type3A_779, %or3A : vector<16xi32>
        %select_n3A_781 = arith.select %ge3A_780, %broadcast_in_dim3A_4, %broadcast_in_dim3A_2 : vector<16xi1>, vector<16xi32>
        %add3A_782 = arith.addi %add3A_776, %select_n3A_781 : vector<16xi32>
        %get3A_783 = arith.constant 416 : index
        %get3A_784 = tpu.vector_load %arg11[%get3A_783] {strides = array<i32>} : memref<1024xi32, #tpu.memory_space<vmem>>, vector<16xi32>,
        %bitcast_convert_type3A_785 = tpu.bitcast %get3A_784 : vector<16xi32> -> vector<16xi32>
        %ge3A_786 = arith.cmpi uge, %bitcast_convert_type3A_785, %or3A : vector<16xi32>
        %select_n3A_787 = arith.select %ge3A_786, %broadcast_in_dim3A_4, %broadcast_in_dim3A_2 : vector<16xi1>, vector<16xi32>
        %add3A_788 = arith.addi %add3A_782, %select_n3A_787 : vector<16xi32>
        %get3A_789 = arith.constant 432 : index
        %get3A_790 = tpu.vector_load %arg11[%get3A_789] {strides = array<i32>} : memref<1024xi32, #tpu.memory_space<vmem>>, vector<16xi32>,
        %bitcast_convert_type3A_791 = tpu.bitcast %get3A_790 : vector<16xi32> -> vector<16xi32>
        %ge3A_792 = arith.cmpi uge, %bitcast_convert_type3A_791, %or3A : vector<16xi32>
        %select_n3A_793 = arith.select %ge3A_792, %broadcast_in_dim3A_4, %broadcast_in_dim3A_2 : vector<16xi1>, vector<16xi32>
        %add3A_794 = arith.addi %add3A_788, %select_n3A_793 : vector<16xi32>
        %iota3A_795 = tpu.iota {dimensions = array<i32: 0>} : vector<16xi32>
        %xor3A_796 = arith.constant 1 : i32
        %xor3A_797 = vector.broadcast %xor3A_796 : i32 to vector<16xi32>
        %xor3A_798 = arith.xori %iota3A_795, %xor3A_797 : vector<16xi32>
        %broadcast_in_dim3A_799 = vector.shape_cast %xor3A_798 : vector<16xi32> to vector<16x1xi32>
        %gather3A_800 = vector.shape_cast %broadcast_in_dim3A_799 : vector<16x1xi32> to vector<16xi32>
        %gather3A_801 = tpu.dynamic_gather %add3A_794[%gather3A_800] in [0] : vector<16xi32>, vector<16xi32> -> vector<16xi32>
        %add3A_802 = arith.addi %add3A_794, %gather3A_801 : vector<16xi32>
        %xor3A_803 = arith.constant 2 : i32
        %xor3A_804 = vector.broadcast %xor3A_803 : i32 to vector<16xi32>
        %xor3A_805 = arith.xori %iota3A_795, %xor3A_804 : vector<16xi32>
        %broadcast_in_dim3A_806 = vector.shape_cast %xor3A_805 : vector<16xi32> to vector<16x1xi32>
        %gather3A_807 = vector.shape_cast %broadcast_in_dim3A_806 : vector<16x1xi32> to vector<16xi32>
        %gather3A_808 = tpu.dynamic_gather %add3A_802[%gather3A_807] in [0] : vector<16xi32>, vector<16xi32> -> vector<16xi32>
        %add3A_809 = arith.addi %add3A_802, %gather3A_808 : vector<16xi32>
        %xor3A_810 = arith.constant 4 : i32
        %xor3A_811 = vector.broadcast %xor3A_810 : i32 to vector<16xi32>
        %xor3A_812 = arith.xori %iota3A_795, %xor3A_811 : vector<16xi32>
        %broadcast_in_dim3A_813 = vector.shape_cast %xor3A_812 : vector<16xi32> to vector<16x1xi32>
        %gather3A_814 = vector.shape_cast %broadcast_in_dim3A_813 : vector<16x1xi32> to vector<16xi32>
        %gather3A_815 = tpu.dynamic_gather %add3A_809[%gather3A_814] in [0] : vector<16xi32>, vector<16xi32> -> vector<16xi32>
        %add3A_816 = arith.addi %add3A_809, %gather3A_815 : vector<16xi32>
        %xor3A_817 = arith.constant 8 : i32
        %xor3A_818 = vector.broadcast %xor3A_817 : i32 to vector<16xi32>
        %xor3A_819 = arith.xori %iota3A_795, %xor3A_818 : vector<16xi32>
        %broadcast_in_dim3A_820 = vector.shape_cast %xor3A_819 : vector<16xi32> to vector<16x1xi32>
        %gather3A_821 = vector.shape_cast %broadcast_in_dim3A_820 : vector<16x1xi32> to vector<16xi32>
        %gather3A_822 = tpu.dynamic_gather %add3A_816[%gather3A_821] in [0] : vector<16xi32>, vector<16xi32> -> vector<16xi32>
        %add3A_823 = arith.addi %add3A_816, %gather3A_822 : vector<16xi32>
        %ge3A_824 = arith.cmpi sge, %add3A_823, %gather3A_424 : vector<16xi32>
        %select_n3A_825 = arith.select %ge3A_824, %or3A, %scan3A_769 : vector<16xi1>, vector<16xi32>
        %shift_right_logical3A = arith.shrui %scan3A_770, %broadcast_in_dim3A_194 : vector<16xi32>
        %scan3A_826 = arith.constant 1 : i32
        %scan3A_827 = arith.addi %scan3A_768, %scan3A_826 : i32
        %or3A_828 = arith.ori %select_n3A_825, %shift_right_logical3A : vector<16xi32>
        %get3A_829 = arith.constant 384 : index
        %get3A_830 = tpu.vector_load %arg11[%get3A_829] {strides = array<i32>} : memref<1024xi32, #tpu.memory_space<vmem>>, vector<16xi32>,
        %bitcast_convert_type3A_831 = tpu.bitcast %get3A_830 : vector<16xi32> -> vector<16xi32>
        %ge3A_832 = arith.cmpi uge, %bitcast_convert_type3A_831, %or3A_828 : vector<16xi32>
        %select_n3A_833 = arith.select %ge3A_832, %broadcast_in_dim3A_4, %broadcast_in_dim3A_2 : vector<16xi1>, vector<16xi32>
        %add3A_834 = arith.addi %broadcast_in_dim3A_2, %select_n3A_833 : vector<16xi32>
        %get3A_835 = arith.constant 400 : index
        %get3A_836 = tpu.vector_load %arg11[%get3A_835] {strides = array<i32>} : memref<1024xi32, #tpu.memory_space<vmem>>, vector<16xi32>,
        %bitcast_convert_type3A_837 = tpu.bitcast %get3A_836 : vector<16xi32> -> vector<16xi32>
        %ge3A_838 = arith.cmpi uge, %bitcast_convert_type3A_837, %or3A_828 : vector<16xi32>
        %select_n3A_839 = arith.select %ge3A_838, %broadcast_in_dim3A_4, %broadcast_in_dim3A_2 : vector<16xi1>, vector<16xi32>
        %add3A_840 = arith.addi %add3A_834, %select_n3A_839 : vector<16xi32>
        %get3A_841 = arith.constant 416 : index
        %get3A_842 = tpu.vector_load %arg11[%get3A_841] {strides = array<i32>} : memref<1024xi32, #tpu.memory_space<vmem>>, vector<16xi32>,
        %bitcast_convert_type3A_843 = tpu.bitcast %get3A_842 : vector<16xi32> -> vector<16xi32>
        %ge3A_844 = arith.cmpi uge, %bitcast_convert_type3A_843, %or3A_828 : vector<16xi32>
        %select_n3A_845 = arith.select %ge3A_844, %broadcast_in_dim3A_4, %broadcast_in_dim3A_2 : vector<16xi1>, vector<16xi32>
        %add3A_846 = arith.addi %add3A_840, %select_n3A_845 : vector<16xi32>
        %get3A_847 = arith.constant 432 : index
        %get3A_848 = tpu.vector_load %arg11[%get3A_847] {strides = array<i32>} : memref<1024xi32, #tpu.memory_space<vmem>>, vector<16xi32>,
        %bitcast_convert_type3A_849 = tpu.bitcast %get3A_848 : vector<16xi32> -> vector<16xi32>
        %ge3A_850 = arith.cmpi uge, %bitcast_convert_type3A_849, %or3A_828 : vector<16xi32>
        %select_n3A_851 = arith.select %ge3A_850, %broadcast_in_dim3A_4, %broadcast_in_dim3A_2 : vector<16xi1>, vector<16xi32>
        %add3A_852 = arith.addi %add3A_846, %select_n3A_851 : vector<16xi32>
        %iota3A_853 = tpu.iota {dimensions = array<i32: 0>} : vector<16xi32>
        %xor3A_854 = arith.constant 1 : i32
        %xor3A_855 = vector.broadcast %xor3A_854 : i32 to vector<16xi32>
        %xor3A_856 = arith.xori %iota3A_853, %xor3A_855 : vector<16xi32>
        %broadcast_in_dim3A_857 = vector.shape_cast %xor3A_856 : vector<16xi32> to vector<16x1xi32>
        %gather3A_858 = vector.shape_cast %broadcast_in_dim3A_857 : vector<16x1xi32> to vector<16xi32>
        %gather3A_859 = tpu.dynamic_gather %add3A_852[%gather3A_858] in [0] : vector<16xi32>, vector<16xi32> -> vector<16xi32>
        %add3A_860 = arith.addi %add3A_852, %gather3A_859 : vector<16xi32>
        %xor3A_861 = arith.constant 2 : i32
        %xor3A_862 = vector.broadcast %xor3A_861 : i32 to vector<16xi32>
        %xor3A_863 = arith.xori %iota3A_853, %xor3A_862 : vector<16xi32>
        %broadcast_in_dim3A_864 = vector.shape_cast %xor3A_863 : vector<16xi32> to vector<16x1xi32>
        %gather3A_865 = vector.shape_cast %broadcast_in_dim3A_864 : vector<16x1xi32> to vector<16xi32>
        %gather3A_866 = tpu.dynamic_gather %add3A_860[%gather3A_865] in [0] : vector<16xi32>, vector<16xi32> -> vector<16xi32>
        %add3A_867 = arith.addi %add3A_860, %gather3A_866 : vector<16xi32>
        %xor3A_868 = arith.constant 4 : i32
        %xor3A_869 = vector.broadcast %xor3A_868 : i32 to vector<16xi32>
        %xor3A_870 = arith.xori %iota3A_853, %xor3A_869 : vector<16xi32>
        %broadcast_in_dim3A_871 = vector.shape_cast %xor3A_870 : vector<16xi32> to vector<16x1xi32>
        %gather3A_872 = vector.shape_cast %broadcast_in_dim3A_871 : vector<16x1xi32> to vector<16xi32>
        %gather3A_873 = tpu.dynamic_gather %add3A_867[%gather3A_872] in [0] : vector<16xi32>, vector<16xi32> -> vector<16xi32>
        %add3A_874 = arith.addi %add3A_867, %gather3A_873 : vector<16xi32>
        %xor3A_875 = arith.constant 8 : i32
        %xor3A_876 = vector.broadcast %xor3A_875 : i32 to vector<16xi32>
        %xor3A_877 = arith.xori %iota3A_853, %xor3A_876 : vector<16xi32>
        %broadcast_in_dim3A_878 = vector.shape_cast %xor3A_877 : vector<16xi32> to vector<16x1xi32>
        %gather3A_879 = vector.shape_cast %broadcast_in_dim3A_878 : vector<16x1xi32> to vector<16xi32>
        %gather3A_880 = tpu.dynamic_gather %add3A_874[%gather3A_879] in [0] : vector<16xi32>, vector<16xi32> -> vector<16xi32>
        %add3A_881 = arith.addi %add3A_874, %gather3A_880 : vector<16xi32>
        %ge3A_882 = arith.cmpi sge, %add3A_881, %gather3A_424 : vector<16xi32>
        %select_n3A_883 = arith.select %ge3A_882, %or3A_828, %select_n3A_825 : vector<16xi1>, vector<16xi32>
        %shift_right_logical3A_884 = arith.shrui %shift_right_logical3A, %broadcast_in_dim3A_194 : vector<16xi32>
        scf.yield %select_n3A_883, %shift_right_logical3A_884 : vector<16xi32>, vector<16xi32>
      }
      %scan3A_434 = arith.constant 32 : i32
      %eq3A_435 = arith.constant 6 : i32
      %eq3A_436 = vector.broadcast %eq3A_435 : i32 to vector<16xi32>
      %eq3A_437 = arith.cmpi eq, %iota3A, %eq3A_436 : vector<16xi32>
      %select_n3A_438 = arith.select %eq3A_437, %scan3A_433#0, %select_n3A_403 : vector<16xi1>, vector<16xi32>
      %broadcast_in_dim3A_439 = arith.constant 7 : i32
      %broadcast_in_dim3A_440 = vector.broadcast %broadcast_in_dim3A_439 : i32 to vector<16xi32>
      %broadcast_in_dim3A_441 = vector.shape_cast %broadcast_in_dim3A_440 : vector<16xi32> to vector<16x1xi32>
      %gather3A_442 = vector.shape_cast %broadcast_in_dim3A_441 : vector<16x1xi32> to vector<16xi32>
      %gather3A_443 = tpu.dynamic_gather %scan3A_136#0[%gather3A_442] in [0] : vector<16xi32>, vector<16xi32> -> vector<16xi32>
      %while3A_444 = arith.constant 0 : i32
      %while3A_445 = arith.subi %select_n3A_179, %while3A_444 : i32
      %while3A_446 = arith.addi %while3A_444, %while3A_445 : i32
      %while3A_447 = arith.constant 1 : i32
      %while3A_448 = arith.divsi %while3A_445, %while3A_447 : i32
      %while3A_449 = arith.muli %while3A_448, %while3A_447 : i32
      %while3A_450 = arith.addi %while3A_444, %while3A_449 : i32
      %while3A_451 = arith.constant 1 : i32
      %while3A_452 = scf.for %while3A_768 = %while3A_444 to %while3A_450 step %while3A_451 iter_args(%while3A_769 = %broadcast_in_dim3A_2) -> (vector<16xi32>)  : i32 {
        %mul3A_770 = arith.constant 16 : i32
        %mul3A_771 = arith.muli %while3A_768, %mul3A_770 : i32
        %get3A_772 = arith.index_cast %mul3A_771 : i32 to index
        %get3A_773 = tpu.vector_load %arg10[%get3A_772] {strides = array<i32>} : memref<4128xi32, #tpu.memory_space<vmem>>, vector<16xi32>,
        %mul3A_774 = arith.constant 16 : i32
        %mul3A_775 = arith.muli %while3A_768, %mul3A_774 : i32
        %get3A_776 = arith.index_cast %mul3A_775 : i32 to index
        %get3A_777 = tpu.vector_load %arg9[%get3A_776] {strides = array<i32>} : memref<4128xi32, #tpu.memory_space<vmem>>, vector<16xi32>,
        %eq3A_778 = arith.cmpi eq, %get3A_773, %gather3A_443 : vector<16xi32>
        %select_n3A_779 = arith.select %eq3A_778, %broadcast_in_dim3A_4, %broadcast_in_dim3A_2 : vector<16xi1>, vector<16xi32>
        %broadcast_in_dim3A_780 = arith.constant true
        %broadcast_in_dim3A_781 = vector.broadcast %broadcast_in_dim3A_780 : i1 to vector<16xi1>
        %masked_cumsum3A = tpu.scan <sum>, %select_n3A_779 masked %broadcast_in_dim3A_781 : vector<16xi32>, vector<16xi1> -> vector<16xi32>
        %add3A_782 = arith.addi %while3A_769, %masked_cumsum3A : vector<16xi32>
        %sub3A_783 = arith.subi %add3A_782, %broadcast_in_dim3A_4 : vector<16xi32>
        %lt3A = arith.cmpi slt, %sub3A_783, %broadcast_in_dim3A_190 : vector<16xi32>
        %and3A_784 = arith.andi %eq3A_778, %lt3A : vector<16xi1>
        %add3A_785 = arith.constant 448 : i32
        %add3A_786 = vector.broadcast %add3A_785 : i32 to vector<16xi32>
        %add3A_787 = arith.addi %sub3A_783, %add3A_786 : vector<16xi32>
        tpu.vector_store_idx %arg11[%add3A_787], %get3A_777 masked %and3A_784 : memref<1024xi32, #tpu.memory_space<vmem>>[vector<16xi32>], vector<16xi32>, vector<16xi1>
        %all_reduce_population_count3A = tpu.all_reduce %eq3A_778 {dim = 0 : i64, kind = #tpu.reduction_kind<sum>} : vector<16xi1> -> vector<16xi32>
        %add3A_788 = arith.addi %while3A_769, %all_reduce_population_count3A : vector<16xi32>
        %min3A = arith.minsi %add3A_788, %broadcast_in_dim3A_190 : vector<16xi32>
        scf.yield %min3A : vector<16xi32>
      }
      %while3A_453 = arith.constant 1 : i32
      %while3A_454 = scf.for %while3A_768 = %while3A_450 to %while3A_446 step %while3A_453 iter_args(%while3A_769 = %while3A_452) -> (vector<16xi32>)  : i32 {
        %mul3A_770 = arith.constant 16 : i32
        %mul3A_771 = arith.muli %while3A_768, %mul3A_770 : i32
        %get3A_772 = arith.index_cast %mul3A_771 : i32 to index
        %get3A_773 = tpu.vector_load %arg10[%get3A_772] {strides = array<i32>} : memref<4128xi32, #tpu.memory_space<vmem>>, vector<16xi32>,
        %mul3A_774 = arith.constant 16 : i32
        %mul3A_775 = arith.muli %while3A_768, %mul3A_774 : i32
        %get3A_776 = arith.index_cast %mul3A_775 : i32 to index
        %get3A_777 = tpu.vector_load %arg9[%get3A_776] {strides = array<i32>} : memref<4128xi32, #tpu.memory_space<vmem>>, vector<16xi32>,
        %eq3A_778 = arith.cmpi eq, %get3A_773, %gather3A_443 : vector<16xi32>
        %select_n3A_779 = arith.select %eq3A_778, %broadcast_in_dim3A_4, %broadcast_in_dim3A_2 : vector<16xi1>, vector<16xi32>
        %broadcast_in_dim3A_780 = arith.constant true
        %broadcast_in_dim3A_781 = vector.broadcast %broadcast_in_dim3A_780 : i1 to vector<16xi1>
        %masked_cumsum3A = tpu.scan <sum>, %select_n3A_779 masked %broadcast_in_dim3A_781 : vector<16xi32>, vector<16xi1> -> vector<16xi32>
        %add3A_782 = arith.addi %while3A_769, %masked_cumsum3A : vector<16xi32>
        %sub3A_783 = arith.subi %add3A_782, %broadcast_in_dim3A_4 : vector<16xi32>
        %lt3A = arith.cmpi slt, %sub3A_783, %broadcast_in_dim3A_190 : vector<16xi32>
        %and3A_784 = arith.andi %eq3A_778, %lt3A : vector<16xi1>
        %add3A_785 = arith.constant 448 : i32
        %add3A_786 = vector.broadcast %add3A_785 : i32 to vector<16xi32>
        %add3A_787 = arith.addi %sub3A_783, %add3A_786 : vector<16xi32>
        tpu.vector_store_idx %arg11[%add3A_787], %get3A_777 masked %and3A_784 : memref<1024xi32, #tpu.memory_space<vmem>>[vector<16xi32>], vector<16xi32>, vector<16xi1>
        %all_reduce_population_count3A = tpu.all_reduce %eq3A_778 {dim = 0 : i64, kind = #tpu.reduction_kind<sum>} : vector<16xi1> -> vector<16xi32>
        %add3A_788 = arith.addi %while3A_769, %all_reduce_population_count3A : vector<16xi32>
        %min3A = arith.minsi %add3A_788, %broadcast_in_dim3A_190 : vector<16xi32>
        scf.yield %min3A : vector<16xi32>
      }
      %broadcast_in_dim3A_455 = arith.constant 7 : i32
      %broadcast_in_dim3A_456 = vector.broadcast %broadcast_in_dim3A_455 : i32 to vector<16xi32>
      %broadcast_in_dim3A_457 = vector.shape_cast %broadcast_in_dim3A_456 : vector<16xi32> to vector<16x1xi32>
      %gather3A_458 = vector.shape_cast %broadcast_in_dim3A_457 : vector<16x1xi32> to vector<16xi32>
      %gather3A_459 = tpu.dynamic_gather %add3A_188[%gather3A_458] in [0] : vector<16xi32>, vector<16xi32> -> vector<16xi32>
      %broadcast_in_dim3A_460 = arith.constant -2147483648 : i32
      %broadcast_in_dim3A_461 = vector.broadcast %broadcast_in_dim3A_460 : i32 to vector<16xi32>
      %broadcast_in_dim3A_462 = arith.constant 0 : i32
      %broadcast_in_dim3A_463 = vector.broadcast %broadcast_in_dim3A_462 : i32 to vector<16xi32>
      %scan3A_464 = arith.constant 0 : i32
      %scan3A_465 = arith.constant 32 : i32
      %scan3A_466 = arith.addi %scan3A_464, %scan3A_465 : i32
      %scan3A_467 = arith.constant 2 : i32
      %scan3A_468:2 = scf.for %scan3A_768 = %scan3A_464 to %scan3A_466 step %scan3A_467 iter_args(%scan3A_769 = %broadcast_in_dim3A_463, %scan3A_770 = %broadcast_in_dim3A_461) -> (vector<16xi32>, vector<16xi32>)  : i32 {
        %or3A = arith.ori %scan3A_769, %scan3A_770 : vector<16xi32>
        %get3A_771 = arith.constant 448 : index
        %get3A_772 = tpu.vector_load %arg11[%get3A_771] {strides = array<i32>} : memref<1024xi32, #tpu.memory_space<vmem>>, vector<16xi32>,
        %bitcast_convert_type3A_773 = tpu.bitcast %get3A_772 : vector<16xi32> -> vector<16xi32>
        %ge3A_774 = arith.cmpi uge, %bitcast_convert_type3A_773, %or3A : vector<16xi32>
        %select_n3A_775 = arith.select %ge3A_774, %broadcast_in_dim3A_4, %broadcast_in_dim3A_2 : vector<16xi1>, vector<16xi32>
        %add3A_776 = arith.addi %broadcast_in_dim3A_2, %select_n3A_775 : vector<16xi32>
        %get3A_777 = arith.constant 464 : index
        %get3A_778 = tpu.vector_load %arg11[%get3A_777] {strides = array<i32>} : memref<1024xi32, #tpu.memory_space<vmem>>, vector<16xi32>,
        %bitcast_convert_type3A_779 = tpu.bitcast %get3A_778 : vector<16xi32> -> vector<16xi32>
        %ge3A_780 = arith.cmpi uge, %bitcast_convert_type3A_779, %or3A : vector<16xi32>
        %select_n3A_781 = arith.select %ge3A_780, %broadcast_in_dim3A_4, %broadcast_in_dim3A_2 : vector<16xi1>, vector<16xi32>
        %add3A_782 = arith.addi %add3A_776, %select_n3A_781 : vector<16xi32>
        %get3A_783 = arith.constant 480 : index
        %get3A_784 = tpu.vector_load %arg11[%get3A_783] {strides = array<i32>} : memref<1024xi32, #tpu.memory_space<vmem>>, vector<16xi32>,
        %bitcast_convert_type3A_785 = tpu.bitcast %get3A_784 : vector<16xi32> -> vector<16xi32>
        %ge3A_786 = arith.cmpi uge, %bitcast_convert_type3A_785, %or3A : vector<16xi32>
        %select_n3A_787 = arith.select %ge3A_786, %broadcast_in_dim3A_4, %broadcast_in_dim3A_2 : vector<16xi1>, vector<16xi32>
        %add3A_788 = arith.addi %add3A_782, %select_n3A_787 : vector<16xi32>
        %get3A_789 = arith.constant 496 : index
        %get3A_790 = tpu.vector_load %arg11[%get3A_789] {strides = array<i32>} : memref<1024xi32, #tpu.memory_space<vmem>>, vector<16xi32>,
        %bitcast_convert_type3A_791 = tpu.bitcast %get3A_790 : vector<16xi32> -> vector<16xi32>
        %ge3A_792 = arith.cmpi uge, %bitcast_convert_type3A_791, %or3A : vector<16xi32>
        %select_n3A_793 = arith.select %ge3A_792, %broadcast_in_dim3A_4, %broadcast_in_dim3A_2 : vector<16xi1>, vector<16xi32>
        %add3A_794 = arith.addi %add3A_788, %select_n3A_793 : vector<16xi32>
        %iota3A_795 = tpu.iota {dimensions = array<i32: 0>} : vector<16xi32>
        %xor3A_796 = arith.constant 1 : i32
        %xor3A_797 = vector.broadcast %xor3A_796 : i32 to vector<16xi32>
        %xor3A_798 = arith.xori %iota3A_795, %xor3A_797 : vector<16xi32>
        %broadcast_in_dim3A_799 = vector.shape_cast %xor3A_798 : vector<16xi32> to vector<16x1xi32>
        %gather3A_800 = vector.shape_cast %broadcast_in_dim3A_799 : vector<16x1xi32> to vector<16xi32>
        %gather3A_801 = tpu.dynamic_gather %add3A_794[%gather3A_800] in [0] : vector<16xi32>, vector<16xi32> -> vector<16xi32>
        %add3A_802 = arith.addi %add3A_794, %gather3A_801 : vector<16xi32>
        %xor3A_803 = arith.constant 2 : i32
        %xor3A_804 = vector.broadcast %xor3A_803 : i32 to vector<16xi32>
        %xor3A_805 = arith.xori %iota3A_795, %xor3A_804 : vector<16xi32>
        %broadcast_in_dim3A_806 = vector.shape_cast %xor3A_805 : vector<16xi32> to vector<16x1xi32>
        %gather3A_807 = vector.shape_cast %broadcast_in_dim3A_806 : vector<16x1xi32> to vector<16xi32>
        %gather3A_808 = tpu.dynamic_gather %add3A_802[%gather3A_807] in [0] : vector<16xi32>, vector<16xi32> -> vector<16xi32>
        %add3A_809 = arith.addi %add3A_802, %gather3A_808 : vector<16xi32>
        %xor3A_810 = arith.constant 4 : i32
        %xor3A_811 = vector.broadcast %xor3A_810 : i32 to vector<16xi32>
        %xor3A_812 = arith.xori %iota3A_795, %xor3A_811 : vector<16xi32>
        %broadcast_in_dim3A_813 = vector.shape_cast %xor3A_812 : vector<16xi32> to vector<16x1xi32>
        %gather3A_814 = vector.shape_cast %broadcast_in_dim3A_813 : vector<16x1xi32> to vector<16xi32>
        %gather3A_815 = tpu.dynamic_gather %add3A_809[%gather3A_814] in [0] : vector<16xi32>, vector<16xi32> -> vector<16xi32>
        %add3A_816 = arith.addi %add3A_809, %gather3A_815 : vector<16xi32>
        %xor3A_817 = arith.constant 8 : i32
        %xor3A_818 = vector.broadcast %xor3A_817 : i32 to vector<16xi32>
        %xor3A_819 = arith.xori %iota3A_795, %xor3A_818 : vector<16xi32>
        %broadcast_in_dim3A_820 = vector.shape_cast %xor3A_819 : vector<16xi32> to vector<16x1xi32>
        %gather3A_821 = vector.shape_cast %broadcast_in_dim3A_820 : vector<16x1xi32> to vector<16xi32>
        %gather3A_822 = tpu.dynamic_gather %add3A_816[%gather3A_821] in [0] : vector<16xi32>, vector<16xi32> -> vector<16xi32>
        %add3A_823 = arith.addi %add3A_816, %gather3A_822 : vector<16xi32>
        %ge3A_824 = arith.cmpi sge, %add3A_823, %gather3A_459 : vector<16xi32>
        %select_n3A_825 = arith.select %ge3A_824, %or3A, %scan3A_769 : vector<16xi1>, vector<16xi32>
        %shift_right_logical3A = arith.shrui %scan3A_770, %broadcast_in_dim3A_194 : vector<16xi32>
        %scan3A_826 = arith.constant 1 : i32
        %scan3A_827 = arith.addi %scan3A_768, %scan3A_826 : i32
        %or3A_828 = arith.ori %select_n3A_825, %shift_right_logical3A : vector<16xi32>
        %get3A_829 = arith.constant 448 : index
        %get3A_830 = tpu.vector_load %arg11[%get3A_829] {strides = array<i32>} : memref<1024xi32, #tpu.memory_space<vmem>>, vector<16xi32>,
        %bitcast_convert_type3A_831 = tpu.bitcast %get3A_830 : vector<16xi32> -> vector<16xi32>
        %ge3A_832 = arith.cmpi uge, %bitcast_convert_type3A_831, %or3A_828 : vector<16xi32>
        %select_n3A_833 = arith.select %ge3A_832, %broadcast_in_dim3A_4, %broadcast_in_dim3A_2 : vector<16xi1>, vector<16xi32>
        %add3A_834 = arith.addi %broadcast_in_dim3A_2, %select_n3A_833 : vector<16xi32>
        %get3A_835 = arith.constant 464 : index
        %get3A_836 = tpu.vector_load %arg11[%get3A_835] {strides = array<i32>} : memref<1024xi32, #tpu.memory_space<vmem>>, vector<16xi32>,
        %bitcast_convert_type3A_837 = tpu.bitcast %get3A_836 : vector<16xi32> -> vector<16xi32>
        %ge3A_838 = arith.cmpi uge, %bitcast_convert_type3A_837, %or3A_828 : vector<16xi32>
        %select_n3A_839 = arith.select %ge3A_838, %broadcast_in_dim3A_4, %broadcast_in_dim3A_2 : vector<16xi1>, vector<16xi32>
        %add3A_840 = arith.addi %add3A_834, %select_n3A_839 : vector<16xi32>
        %get3A_841 = arith.constant 480 : index
        %get3A_842 = tpu.vector_load %arg11[%get3A_841] {strides = array<i32>} : memref<1024xi32, #tpu.memory_space<vmem>>, vector<16xi32>,
        %bitcast_convert_type3A_843 = tpu.bitcast %get3A_842 : vector<16xi32> -> vector<16xi32>
        %ge3A_844 = arith.cmpi uge, %bitcast_convert_type3A_843, %or3A_828 : vector<16xi32>
        %select_n3A_845 = arith.select %ge3A_844, %broadcast_in_dim3A_4, %broadcast_in_dim3A_2 : vector<16xi1>, vector<16xi32>
        %add3A_846 = arith.addi %add3A_840, %select_n3A_845 : vector<16xi32>
        %get3A_847 = arith.constant 496 : index
        %get3A_848 = tpu.vector_load %arg11[%get3A_847] {strides = array<i32>} : memref<1024xi32, #tpu.memory_space<vmem>>, vector<16xi32>,
        %bitcast_convert_type3A_849 = tpu.bitcast %get3A_848 : vector<16xi32> -> vector<16xi32>
        %ge3A_850 = arith.cmpi uge, %bitcast_convert_type3A_849, %or3A_828 : vector<16xi32>
        %select_n3A_851 = arith.select %ge3A_850, %broadcast_in_dim3A_4, %broadcast_in_dim3A_2 : vector<16xi1>, vector<16xi32>
        %add3A_852 = arith.addi %add3A_846, %select_n3A_851 : vector<16xi32>
        %iota3A_853 = tpu.iota {dimensions = array<i32: 0>} : vector<16xi32>
        %xor3A_854 = arith.constant 1 : i32
        %xor3A_855 = vector.broadcast %xor3A_854 : i32 to vector<16xi32>
        %xor3A_856 = arith.xori %iota3A_853, %xor3A_855 : vector<16xi32>
        %broadcast_in_dim3A_857 = vector.shape_cast %xor3A_856 : vector<16xi32> to vector<16x1xi32>
        %gather3A_858 = vector.shape_cast %broadcast_in_dim3A_857 : vector<16x1xi32> to vector<16xi32>
        %gather3A_859 = tpu.dynamic_gather %add3A_852[%gather3A_858] in [0] : vector<16xi32>, vector<16xi32> -> vector<16xi32>
        %add3A_860 = arith.addi %add3A_852, %gather3A_859 : vector<16xi32>
        %xor3A_861 = arith.constant 2 : i32
        %xor3A_862 = vector.broadcast %xor3A_861 : i32 to vector<16xi32>
        %xor3A_863 = arith.xori %iota3A_853, %xor3A_862 : vector<16xi32>
        %broadcast_in_dim3A_864 = vector.shape_cast %xor3A_863 : vector<16xi32> to vector<16x1xi32>
        %gather3A_865 = vector.shape_cast %broadcast_in_dim3A_864 : vector<16x1xi32> to vector<16xi32>
        %gather3A_866 = tpu.dynamic_gather %add3A_860[%gather3A_865] in [0] : vector<16xi32>, vector<16xi32> -> vector<16xi32>
        %add3A_867 = arith.addi %add3A_860, %gather3A_866 : vector<16xi32>
        %xor3A_868 = arith.constant 4 : i32
        %xor3A_869 = vector.broadcast %xor3A_868 : i32 to vector<16xi32>
        %xor3A_870 = arith.xori %iota3A_853, %xor3A_869 : vector<16xi32>
        %broadcast_in_dim3A_871 = vector.shape_cast %xor3A_870 : vector<16xi32> to vector<16x1xi32>
        %gather3A_872 = vector.shape_cast %broadcast_in_dim3A_871 : vector<16x1xi32> to vector<16xi32>
        %gather3A_873 = tpu.dynamic_gather %add3A_867[%gather3A_872] in [0] : vector<16xi32>, vector<16xi32> -> vector<16xi32>
        %add3A_874 = arith.addi %add3A_867, %gather3A_873 : vector<16xi32>
        %xor3A_875 = arith.constant 8 : i32
        %xor3A_876 = vector.broadcast %xor3A_875 : i32 to vector<16xi32>
        %xor3A_877 = arith.xori %iota3A_853, %xor3A_876 : vector<16xi32>
        %broadcast_in_dim3A_878 = vector.shape_cast %xor3A_877 : vector<16xi32> to vector<16x1xi32>
        %gather3A_879 = vector.shape_cast %broadcast_in_dim3A_878 : vector<16x1xi32> to vector<16xi32>
        %gather3A_880 = tpu.dynamic_gather %add3A_874[%gather3A_879] in [0] : vector<16xi32>, vector<16xi32> -> vector<16xi32>
        %add3A_881 = arith.addi %add3A_874, %gather3A_880 : vector<16xi32>
        %ge3A_882 = arith.cmpi sge, %add3A_881, %gather3A_459 : vector<16xi32>
        %select_n3A_883 = arith.select %ge3A_882, %or3A_828, %select_n3A_825 : vector<16xi1>, vector<16xi32>
        %shift_right_logical3A_884 = arith.shrui %shift_right_logical3A, %broadcast_in_dim3A_194 : vector<16xi32>
        scf.yield %select_n3A_883, %shift_right_logical3A_884 : vector<16xi32>, vector<16xi32>
      }
      %scan3A_469 = arith.constant 32 : i32
      %eq3A_470 = arith.constant 7 : i32
      %eq3A_471 = vector.broadcast %eq3A_470 : i32 to vector<16xi32>
      %eq3A_472 = arith.cmpi eq, %iota3A, %eq3A_471 : vector<16xi32>
      %select_n3A_473 = arith.select %eq3A_472, %scan3A_468#0, %select_n3A_438 : vector<16xi1>, vector<16xi32>
      %broadcast_in_dim3A_474 = arith.constant 8 : i32
      %broadcast_in_dim3A_475 = vector.broadcast %broadcast_in_dim3A_474 : i32 to vector<16xi32>
      %broadcast_in_dim3A_476 = vector.shape_cast %broadcast_in_dim3A_475 : vector<16xi32> to vector<16x1xi32>
      %gather3A_477 = vector.shape_cast %broadcast_in_dim3A_476 : vector<16x1xi32> to vector<16xi32>
      %gather3A_478 = tpu.dynamic_gather %scan3A_136#0[%gather3A_477] in [0] : vector<16xi32>, vector<16xi32> -> vector<16xi32>
      %while3A_479 = arith.constant 0 : i32
      %while3A_480 = arith.subi %select_n3A_179, %while3A_479 : i32
      %while3A_481 = arith.addi %while3A_479, %while3A_480 : i32
      %while3A_482 = arith.constant 1 : i32
      %while3A_483 = arith.divsi %while3A_480, %while3A_482 : i32
      %while3A_484 = arith.muli %while3A_483, %while3A_482 : i32
      %while3A_485 = arith.addi %while3A_479, %while3A_484 : i32
      %while3A_486 = arith.constant 1 : i32
      %while3A_487 = scf.for %while3A_768 = %while3A_479 to %while3A_485 step %while3A_486 iter_args(%while3A_769 = %broadcast_in_dim3A_2) -> (vector<16xi32>)  : i32 {
        %mul3A_770 = arith.constant 16 : i32
        %mul3A_771 = arith.muli %while3A_768, %mul3A_770 : i32
        %get3A_772 = arith.index_cast %mul3A_771 : i32 to index
        %get3A_773 = tpu.vector_load %arg10[%get3A_772] {strides = array<i32>} : memref<4128xi32, #tpu.memory_space<vmem>>, vector<16xi32>,
        %mul3A_774 = arith.constant 16 : i32
        %mul3A_775 = arith.muli %while3A_768, %mul3A_774 : i32
        %get3A_776 = arith.index_cast %mul3A_775 : i32 to index
        %get3A_777 = tpu.vector_load %arg9[%get3A_776] {strides = array<i32>} : memref<4128xi32, #tpu.memory_space<vmem>>, vector<16xi32>,
        %eq3A_778 = arith.cmpi eq, %get3A_773, %gather3A_478 : vector<16xi32>
        %select_n3A_779 = arith.select %eq3A_778, %broadcast_in_dim3A_4, %broadcast_in_dim3A_2 : vector<16xi1>, vector<16xi32>
        %broadcast_in_dim3A_780 = arith.constant true
        %broadcast_in_dim3A_781 = vector.broadcast %broadcast_in_dim3A_780 : i1 to vector<16xi1>
        %masked_cumsum3A = tpu.scan <sum>, %select_n3A_779 masked %broadcast_in_dim3A_781 : vector<16xi32>, vector<16xi1> -> vector<16xi32>
        %add3A_782 = arith.addi %while3A_769, %masked_cumsum3A : vector<16xi32>
        %sub3A_783 = arith.subi %add3A_782, %broadcast_in_dim3A_4 : vector<16xi32>
        %lt3A = arith.cmpi slt, %sub3A_783, %broadcast_in_dim3A_190 : vector<16xi32>
        %and3A_784 = arith.andi %eq3A_778, %lt3A : vector<16xi1>
        %add3A_785 = arith.constant 512 : i32
        %add3A_786 = vector.broadcast %add3A_785 : i32 to vector<16xi32>
        %add3A_787 = arith.addi %sub3A_783, %add3A_786 : vector<16xi32>
        tpu.vector_store_idx %arg11[%add3A_787], %get3A_777 masked %and3A_784 : memref<1024xi32, #tpu.memory_space<vmem>>[vector<16xi32>], vector<16xi32>, vector<16xi1>
        %all_reduce_population_count3A = tpu.all_reduce %eq3A_778 {dim = 0 : i64, kind = #tpu.reduction_kind<sum>} : vector<16xi1> -> vector<16xi32>
        %add3A_788 = arith.addi %while3A_769, %all_reduce_population_count3A : vector<16xi32>
        %min3A = arith.minsi %add3A_788, %broadcast_in_dim3A_190 : vector<16xi32>
        scf.yield %min3A : vector<16xi32>
      }
      %while3A_488 = arith.constant 1 : i32
      %while3A_489 = scf.for %while3A_768 = %while3A_485 to %while3A_481 step %while3A_488 iter_args(%while3A_769 = %while3A_487) -> (vector<16xi32>)  : i32 {
        %mul3A_770 = arith.constant 16 : i32
        %mul3A_771 = arith.muli %while3A_768, %mul3A_770 : i32
        %get3A_772 = arith.index_cast %mul3A_771 : i32 to index
        %get3A_773 = tpu.vector_load %arg10[%get3A_772] {strides = array<i32>} : memref<4128xi32, #tpu.memory_space<vmem>>, vector<16xi32>,
        %mul3A_774 = arith.constant 16 : i32
        %mul3A_775 = arith.muli %while3A_768, %mul3A_774 : i32
        %get3A_776 = arith.index_cast %mul3A_775 : i32 to index
        %get3A_777 = tpu.vector_load %arg9[%get3A_776] {strides = array<i32>} : memref<4128xi32, #tpu.memory_space<vmem>>, vector<16xi32>,
        %eq3A_778 = arith.cmpi eq, %get3A_773, %gather3A_478 : vector<16xi32>
        %select_n3A_779 = arith.select %eq3A_778, %broadcast_in_dim3A_4, %broadcast_in_dim3A_2 : vector<16xi1>, vector<16xi32>
        %broadcast_in_dim3A_780 = arith.constant true
        %broadcast_in_dim3A_781 = vector.broadcast %broadcast_in_dim3A_780 : i1 to vector<16xi1>
        %masked_cumsum3A = tpu.scan <sum>, %select_n3A_779 masked %broadcast_in_dim3A_781 : vector<16xi32>, vector<16xi1> -> vector<16xi32>
        %add3A_782 = arith.addi %while3A_769, %masked_cumsum3A : vector<16xi32>
        %sub3A_783 = arith.subi %add3A_782, %broadcast_in_dim3A_4 : vector<16xi32>
        %lt3A = arith.cmpi slt, %sub3A_783, %broadcast_in_dim3A_190 : vector<16xi32>
        %and3A_784 = arith.andi %eq3A_778, %lt3A : vector<16xi1>
        %add3A_785 = arith.constant 512 : i32
        %add3A_786 = vector.broadcast %add3A_785 : i32 to vector<16xi32>
        %add3A_787 = arith.addi %sub3A_783, %add3A_786 : vector<16xi32>
        tpu.vector_store_idx %arg11[%add3A_787], %get3A_777 masked %and3A_784 : memref<1024xi32, #tpu.memory_space<vmem>>[vector<16xi32>], vector<16xi32>, vector<16xi1>
        %all_reduce_population_count3A = tpu.all_reduce %eq3A_778 {dim = 0 : i64, kind = #tpu.reduction_kind<sum>} : vector<16xi1> -> vector<16xi32>
        %add3A_788 = arith.addi %while3A_769, %all_reduce_population_count3A : vector<16xi32>
        %min3A = arith.minsi %add3A_788, %broadcast_in_dim3A_190 : vector<16xi32>
        scf.yield %min3A : vector<16xi32>
      }
      %broadcast_in_dim3A_490 = arith.constant 8 : i32
      %broadcast_in_dim3A_491 = vector.broadcast %broadcast_in_dim3A_490 : i32 to vector<16xi32>
      %broadcast_in_dim3A_492 = vector.shape_cast %broadcast_in_dim3A_491 : vector<16xi32> to vector<16x1xi32>
      %gather3A_493 = vector.shape_cast %broadcast_in_dim3A_492 : vector<16x1xi32> to vector<16xi32>
      %gather3A_494 = tpu.dynamic_gather %add3A_188[%gather3A_493] in [0] : vector<16xi32>, vector<16xi32> -> vector<16xi32>
      %broadcast_in_dim3A_495 = arith.constant -2147483648 : i32
      %broadcast_in_dim3A_496 = vector.broadcast %broadcast_in_dim3A_495 : i32 to vector<16xi32>
      %broadcast_in_dim3A_497 = arith.constant 0 : i32
      %broadcast_in_dim3A_498 = vector.broadcast %broadcast_in_dim3A_497 : i32 to vector<16xi32>
      %scan3A_499 = arith.constant 0 : i32
      %scan3A_500 = arith.constant 32 : i32
      %scan3A_501 = arith.addi %scan3A_499, %scan3A_500 : i32
      %scan3A_502 = arith.constant 2 : i32
      %scan3A_503:2 = scf.for %scan3A_768 = %scan3A_499 to %scan3A_501 step %scan3A_502 iter_args(%scan3A_769 = %broadcast_in_dim3A_498, %scan3A_770 = %broadcast_in_dim3A_496) -> (vector<16xi32>, vector<16xi32>)  : i32 {
        %or3A = arith.ori %scan3A_769, %scan3A_770 : vector<16xi32>
        %get3A_771 = arith.constant 512 : index
        %get3A_772 = tpu.vector_load %arg11[%get3A_771] {strides = array<i32>} : memref<1024xi32, #tpu.memory_space<vmem>>, vector<16xi32>,
        %bitcast_convert_type3A_773 = tpu.bitcast %get3A_772 : vector<16xi32> -> vector<16xi32>
        %ge3A_774 = arith.cmpi uge, %bitcast_convert_type3A_773, %or3A : vector<16xi32>
        %select_n3A_775 = arith.select %ge3A_774, %broadcast_in_dim3A_4, %broadcast_in_dim3A_2 : vector<16xi1>, vector<16xi32>
        %add3A_776 = arith.addi %broadcast_in_dim3A_2, %select_n3A_775 : vector<16xi32>
        %get3A_777 = arith.constant 528 : index
        %get3A_778 = tpu.vector_load %arg11[%get3A_777] {strides = array<i32>} : memref<1024xi32, #tpu.memory_space<vmem>>, vector<16xi32>,
        %bitcast_convert_type3A_779 = tpu.bitcast %get3A_778 : vector<16xi32> -> vector<16xi32>
        %ge3A_780 = arith.cmpi uge, %bitcast_convert_type3A_779, %or3A : vector<16xi32>
        %select_n3A_781 = arith.select %ge3A_780, %broadcast_in_dim3A_4, %broadcast_in_dim3A_2 : vector<16xi1>, vector<16xi32>
        %add3A_782 = arith.addi %add3A_776, %select_n3A_781 : vector<16xi32>
        %get3A_783 = arith.constant 544 : index
        %get3A_784 = tpu.vector_load %arg11[%get3A_783] {strides = array<i32>} : memref<1024xi32, #tpu.memory_space<vmem>>, vector<16xi32>,
        %bitcast_convert_type3A_785 = tpu.bitcast %get3A_784 : vector<16xi32> -> vector<16xi32>
        %ge3A_786 = arith.cmpi uge, %bitcast_convert_type3A_785, %or3A : vector<16xi32>
        %select_n3A_787 = arith.select %ge3A_786, %broadcast_in_dim3A_4, %broadcast_in_dim3A_2 : vector<16xi1>, vector<16xi32>
        %add3A_788 = arith.addi %add3A_782, %select_n3A_787 : vector<16xi32>
        %get3A_789 = arith.constant 560 : index
        %get3A_790 = tpu.vector_load %arg11[%get3A_789] {strides = array<i32>} : memref<1024xi32, #tpu.memory_space<vmem>>, vector<16xi32>,
        %bitcast_convert_type3A_791 = tpu.bitcast %get3A_790 : vector<16xi32> -> vector<16xi32>
        %ge3A_792 = arith.cmpi uge, %bitcast_convert_type3A_791, %or3A : vector<16xi32>
        %select_n3A_793 = arith.select %ge3A_792, %broadcast_in_dim3A_4, %broadcast_in_dim3A_2 : vector<16xi1>, vector<16xi32>
        %add3A_794 = arith.addi %add3A_788, %select_n3A_793 : vector<16xi32>
        %iota3A_795 = tpu.iota {dimensions = array<i32: 0>} : vector<16xi32>
        %xor3A_796 = arith.constant 1 : i32
        %xor3A_797 = vector.broadcast %xor3A_796 : i32 to vector<16xi32>
        %xor3A_798 = arith.xori %iota3A_795, %xor3A_797 : vector<16xi32>
        %broadcast_in_dim3A_799 = vector.shape_cast %xor3A_798 : vector<16xi32> to vector<16x1xi32>
        %gather3A_800 = vector.shape_cast %broadcast_in_dim3A_799 : vector<16x1xi32> to vector<16xi32>
        %gather3A_801 = tpu.dynamic_gather %add3A_794[%gather3A_800] in [0] : vector<16xi32>, vector<16xi32> -> vector<16xi32>
        %add3A_802 = arith.addi %add3A_794, %gather3A_801 : vector<16xi32>
        %xor3A_803 = arith.constant 2 : i32
        %xor3A_804 = vector.broadcast %xor3A_803 : i32 to vector<16xi32>
        %xor3A_805 = arith.xori %iota3A_795, %xor3A_804 : vector<16xi32>
        %broadcast_in_dim3A_806 = vector.shape_cast %xor3A_805 : vector<16xi32> to vector<16x1xi32>
        %gather3A_807 = vector.shape_cast %broadcast_in_dim3A_806 : vector<16x1xi32> to vector<16xi32>
        %gather3A_808 = tpu.dynamic_gather %add3A_802[%gather3A_807] in [0] : vector<16xi32>, vector<16xi32> -> vector<16xi32>
        %add3A_809 = arith.addi %add3A_802, %gather3A_808 : vector<16xi32>
        %xor3A_810 = arith.constant 4 : i32
        %xor3A_811 = vector.broadcast %xor3A_810 : i32 to vector<16xi32>
        %xor3A_812 = arith.xori %iota3A_795, %xor3A_811 : vector<16xi32>
        %broadcast_in_dim3A_813 = vector.shape_cast %xor3A_812 : vector<16xi32> to vector<16x1xi32>
        %gather3A_814 = vector.shape_cast %broadcast_in_dim3A_813 : vector<16x1xi32> to vector<16xi32>
        %gather3A_815 = tpu.dynamic_gather %add3A_809[%gather3A_814] in [0] : vector<16xi32>, vector<16xi32> -> vector<16xi32>
        %add3A_816 = arith.addi %add3A_809, %gather3A_815 : vector<16xi32>
        %xor3A_817 = arith.constant 8 : i32
        %xor3A_818 = vector.broadcast %xor3A_817 : i32 to vector<16xi32>
        %xor3A_819 = arith.xori %iota3A_795, %xor3A_818 : vector<16xi32>
        %broadcast_in_dim3A_820 = vector.shape_cast %xor3A_819 : vector<16xi32> to vector<16x1xi32>
        %gather3A_821 = vector.shape_cast %broadcast_in_dim3A_820 : vector<16x1xi32> to vector<16xi32>
        %gather3A_822 = tpu.dynamic_gather %add3A_816[%gather3A_821] in [0] : vector<16xi32>, vector<16xi32> -> vector<16xi32>
        %add3A_823 = arith.addi %add3A_816, %gather3A_822 : vector<16xi32>
        %ge3A_824 = arith.cmpi sge, %add3A_823, %gather3A_494 : vector<16xi32>
        %select_n3A_825 = arith.select %ge3A_824, %or3A, %scan3A_769 : vector<16xi1>, vector<16xi32>
        %shift_right_logical3A = arith.shrui %scan3A_770, %broadcast_in_dim3A_194 : vector<16xi32>
        %scan3A_826 = arith.constant 1 : i32
        %scan3A_827 = arith.addi %scan3A_768, %scan3A_826 : i32
        %or3A_828 = arith.ori %select_n3A_825, %shift_right_logical3A : vector<16xi32>
        %get3A_829 = arith.constant 512 : index
        %get3A_830 = tpu.vector_load %arg11[%get3A_829] {strides = array<i32>} : memref<1024xi32, #tpu.memory_space<vmem>>, vector<16xi32>,
        %bitcast_convert_type3A_831 = tpu.bitcast %get3A_830 : vector<16xi32> -> vector<16xi32>
        %ge3A_832 = arith.cmpi uge, %bitcast_convert_type3A_831, %or3A_828 : vector<16xi32>
        %select_n3A_833 = arith.select %ge3A_832, %broadcast_in_dim3A_4, %broadcast_in_dim3A_2 : vector<16xi1>, vector<16xi32>
        %add3A_834 = arith.addi %broadcast_in_dim3A_2, %select_n3A_833 : vector<16xi32>
        %get3A_835 = arith.constant 528 : index
        %get3A_836 = tpu.vector_load %arg11[%get3A_835] {strides = array<i32>} : memref<1024xi32, #tpu.memory_space<vmem>>, vector<16xi32>,
        %bitcast_convert_type3A_837 = tpu.bitcast %get3A_836 : vector<16xi32> -> vector<16xi32>
        %ge3A_838 = arith.cmpi uge, %bitcast_convert_type3A_837, %or3A_828 : vector<16xi32>
        %select_n3A_839 = arith.select %ge3A_838, %broadcast_in_dim3A_4, %broadcast_in_dim3A_2 : vector<16xi1>, vector<16xi32>
        %add3A_840 = arith.addi %add3A_834, %select_n3A_839 : vector<16xi32>
        %get3A_841 = arith.constant 544 : index
        %get3A_842 = tpu.vector_load %arg11[%get3A_841] {strides = array<i32>} : memref<1024xi32, #tpu.memory_space<vmem>>, vector<16xi32>,
        %bitcast_convert_type3A_843 = tpu.bitcast %get3A_842 : vector<16xi32> -> vector<16xi32>
        %ge3A_844 = arith.cmpi uge, %bitcast_convert_type3A_843, %or3A_828 : vector<16xi32>
        %select_n3A_845 = arith.select %ge3A_844, %broadcast_in_dim3A_4, %broadcast_in_dim3A_2 : vector<16xi1>, vector<16xi32>
        %add3A_846 = arith.addi %add3A_840, %select_n3A_845 : vector<16xi32>
        %get3A_847 = arith.constant 560 : index
        %get3A_848 = tpu.vector_load %arg11[%get3A_847] {strides = array<i32>} : memref<1024xi32, #tpu.memory_space<vmem>>, vector<16xi32>,
        %bitcast_convert_type3A_849 = tpu.bitcast %get3A_848 : vector<16xi32> -> vector<16xi32>
        %ge3A_850 = arith.cmpi uge, %bitcast_convert_type3A_849, %or3A_828 : vector<16xi32>
        %select_n3A_851 = arith.select %ge3A_850, %broadcast_in_dim3A_4, %broadcast_in_dim3A_2 : vector<16xi1>, vector<16xi32>
        %add3A_852 = arith.addi %add3A_846, %select_n3A_851 : vector<16xi32>
        %iota3A_853 = tpu.iota {dimensions = array<i32: 0>} : vector<16xi32>
        %xor3A_854 = arith.constant 1 : i32
        %xor3A_855 = vector.broadcast %xor3A_854 : i32 to vector<16xi32>
        %xor3A_856 = arith.xori %iota3A_853, %xor3A_855 : vector<16xi32>
        %broadcast_in_dim3A_857 = vector.shape_cast %xor3A_856 : vector<16xi32> to vector<16x1xi32>
        %gather3A_858 = vector.shape_cast %broadcast_in_dim3A_857 : vector<16x1xi32> to vector<16xi32>
        %gather3A_859 = tpu.dynamic_gather %add3A_852[%gather3A_858] in [0] : vector<16xi32>, vector<16xi32> -> vector<16xi32>
        %add3A_860 = arith.addi %add3A_852, %gather3A_859 : vector<16xi32>
        %xor3A_861 = arith.constant 2 : i32
        %xor3A_862 = vector.broadcast %xor3A_861 : i32 to vector<16xi32>
        %xor3A_863 = arith.xori %iota3A_853, %xor3A_862 : vector<16xi32>
        %broadcast_in_dim3A_864 = vector.shape_cast %xor3A_863 : vector<16xi32> to vector<16x1xi32>
        %gather3A_865 = vector.shape_cast %broadcast_in_dim3A_864 : vector<16x1xi32> to vector<16xi32>
        %gather3A_866 = tpu.dynamic_gather %add3A_860[%gather3A_865] in [0] : vector<16xi32>, vector<16xi32> -> vector<16xi32>
        %add3A_867 = arith.addi %add3A_860, %gather3A_866 : vector<16xi32>
        %xor3A_868 = arith.constant 4 : i32
        %xor3A_869 = vector.broadcast %xor3A_868 : i32 to vector<16xi32>
        %xor3A_870 = arith.xori %iota3A_853, %xor3A_869 : vector<16xi32>
        %broadcast_in_dim3A_871 = vector.shape_cast %xor3A_870 : vector<16xi32> to vector<16x1xi32>
        %gather3A_872 = vector.shape_cast %broadcast_in_dim3A_871 : vector<16x1xi32> to vector<16xi32>
        %gather3A_873 = tpu.dynamic_gather %add3A_867[%gather3A_872] in [0] : vector<16xi32>, vector<16xi32> -> vector<16xi32>
        %add3A_874 = arith.addi %add3A_867, %gather3A_873 : vector<16xi32>
        %xor3A_875 = arith.constant 8 : i32
        %xor3A_876 = vector.broadcast %xor3A_875 : i32 to vector<16xi32>
        %xor3A_877 = arith.xori %iota3A_853, %xor3A_876 : vector<16xi32>
        %broadcast_in_dim3A_878 = vector.shape_cast %xor3A_877 : vector<16xi32> to vector<16x1xi32>
        %gather3A_879 = vector.shape_cast %broadcast_in_dim3A_878 : vector<16x1xi32> to vector<16xi32>
        %gather3A_880 = tpu.dynamic_gather %add3A_874[%gather3A_879] in [0] : vector<16xi32>, vector<16xi32> -> vector<16xi32>
        %add3A_881 = arith.addi %add3A_874, %gather3A_880 : vector<16xi32>
        %ge3A_882 = arith.cmpi sge, %add3A_881, %gather3A_494 : vector<16xi32>
        %select_n3A_883 = arith.select %ge3A_882, %or3A_828, %select_n3A_825 : vector<16xi1>, vector<16xi32>
        %shift_right_logical3A_884 = arith.shrui %shift_right_logical3A, %broadcast_in_dim3A_194 : vector<16xi32>
        scf.yield %select_n3A_883, %shift_right_logical3A_884 : vector<16xi32>, vector<16xi32>
      }
      %scan3A_504 = arith.constant 32 : i32
      %eq3A_505 = arith.constant 8 : i32
      %eq3A_506 = vector.broadcast %eq3A_505 : i32 to vector<16xi32>
      %eq3A_507 = arith.cmpi eq, %iota3A, %eq3A_506 : vector<16xi32>
      %select_n3A_508 = arith.select %eq3A_507, %scan3A_503#0, %select_n3A_473 : vector<16xi1>, vector<16xi32>
      %broadcast_in_dim3A_509 = arith.constant 9 : i32
      %broadcast_in_dim3A_510 = vector.broadcast %broadcast_in_dim3A_509 : i32 to vector<16xi32>
      %broadcast_in_dim3A_511 = vector.shape_cast %broadcast_in_dim3A_510 : vector<16xi32> to vector<16x1xi32>
      %gather3A_512 = vector.shape_cast %broadcast_in_dim3A_511 : vector<16x1xi32> to vector<16xi32>
      %gather3A_513 = tpu.dynamic_gather %scan3A_136#0[%gather3A_512] in [0] : vector<16xi32>, vector<16xi32> -> vector<16xi32>
      %while3A_514 = arith.constant 0 : i32
      %while3A_515 = arith.subi %select_n3A_179, %while3A_514 : i32
      %while3A_516 = arith.addi %while3A_514, %while3A_515 : i32
      %while3A_517 = arith.constant 1 : i32
      %while3A_518 = arith.divsi %while3A_515, %while3A_517 : i32
      %while3A_519 = arith.muli %while3A_518, %while3A_517 : i32
      %while3A_520 = arith.addi %while3A_514, %while3A_519 : i32
      %while3A_521 = arith.constant 1 : i32
      %while3A_522 = scf.for %while3A_768 = %while3A_514 to %while3A_520 step %while3A_521 iter_args(%while3A_769 = %broadcast_in_dim3A_2) -> (vector<16xi32>)  : i32 {
        %mul3A_770 = arith.constant 16 : i32
        %mul3A_771 = arith.muli %while3A_768, %mul3A_770 : i32
        %get3A_772 = arith.index_cast %mul3A_771 : i32 to index
        %get3A_773 = tpu.vector_load %arg10[%get3A_772] {strides = array<i32>} : memref<4128xi32, #tpu.memory_space<vmem>>, vector<16xi32>,
        %mul3A_774 = arith.constant 16 : i32
        %mul3A_775 = arith.muli %while3A_768, %mul3A_774 : i32
        %get3A_776 = arith.index_cast %mul3A_775 : i32 to index
        %get3A_777 = tpu.vector_load %arg9[%get3A_776] {strides = array<i32>} : memref<4128xi32, #tpu.memory_space<vmem>>, vector<16xi32>,
        %eq3A_778 = arith.cmpi eq, %get3A_773, %gather3A_513 : vector<16xi32>
        %select_n3A_779 = arith.select %eq3A_778, %broadcast_in_dim3A_4, %broadcast_in_dim3A_2 : vector<16xi1>, vector<16xi32>
        %broadcast_in_dim3A_780 = arith.constant true
        %broadcast_in_dim3A_781 = vector.broadcast %broadcast_in_dim3A_780 : i1 to vector<16xi1>
        %masked_cumsum3A = tpu.scan <sum>, %select_n3A_779 masked %broadcast_in_dim3A_781 : vector<16xi32>, vector<16xi1> -> vector<16xi32>
        %add3A_782 = arith.addi %while3A_769, %masked_cumsum3A : vector<16xi32>
        %sub3A_783 = arith.subi %add3A_782, %broadcast_in_dim3A_4 : vector<16xi32>
        %lt3A = arith.cmpi slt, %sub3A_783, %broadcast_in_dim3A_190 : vector<16xi32>
        %and3A_784 = arith.andi %eq3A_778, %lt3A : vector<16xi1>
        %add3A_785 = arith.constant 576 : i32
        %add3A_786 = vector.broadcast %add3A_785 : i32 to vector<16xi32>
        %add3A_787 = arith.addi %sub3A_783, %add3A_786 : vector<16xi32>
        tpu.vector_store_idx %arg11[%add3A_787], %get3A_777 masked %and3A_784 : memref<1024xi32, #tpu.memory_space<vmem>>[vector<16xi32>], vector<16xi32>, vector<16xi1>
        %all_reduce_population_count3A = tpu.all_reduce %eq3A_778 {dim = 0 : i64, kind = #tpu.reduction_kind<sum>} : vector<16xi1> -> vector<16xi32>
        %add3A_788 = arith.addi %while3A_769, %all_reduce_population_count3A : vector<16xi32>
        %min3A = arith.minsi %add3A_788, %broadcast_in_dim3A_190 : vector<16xi32>
        scf.yield %min3A : vector<16xi32>
      }
      %while3A_523 = arith.constant 1 : i32
      %while3A_524 = scf.for %while3A_768 = %while3A_520 to %while3A_516 step %while3A_523 iter_args(%while3A_769 = %while3A_522) -> (vector<16xi32>)  : i32 {
        %mul3A_770 = arith.constant 16 : i32
        %mul3A_771 = arith.muli %while3A_768, %mul3A_770 : i32
        %get3A_772 = arith.index_cast %mul3A_771 : i32 to index
        %get3A_773 = tpu.vector_load %arg10[%get3A_772] {strides = array<i32>} : memref<4128xi32, #tpu.memory_space<vmem>>, vector<16xi32>,
        %mul3A_774 = arith.constant 16 : i32
        %mul3A_775 = arith.muli %while3A_768, %mul3A_774 : i32
        %get3A_776 = arith.index_cast %mul3A_775 : i32 to index
        %get3A_777 = tpu.vector_load %arg9[%get3A_776] {strides = array<i32>} : memref<4128xi32, #tpu.memory_space<vmem>>, vector<16xi32>,
        %eq3A_778 = arith.cmpi eq, %get3A_773, %gather3A_513 : vector<16xi32>
        %select_n3A_779 = arith.select %eq3A_778, %broadcast_in_dim3A_4, %broadcast_in_dim3A_2 : vector<16xi1>, vector<16xi32>
        %broadcast_in_dim3A_780 = arith.constant true
        %broadcast_in_dim3A_781 = vector.broadcast %broadcast_in_dim3A_780 : i1 to vector<16xi1>
        %masked_cumsum3A = tpu.scan <sum>, %select_n3A_779 masked %broadcast_in_dim3A_781 : vector<16xi32>, vector<16xi1> -> vector<16xi32>
        %add3A_782 = arith.addi %while3A_769, %masked_cumsum3A : vector<16xi32>
        %sub3A_783 = arith.subi %add3A_782, %broadcast_in_dim3A_4 : vector<16xi32>
        %lt3A = arith.cmpi slt, %sub3A_783, %broadcast_in_dim3A_190 : vector<16xi32>
        %and3A_784 = arith.andi %eq3A_778, %lt3A : vector<16xi1>
        %add3A_785 = arith.constant 576 : i32
        %add3A_786 = vector.broadcast %add3A_785 : i32 to vector<16xi32>
        %add3A_787 = arith.addi %sub3A_783, %add3A_786 : vector<16xi32>
        tpu.vector_store_idx %arg11[%add3A_787], %get3A_777 masked %and3A_784 : memref<1024xi32, #tpu.memory_space<vmem>>[vector<16xi32>], vector<16xi32>, vector<16xi1>
        %all_reduce_population_count3A = tpu.all_reduce %eq3A_778 {dim = 0 : i64, kind = #tpu.reduction_kind<sum>} : vector<16xi1> -> vector<16xi32>
        %add3A_788 = arith.addi %while3A_769, %all_reduce_population_count3A : vector<16xi32>
        %min3A = arith.minsi %add3A_788, %broadcast_in_dim3A_190 : vector<16xi32>
        scf.yield %min3A : vector<16xi32>
      }
      %broadcast_in_dim3A_525 = arith.constant 9 : i32
      %broadcast_in_dim3A_526 = vector.broadcast %broadcast_in_dim3A_525 : i32 to vector<16xi32>
      %broadcast_in_dim3A_527 = vector.shape_cast %broadcast_in_dim3A_526 : vector<16xi32> to vector<16x1xi32>
      %gather3A_528 = vector.shape_cast %broadcast_in_dim3A_527 : vector<16x1xi32> to vector<16xi32>
      %gather3A_529 = tpu.dynamic_gather %add3A_188[%gather3A_528] in [0] : vector<16xi32>, vector<16xi32> -> vector<16xi32>
      %broadcast_in_dim3A_530 = arith.constant -2147483648 : i32
      %broadcast_in_dim3A_531 = vector.broadcast %broadcast_in_dim3A_530 : i32 to vector<16xi32>
      %broadcast_in_dim3A_532 = arith.constant 0 : i32
      %broadcast_in_dim3A_533 = vector.broadcast %broadcast_in_dim3A_532 : i32 to vector<16xi32>
      %scan3A_534 = arith.constant 0 : i32
      %scan3A_535 = arith.constant 32 : i32
      %scan3A_536 = arith.addi %scan3A_534, %scan3A_535 : i32
      %scan3A_537 = arith.constant 2 : i32
      %scan3A_538:2 = scf.for %scan3A_768 = %scan3A_534 to %scan3A_536 step %scan3A_537 iter_args(%scan3A_769 = %broadcast_in_dim3A_533, %scan3A_770 = %broadcast_in_dim3A_531) -> (vector<16xi32>, vector<16xi32>)  : i32 {
        %or3A = arith.ori %scan3A_769, %scan3A_770 : vector<16xi32>
        %get3A_771 = arith.constant 576 : index
        %get3A_772 = tpu.vector_load %arg11[%get3A_771] {strides = array<i32>} : memref<1024xi32, #tpu.memory_space<vmem>>, vector<16xi32>,
        %bitcast_convert_type3A_773 = tpu.bitcast %get3A_772 : vector<16xi32> -> vector<16xi32>
        %ge3A_774 = arith.cmpi uge, %bitcast_convert_type3A_773, %or3A : vector<16xi32>
        %select_n3A_775 = arith.select %ge3A_774, %broadcast_in_dim3A_4, %broadcast_in_dim3A_2 : vector<16xi1>, vector<16xi32>
        %add3A_776 = arith.addi %broadcast_in_dim3A_2, %select_n3A_775 : vector<16xi32>
        %get3A_777 = arith.constant 592 : index
        %get3A_778 = tpu.vector_load %arg11[%get3A_777] {strides = array<i32>} : memref<1024xi32, #tpu.memory_space<vmem>>, vector<16xi32>,
        %bitcast_convert_type3A_779 = tpu.bitcast %get3A_778 : vector<16xi32> -> vector<16xi32>
        %ge3A_780 = arith.cmpi uge, %bitcast_convert_type3A_779, %or3A : vector<16xi32>
        %select_n3A_781 = arith.select %ge3A_780, %broadcast_in_dim3A_4, %broadcast_in_dim3A_2 : vector<16xi1>, vector<16xi32>
        %add3A_782 = arith.addi %add3A_776, %select_n3A_781 : vector<16xi32>
        %get3A_783 = arith.constant 608 : index
        %get3A_784 = tpu.vector_load %arg11[%get3A_783] {strides = array<i32>} : memref<1024xi32, #tpu.memory_space<vmem>>, vector<16xi32>,
        %bitcast_convert_type3A_785 = tpu.bitcast %get3A_784 : vector<16xi32> -> vector<16xi32>
        %ge3A_786 = arith.cmpi uge, %bitcast_convert_type3A_785, %or3A : vector<16xi32>
        %select_n3A_787 = arith.select %ge3A_786, %broadcast_in_dim3A_4, %broadcast_in_dim3A_2 : vector<16xi1>, vector<16xi32>
        %add3A_788 = arith.addi %add3A_782, %select_n3A_787 : vector<16xi32>
        %get3A_789 = arith.constant 624 : index
        %get3A_790 = tpu.vector_load %arg11[%get3A_789] {strides = array<i32>} : memref<1024xi32, #tpu.memory_space<vmem>>, vector<16xi32>,
        %bitcast_convert_type3A_791 = tpu.bitcast %get3A_790 : vector<16xi32> -> vector<16xi32>
        %ge3A_792 = arith.cmpi uge, %bitcast_convert_type3A_791, %or3A : vector<16xi32>
        %select_n3A_793 = arith.select %ge3A_792, %broadcast_in_dim3A_4, %broadcast_in_dim3A_2 : vector<16xi1>, vector<16xi32>
        %add3A_794 = arith.addi %add3A_788, %select_n3A_793 : vector<16xi32>
        %iota3A_795 = tpu.iota {dimensions = array<i32: 0>} : vector<16xi32>
        %xor3A_796 = arith.constant 1 : i32
        %xor3A_797 = vector.broadcast %xor3A_796 : i32 to vector<16xi32>
        %xor3A_798 = arith.xori %iota3A_795, %xor3A_797 : vector<16xi32>
        %broadcast_in_dim3A_799 = vector.shape_cast %xor3A_798 : vector<16xi32> to vector<16x1xi32>
        %gather3A_800 = vector.shape_cast %broadcast_in_dim3A_799 : vector<16x1xi32> to vector<16xi32>
        %gather3A_801 = tpu.dynamic_gather %add3A_794[%gather3A_800] in [0] : vector<16xi32>, vector<16xi32> -> vector<16xi32>
        %add3A_802 = arith.addi %add3A_794, %gather3A_801 : vector<16xi32>
        %xor3A_803 = arith.constant 2 : i32
        %xor3A_804 = vector.broadcast %xor3A_803 : i32 to vector<16xi32>
        %xor3A_805 = arith.xori %iota3A_795, %xor3A_804 : vector<16xi32>
        %broadcast_in_dim3A_806 = vector.shape_cast %xor3A_805 : vector<16xi32> to vector<16x1xi32>
        %gather3A_807 = vector.shape_cast %broadcast_in_dim3A_806 : vector<16x1xi32> to vector<16xi32>
        %gather3A_808 = tpu.dynamic_gather %add3A_802[%gather3A_807] in [0] : vector<16xi32>, vector<16xi32> -> vector<16xi32>
        %add3A_809 = arith.addi %add3A_802, %gather3A_808 : vector<16xi32>
        %xor3A_810 = arith.constant 4 : i32
        %xor3A_811 = vector.broadcast %xor3A_810 : i32 to vector<16xi32>
        %xor3A_812 = arith.xori %iota3A_795, %xor3A_811 : vector<16xi32>
        %broadcast_in_dim3A_813 = vector.shape_cast %xor3A_812 : vector<16xi32> to vector<16x1xi32>
        %gather3A_814 = vector.shape_cast %broadcast_in_dim3A_813 : vector<16x1xi32> to vector<16xi32>
        %gather3A_815 = tpu.dynamic_gather %add3A_809[%gather3A_814] in [0] : vector<16xi32>, vector<16xi32> -> vector<16xi32>
        %add3A_816 = arith.addi %add3A_809, %gather3A_815 : vector<16xi32>
        %xor3A_817 = arith.constant 8 : i32
        %xor3A_818 = vector.broadcast %xor3A_817 : i32 to vector<16xi32>
        %xor3A_819 = arith.xori %iota3A_795, %xor3A_818 : vector<16xi32>
        %broadcast_in_dim3A_820 = vector.shape_cast %xor3A_819 : vector<16xi32> to vector<16x1xi32>
        %gather3A_821 = vector.shape_cast %broadcast_in_dim3A_820 : vector<16x1xi32> to vector<16xi32>
        %gather3A_822 = tpu.dynamic_gather %add3A_816[%gather3A_821] in [0] : vector<16xi32>, vector<16xi32> -> vector<16xi32>
        %add3A_823 = arith.addi %add3A_816, %gather3A_822 : vector<16xi32>
        %ge3A_824 = arith.cmpi sge, %add3A_823, %gather3A_529 : vector<16xi32>
        %select_n3A_825 = arith.select %ge3A_824, %or3A, %scan3A_769 : vector<16xi1>, vector<16xi32>
        %shift_right_logical3A = arith.shrui %scan3A_770, %broadcast_in_dim3A_194 : vector<16xi32>
        %scan3A_826 = arith.constant 1 : i32
        %scan3A_827 = arith.addi %scan3A_768, %scan3A_826 : i32
        %or3A_828 = arith.ori %select_n3A_825, %shift_right_logical3A : vector<16xi32>
        %get3A_829 = arith.constant 576 : index
        %get3A_830 = tpu.vector_load %arg11[%get3A_829] {strides = array<i32>} : memref<1024xi32, #tpu.memory_space<vmem>>, vector<16xi32>,
        %bitcast_convert_type3A_831 = tpu.bitcast %get3A_830 : vector<16xi32> -> vector<16xi32>
        %ge3A_832 = arith.cmpi uge, %bitcast_convert_type3A_831, %or3A_828 : vector<16xi32>
        %select_n3A_833 = arith.select %ge3A_832, %broadcast_in_dim3A_4, %broadcast_in_dim3A_2 : vector<16xi1>, vector<16xi32>
        %add3A_834 = arith.addi %broadcast_in_dim3A_2, %select_n3A_833 : vector<16xi32>
        %get3A_835 = arith.constant 592 : index
        %get3A_836 = tpu.vector_load %arg11[%get3A_835] {strides = array<i32>} : memref<1024xi32, #tpu.memory_space<vmem>>, vector<16xi32>,
        %bitcast_convert_type3A_837 = tpu.bitcast %get3A_836 : vector<16xi32> -> vector<16xi32>
        %ge3A_838 = arith.cmpi uge, %bitcast_convert_type3A_837, %or3A_828 : vector<16xi32>
        %select_n3A_839 = arith.select %ge3A_838, %broadcast_in_dim3A_4, %broadcast_in_dim3A_2 : vector<16xi1>, vector<16xi32>
        %add3A_840 = arith.addi %add3A_834, %select_n3A_839 : vector<16xi32>
        %get3A_841 = arith.constant 608 : index
        %get3A_842 = tpu.vector_load %arg11[%get3A_841] {strides = array<i32>} : memref<1024xi32, #tpu.memory_space<vmem>>, vector<16xi32>,
        %bitcast_convert_type3A_843 = tpu.bitcast %get3A_842 : vector<16xi32> -> vector<16xi32>
        %ge3A_844 = arith.cmpi uge, %bitcast_convert_type3A_843, %or3A_828 : vector<16xi32>
        %select_n3A_845 = arith.select %ge3A_844, %broadcast_in_dim3A_4, %broadcast_in_dim3A_2 : vector<16xi1>, vector<16xi32>
        %add3A_846 = arith.addi %add3A_840, %select_n3A_845 : vector<16xi32>
        %get3A_847 = arith.constant 624 : index
        %get3A_848 = tpu.vector_load %arg11[%get3A_847] {strides = array<i32>} : memref<1024xi32, #tpu.memory_space<vmem>>, vector<16xi32>,
        %bitcast_convert_type3A_849 = tpu.bitcast %get3A_848 : vector<16xi32> -> vector<16xi32>
        %ge3A_850 = arith.cmpi uge, %bitcast_convert_type3A_849, %or3A_828 : vector<16xi32>
        %select_n3A_851 = arith.select %ge3A_850, %broadcast_in_dim3A_4, %broadcast_in_dim3A_2 : vector<16xi1>, vector<16xi32>
        %add3A_852 = arith.addi %add3A_846, %select_n3A_851 : vector<16xi32>
        %iota3A_853 = tpu.iota {dimensions = array<i32: 0>} : vector<16xi32>
        %xor3A_854 = arith.constant 1 : i32
        %xor3A_855 = vector.broadcast %xor3A_854 : i32 to vector<16xi32>
        %xor3A_856 = arith.xori %iota3A_853, %xor3A_855 : vector<16xi32>
        %broadcast_in_dim3A_857 = vector.shape_cast %xor3A_856 : vector<16xi32> to vector<16x1xi32>
        %gather3A_858 = vector.shape_cast %broadcast_in_dim3A_857 : vector<16x1xi32> to vector<16xi32>
        %gather3A_859 = tpu.dynamic_gather %add3A_852[%gather3A_858] in [0] : vector<16xi32>, vector<16xi32> -> vector<16xi32>
        %add3A_860 = arith.addi %add3A_852, %gather3A_859 : vector<16xi32>
        %xor3A_861 = arith.constant 2 : i32
        %xor3A_862 = vector.broadcast %xor3A_861 : i32 to vector<16xi32>
        %xor3A_863 = arith.xori %iota3A_853, %xor3A_862 : vector<16xi32>
        %broadcast_in_dim3A_864 = vector.shape_cast %xor3A_863 : vector<16xi32> to vector<16x1xi32>
        %gather3A_865 = vector.shape_cast %broadcast_in_dim3A_864 : vector<16x1xi32> to vector<16xi32>
        %gather3A_866 = tpu.dynamic_gather %add3A_860[%gather3A_865] in [0] : vector<16xi32>, vector<16xi32> -> vector<16xi32>
        %add3A_867 = arith.addi %add3A_860, %gather3A_866 : vector<16xi32>
        %xor3A_868 = arith.constant 4 : i32
        %xor3A_869 = vector.broadcast %xor3A_868 : i32 to vector<16xi32>
        %xor3A_870 = arith.xori %iota3A_853, %xor3A_869 : vector<16xi32>
        %broadcast_in_dim3A_871 = vector.shape_cast %xor3A_870 : vector<16xi32> to vector<16x1xi32>
        %gather3A_872 = vector.shape_cast %broadcast_in_dim3A_871 : vector<16x1xi32> to vector<16xi32>
        %gather3A_873 = tpu.dynamic_gather %add3A_867[%gather3A_872] in [0] : vector<16xi32>, vector<16xi32> -> vector<16xi32>
        %add3A_874 = arith.addi %add3A_867, %gather3A_873 : vector<16xi32>
        %xor3A_875 = arith.constant 8 : i32
        %xor3A_876 = vector.broadcast %xor3A_875 : i32 to vector<16xi32>
        %xor3A_877 = arith.xori %iota3A_853, %xor3A_876 : vector<16xi32>
        %broadcast_in_dim3A_878 = vector.shape_cast %xor3A_877 : vector<16xi32> to vector<16x1xi32>
        %gather3A_879 = vector.shape_cast %broadcast_in_dim3A_878 : vector<16x1xi32> to vector<16xi32>
        %gather3A_880 = tpu.dynamic_gather %add3A_874[%gather3A_879] in [0] : vector<16xi32>, vector<16xi32> -> vector<16xi32>
        %add3A_881 = arith.addi %add3A_874, %gather3A_880 : vector<16xi32>
        %ge3A_882 = arith.cmpi sge, %add3A_881, %gather3A_529 : vector<16xi32>
        %select_n3A_883 = arith.select %ge3A_882, %or3A_828, %select_n3A_825 : vector<16xi1>, vector<16xi32>
        %shift_right_logical3A_884 = arith.shrui %shift_right_logical3A, %broadcast_in_dim3A_194 : vector<16xi32>
        scf.yield %select_n3A_883, %shift_right_logical3A_884 : vector<16xi32>, vector<16xi32>
      }
      %scan3A_539 = arith.constant 32 : i32
      %eq3A_540 = arith.constant 9 : i32
      %eq3A_541 = vector.broadcast %eq3A_540 : i32 to vector<16xi32>
      %eq3A_542 = arith.cmpi eq, %iota3A, %eq3A_541 : vector<16xi32>
      %select_n3A_543 = arith.select %eq3A_542, %scan3A_538#0, %select_n3A_508 : vector<16xi1>, vector<16xi32>
      %broadcast_in_dim3A_544 = arith.constant 10 : i32
      %broadcast_in_dim3A_545 = vector.broadcast %broadcast_in_dim3A_544 : i32 to vector<16xi32>
      %broadcast_in_dim3A_546 = vector.shape_cast %broadcast_in_dim3A_545 : vector<16xi32> to vector<16x1xi32>
      %gather3A_547 = vector.shape_cast %broadcast_in_dim3A_546 : vector<16x1xi32> to vector<16xi32>
      %gather3A_548 = tpu.dynamic_gather %scan3A_136#0[%gather3A_547] in [0] : vector<16xi32>, vector<16xi32> -> vector<16xi32>
      %while3A_549 = arith.constant 0 : i32
      %while3A_550 = arith.subi %select_n3A_179, %while3A_549 : i32
      %while3A_551 = arith.addi %while3A_549, %while3A_550 : i32
      %while3A_552 = arith.constant 1 : i32
      %while3A_553 = arith.divsi %while3A_550, %while3A_552 : i32
      %while3A_554 = arith.muli %while3A_553, %while3A_552 : i32
      %while3A_555 = arith.addi %while3A_549, %while3A_554 : i32
      %while3A_556 = arith.constant 1 : i32
      %while3A_557 = scf.for %while3A_768 = %while3A_549 to %while3A_555 step %while3A_556 iter_args(%while3A_769 = %broadcast_in_dim3A_2) -> (vector<16xi32>)  : i32 {
        %mul3A_770 = arith.constant 16 : i32
        %mul3A_771 = arith.muli %while3A_768, %mul3A_770 : i32
        %get3A_772 = arith.index_cast %mul3A_771 : i32 to index
        %get3A_773 = tpu.vector_load %arg10[%get3A_772] {strides = array<i32>} : memref<4128xi32, #tpu.memory_space<vmem>>, vector<16xi32>,
        %mul3A_774 = arith.constant 16 : i32
        %mul3A_775 = arith.muli %while3A_768, %mul3A_774 : i32
        %get3A_776 = arith.index_cast %mul3A_775 : i32 to index
        %get3A_777 = tpu.vector_load %arg9[%get3A_776] {strides = array<i32>} : memref<4128xi32, #tpu.memory_space<vmem>>, vector<16xi32>,
        %eq3A_778 = arith.cmpi eq, %get3A_773, %gather3A_548 : vector<16xi32>
        %select_n3A_779 = arith.select %eq3A_778, %broadcast_in_dim3A_4, %broadcast_in_dim3A_2 : vector<16xi1>, vector<16xi32>
        %broadcast_in_dim3A_780 = arith.constant true
        %broadcast_in_dim3A_781 = vector.broadcast %broadcast_in_dim3A_780 : i1 to vector<16xi1>
        %masked_cumsum3A = tpu.scan <sum>, %select_n3A_779 masked %broadcast_in_dim3A_781 : vector<16xi32>, vector<16xi1> -> vector<16xi32>
        %add3A_782 = arith.addi %while3A_769, %masked_cumsum3A : vector<16xi32>
        %sub3A_783 = arith.subi %add3A_782, %broadcast_in_dim3A_4 : vector<16xi32>
        %lt3A = arith.cmpi slt, %sub3A_783, %broadcast_in_dim3A_190 : vector<16xi32>
        %and3A_784 = arith.andi %eq3A_778, %lt3A : vector<16xi1>
        %add3A_785 = arith.constant 640 : i32
        %add3A_786 = vector.broadcast %add3A_785 : i32 to vector<16xi32>
        %add3A_787 = arith.addi %sub3A_783, %add3A_786 : vector<16xi32>
        tpu.vector_store_idx %arg11[%add3A_787], %get3A_777 masked %and3A_784 : memref<1024xi32, #tpu.memory_space<vmem>>[vector<16xi32>], vector<16xi32>, vector<16xi1>
        %all_reduce_population_count3A = tpu.all_reduce %eq3A_778 {dim = 0 : i64, kind = #tpu.reduction_kind<sum>} : vector<16xi1> -> vector<16xi32>
        %add3A_788 = arith.addi %while3A_769, %all_reduce_population_count3A : vector<16xi32>
        %min3A = arith.minsi %add3A_788, %broadcast_in_dim3A_190 : vector<16xi32>
        scf.yield %min3A : vector<16xi32>
      }
      %while3A_558 = arith.constant 1 : i32
      %while3A_559 = scf.for %while3A_768 = %while3A_555 to %while3A_551 step %while3A_558 iter_args(%while3A_769 = %while3A_557) -> (vector<16xi32>)  : i32 {
        %mul3A_770 = arith.constant 16 : i32
        %mul3A_771 = arith.muli %while3A_768, %mul3A_770 : i32
        %get3A_772 = arith.index_cast %mul3A_771 : i32 to index
        %get3A_773 = tpu.vector_load %arg10[%get3A_772] {strides = array<i32>} : memref<4128xi32, #tpu.memory_space<vmem>>, vector<16xi32>,
        %mul3A_774 = arith.constant 16 : i32
        %mul3A_775 = arith.muli %while3A_768, %mul3A_774 : i32
        %get3A_776 = arith.index_cast %mul3A_775 : i32 to index
        %get3A_777 = tpu.vector_load %arg9[%get3A_776] {strides = array<i32>} : memref<4128xi32, #tpu.memory_space<vmem>>, vector<16xi32>,
        %eq3A_778 = arith.cmpi eq, %get3A_773, %gather3A_548 : vector<16xi32>
        %select_n3A_779 = arith.select %eq3A_778, %broadcast_in_dim3A_4, %broadcast_in_dim3A_2 : vector<16xi1>, vector<16xi32>
        %broadcast_in_dim3A_780 = arith.constant true
        %broadcast_in_dim3A_781 = vector.broadcast %broadcast_in_dim3A_780 : i1 to vector<16xi1>
        %masked_cumsum3A = tpu.scan <sum>, %select_n3A_779 masked %broadcast_in_dim3A_781 : vector<16xi32>, vector<16xi1> -> vector<16xi32>
        %add3A_782 = arith.addi %while3A_769, %masked_cumsum3A : vector<16xi32>
        %sub3A_783 = arith.subi %add3A_782, %broadcast_in_dim3A_4 : vector<16xi32>
        %lt3A = arith.cmpi slt, %sub3A_783, %broadcast_in_dim3A_190 : vector<16xi32>
        %and3A_784 = arith.andi %eq3A_778, %lt3A : vector<16xi1>
        %add3A_785 = arith.constant 640 : i32
        %add3A_786 = vector.broadcast %add3A_785 : i32 to vector<16xi32>
        %add3A_787 = arith.addi %sub3A_783, %add3A_786 : vector<16xi32>
        tpu.vector_store_idx %arg11[%add3A_787], %get3A_777 masked %and3A_784 : memref<1024xi32, #tpu.memory_space<vmem>>[vector<16xi32>], vector<16xi32>, vector<16xi1>
        %all_reduce_population_count3A = tpu.all_reduce %eq3A_778 {dim = 0 : i64, kind = #tpu.reduction_kind<sum>} : vector<16xi1> -> vector<16xi32>
        %add3A_788 = arith.addi %while3A_769, %all_reduce_population_count3A : vector<16xi32>
        %min3A = arith.minsi %add3A_788, %broadcast_in_dim3A_190 : vector<16xi32>
        scf.yield %min3A : vector<16xi32>
      }
      %broadcast_in_dim3A_560 = arith.constant 10 : i32
      %broadcast_in_dim3A_561 = vector.broadcast %broadcast_in_dim3A_560 : i32 to vector<16xi32>
      %broadcast_in_dim3A_562 = vector.shape_cast %broadcast_in_dim3A_561 : vector<16xi32> to vector<16x1xi32>
      %gather3A_563 = vector.shape_cast %broadcast_in_dim3A_562 : vector<16x1xi32> to vector<16xi32>
      %gather3A_564 = tpu.dynamic_gather %add3A_188[%gather3A_563] in [0] : vector<16xi32>, vector<16xi32> -> vector<16xi32>
      %broadcast_in_dim3A_565 = arith.constant -2147483648 : i32
      %broadcast_in_dim3A_566 = vector.broadcast %broadcast_in_dim3A_565 : i32 to vector<16xi32>
      %broadcast_in_dim3A_567 = arith.constant 0 : i32
      %broadcast_in_dim3A_568 = vector.broadcast %broadcast_in_dim3A_567 : i32 to vector<16xi32>
      %scan3A_569 = arith.constant 0 : i32
      %scan3A_570 = arith.constant 32 : i32
      %scan3A_571 = arith.addi %scan3A_569, %scan3A_570 : i32
      %scan3A_572 = arith.constant 2 : i32
      %scan3A_573:2 = scf.for %scan3A_768 = %scan3A_569 to %scan3A_571 step %scan3A_572 iter_args(%scan3A_769 = %broadcast_in_dim3A_568, %scan3A_770 = %broadcast_in_dim3A_566) -> (vector<16xi32>, vector<16xi32>)  : i32 {
        %or3A = arith.ori %scan3A_769, %scan3A_770 : vector<16xi32>
        %get3A_771 = arith.constant 640 : index
        %get3A_772 = tpu.vector_load %arg11[%get3A_771] {strides = array<i32>} : memref<1024xi32, #tpu.memory_space<vmem>>, vector<16xi32>,
        %bitcast_convert_type3A_773 = tpu.bitcast %get3A_772 : vector<16xi32> -> vector<16xi32>
        %ge3A_774 = arith.cmpi uge, %bitcast_convert_type3A_773, %or3A : vector<16xi32>
        %select_n3A_775 = arith.select %ge3A_774, %broadcast_in_dim3A_4, %broadcast_in_dim3A_2 : vector<16xi1>, vector<16xi32>
        %add3A_776 = arith.addi %broadcast_in_dim3A_2, %select_n3A_775 : vector<16xi32>
        %get3A_777 = arith.constant 656 : index
        %get3A_778 = tpu.vector_load %arg11[%get3A_777] {strides = array<i32>} : memref<1024xi32, #tpu.memory_space<vmem>>, vector<16xi32>,
        %bitcast_convert_type3A_779 = tpu.bitcast %get3A_778 : vector<16xi32> -> vector<16xi32>
        %ge3A_780 = arith.cmpi uge, %bitcast_convert_type3A_779, %or3A : vector<16xi32>
        %select_n3A_781 = arith.select %ge3A_780, %broadcast_in_dim3A_4, %broadcast_in_dim3A_2 : vector<16xi1>, vector<16xi32>
        %add3A_782 = arith.addi %add3A_776, %select_n3A_781 : vector<16xi32>
        %get3A_783 = arith.constant 672 : index
        %get3A_784 = tpu.vector_load %arg11[%get3A_783] {strides = array<i32>} : memref<1024xi32, #tpu.memory_space<vmem>>, vector<16xi32>,
        %bitcast_convert_type3A_785 = tpu.bitcast %get3A_784 : vector<16xi32> -> vector<16xi32>
        %ge3A_786 = arith.cmpi uge, %bitcast_convert_type3A_785, %or3A : vector<16xi32>
        %select_n3A_787 = arith.select %ge3A_786, %broadcast_in_dim3A_4, %broadcast_in_dim3A_2 : vector<16xi1>, vector<16xi32>
        %add3A_788 = arith.addi %add3A_782, %select_n3A_787 : vector<16xi32>
        %get3A_789 = arith.constant 688 : index
        %get3A_790 = tpu.vector_load %arg11[%get3A_789] {strides = array<i32>} : memref<1024xi32, #tpu.memory_space<vmem>>, vector<16xi32>,
        %bitcast_convert_type3A_791 = tpu.bitcast %get3A_790 : vector<16xi32> -> vector<16xi32>
        %ge3A_792 = arith.cmpi uge, %bitcast_convert_type3A_791, %or3A : vector<16xi32>
        %select_n3A_793 = arith.select %ge3A_792, %broadcast_in_dim3A_4, %broadcast_in_dim3A_2 : vector<16xi1>, vector<16xi32>
        %add3A_794 = arith.addi %add3A_788, %select_n3A_793 : vector<16xi32>
        %iota3A_795 = tpu.iota {dimensions = array<i32: 0>} : vector<16xi32>
        %xor3A_796 = arith.constant 1 : i32
        %xor3A_797 = vector.broadcast %xor3A_796 : i32 to vector<16xi32>
        %xor3A_798 = arith.xori %iota3A_795, %xor3A_797 : vector<16xi32>
        %broadcast_in_dim3A_799 = vector.shape_cast %xor3A_798 : vector<16xi32> to vector<16x1xi32>
        %gather3A_800 = vector.shape_cast %broadcast_in_dim3A_799 : vector<16x1xi32> to vector<16xi32>
        %gather3A_801 = tpu.dynamic_gather %add3A_794[%gather3A_800] in [0] : vector<16xi32>, vector<16xi32> -> vector<16xi32>
        %add3A_802 = arith.addi %add3A_794, %gather3A_801 : vector<16xi32>
        %xor3A_803 = arith.constant 2 : i32
        %xor3A_804 = vector.broadcast %xor3A_803 : i32 to vector<16xi32>
        %xor3A_805 = arith.xori %iota3A_795, %xor3A_804 : vector<16xi32>
        %broadcast_in_dim3A_806 = vector.shape_cast %xor3A_805 : vector<16xi32> to vector<16x1xi32>
        %gather3A_807 = vector.shape_cast %broadcast_in_dim3A_806 : vector<16x1xi32> to vector<16xi32>
        %gather3A_808 = tpu.dynamic_gather %add3A_802[%gather3A_807] in [0] : vector<16xi32>, vector<16xi32> -> vector<16xi32>
        %add3A_809 = arith.addi %add3A_802, %gather3A_808 : vector<16xi32>
        %xor3A_810 = arith.constant 4 : i32
        %xor3A_811 = vector.broadcast %xor3A_810 : i32 to vector<16xi32>
        %xor3A_812 = arith.xori %iota3A_795, %xor3A_811 : vector<16xi32>
        %broadcast_in_dim3A_813 = vector.shape_cast %xor3A_812 : vector<16xi32> to vector<16x1xi32>
        %gather3A_814 = vector.shape_cast %broadcast_in_dim3A_813 : vector<16x1xi32> to vector<16xi32>
        %gather3A_815 = tpu.dynamic_gather %add3A_809[%gather3A_814] in [0] : vector<16xi32>, vector<16xi32> -> vector<16xi32>
        %add3A_816 = arith.addi %add3A_809, %gather3A_815 : vector<16xi32>
        %xor3A_817 = arith.constant 8 : i32
        %xor3A_818 = vector.broadcast %xor3A_817 : i32 to vector<16xi32>
        %xor3A_819 = arith.xori %iota3A_795, %xor3A_818 : vector<16xi32>
        %broadcast_in_dim3A_820 = vector.shape_cast %xor3A_819 : vector<16xi32> to vector<16x1xi32>
        %gather3A_821 = vector.shape_cast %broadcast_in_dim3A_820 : vector<16x1xi32> to vector<16xi32>
        %gather3A_822 = tpu.dynamic_gather %add3A_816[%gather3A_821] in [0] : vector<16xi32>, vector<16xi32> -> vector<16xi32>
        %add3A_823 = arith.addi %add3A_816, %gather3A_822 : vector<16xi32>
        %ge3A_824 = arith.cmpi sge, %add3A_823, %gather3A_564 : vector<16xi32>
        %select_n3A_825 = arith.select %ge3A_824, %or3A, %scan3A_769 : vector<16xi1>, vector<16xi32>
        %shift_right_logical3A = arith.shrui %scan3A_770, %broadcast_in_dim3A_194 : vector<16xi32>
        %scan3A_826 = arith.constant 1 : i32
        %scan3A_827 = arith.addi %scan3A_768, %scan3A_826 : i32
        %or3A_828 = arith.ori %select_n3A_825, %shift_right_logical3A : vector<16xi32>
        %get3A_829 = arith.constant 640 : index
        %get3A_830 = tpu.vector_load %arg11[%get3A_829] {strides = array<i32>} : memref<1024xi32, #tpu.memory_space<vmem>>, vector<16xi32>,
        %bitcast_convert_type3A_831 = tpu.bitcast %get3A_830 : vector<16xi32> -> vector<16xi32>
        %ge3A_832 = arith.cmpi uge, %bitcast_convert_type3A_831, %or3A_828 : vector<16xi32>
        %select_n3A_833 = arith.select %ge3A_832, %broadcast_in_dim3A_4, %broadcast_in_dim3A_2 : vector<16xi1>, vector<16xi32>
        %add3A_834 = arith.addi %broadcast_in_dim3A_2, %select_n3A_833 : vector<16xi32>
        %get3A_835 = arith.constant 656 : index
        %get3A_836 = tpu.vector_load %arg11[%get3A_835] {strides = array<i32>} : memref<1024xi32, #tpu.memory_space<vmem>>, vector<16xi32>,
        %bitcast_convert_type3A_837 = tpu.bitcast %get3A_836 : vector<16xi32> -> vector<16xi32>
        %ge3A_838 = arith.cmpi uge, %bitcast_convert_type3A_837, %or3A_828 : vector<16xi32>
        %select_n3A_839 = arith.select %ge3A_838, %broadcast_in_dim3A_4, %broadcast_in_dim3A_2 : vector<16xi1>, vector<16xi32>
        %add3A_840 = arith.addi %add3A_834, %select_n3A_839 : vector<16xi32>
        %get3A_841 = arith.constant 672 : index
        %get3A_842 = tpu.vector_load %arg11[%get3A_841] {strides = array<i32>} : memref<1024xi32, #tpu.memory_space<vmem>>, vector<16xi32>,
        %bitcast_convert_type3A_843 = tpu.bitcast %get3A_842 : vector<16xi32> -> vector<16xi32>
        %ge3A_844 = arith.cmpi uge, %bitcast_convert_type3A_843, %or3A_828 : vector<16xi32>
        %select_n3A_845 = arith.select %ge3A_844, %broadcast_in_dim3A_4, %broadcast_in_dim3A_2 : vector<16xi1>, vector<16xi32>
        %add3A_846 = arith.addi %add3A_840, %select_n3A_845 : vector<16xi32>
        %get3A_847 = arith.constant 688 : index
        %get3A_848 = tpu.vector_load %arg11[%get3A_847] {strides = array<i32>} : memref<1024xi32, #tpu.memory_space<vmem>>, vector<16xi32>,
        %bitcast_convert_type3A_849 = tpu.bitcast %get3A_848 : vector<16xi32> -> vector<16xi32>
        %ge3A_850 = arith.cmpi uge, %bitcast_convert_type3A_849, %or3A_828 : vector<16xi32>
        %select_n3A_851 = arith.select %ge3A_850, %broadcast_in_dim3A_4, %broadcast_in_dim3A_2 : vector<16xi1>, vector<16xi32>
        %add3A_852 = arith.addi %add3A_846, %select_n3A_851 : vector<16xi32>
        %iota3A_853 = tpu.iota {dimensions = array<i32: 0>} : vector<16xi32>
        %xor3A_854 = arith.constant 1 : i32
        %xor3A_855 = vector.broadcast %xor3A_854 : i32 to vector<16xi32>
        %xor3A_856 = arith.xori %iota3A_853, %xor3A_855 : vector<16xi32>
        %broadcast_in_dim3A_857 = vector.shape_cast %xor3A_856 : vector<16xi32> to vector<16x1xi32>
        %gather3A_858 = vector.shape_cast %broadcast_in_dim3A_857 : vector<16x1xi32> to vector<16xi32>
        %gather3A_859 = tpu.dynamic_gather %add3A_852[%gather3A_858] in [0] : vector<16xi32>, vector<16xi32> -> vector<16xi32>
        %add3A_860 = arith.addi %add3A_852, %gather3A_859 : vector<16xi32>
        %xor3A_861 = arith.constant 2 : i32
        %xor3A_862 = vector.broadcast %xor3A_861 : i32 to vector<16xi32>
        %xor3A_863 = arith.xori %iota3A_853, %xor3A_862 : vector<16xi32>
        %broadcast_in_dim3A_864 = vector.shape_cast %xor3A_863 : vector<16xi32> to vector<16x1xi32>
        %gather3A_865 = vector.shape_cast %broadcast_in_dim3A_864 : vector<16x1xi32> to vector<16xi32>
        %gather3A_866 = tpu.dynamic_gather %add3A_860[%gather3A_865] in [0] : vector<16xi32>, vector<16xi32> -> vector<16xi32>
        %add3A_867 = arith.addi %add3A_860, %gather3A_866 : vector<16xi32>
        %xor3A_868 = arith.constant 4 : i32
        %xor3A_869 = vector.broadcast %xor3A_868 : i32 to vector<16xi32>
        %xor3A_870 = arith.xori %iota3A_853, %xor3A_869 : vector<16xi32>
        %broadcast_in_dim3A_871 = vector.shape_cast %xor3A_870 : vector<16xi32> to vector<16x1xi32>
        %gather3A_872 = vector.shape_cast %broadcast_in_dim3A_871 : vector<16x1xi32> to vector<16xi32>
        %gather3A_873 = tpu.dynamic_gather %add3A_867[%gather3A_872] in [0] : vector<16xi32>, vector<16xi32> -> vector<16xi32>
        %add3A_874 = arith.addi %add3A_867, %gather3A_873 : vector<16xi32>
        %xor3A_875 = arith.constant 8 : i32
        %xor3A_876 = vector.broadcast %xor3A_875 : i32 to vector<16xi32>
        %xor3A_877 = arith.xori %iota3A_853, %xor3A_876 : vector<16xi32>
        %broadcast_in_dim3A_878 = vector.shape_cast %xor3A_877 : vector<16xi32> to vector<16x1xi32>
        %gather3A_879 = vector.shape_cast %broadcast_in_dim3A_878 : vector<16x1xi32> to vector<16xi32>
        %gather3A_880 = tpu.dynamic_gather %add3A_874[%gather3A_879] in [0] : vector<16xi32>, vector<16xi32> -> vector<16xi32>
        %add3A_881 = arith.addi %add3A_874, %gather3A_880 : vector<16xi32>
        %ge3A_882 = arith.cmpi sge, %add3A_881, %gather3A_564 : vector<16xi32>
        %select_n3A_883 = arith.select %ge3A_882, %or3A_828, %select_n3A_825 : vector<16xi1>, vector<16xi32>
        %shift_right_logical3A_884 = arith.shrui %shift_right_logical3A, %broadcast_in_dim3A_194 : vector<16xi32>
        scf.yield %select_n3A_883, %shift_right_logical3A_884 : vector<16xi32>, vector<16xi32>
      }
      %scan3A_574 = arith.constant 32 : i32
      %eq3A_575 = arith.constant 10 : i32
      %eq3A_576 = vector.broadcast %eq3A_575 : i32 to vector<16xi32>
      %eq3A_577 = arith.cmpi eq, %iota3A, %eq3A_576 : vector<16xi32>
      %select_n3A_578 = arith.select %eq3A_577, %scan3A_573#0, %select_n3A_543 : vector<16xi1>, vector<16xi32>
      %broadcast_in_dim3A_579 = arith.constant 11 : i32
      %broadcast_in_dim3A_580 = vector.broadcast %broadcast_in_dim3A_579 : i32 to vector<16xi32>
      %broadcast_in_dim3A_581 = vector.shape_cast %broadcast_in_dim3A_580 : vector<16xi32> to vector<16x1xi32>
      %gather3A_582 = vector.shape_cast %broadcast_in_dim3A_581 : vector<16x1xi32> to vector<16xi32>
      %gather3A_583 = tpu.dynamic_gather %scan3A_136#0[%gather3A_582] in [0] : vector<16xi32>, vector<16xi32> -> vector<16xi32>
      %while3A_584 = arith.constant 0 : i32
      %while3A_585 = arith.subi %select_n3A_179, %while3A_584 : i32
      %while3A_586 = arith.addi %while3A_584, %while3A_585 : i32
      %while3A_587 = arith.constant 1 : i32
      %while3A_588 = arith.divsi %while3A_585, %while3A_587 : i32
      %while3A_589 = arith.muli %while3A_588, %while3A_587 : i32
      %while3A_590 = arith.addi %while3A_584, %while3A_589 : i32
      %while3A_591 = arith.constant 1 : i32
      %while3A_592 = scf.for %while3A_768 = %while3A_584 to %while3A_590 step %while3A_591 iter_args(%while3A_769 = %broadcast_in_dim3A_2) -> (vector<16xi32>)  : i32 {
        %mul3A_770 = arith.constant 16 : i32
        %mul3A_771 = arith.muli %while3A_768, %mul3A_770 : i32
        %get3A_772 = arith.index_cast %mul3A_771 : i32 to index
        %get3A_773 = tpu.vector_load %arg10[%get3A_772] {strides = array<i32>} : memref<4128xi32, #tpu.memory_space<vmem>>, vector<16xi32>,
        %mul3A_774 = arith.constant 16 : i32
        %mul3A_775 = arith.muli %while3A_768, %mul3A_774 : i32
        %get3A_776 = arith.index_cast %mul3A_775 : i32 to index
        %get3A_777 = tpu.vector_load %arg9[%get3A_776] {strides = array<i32>} : memref<4128xi32, #tpu.memory_space<vmem>>, vector<16xi32>,
        %eq3A_778 = arith.cmpi eq, %get3A_773, %gather3A_583 : vector<16xi32>
        %select_n3A_779 = arith.select %eq3A_778, %broadcast_in_dim3A_4, %broadcast_in_dim3A_2 : vector<16xi1>, vector<16xi32>
        %broadcast_in_dim3A_780 = arith.constant true
        %broadcast_in_dim3A_781 = vector.broadcast %broadcast_in_dim3A_780 : i1 to vector<16xi1>
        %masked_cumsum3A = tpu.scan <sum>, %select_n3A_779 masked %broadcast_in_dim3A_781 : vector<16xi32>, vector<16xi1> -> vector<16xi32>
        %add3A_782 = arith.addi %while3A_769, %masked_cumsum3A : vector<16xi32>
        %sub3A_783 = arith.subi %add3A_782, %broadcast_in_dim3A_4 : vector<16xi32>
        %lt3A = arith.cmpi slt, %sub3A_783, %broadcast_in_dim3A_190 : vector<16xi32>
        %and3A_784 = arith.andi %eq3A_778, %lt3A : vector<16xi1>
        %add3A_785 = arith.constant 704 : i32
        %add3A_786 = vector.broadcast %add3A_785 : i32 to vector<16xi32>
        %add3A_787 = arith.addi %sub3A_783, %add3A_786 : vector<16xi32>
        tpu.vector_store_idx %arg11[%add3A_787], %get3A_777 masked %and3A_784 : memref<1024xi32, #tpu.memory_space<vmem>>[vector<16xi32>], vector<16xi32>, vector<16xi1>
        %all_reduce_population_count3A = tpu.all_reduce %eq3A_778 {dim = 0 : i64, kind = #tpu.reduction_kind<sum>} : vector<16xi1> -> vector<16xi32>
        %add3A_788 = arith.addi %while3A_769, %all_reduce_population_count3A : vector<16xi32>
        %min3A = arith.minsi %add3A_788, %broadcast_in_dim3A_190 : vector<16xi32>
        scf.yield %min3A : vector<16xi32>
      }
      %while3A_593 = arith.constant 1 : i32
      %while3A_594 = scf.for %while3A_768 = %while3A_590 to %while3A_586 step %while3A_593 iter_args(%while3A_769 = %while3A_592) -> (vector<16xi32>)  : i32 {
        %mul3A_770 = arith.constant 16 : i32
        %mul3A_771 = arith.muli %while3A_768, %mul3A_770 : i32
        %get3A_772 = arith.index_cast %mul3A_771 : i32 to index
        %get3A_773 = tpu.vector_load %arg10[%get3A_772] {strides = array<i32>} : memref<4128xi32, #tpu.memory_space<vmem>>, vector<16xi32>,
        %mul3A_774 = arith.constant 16 : i32
        %mul3A_775 = arith.muli %while3A_768, %mul3A_774 : i32
        %get3A_776 = arith.index_cast %mul3A_775 : i32 to index
        %get3A_777 = tpu.vector_load %arg9[%get3A_776] {strides = array<i32>} : memref<4128xi32, #tpu.memory_space<vmem>>, vector<16xi32>,
        %eq3A_778 = arith.cmpi eq, %get3A_773, %gather3A_583 : vector<16xi32>
        %select_n3A_779 = arith.select %eq3A_778, %broadcast_in_dim3A_4, %broadcast_in_dim3A_2 : vector<16xi1>, vector<16xi32>
        %broadcast_in_dim3A_780 = arith.constant true
        %broadcast_in_dim3A_781 = vector.broadcast %broadcast_in_dim3A_780 : i1 to vector<16xi1>
        %masked_cumsum3A = tpu.scan <sum>, %select_n3A_779 masked %broadcast_in_dim3A_781 : vector<16xi32>, vector<16xi1> -> vector<16xi32>
        %add3A_782 = arith.addi %while3A_769, %masked_cumsum3A : vector<16xi32>
        %sub3A_783 = arith.subi %add3A_782, %broadcast_in_dim3A_4 : vector<16xi32>
        %lt3A = arith.cmpi slt, %sub3A_783, %broadcast_in_dim3A_190 : vector<16xi32>
        %and3A_784 = arith.andi %eq3A_778, %lt3A : vector<16xi1>
        %add3A_785 = arith.constant 704 : i32
        %add3A_786 = vector.broadcast %add3A_785 : i32 to vector<16xi32>
        %add3A_787 = arith.addi %sub3A_783, %add3A_786 : vector<16xi32>
        tpu.vector_store_idx %arg11[%add3A_787], %get3A_777 masked %and3A_784 : memref<1024xi32, #tpu.memory_space<vmem>>[vector<16xi32>], vector<16xi32>, vector<16xi1>
        %all_reduce_population_count3A = tpu.all_reduce %eq3A_778 {dim = 0 : i64, kind = #tpu.reduction_kind<sum>} : vector<16xi1> -> vector<16xi32>
        %add3A_788 = arith.addi %while3A_769, %all_reduce_population_count3A : vector<16xi32>
        %min3A = arith.minsi %add3A_788, %broadcast_in_dim3A_190 : vector<16xi32>
        scf.yield %min3A : vector<16xi32>
      }
      %broadcast_in_dim3A_595 = arith.constant 11 : i32
      %broadcast_in_dim3A_596 = vector.broadcast %broadcast_in_dim3A_595 : i32 to vector<16xi32>
      %broadcast_in_dim3A_597 = vector.shape_cast %broadcast_in_dim3A_596 : vector<16xi32> to vector<16x1xi32>
      %gather3A_598 = vector.shape_cast %broadcast_in_dim3A_597 : vector<16x1xi32> to vector<16xi32>
      %gather3A_599 = tpu.dynamic_gather %add3A_188[%gather3A_598] in [0] : vector<16xi32>, vector<16xi32> -> vector<16xi32>
      %broadcast_in_dim3A_600 = arith.constant -2147483648 : i32
      %broadcast_in_dim3A_601 = vector.broadcast %broadcast_in_dim3A_600 : i32 to vector<16xi32>
      %broadcast_in_dim3A_602 = arith.constant 0 : i32
      %broadcast_in_dim3A_603 = vector.broadcast %broadcast_in_dim3A_602 : i32 to vector<16xi32>
      %scan3A_604 = arith.constant 0 : i32
      %scan3A_605 = arith.constant 32 : i32
      %scan3A_606 = arith.addi %scan3A_604, %scan3A_605 : i32
      %scan3A_607 = arith.constant 2 : i32
      %scan3A_608:2 = scf.for %scan3A_768 = %scan3A_604 to %scan3A_606 step %scan3A_607 iter_args(%scan3A_769 = %broadcast_in_dim3A_603, %scan3A_770 = %broadcast_in_dim3A_601) -> (vector<16xi32>, vector<16xi32>)  : i32 {
        %or3A = arith.ori %scan3A_769, %scan3A_770 : vector<16xi32>
        %get3A_771 = arith.constant 704 : index
        %get3A_772 = tpu.vector_load %arg11[%get3A_771] {strides = array<i32>} : memref<1024xi32, #tpu.memory_space<vmem>>, vector<16xi32>,
        %bitcast_convert_type3A_773 = tpu.bitcast %get3A_772 : vector<16xi32> -> vector<16xi32>
        %ge3A_774 = arith.cmpi uge, %bitcast_convert_type3A_773, %or3A : vector<16xi32>
        %select_n3A_775 = arith.select %ge3A_774, %broadcast_in_dim3A_4, %broadcast_in_dim3A_2 : vector<16xi1>, vector<16xi32>
        %add3A_776 = arith.addi %broadcast_in_dim3A_2, %select_n3A_775 : vector<16xi32>
        %get3A_777 = arith.constant 720 : index
        %get3A_778 = tpu.vector_load %arg11[%get3A_777] {strides = array<i32>} : memref<1024xi32, #tpu.memory_space<vmem>>, vector<16xi32>,
        %bitcast_convert_type3A_779 = tpu.bitcast %get3A_778 : vector<16xi32> -> vector<16xi32>
        %ge3A_780 = arith.cmpi uge, %bitcast_convert_type3A_779, %or3A : vector<16xi32>
        %select_n3A_781 = arith.select %ge3A_780, %broadcast_in_dim3A_4, %broadcast_in_dim3A_2 : vector<16xi1>, vector<16xi32>
        %add3A_782 = arith.addi %add3A_776, %select_n3A_781 : vector<16xi32>
        %get3A_783 = arith.constant 736 : index
        %get3A_784 = tpu.vector_load %arg11[%get3A_783] {strides = array<i32>} : memref<1024xi32, #tpu.memory_space<vmem>>, vector<16xi32>,
        %bitcast_convert_type3A_785 = tpu.bitcast %get3A_784 : vector<16xi32> -> vector<16xi32>
        %ge3A_786 = arith.cmpi uge, %bitcast_convert_type3A_785, %or3A : vector<16xi32>
        %select_n3A_787 = arith.select %ge3A_786, %broadcast_in_dim3A_4, %broadcast_in_dim3A_2 : vector<16xi1>, vector<16xi32>
        %add3A_788 = arith.addi %add3A_782, %select_n3A_787 : vector<16xi32>
        %get3A_789 = arith.constant 752 : index
        %get3A_790 = tpu.vector_load %arg11[%get3A_789] {strides = array<i32>} : memref<1024xi32, #tpu.memory_space<vmem>>, vector<16xi32>,
        %bitcast_convert_type3A_791 = tpu.bitcast %get3A_790 : vector<16xi32> -> vector<16xi32>
        %ge3A_792 = arith.cmpi uge, %bitcast_convert_type3A_791, %or3A : vector<16xi32>
        %select_n3A_793 = arith.select %ge3A_792, %broadcast_in_dim3A_4, %broadcast_in_dim3A_2 : vector<16xi1>, vector<16xi32>
        %add3A_794 = arith.addi %add3A_788, %select_n3A_793 : vector<16xi32>
        %iota3A_795 = tpu.iota {dimensions = array<i32: 0>} : vector<16xi32>
        %xor3A_796 = arith.constant 1 : i32
        %xor3A_797 = vector.broadcast %xor3A_796 : i32 to vector<16xi32>
        %xor3A_798 = arith.xori %iota3A_795, %xor3A_797 : vector<16xi32>
        %broadcast_in_dim3A_799 = vector.shape_cast %xor3A_798 : vector<16xi32> to vector<16x1xi32>
        %gather3A_800 = vector.shape_cast %broadcast_in_dim3A_799 : vector<16x1xi32> to vector<16xi32>
        %gather3A_801 = tpu.dynamic_gather %add3A_794[%gather3A_800] in [0] : vector<16xi32>, vector<16xi32> -> vector<16xi32>
        %add3A_802 = arith.addi %add3A_794, %gather3A_801 : vector<16xi32>
        %xor3A_803 = arith.constant 2 : i32
        %xor3A_804 = vector.broadcast %xor3A_803 : i32 to vector<16xi32>
        %xor3A_805 = arith.xori %iota3A_795, %xor3A_804 : vector<16xi32>
        %broadcast_in_dim3A_806 = vector.shape_cast %xor3A_805 : vector<16xi32> to vector<16x1xi32>
        %gather3A_807 = vector.shape_cast %broadcast_in_dim3A_806 : vector<16x1xi32> to vector<16xi32>
        %gather3A_808 = tpu.dynamic_gather %add3A_802[%gather3A_807] in [0] : vector<16xi32>, vector<16xi32> -> vector<16xi32>
        %add3A_809 = arith.addi %add3A_802, %gather3A_808 : vector<16xi32>
        %xor3A_810 = arith.constant 4 : i32
        %xor3A_811 = vector.broadcast %xor3A_810 : i32 to vector<16xi32>
        %xor3A_812 = arith.xori %iota3A_795, %xor3A_811 : vector<16xi32>
        %broadcast_in_dim3A_813 = vector.shape_cast %xor3A_812 : vector<16xi32> to vector<16x1xi32>
        %gather3A_814 = vector.shape_cast %broadcast_in_dim3A_813 : vector<16x1xi32> to vector<16xi32>
        %gather3A_815 = tpu.dynamic_gather %add3A_809[%gather3A_814] in [0] : vector<16xi32>, vector<16xi32> -> vector<16xi32>
        %add3A_816 = arith.addi %add3A_809, %gather3A_815 : vector<16xi32>
        %xor3A_817 = arith.constant 8 : i32
        %xor3A_818 = vector.broadcast %xor3A_817 : i32 to vector<16xi32>
        %xor3A_819 = arith.xori %iota3A_795, %xor3A_818 : vector<16xi32>
        %broadcast_in_dim3A_820 = vector.shape_cast %xor3A_819 : vector<16xi32> to vector<16x1xi32>
        %gather3A_821 = vector.shape_cast %broadcast_in_dim3A_820 : vector<16x1xi32> to vector<16xi32>
        %gather3A_822 = tpu.dynamic_gather %add3A_816[%gather3A_821] in [0] : vector<16xi32>, vector<16xi32> -> vector<16xi32>
        %add3A_823 = arith.addi %add3A_816, %gather3A_822 : vector<16xi32>
        %ge3A_824 = arith.cmpi sge, %add3A_823, %gather3A_599 : vector<16xi32>
        %select_n3A_825 = arith.select %ge3A_824, %or3A, %scan3A_769 : vector<16xi1>, vector<16xi32>
        %shift_right_logical3A = arith.shrui %scan3A_770, %broadcast_in_dim3A_194 : vector<16xi32>
        %scan3A_826 = arith.constant 1 : i32
        %scan3A_827 = arith.addi %scan3A_768, %scan3A_826 : i32
        %or3A_828 = arith.ori %select_n3A_825, %shift_right_logical3A : vector<16xi32>
        %get3A_829 = arith.constant 704 : index
        %get3A_830 = tpu.vector_load %arg11[%get3A_829] {strides = array<i32>} : memref<1024xi32, #tpu.memory_space<vmem>>, vector<16xi32>,
        %bitcast_convert_type3A_831 = tpu.bitcast %get3A_830 : vector<16xi32> -> vector<16xi32>
        %ge3A_832 = arith.cmpi uge, %bitcast_convert_type3A_831, %or3A_828 : vector<16xi32>
        %select_n3A_833 = arith.select %ge3A_832, %broadcast_in_dim3A_4, %broadcast_in_dim3A_2 : vector<16xi1>, vector<16xi32>
        %add3A_834 = arith.addi %broadcast_in_dim3A_2, %select_n3A_833 : vector<16xi32>
        %get3A_835 = arith.constant 720 : index
        %get3A_836 = tpu.vector_load %arg11[%get3A_835] {strides = array<i32>} : memref<1024xi32, #tpu.memory_space<vmem>>, vector<16xi32>,
        %bitcast_convert_type3A_837 = tpu.bitcast %get3A_836 : vector<16xi32> -> vector<16xi32>
        %ge3A_838 = arith.cmpi uge, %bitcast_convert_type3A_837, %or3A_828 : vector<16xi32>
        %select_n3A_839 = arith.select %ge3A_838, %broadcast_in_dim3A_4, %broadcast_in_dim3A_2 : vector<16xi1>, vector<16xi32>
        %add3A_840 = arith.addi %add3A_834, %select_n3A_839 : vector<16xi32>
        %get3A_841 = arith.constant 736 : index
        %get3A_842 = tpu.vector_load %arg11[%get3A_841] {strides = array<i32>} : memref<1024xi32, #tpu.memory_space<vmem>>, vector<16xi32>,
        %bitcast_convert_type3A_843 = tpu.bitcast %get3A_842 : vector<16xi32> -> vector<16xi32>
        %ge3A_844 = arith.cmpi uge, %bitcast_convert_type3A_843, %or3A_828 : vector<16xi32>
        %select_n3A_845 = arith.select %ge3A_844, %broadcast_in_dim3A_4, %broadcast_in_dim3A_2 : vector<16xi1>, vector<16xi32>
        %add3A_846 = arith.addi %add3A_840, %select_n3A_845 : vector<16xi32>
        %get3A_847 = arith.constant 752 : index
        %get3A_848 = tpu.vector_load %arg11[%get3A_847] {strides = array<i32>} : memref<1024xi32, #tpu.memory_space<vmem>>, vector<16xi32>,
        %bitcast_convert_type3A_849 = tpu.bitcast %get3A_848 : vector<16xi32> -> vector<16xi32>
        %ge3A_850 = arith.cmpi uge, %bitcast_convert_type3A_849, %or3A_828 : vector<16xi32>
        %select_n3A_851 = arith.select %ge3A_850, %broadcast_in_dim3A_4, %broadcast_in_dim3A_2 : vector<16xi1>, vector<16xi32>
        %add3A_852 = arith.addi %add3A_846, %select_n3A_851 : vector<16xi32>
        %iota3A_853 = tpu.iota {dimensions = array<i32: 0>} : vector<16xi32>
        %xor3A_854 = arith.constant 1 : i32
        %xor3A_855 = vector.broadcast %xor3A_854 : i32 to vector<16xi32>
        %xor3A_856 = arith.xori %iota3A_853, %xor3A_855 : vector<16xi32>
        %broadcast_in_dim3A_857 = vector.shape_cast %xor3A_856 : vector<16xi32> to vector<16x1xi32>
        %gather3A_858 = vector.shape_cast %broadcast_in_dim3A_857 : vector<16x1xi32> to vector<16xi32>
        %gather3A_859 = tpu.dynamic_gather %add3A_852[%gather3A_858] in [0] : vector<16xi32>, vector<16xi32> -> vector<16xi32>
        %add3A_860 = arith.addi %add3A_852, %gather3A_859 : vector<16xi32>
        %xor3A_861 = arith.constant 2 : i32
        %xor3A_862 = vector.broadcast %xor3A_861 : i32 to vector<16xi32>
        %xor3A_863 = arith.xori %iota3A_853, %xor3A_862 : vector<16xi32>
        %broadcast_in_dim3A_864 = vector.shape_cast %xor3A_863 : vector<16xi32> to vector<16x1xi32>
        %gather3A_865 = vector.shape_cast %broadcast_in_dim3A_864 : vector<16x1xi32> to vector<16xi32>
        %gather3A_866 = tpu.dynamic_gather %add3A_860[%gather3A_865] in [0] : vector<16xi32>, vector<16xi32> -> vector<16xi32>
        %add3A_867 = arith.addi %add3A_860, %gather3A_866 : vector<16xi32>
        %xor3A_868 = arith.constant 4 : i32
        %xor3A_869 = vector.broadcast %xor3A_868 : i32 to vector<16xi32>
        %xor3A_870 = arith.xori %iota3A_853, %xor3A_869 : vector<16xi32>
        %broadcast_in_dim3A_871 = vector.shape_cast %xor3A_870 : vector<16xi32> to vector<16x1xi32>
        %gather3A_872 = vector.shape_cast %broadcast_in_dim3A_871 : vector<16x1xi32> to vector<16xi32>
        %gather3A_873 = tpu.dynamic_gather %add3A_867[%gather3A_872] in [0] : vector<16xi32>, vector<16xi32> -> vector<16xi32>
        %add3A_874 = arith.addi %add3A_867, %gather3A_873 : vector<16xi32>
        %xor3A_875 = arith.constant 8 : i32
        %xor3A_876 = vector.broadcast %xor3A_875 : i32 to vector<16xi32>
        %xor3A_877 = arith.xori %iota3A_853, %xor3A_876 : vector<16xi32>
        %broadcast_in_dim3A_878 = vector.shape_cast %xor3A_877 : vector<16xi32> to vector<16x1xi32>
        %gather3A_879 = vector.shape_cast %broadcast_in_dim3A_878 : vector<16x1xi32> to vector<16xi32>
        %gather3A_880 = tpu.dynamic_gather %add3A_874[%gather3A_879] in [0] : vector<16xi32>, vector<16xi32> -> vector<16xi32>
        %add3A_881 = arith.addi %add3A_874, %gather3A_880 : vector<16xi32>
        %ge3A_882 = arith.cmpi sge, %add3A_881, %gather3A_599 : vector<16xi32>
        %select_n3A_883 = arith.select %ge3A_882, %or3A_828, %select_n3A_825 : vector<16xi1>, vector<16xi32>
        %shift_right_logical3A_884 = arith.shrui %shift_right_logical3A, %broadcast_in_dim3A_194 : vector<16xi32>
        scf.yield %select_n3A_883, %shift_right_logical3A_884 : vector<16xi32>, vector<16xi32>
      }
      %scan3A_609 = arith.constant 32 : i32
      %eq3A_610 = arith.constant 11 : i32
      %eq3A_611 = vector.broadcast %eq3A_610 : i32 to vector<16xi32>
      %eq3A_612 = arith.cmpi eq, %iota3A, %eq3A_611 : vector<16xi32>
      %select_n3A_613 = arith.select %eq3A_612, %scan3A_608#0, %select_n3A_578 : vector<16xi1>, vector<16xi32>
      %broadcast_in_dim3A_614 = arith.constant 12 : i32
      %broadcast_in_dim3A_615 = vector.broadcast %broadcast_in_dim3A_614 : i32 to vector<16xi32>
      %broadcast_in_dim3A_616 = vector.shape_cast %broadcast_in_dim3A_615 : vector<16xi32> to vector<16x1xi32>
      %gather3A_617 = vector.shape_cast %broadcast_in_dim3A_616 : vector<16x1xi32> to vector<16xi32>
      %gather3A_618 = tpu.dynamic_gather %scan3A_136#0[%gather3A_617] in [0] : vector<16xi32>, vector<16xi32> -> vector<16xi32>
      %while3A_619 = arith.constant 0 : i32
      %while3A_620 = arith.subi %select_n3A_179, %while3A_619 : i32
      %while3A_621 = arith.addi %while3A_619, %while3A_620 : i32
      %while3A_622 = arith.constant 1 : i32
      %while3A_623 = arith.divsi %while3A_620, %while3A_622 : i32
      %while3A_624 = arith.muli %while3A_623, %while3A_622 : i32
      %while3A_625 = arith.addi %while3A_619, %while3A_624 : i32
      %while3A_626 = arith.constant 1 : i32
      %while3A_627 = scf.for %while3A_768 = %while3A_619 to %while3A_625 step %while3A_626 iter_args(%while3A_769 = %broadcast_in_dim3A_2) -> (vector<16xi32>)  : i32 {
        %mul3A_770 = arith.constant 16 : i32
        %mul3A_771 = arith.muli %while3A_768, %mul3A_770 : i32
        %get3A_772 = arith.index_cast %mul3A_771 : i32 to index
        %get3A_773 = tpu.vector_load %arg10[%get3A_772] {strides = array<i32>} : memref<4128xi32, #tpu.memory_space<vmem>>, vector<16xi32>,
        %mul3A_774 = arith.constant 16 : i32
        %mul3A_775 = arith.muli %while3A_768, %mul3A_774 : i32
        %get3A_776 = arith.index_cast %mul3A_775 : i32 to index
        %get3A_777 = tpu.vector_load %arg9[%get3A_776] {strides = array<i32>} : memref<4128xi32, #tpu.memory_space<vmem>>, vector<16xi32>,
        %eq3A_778 = arith.cmpi eq, %get3A_773, %gather3A_618 : vector<16xi32>
        %select_n3A_779 = arith.select %eq3A_778, %broadcast_in_dim3A_4, %broadcast_in_dim3A_2 : vector<16xi1>, vector<16xi32>
        %broadcast_in_dim3A_780 = arith.constant true
        %broadcast_in_dim3A_781 = vector.broadcast %broadcast_in_dim3A_780 : i1 to vector<16xi1>
        %masked_cumsum3A = tpu.scan <sum>, %select_n3A_779 masked %broadcast_in_dim3A_781 : vector<16xi32>, vector<16xi1> -> vector<16xi32>
        %add3A_782 = arith.addi %while3A_769, %masked_cumsum3A : vector<16xi32>
        %sub3A_783 = arith.subi %add3A_782, %broadcast_in_dim3A_4 : vector<16xi32>
        %lt3A = arith.cmpi slt, %sub3A_783, %broadcast_in_dim3A_190 : vector<16xi32>
        %and3A_784 = arith.andi %eq3A_778, %lt3A : vector<16xi1>
        %add3A_785 = arith.constant 768 : i32
        %add3A_786 = vector.broadcast %add3A_785 : i32 to vector<16xi32>
        %add3A_787 = arith.addi %sub3A_783, %add3A_786 : vector<16xi32>
        tpu.vector_store_idx %arg11[%add3A_787], %get3A_777 masked %and3A_784 : memref<1024xi32, #tpu.memory_space<vmem>>[vector<16xi32>], vector<16xi32>, vector<16xi1>
        %all_reduce_population_count3A = tpu.all_reduce %eq3A_778 {dim = 0 : i64, kind = #tpu.reduction_kind<sum>} : vector<16xi1> -> vector<16xi32>
        %add3A_788 = arith.addi %while3A_769, %all_reduce_population_count3A : vector<16xi32>
        %min3A = arith.minsi %add3A_788, %broadcast_in_dim3A_190 : vector<16xi32>
        scf.yield %min3A : vector<16xi32>
      }
      %while3A_628 = arith.constant 1 : i32
      %while3A_629 = scf.for %while3A_768 = %while3A_625 to %while3A_621 step %while3A_628 iter_args(%while3A_769 = %while3A_627) -> (vector<16xi32>)  : i32 {
        %mul3A_770 = arith.constant 16 : i32
        %mul3A_771 = arith.muli %while3A_768, %mul3A_770 : i32
        %get3A_772 = arith.index_cast %mul3A_771 : i32 to index
        %get3A_773 = tpu.vector_load %arg10[%get3A_772] {strides = array<i32>} : memref<4128xi32, #tpu.memory_space<vmem>>, vector<16xi32>,
        %mul3A_774 = arith.constant 16 : i32
        %mul3A_775 = arith.muli %while3A_768, %mul3A_774 : i32
        %get3A_776 = arith.index_cast %mul3A_775 : i32 to index
        %get3A_777 = tpu.vector_load %arg9[%get3A_776] {strides = array<i32>} : memref<4128xi32, #tpu.memory_space<vmem>>, vector<16xi32>,
        %eq3A_778 = arith.cmpi eq, %get3A_773, %gather3A_618 : vector<16xi32>
        %select_n3A_779 = arith.select %eq3A_778, %broadcast_in_dim3A_4, %broadcast_in_dim3A_2 : vector<16xi1>, vector<16xi32>
        %broadcast_in_dim3A_780 = arith.constant true
        %broadcast_in_dim3A_781 = vector.broadcast %broadcast_in_dim3A_780 : i1 to vector<16xi1>
        %masked_cumsum3A = tpu.scan <sum>, %select_n3A_779 masked %broadcast_in_dim3A_781 : vector<16xi32>, vector<16xi1> -> vector<16xi32>
        %add3A_782 = arith.addi %while3A_769, %masked_cumsum3A : vector<16xi32>
        %sub3A_783 = arith.subi %add3A_782, %broadcast_in_dim3A_4 : vector<16xi32>
        %lt3A = arith.cmpi slt, %sub3A_783, %broadcast_in_dim3A_190 : vector<16xi32>
        %and3A_784 = arith.andi %eq3A_778, %lt3A : vector<16xi1>
        %add3A_785 = arith.constant 768 : i32
        %add3A_786 = vector.broadcast %add3A_785 : i32 to vector<16xi32>
        %add3A_787 = arith.addi %sub3A_783, %add3A_786 : vector<16xi32>
        tpu.vector_store_idx %arg11[%add3A_787], %get3A_777 masked %and3A_784 : memref<1024xi32, #tpu.memory_space<vmem>>[vector<16xi32>], vector<16xi32>, vector<16xi1>
        %all_reduce_population_count3A = tpu.all_reduce %eq3A_778 {dim = 0 : i64, kind = #tpu.reduction_kind<sum>} : vector<16xi1> -> vector<16xi32>
        %add3A_788 = arith.addi %while3A_769, %all_reduce_population_count3A : vector<16xi32>
        %min3A = arith.minsi %add3A_788, %broadcast_in_dim3A_190 : vector<16xi32>
        scf.yield %min3A : vector<16xi32>
      }
      %broadcast_in_dim3A_630 = arith.constant 12 : i32
      %broadcast_in_dim3A_631 = vector.broadcast %broadcast_in_dim3A_630 : i32 to vector<16xi32>
      %broadcast_in_dim3A_632 = vector.shape_cast %broadcast_in_dim3A_631 : vector<16xi32> to vector<16x1xi32>
      %gather3A_633 = vector.shape_cast %broadcast_in_dim3A_632 : vector<16x1xi32> to vector<16xi32>
      %gather3A_634 = tpu.dynamic_gather %add3A_188[%gather3A_633] in [0] : vector<16xi32>, vector<16xi32> -> vector<16xi32>
      %broadcast_in_dim3A_635 = arith.constant -2147483648 : i32
      %broadcast_in_dim3A_636 = vector.broadcast %broadcast_in_dim3A_635 : i32 to vector<16xi32>
      %broadcast_in_dim3A_637 = arith.constant 0 : i32
      %broadcast_in_dim3A_638 = vector.broadcast %broadcast_in_dim3A_637 : i32 to vector<16xi32>
      %scan3A_639 = arith.constant 0 : i32
      %scan3A_640 = arith.constant 32 : i32
      %scan3A_641 = arith.addi %scan3A_639, %scan3A_640 : i32
      %scan3A_642 = arith.constant 2 : i32
      %scan3A_643:2 = scf.for %scan3A_768 = %scan3A_639 to %scan3A_641 step %scan3A_642 iter_args(%scan3A_769 = %broadcast_in_dim3A_638, %scan3A_770 = %broadcast_in_dim3A_636) -> (vector<16xi32>, vector<16xi32>)  : i32 {
        %or3A = arith.ori %scan3A_769, %scan3A_770 : vector<16xi32>
        %get3A_771 = arith.constant 768 : index
        %get3A_772 = tpu.vector_load %arg11[%get3A_771] {strides = array<i32>} : memref<1024xi32, #tpu.memory_space<vmem>>, vector<16xi32>,
        %bitcast_convert_type3A_773 = tpu.bitcast %get3A_772 : vector<16xi32> -> vector<16xi32>
        %ge3A_774 = arith.cmpi uge, %bitcast_convert_type3A_773, %or3A : vector<16xi32>
        %select_n3A_775 = arith.select %ge3A_774, %broadcast_in_dim3A_4, %broadcast_in_dim3A_2 : vector<16xi1>, vector<16xi32>
        %add3A_776 = arith.addi %broadcast_in_dim3A_2, %select_n3A_775 : vector<16xi32>
        %get3A_777 = arith.constant 784 : index
        %get3A_778 = tpu.vector_load %arg11[%get3A_777] {strides = array<i32>} : memref<1024xi32, #tpu.memory_space<vmem>>, vector<16xi32>,
        %bitcast_convert_type3A_779 = tpu.bitcast %get3A_778 : vector<16xi32> -> vector<16xi32>
        %ge3A_780 = arith.cmpi uge, %bitcast_convert_type3A_779, %or3A : vector<16xi32>
        %select_n3A_781 = arith.select %ge3A_780, %broadcast_in_dim3A_4, %broadcast_in_dim3A_2 : vector<16xi1>, vector<16xi32>
        %add3A_782 = arith.addi %add3A_776, %select_n3A_781 : vector<16xi32>
        %get3A_783 = arith.constant 800 : index
        %get3A_784 = tpu.vector_load %arg11[%get3A_783] {strides = array<i32>} : memref<1024xi32, #tpu.memory_space<vmem>>, vector<16xi32>,
        %bitcast_convert_type3A_785 = tpu.bitcast %get3A_784 : vector<16xi32> -> vector<16xi32>
        %ge3A_786 = arith.cmpi uge, %bitcast_convert_type3A_785, %or3A : vector<16xi32>
        %select_n3A_787 = arith.select %ge3A_786, %broadcast_in_dim3A_4, %broadcast_in_dim3A_2 : vector<16xi1>, vector<16xi32>
        %add3A_788 = arith.addi %add3A_782, %select_n3A_787 : vector<16xi32>
        %get3A_789 = arith.constant 816 : index
        %get3A_790 = tpu.vector_load %arg11[%get3A_789] {strides = array<i32>} : memref<1024xi32, #tpu.memory_space<vmem>>, vector<16xi32>,
        %bitcast_convert_type3A_791 = tpu.bitcast %get3A_790 : vector<16xi32> -> vector<16xi32>
        %ge3A_792 = arith.cmpi uge, %bitcast_convert_type3A_791, %or3A : vector<16xi32>
        %select_n3A_793 = arith.select %ge3A_792, %broadcast_in_dim3A_4, %broadcast_in_dim3A_2 : vector<16xi1>, vector<16xi32>
        %add3A_794 = arith.addi %add3A_788, %select_n3A_793 : vector<16xi32>
        %iota3A_795 = tpu.iota {dimensions = array<i32: 0>} : vector<16xi32>
        %xor3A_796 = arith.constant 1 : i32
        %xor3A_797 = vector.broadcast %xor3A_796 : i32 to vector<16xi32>
        %xor3A_798 = arith.xori %iota3A_795, %xor3A_797 : vector<16xi32>
        %broadcast_in_dim3A_799 = vector.shape_cast %xor3A_798 : vector<16xi32> to vector<16x1xi32>
        %gather3A_800 = vector.shape_cast %broadcast_in_dim3A_799 : vector<16x1xi32> to vector<16xi32>
        %gather3A_801 = tpu.dynamic_gather %add3A_794[%gather3A_800] in [0] : vector<16xi32>, vector<16xi32> -> vector<16xi32>
        %add3A_802 = arith.addi %add3A_794, %gather3A_801 : vector<16xi32>
        %xor3A_803 = arith.constant 2 : i32
        %xor3A_804 = vector.broadcast %xor3A_803 : i32 to vector<16xi32>
        %xor3A_805 = arith.xori %iota3A_795, %xor3A_804 : vector<16xi32>
        %broadcast_in_dim3A_806 = vector.shape_cast %xor3A_805 : vector<16xi32> to vector<16x1xi32>
        %gather3A_807 = vector.shape_cast %broadcast_in_dim3A_806 : vector<16x1xi32> to vector<16xi32>
        %gather3A_808 = tpu.dynamic_gather %add3A_802[%gather3A_807] in [0] : vector<16xi32>, vector<16xi32> -> vector<16xi32>
        %add3A_809 = arith.addi %add3A_802, %gather3A_808 : vector<16xi32>
        %xor3A_810 = arith.constant 4 : i32
        %xor3A_811 = vector.broadcast %xor3A_810 : i32 to vector<16xi32>
        %xor3A_812 = arith.xori %iota3A_795, %xor3A_811 : vector<16xi32>
        %broadcast_in_dim3A_813 = vector.shape_cast %xor3A_812 : vector<16xi32> to vector<16x1xi32>
        %gather3A_814 = vector.shape_cast %broadcast_in_dim3A_813 : vector<16x1xi32> to vector<16xi32>
        %gather3A_815 = tpu.dynamic_gather %add3A_809[%gather3A_814] in [0] : vector<16xi32>, vector<16xi32> -> vector<16xi32>
        %add3A_816 = arith.addi %add3A_809, %gather3A_815 : vector<16xi32>
        %xor3A_817 = arith.constant 8 : i32
        %xor3A_818 = vector.broadcast %xor3A_817 : i32 to vector<16xi32>
        %xor3A_819 = arith.xori %iota3A_795, %xor3A_818 : vector<16xi32>
        %broadcast_in_dim3A_820 = vector.shape_cast %xor3A_819 : vector<16xi32> to vector<16x1xi32>
        %gather3A_821 = vector.shape_cast %broadcast_in_dim3A_820 : vector<16x1xi32> to vector<16xi32>
        %gather3A_822 = tpu.dynamic_gather %add3A_816[%gather3A_821] in [0] : vector<16xi32>, vector<16xi32> -> vector<16xi32>
        %add3A_823 = arith.addi %add3A_816, %gather3A_822 : vector<16xi32>
        %ge3A_824 = arith.cmpi sge, %add3A_823, %gather3A_634 : vector<16xi32>
        %select_n3A_825 = arith.select %ge3A_824, %or3A, %scan3A_769 : vector<16xi1>, vector<16xi32>
        %shift_right_logical3A = arith.shrui %scan3A_770, %broadcast_in_dim3A_194 : vector<16xi32>
        %scan3A_826 = arith.constant 1 : i32
        %scan3A_827 = arith.addi %scan3A_768, %scan3A_826 : i32
        %or3A_828 = arith.ori %select_n3A_825, %shift_right_logical3A : vector<16xi32>
        %get3A_829 = arith.constant 768 : index
        %get3A_830 = tpu.vector_load %arg11[%get3A_829] {strides = array<i32>} : memref<1024xi32, #tpu.memory_space<vmem>>, vector<16xi32>,
        %bitcast_convert_type3A_831 = tpu.bitcast %get3A_830 : vector<16xi32> -> vector<16xi32>
        %ge3A_832 = arith.cmpi uge, %bitcast_convert_type3A_831, %or3A_828 : vector<16xi32>
        %select_n3A_833 = arith.select %ge3A_832, %broadcast_in_dim3A_4, %broadcast_in_dim3A_2 : vector<16xi1>, vector<16xi32>
        %add3A_834 = arith.addi %broadcast_in_dim3A_2, %select_n3A_833 : vector<16xi32>
        %get3A_835 = arith.constant 784 : index
        %get3A_836 = tpu.vector_load %arg11[%get3A_835] {strides = array<i32>} : memref<1024xi32, #tpu.memory_space<vmem>>, vector<16xi32>,
        %bitcast_convert_type3A_837 = tpu.bitcast %get3A_836 : vector<16xi32> -> vector<16xi32>
        %ge3A_838 = arith.cmpi uge, %bitcast_convert_type3A_837, %or3A_828 : vector<16xi32>
        %select_n3A_839 = arith.select %ge3A_838, %broadcast_in_dim3A_4, %broadcast_in_dim3A_2 : vector<16xi1>, vector<16xi32>
        %add3A_840 = arith.addi %add3A_834, %select_n3A_839 : vector<16xi32>
        %get3A_841 = arith.constant 800 : index
        %get3A_842 = tpu.vector_load %arg11[%get3A_841] {strides = array<i32>} : memref<1024xi32, #tpu.memory_space<vmem>>, vector<16xi32>,
        %bitcast_convert_type3A_843 = tpu.bitcast %get3A_842 : vector<16xi32> -> vector<16xi32>
        %ge3A_844 = arith.cmpi uge, %bitcast_convert_type3A_843, %or3A_828 : vector<16xi32>
        %select_n3A_845 = arith.select %ge3A_844, %broadcast_in_dim3A_4, %broadcast_in_dim3A_2 : vector<16xi1>, vector<16xi32>
        %add3A_846 = arith.addi %add3A_840, %select_n3A_845 : vector<16xi32>
        %get3A_847 = arith.constant 816 : index
        %get3A_848 = tpu.vector_load %arg11[%get3A_847] {strides = array<i32>} : memref<1024xi32, #tpu.memory_space<vmem>>, vector<16xi32>,
        %bitcast_convert_type3A_849 = tpu.bitcast %get3A_848 : vector<16xi32> -> vector<16xi32>
        %ge3A_850 = arith.cmpi uge, %bitcast_convert_type3A_849, %or3A_828 : vector<16xi32>
        %select_n3A_851 = arith.select %ge3A_850, %broadcast_in_dim3A_4, %broadcast_in_dim3A_2 : vector<16xi1>, vector<16xi32>
        %add3A_852 = arith.addi %add3A_846, %select_n3A_851 : vector<16xi32>
        %iota3A_853 = tpu.iota {dimensions = array<i32: 0>} : vector<16xi32>
        %xor3A_854 = arith.constant 1 : i32
        %xor3A_855 = vector.broadcast %xor3A_854 : i32 to vector<16xi32>
        %xor3A_856 = arith.xori %iota3A_853, %xor3A_855 : vector<16xi32>
        %broadcast_in_dim3A_857 = vector.shape_cast %xor3A_856 : vector<16xi32> to vector<16x1xi32>
        %gather3A_858 = vector.shape_cast %broadcast_in_dim3A_857 : vector<16x1xi32> to vector<16xi32>
        %gather3A_859 = tpu.dynamic_gather %add3A_852[%gather3A_858] in [0] : vector<16xi32>, vector<16xi32> -> vector<16xi32>
        %add3A_860 = arith.addi %add3A_852, %gather3A_859 : vector<16xi32>
        %xor3A_861 = arith.constant 2 : i32
        %xor3A_862 = vector.broadcast %xor3A_861 : i32 to vector<16xi32>
        %xor3A_863 = arith.xori %iota3A_853, %xor3A_862 : vector<16xi32>
        %broadcast_in_dim3A_864 = vector.shape_cast %xor3A_863 : vector<16xi32> to vector<16x1xi32>
        %gather3A_865 = vector.shape_cast %broadcast_in_dim3A_864 : vector<16x1xi32> to vector<16xi32>
        %gather3A_866 = tpu.dynamic_gather %add3A_860[%gather3A_865] in [0] : vector<16xi32>, vector<16xi32> -> vector<16xi32>
        %add3A_867 = arith.addi %add3A_860, %gather3A_866 : vector<16xi32>
        %xor3A_868 = arith.constant 4 : i32
        %xor3A_869 = vector.broadcast %xor3A_868 : i32 to vector<16xi32>
        %xor3A_870 = arith.xori %iota3A_853, %xor3A_869 : vector<16xi32>
        %broadcast_in_dim3A_871 = vector.shape_cast %xor3A_870 : vector<16xi32> to vector<16x1xi32>
        %gather3A_872 = vector.shape_cast %broadcast_in_dim3A_871 : vector<16x1xi32> to vector<16xi32>
        %gather3A_873 = tpu.dynamic_gather %add3A_867[%gather3A_872] in [0] : vector<16xi32>, vector<16xi32> -> vector<16xi32>
        %add3A_874 = arith.addi %add3A_867, %gather3A_873 : vector<16xi32>
        %xor3A_875 = arith.constant 8 : i32
        %xor3A_876 = vector.broadcast %xor3A_875 : i32 to vector<16xi32>
        %xor3A_877 = arith.xori %iota3A_853, %xor3A_876 : vector<16xi32>
        %broadcast_in_dim3A_878 = vector.shape_cast %xor3A_877 : vector<16xi32> to vector<16x1xi32>
        %gather3A_879 = vector.shape_cast %broadcast_in_dim3A_878 : vector<16x1xi32> to vector<16xi32>
        %gather3A_880 = tpu.dynamic_gather %add3A_874[%gather3A_879] in [0] : vector<16xi32>, vector<16xi32> -> vector<16xi32>
        %add3A_881 = arith.addi %add3A_874, %gather3A_880 : vector<16xi32>
        %ge3A_882 = arith.cmpi sge, %add3A_881, %gather3A_634 : vector<16xi32>
        %select_n3A_883 = arith.select %ge3A_882, %or3A_828, %select_n3A_825 : vector<16xi1>, vector<16xi32>
        %shift_right_logical3A_884 = arith.shrui %shift_right_logical3A, %broadcast_in_dim3A_194 : vector<16xi32>
        scf.yield %select_n3A_883, %shift_right_logical3A_884 : vector<16xi32>, vector<16xi32>
      }
      %scan3A_644 = arith.constant 32 : i32
      %eq3A_645 = arith.constant 12 : i32
      %eq3A_646 = vector.broadcast %eq3A_645 : i32 to vector<16xi32>
      %eq3A_647 = arith.cmpi eq, %iota3A, %eq3A_646 : vector<16xi32>
      %select_n3A_648 = arith.select %eq3A_647, %scan3A_643#0, %select_n3A_613 : vector<16xi1>, vector<16xi32>
      %broadcast_in_dim3A_649 = arith.constant 13 : i32
      %broadcast_in_dim3A_650 = vector.broadcast %broadcast_in_dim3A_649 : i32 to vector<16xi32>
      %broadcast_in_dim3A_651 = vector.shape_cast %broadcast_in_dim3A_650 : vector<16xi32> to vector<16x1xi32>
      %gather3A_652 = vector.shape_cast %broadcast_in_dim3A_651 : vector<16x1xi32> to vector<16xi32>
      %gather3A_653 = tpu.dynamic_gather %scan3A_136#0[%gather3A_652] in [0] : vector<16xi32>, vector<16xi32> -> vector<16xi32>
      %while3A_654 = arith.constant 0 : i32
      %while3A_655 = arith.subi %select_n3A_179, %while3A_654 : i32
      %while3A_656 = arith.addi %while3A_654, %while3A_655 : i32
      %while3A_657 = arith.constant 1 : i32
      %while3A_658 = arith.divsi %while3A_655, %while3A_657 : i32
      %while3A_659 = arith.muli %while3A_658, %while3A_657 : i32
      %while3A_660 = arith.addi %while3A_654, %while3A_659 : i32
      %while3A_661 = arith.constant 1 : i32
      %while3A_662 = scf.for %while3A_768 = %while3A_654 to %while3A_660 step %while3A_661 iter_args(%while3A_769 = %broadcast_in_dim3A_2) -> (vector<16xi32>)  : i32 {
        %mul3A_770 = arith.constant 16 : i32
        %mul3A_771 = arith.muli %while3A_768, %mul3A_770 : i32
        %get3A_772 = arith.index_cast %mul3A_771 : i32 to index
        %get3A_773 = tpu.vector_load %arg10[%get3A_772] {strides = array<i32>} : memref<4128xi32, #tpu.memory_space<vmem>>, vector<16xi32>,
        %mul3A_774 = arith.constant 16 : i32
        %mul3A_775 = arith.muli %while3A_768, %mul3A_774 : i32
        %get3A_776 = arith.index_cast %mul3A_775 : i32 to index
        %get3A_777 = tpu.vector_load %arg9[%get3A_776] {strides = array<i32>} : memref<4128xi32, #tpu.memory_space<vmem>>, vector<16xi32>,
        %eq3A_778 = arith.cmpi eq, %get3A_773, %gather3A_653 : vector<16xi32>
        %select_n3A_779 = arith.select %eq3A_778, %broadcast_in_dim3A_4, %broadcast_in_dim3A_2 : vector<16xi1>, vector<16xi32>
        %broadcast_in_dim3A_780 = arith.constant true
        %broadcast_in_dim3A_781 = vector.broadcast %broadcast_in_dim3A_780 : i1 to vector<16xi1>
        %masked_cumsum3A = tpu.scan <sum>, %select_n3A_779 masked %broadcast_in_dim3A_781 : vector<16xi32>, vector<16xi1> -> vector<16xi32>
        %add3A_782 = arith.addi %while3A_769, %masked_cumsum3A : vector<16xi32>
        %sub3A_783 = arith.subi %add3A_782, %broadcast_in_dim3A_4 : vector<16xi32>
        %lt3A = arith.cmpi slt, %sub3A_783, %broadcast_in_dim3A_190 : vector<16xi32>
        %and3A_784 = arith.andi %eq3A_778, %lt3A : vector<16xi1>
        %add3A_785 = arith.constant 832 : i32
        %add3A_786 = vector.broadcast %add3A_785 : i32 to vector<16xi32>
        %add3A_787 = arith.addi %sub3A_783, %add3A_786 : vector<16xi32>
        tpu.vector_store_idx %arg11[%add3A_787], %get3A_777 masked %and3A_784 : memref<1024xi32, #tpu.memory_space<vmem>>[vector<16xi32>], vector<16xi32>, vector<16xi1>
        %all_reduce_population_count3A = tpu.all_reduce %eq3A_778 {dim = 0 : i64, kind = #tpu.reduction_kind<sum>} : vector<16xi1> -> vector<16xi32>
        %add3A_788 = arith.addi %while3A_769, %all_reduce_population_count3A : vector<16xi32>
        %min3A = arith.minsi %add3A_788, %broadcast_in_dim3A_190 : vector<16xi32>
        scf.yield %min3A : vector<16xi32>
      }
      %while3A_663 = arith.constant 1 : i32
      %while3A_664 = scf.for %while3A_768 = %while3A_660 to %while3A_656 step %while3A_663 iter_args(%while3A_769 = %while3A_662) -> (vector<16xi32>)  : i32 {
        %mul3A_770 = arith.constant 16 : i32
        %mul3A_771 = arith.muli %while3A_768, %mul3A_770 : i32
        %get3A_772 = arith.index_cast %mul3A_771 : i32 to index
        %get3A_773 = tpu.vector_load %arg10[%get3A_772] {strides = array<i32>} : memref<4128xi32, #tpu.memory_space<vmem>>, vector<16xi32>,
        %mul3A_774 = arith.constant 16 : i32
        %mul3A_775 = arith.muli %while3A_768, %mul3A_774 : i32
        %get3A_776 = arith.index_cast %mul3A_775 : i32 to index
        %get3A_777 = tpu.vector_load %arg9[%get3A_776] {strides = array<i32>} : memref<4128xi32, #tpu.memory_space<vmem>>, vector<16xi32>,
        %eq3A_778 = arith.cmpi eq, %get3A_773, %gather3A_653 : vector<16xi32>
        %select_n3A_779 = arith.select %eq3A_778, %broadcast_in_dim3A_4, %broadcast_in_dim3A_2 : vector<16xi1>, vector<16xi32>
        %broadcast_in_dim3A_780 = arith.constant true
        %broadcast_in_dim3A_781 = vector.broadcast %broadcast_in_dim3A_780 : i1 to vector<16xi1>
        %masked_cumsum3A = tpu.scan <sum>, %select_n3A_779 masked %broadcast_in_dim3A_781 : vector<16xi32>, vector<16xi1> -> vector<16xi32>
        %add3A_782 = arith.addi %while3A_769, %masked_cumsum3A : vector<16xi32>
        %sub3A_783 = arith.subi %add3A_782, %broadcast_in_dim3A_4 : vector<16xi32>
        %lt3A = arith.cmpi slt, %sub3A_783, %broadcast_in_dim3A_190 : vector<16xi32>
        %and3A_784 = arith.andi %eq3A_778, %lt3A : vector<16xi1>
        %add3A_785 = arith.constant 832 : i32
        %add3A_786 = vector.broadcast %add3A_785 : i32 to vector<16xi32>
        %add3A_787 = arith.addi %sub3A_783, %add3A_786 : vector<16xi32>
        tpu.vector_store_idx %arg11[%add3A_787], %get3A_777 masked %and3A_784 : memref<1024xi32, #tpu.memory_space<vmem>>[vector<16xi32>], vector<16xi32>, vector<16xi1>
        %all_reduce_population_count3A = tpu.all_reduce %eq3A_778 {dim = 0 : i64, kind = #tpu.reduction_kind<sum>} : vector<16xi1> -> vector<16xi32>
        %add3A_788 = arith.addi %while3A_769, %all_reduce_population_count3A : vector<16xi32>
        %min3A = arith.minsi %add3A_788, %broadcast_in_dim3A_190 : vector<16xi32>
        scf.yield %min3A : vector<16xi32>
      }
      %broadcast_in_dim3A_665 = arith.constant 13 : i32
      %broadcast_in_dim3A_666 = vector.broadcast %broadcast_in_dim3A_665 : i32 to vector<16xi32>
      %broadcast_in_dim3A_667 = vector.shape_cast %broadcast_in_dim3A_666 : vector<16xi32> to vector<16x1xi32>
      %gather3A_668 = vector.shape_cast %broadcast_in_dim3A_667 : vector<16x1xi32> to vector<16xi32>
      %gather3A_669 = tpu.dynamic_gather %add3A_188[%gather3A_668] in [0] : vector<16xi32>, vector<16xi32> -> vector<16xi32>
      %broadcast_in_dim3A_670 = arith.constant -2147483648 : i32
      %broadcast_in_dim3A_671 = vector.broadcast %broadcast_in_dim3A_670 : i32 to vector<16xi32>
      %broadcast_in_dim3A_672 = arith.constant 0 : i32
      %broadcast_in_dim3A_673 = vector.broadcast %broadcast_in_dim3A_672 : i32 to vector<16xi32>
      %scan3A_674 = arith.constant 0 : i32
      %scan3A_675 = arith.constant 32 : i32
      %scan3A_676 = arith.addi %scan3A_674, %scan3A_675 : i32
      %scan3A_677 = arith.constant 2 : i32
      %scan3A_678:2 = scf.for %scan3A_768 = %scan3A_674 to %scan3A_676 step %scan3A_677 iter_args(%scan3A_769 = %broadcast_in_dim3A_673, %scan3A_770 = %broadcast_in_dim3A_671) -> (vector<16xi32>, vector<16xi32>)  : i32 {
        %or3A = arith.ori %scan3A_769, %scan3A_770 : vector<16xi32>
        %get3A_771 = arith.constant 832 : index
        %get3A_772 = tpu.vector_load %arg11[%get3A_771] {strides = array<i32>} : memref<1024xi32, #tpu.memory_space<vmem>>, vector<16xi32>,
        %bitcast_convert_type3A_773 = tpu.bitcast %get3A_772 : vector<16xi32> -> vector<16xi32>
        %ge3A_774 = arith.cmpi uge, %bitcast_convert_type3A_773, %or3A : vector<16xi32>
        %select_n3A_775 = arith.select %ge3A_774, %broadcast_in_dim3A_4, %broadcast_in_dim3A_2 : vector<16xi1>, vector<16xi32>
        %add3A_776 = arith.addi %broadcast_in_dim3A_2, %select_n3A_775 : vector<16xi32>
        %get3A_777 = arith.constant 848 : index
        %get3A_778 = tpu.vector_load %arg11[%get3A_777] {strides = array<i32>} : memref<1024xi32, #tpu.memory_space<vmem>>, vector<16xi32>,
        %bitcast_convert_type3A_779 = tpu.bitcast %get3A_778 : vector<16xi32> -> vector<16xi32>
        %ge3A_780 = arith.cmpi uge, %bitcast_convert_type3A_779, %or3A : vector<16xi32>
        %select_n3A_781 = arith.select %ge3A_780, %broadcast_in_dim3A_4, %broadcast_in_dim3A_2 : vector<16xi1>, vector<16xi32>
        %add3A_782 = arith.addi %add3A_776, %select_n3A_781 : vector<16xi32>
        %get3A_783 = arith.constant 864 : index
        %get3A_784 = tpu.vector_load %arg11[%get3A_783] {strides = array<i32>} : memref<1024xi32, #tpu.memory_space<vmem>>, vector<16xi32>,
        %bitcast_convert_type3A_785 = tpu.bitcast %get3A_784 : vector<16xi32> -> vector<16xi32>
        %ge3A_786 = arith.cmpi uge, %bitcast_convert_type3A_785, %or3A : vector<16xi32>
        %select_n3A_787 = arith.select %ge3A_786, %broadcast_in_dim3A_4, %broadcast_in_dim3A_2 : vector<16xi1>, vector<16xi32>
        %add3A_788 = arith.addi %add3A_782, %select_n3A_787 : vector<16xi32>
        %get3A_789 = arith.constant 880 : index
        %get3A_790 = tpu.vector_load %arg11[%get3A_789] {strides = array<i32>} : memref<1024xi32, #tpu.memory_space<vmem>>, vector<16xi32>,
        %bitcast_convert_type3A_791 = tpu.bitcast %get3A_790 : vector<16xi32> -> vector<16xi32>
        %ge3A_792 = arith.cmpi uge, %bitcast_convert_type3A_791, %or3A : vector<16xi32>
        %select_n3A_793 = arith.select %ge3A_792, %broadcast_in_dim3A_4, %broadcast_in_dim3A_2 : vector<16xi1>, vector<16xi32>
        %add3A_794 = arith.addi %add3A_788, %select_n3A_793 : vector<16xi32>
        %iota3A_795 = tpu.iota {dimensions = array<i32: 0>} : vector<16xi32>
        %xor3A_796 = arith.constant 1 : i32
        %xor3A_797 = vector.broadcast %xor3A_796 : i32 to vector<16xi32>
        %xor3A_798 = arith.xori %iota3A_795, %xor3A_797 : vector<16xi32>
        %broadcast_in_dim3A_799 = vector.shape_cast %xor3A_798 : vector<16xi32> to vector<16x1xi32>
        %gather3A_800 = vector.shape_cast %broadcast_in_dim3A_799 : vector<16x1xi32> to vector<16xi32>
        %gather3A_801 = tpu.dynamic_gather %add3A_794[%gather3A_800] in [0] : vector<16xi32>, vector<16xi32> -> vector<16xi32>
        %add3A_802 = arith.addi %add3A_794, %gather3A_801 : vector<16xi32>
        %xor3A_803 = arith.constant 2 : i32
        %xor3A_804 = vector.broadcast %xor3A_803 : i32 to vector<16xi32>
        %xor3A_805 = arith.xori %iota3A_795, %xor3A_804 : vector<16xi32>
        %broadcast_in_dim3A_806 = vector.shape_cast %xor3A_805 : vector<16xi32> to vector<16x1xi32>
        %gather3A_807 = vector.shape_cast %broadcast_in_dim3A_806 : vector<16x1xi32> to vector<16xi32>
        %gather3A_808 = tpu.dynamic_gather %add3A_802[%gather3A_807] in [0] : vector<16xi32>, vector<16xi32> -> vector<16xi32>
        %add3A_809 = arith.addi %add3A_802, %gather3A_808 : vector<16xi32>
        %xor3A_810 = arith.constant 4 : i32
        %xor3A_811 = vector.broadcast %xor3A_810 : i32 to vector<16xi32>
        %xor3A_812 = arith.xori %iota3A_795, %xor3A_811 : vector<16xi32>
        %broadcast_in_dim3A_813 = vector.shape_cast %xor3A_812 : vector<16xi32> to vector<16x1xi32>
        %gather3A_814 = vector.shape_cast %broadcast_in_dim3A_813 : vector<16x1xi32> to vector<16xi32>
        %gather3A_815 = tpu.dynamic_gather %add3A_809[%gather3A_814] in [0] : vector<16xi32>, vector<16xi32> -> vector<16xi32>
        %add3A_816 = arith.addi %add3A_809, %gather3A_815 : vector<16xi32>
        %xor3A_817 = arith.constant 8 : i32
        %xor3A_818 = vector.broadcast %xor3A_817 : i32 to vector<16xi32>
        %xor3A_819 = arith.xori %iota3A_795, %xor3A_818 : vector<16xi32>
        %broadcast_in_dim3A_820 = vector.shape_cast %xor3A_819 : vector<16xi32> to vector<16x1xi32>
        %gather3A_821 = vector.shape_cast %broadcast_in_dim3A_820 : vector<16x1xi32> to vector<16xi32>
        %gather3A_822 = tpu.dynamic_gather %add3A_816[%gather3A_821] in [0] : vector<16xi32>, vector<16xi32> -> vector<16xi32>
        %add3A_823 = arith.addi %add3A_816, %gather3A_822 : vector<16xi32>
        %ge3A_824 = arith.cmpi sge, %add3A_823, %gather3A_669 : vector<16xi32>
        %select_n3A_825 = arith.select %ge3A_824, %or3A, %scan3A_769 : vector<16xi1>, vector<16xi32>
        %shift_right_logical3A = arith.shrui %scan3A_770, %broadcast_in_dim3A_194 : vector<16xi32>
        %scan3A_826 = arith.constant 1 : i32
        %scan3A_827 = arith.addi %scan3A_768, %scan3A_826 : i32
        %or3A_828 = arith.ori %select_n3A_825, %shift_right_logical3A : vector<16xi32>
        %get3A_829 = arith.constant 832 : index
        %get3A_830 = tpu.vector_load %arg11[%get3A_829] {strides = array<i32>} : memref<1024xi32, #tpu.memory_space<vmem>>, vector<16xi32>,
        %bitcast_convert_type3A_831 = tpu.bitcast %get3A_830 : vector<16xi32> -> vector<16xi32>
        %ge3A_832 = arith.cmpi uge, %bitcast_convert_type3A_831, %or3A_828 : vector<16xi32>
        %select_n3A_833 = arith.select %ge3A_832, %broadcast_in_dim3A_4, %broadcast_in_dim3A_2 : vector<16xi1>, vector<16xi32>
        %add3A_834 = arith.addi %broadcast_in_dim3A_2, %select_n3A_833 : vector<16xi32>
        %get3A_835 = arith.constant 848 : index
        %get3A_836 = tpu.vector_load %arg11[%get3A_835] {strides = array<i32>} : memref<1024xi32, #tpu.memory_space<vmem>>, vector<16xi32>,
        %bitcast_convert_type3A_837 = tpu.bitcast %get3A_836 : vector<16xi32> -> vector<16xi32>
        %ge3A_838 = arith.cmpi uge, %bitcast_convert_type3A_837, %or3A_828 : vector<16xi32>
        %select_n3A_839 = arith.select %ge3A_838, %broadcast_in_dim3A_4, %broadcast_in_dim3A_2 : vector<16xi1>, vector<16xi32>
        %add3A_840 = arith.addi %add3A_834, %select_n3A_839 : vector<16xi32>
        %get3A_841 = arith.constant 864 : index
        %get3A_842 = tpu.vector_load %arg11[%get3A_841] {strides = array<i32>} : memref<1024xi32, #tpu.memory_space<vmem>>, vector<16xi32>,
        %bitcast_convert_type3A_843 = tpu.bitcast %get3A_842 : vector<16xi32> -> vector<16xi32>
        %ge3A_844 = arith.cmpi uge, %bitcast_convert_type3A_843, %or3A_828 : vector<16xi32>
        %select_n3A_845 = arith.select %ge3A_844, %broadcast_in_dim3A_4, %broadcast_in_dim3A_2 : vector<16xi1>, vector<16xi32>
        %add3A_846 = arith.addi %add3A_840, %select_n3A_845 : vector<16xi32>
        %get3A_847 = arith.constant 880 : index
        %get3A_848 = tpu.vector_load %arg11[%get3A_847] {strides = array<i32>} : memref<1024xi32, #tpu.memory_space<vmem>>, vector<16xi32>,
        %bitcast_convert_type3A_849 = tpu.bitcast %get3A_848 : vector<16xi32> -> vector<16xi32>
        %ge3A_850 = arith.cmpi uge, %bitcast_convert_type3A_849, %or3A_828 : vector<16xi32>
        %select_n3A_851 = arith.select %ge3A_850, %broadcast_in_dim3A_4, %broadcast_in_dim3A_2 : vector<16xi1>, vector<16xi32>
        %add3A_852 = arith.addi %add3A_846, %select_n3A_851 : vector<16xi32>
        %iota3A_853 = tpu.iota {dimensions = array<i32: 0>} : vector<16xi32>
        %xor3A_854 = arith.constant 1 : i32
        %xor3A_855 = vector.broadcast %xor3A_854 : i32 to vector<16xi32>
        %xor3A_856 = arith.xori %iota3A_853, %xor3A_855 : vector<16xi32>
        %broadcast_in_dim3A_857 = vector.shape_cast %xor3A_856 : vector<16xi32> to vector<16x1xi32>
        %gather3A_858 = vector.shape_cast %broadcast_in_dim3A_857 : vector<16x1xi32> to vector<16xi32>
        %gather3A_859 = tpu.dynamic_gather %add3A_852[%gather3A_858] in [0] : vector<16xi32>, vector<16xi32> -> vector<16xi32>
        %add3A_860 = arith.addi %add3A_852, %gather3A_859 : vector<16xi32>
        %xor3A_861 = arith.constant 2 : i32
        %xor3A_862 = vector.broadcast %xor3A_861 : i32 to vector<16xi32>
        %xor3A_863 = arith.xori %iota3A_853, %xor3A_862 : vector<16xi32>
        %broadcast_in_dim3A_864 = vector.shape_cast %xor3A_863 : vector<16xi32> to vector<16x1xi32>
        %gather3A_865 = vector.shape_cast %broadcast_in_dim3A_864 : vector<16x1xi32> to vector<16xi32>
        %gather3A_866 = tpu.dynamic_gather %add3A_860[%gather3A_865] in [0] : vector<16xi32>, vector<16xi32> -> vector<16xi32>
        %add3A_867 = arith.addi %add3A_860, %gather3A_866 : vector<16xi32>
        %xor3A_868 = arith.constant 4 : i32
        %xor3A_869 = vector.broadcast %xor3A_868 : i32 to vector<16xi32>
        %xor3A_870 = arith.xori %iota3A_853, %xor3A_869 : vector<16xi32>
        %broadcast_in_dim3A_871 = vector.shape_cast %xor3A_870 : vector<16xi32> to vector<16x1xi32>
        %gather3A_872 = vector.shape_cast %broadcast_in_dim3A_871 : vector<16x1xi32> to vector<16xi32>
        %gather3A_873 = tpu.dynamic_gather %add3A_867[%gather3A_872] in [0] : vector<16xi32>, vector<16xi32> -> vector<16xi32>
        %add3A_874 = arith.addi %add3A_867, %gather3A_873 : vector<16xi32>
        %xor3A_875 = arith.constant 8 : i32
        %xor3A_876 = vector.broadcast %xor3A_875 : i32 to vector<16xi32>
        %xor3A_877 = arith.xori %iota3A_853, %xor3A_876 : vector<16xi32>
        %broadcast_in_dim3A_878 = vector.shape_cast %xor3A_877 : vector<16xi32> to vector<16x1xi32>
        %gather3A_879 = vector.shape_cast %broadcast_in_dim3A_878 : vector<16x1xi32> to vector<16xi32>
        %gather3A_880 = tpu.dynamic_gather %add3A_874[%gather3A_879] in [0] : vector<16xi32>, vector<16xi32> -> vector<16xi32>
        %add3A_881 = arith.addi %add3A_874, %gather3A_880 : vector<16xi32>
        %ge3A_882 = arith.cmpi sge, %add3A_881, %gather3A_669 : vector<16xi32>
        %select_n3A_883 = arith.select %ge3A_882, %or3A_828, %select_n3A_825 : vector<16xi1>, vector<16xi32>
        %shift_right_logical3A_884 = arith.shrui %shift_right_logical3A, %broadcast_in_dim3A_194 : vector<16xi32>
        scf.yield %select_n3A_883, %shift_right_logical3A_884 : vector<16xi32>, vector<16xi32>
      }
      %scan3A_679 = arith.constant 32 : i32
      %eq3A_680 = arith.constant 13 : i32
      %eq3A_681 = vector.broadcast %eq3A_680 : i32 to vector<16xi32>
      %eq3A_682 = arith.cmpi eq, %iota3A, %eq3A_681 : vector<16xi32>
      %select_n3A_683 = arith.select %eq3A_682, %scan3A_678#0, %select_n3A_648 : vector<16xi1>, vector<16xi32>
      %broadcast_in_dim3A_684 = arith.constant 14 : i32
      %broadcast_in_dim3A_685 = vector.broadcast %broadcast_in_dim3A_684 : i32 to vector<16xi32>
      %broadcast_in_dim3A_686 = vector.shape_cast %broadcast_in_dim3A_685 : vector<16xi32> to vector<16x1xi32>
      %gather3A_687 = vector.shape_cast %broadcast_in_dim3A_686 : vector<16x1xi32> to vector<16xi32>
      %gather3A_688 = tpu.dynamic_gather %scan3A_136#0[%gather3A_687] in [0] : vector<16xi32>, vector<16xi32> -> vector<16xi32>
      %while3A_689 = arith.constant 0 : i32
      %while3A_690 = arith.subi %select_n3A_179, %while3A_689 : i32
      %while3A_691 = arith.addi %while3A_689, %while3A_690 : i32
      %while3A_692 = arith.constant 1 : i32
      %while3A_693 = arith.divsi %while3A_690, %while3A_692 : i32
      %while3A_694 = arith.muli %while3A_693, %while3A_692 : i32
      %while3A_695 = arith.addi %while3A_689, %while3A_694 : i32
      %while3A_696 = arith.constant 1 : i32
      %while3A_697 = scf.for %while3A_768 = %while3A_689 to %while3A_695 step %while3A_696 iter_args(%while3A_769 = %broadcast_in_dim3A_2) -> (vector<16xi32>)  : i32 {
        %mul3A_770 = arith.constant 16 : i32
        %mul3A_771 = arith.muli %while3A_768, %mul3A_770 : i32
        %get3A_772 = arith.index_cast %mul3A_771 : i32 to index
        %get3A_773 = tpu.vector_load %arg10[%get3A_772] {strides = array<i32>} : memref<4128xi32, #tpu.memory_space<vmem>>, vector<16xi32>,
        %mul3A_774 = arith.constant 16 : i32
        %mul3A_775 = arith.muli %while3A_768, %mul3A_774 : i32
        %get3A_776 = arith.index_cast %mul3A_775 : i32 to index
        %get3A_777 = tpu.vector_load %arg9[%get3A_776] {strides = array<i32>} : memref<4128xi32, #tpu.memory_space<vmem>>, vector<16xi32>,
        %eq3A_778 = arith.cmpi eq, %get3A_773, %gather3A_688 : vector<16xi32>
        %select_n3A_779 = arith.select %eq3A_778, %broadcast_in_dim3A_4, %broadcast_in_dim3A_2 : vector<16xi1>, vector<16xi32>
        %broadcast_in_dim3A_780 = arith.constant true
        %broadcast_in_dim3A_781 = vector.broadcast %broadcast_in_dim3A_780 : i1 to vector<16xi1>
        %masked_cumsum3A = tpu.scan <sum>, %select_n3A_779 masked %broadcast_in_dim3A_781 : vector<16xi32>, vector<16xi1> -> vector<16xi32>
        %add3A_782 = arith.addi %while3A_769, %masked_cumsum3A : vector<16xi32>
        %sub3A_783 = arith.subi %add3A_782, %broadcast_in_dim3A_4 : vector<16xi32>
        %lt3A = arith.cmpi slt, %sub3A_783, %broadcast_in_dim3A_190 : vector<16xi32>
        %and3A_784 = arith.andi %eq3A_778, %lt3A : vector<16xi1>
        %add3A_785 = arith.constant 896 : i32
        %add3A_786 = vector.broadcast %add3A_785 : i32 to vector<16xi32>
        %add3A_787 = arith.addi %sub3A_783, %add3A_786 : vector<16xi32>
        tpu.vector_store_idx %arg11[%add3A_787], %get3A_777 masked %and3A_784 : memref<1024xi32, #tpu.memory_space<vmem>>[vector<16xi32>], vector<16xi32>, vector<16xi1>
        %all_reduce_population_count3A = tpu.all_reduce %eq3A_778 {dim = 0 : i64, kind = #tpu.reduction_kind<sum>} : vector<16xi1> -> vector<16xi32>
        %add3A_788 = arith.addi %while3A_769, %all_reduce_population_count3A : vector<16xi32>
        %min3A = arith.minsi %add3A_788, %broadcast_in_dim3A_190 : vector<16xi32>
        scf.yield %min3A : vector<16xi32>
      }
      %while3A_698 = arith.constant 1 : i32
      %while3A_699 = scf.for %while3A_768 = %while3A_695 to %while3A_691 step %while3A_698 iter_args(%while3A_769 = %while3A_697) -> (vector<16xi32>)  : i32 {
        %mul3A_770 = arith.constant 16 : i32
        %mul3A_771 = arith.muli %while3A_768, %mul3A_770 : i32
        %get3A_772 = arith.index_cast %mul3A_771 : i32 to index
        %get3A_773 = tpu.vector_load %arg10[%get3A_772] {strides = array<i32>} : memref<4128xi32, #tpu.memory_space<vmem>>, vector<16xi32>,
        %mul3A_774 = arith.constant 16 : i32
        %mul3A_775 = arith.muli %while3A_768, %mul3A_774 : i32
        %get3A_776 = arith.index_cast %mul3A_775 : i32 to index
        %get3A_777 = tpu.vector_load %arg9[%get3A_776] {strides = array<i32>} : memref<4128xi32, #tpu.memory_space<vmem>>, vector<16xi32>,
        %eq3A_778 = arith.cmpi eq, %get3A_773, %gather3A_688 : vector<16xi32>
        %select_n3A_779 = arith.select %eq3A_778, %broadcast_in_dim3A_4, %broadcast_in_dim3A_2 : vector<16xi1>, vector<16xi32>
        %broadcast_in_dim3A_780 = arith.constant true
        %broadcast_in_dim3A_781 = vector.broadcast %broadcast_in_dim3A_780 : i1 to vector<16xi1>
        %masked_cumsum3A = tpu.scan <sum>, %select_n3A_779 masked %broadcast_in_dim3A_781 : vector<16xi32>, vector<16xi1> -> vector<16xi32>
        %add3A_782 = arith.addi %while3A_769, %masked_cumsum3A : vector<16xi32>
        %sub3A_783 = arith.subi %add3A_782, %broadcast_in_dim3A_4 : vector<16xi32>
        %lt3A = arith.cmpi slt, %sub3A_783, %broadcast_in_dim3A_190 : vector<16xi32>
        %and3A_784 = arith.andi %eq3A_778, %lt3A : vector<16xi1>
        %add3A_785 = arith.constant 896 : i32
        %add3A_786 = vector.broadcast %add3A_785 : i32 to vector<16xi32>
        %add3A_787 = arith.addi %sub3A_783, %add3A_786 : vector<16xi32>
        tpu.vector_store_idx %arg11[%add3A_787], %get3A_777 masked %and3A_784 : memref<1024xi32, #tpu.memory_space<vmem>>[vector<16xi32>], vector<16xi32>, vector<16xi1>
        %all_reduce_population_count3A = tpu.all_reduce %eq3A_778 {dim = 0 : i64, kind = #tpu.reduction_kind<sum>} : vector<16xi1> -> vector<16xi32>
        %add3A_788 = arith.addi %while3A_769, %all_reduce_population_count3A : vector<16xi32>
        %min3A = arith.minsi %add3A_788, %broadcast_in_dim3A_190 : vector<16xi32>
        scf.yield %min3A : vector<16xi32>
      }
      %broadcast_in_dim3A_700 = arith.constant 14 : i32
      %broadcast_in_dim3A_701 = vector.broadcast %broadcast_in_dim3A_700 : i32 to vector<16xi32>
      %broadcast_in_dim3A_702 = vector.shape_cast %broadcast_in_dim3A_701 : vector<16xi32> to vector<16x1xi32>
      %gather3A_703 = vector.shape_cast %broadcast_in_dim3A_702 : vector<16x1xi32> to vector<16xi32>
      %gather3A_704 = tpu.dynamic_gather %add3A_188[%gather3A_703] in [0] : vector<16xi32>, vector<16xi32> -> vector<16xi32>
      %broadcast_in_dim3A_705 = arith.constant -2147483648 : i32
      %broadcast_in_dim3A_706 = vector.broadcast %broadcast_in_dim3A_705 : i32 to vector<16xi32>
      %broadcast_in_dim3A_707 = arith.constant 0 : i32
      %broadcast_in_dim3A_708 = vector.broadcast %broadcast_in_dim3A_707 : i32 to vector<16xi32>
      %scan3A_709 = arith.constant 0 : i32
      %scan3A_710 = arith.constant 32 : i32
      %scan3A_711 = arith.addi %scan3A_709, %scan3A_710 : i32
      %scan3A_712 = arith.constant 2 : i32
      %scan3A_713:2 = scf.for %scan3A_768 = %scan3A_709 to %scan3A_711 step %scan3A_712 iter_args(%scan3A_769 = %broadcast_in_dim3A_708, %scan3A_770 = %broadcast_in_dim3A_706) -> (vector<16xi32>, vector<16xi32>)  : i32 {
        %or3A = arith.ori %scan3A_769, %scan3A_770 : vector<16xi32>
        %get3A_771 = arith.constant 896 : index
        %get3A_772 = tpu.vector_load %arg11[%get3A_771] {strides = array<i32>} : memref<1024xi32, #tpu.memory_space<vmem>>, vector<16xi32>,
        %bitcast_convert_type3A_773 = tpu.bitcast %get3A_772 : vector<16xi32> -> vector<16xi32>
        %ge3A_774 = arith.cmpi uge, %bitcast_convert_type3A_773, %or3A : vector<16xi32>
        %select_n3A_775 = arith.select %ge3A_774, %broadcast_in_dim3A_4, %broadcast_in_dim3A_2 : vector<16xi1>, vector<16xi32>
        %add3A_776 = arith.addi %broadcast_in_dim3A_2, %select_n3A_775 : vector<16xi32>
        %get3A_777 = arith.constant 912 : index
        %get3A_778 = tpu.vector_load %arg11[%get3A_777] {strides = array<i32>} : memref<1024xi32, #tpu.memory_space<vmem>>, vector<16xi32>,
        %bitcast_convert_type3A_779 = tpu.bitcast %get3A_778 : vector<16xi32> -> vector<16xi32>
        %ge3A_780 = arith.cmpi uge, %bitcast_convert_type3A_779, %or3A : vector<16xi32>
        %select_n3A_781 = arith.select %ge3A_780, %broadcast_in_dim3A_4, %broadcast_in_dim3A_2 : vector<16xi1>, vector<16xi32>
        %add3A_782 = arith.addi %add3A_776, %select_n3A_781 : vector<16xi32>
        %get3A_783 = arith.constant 928 : index
        %get3A_784 = tpu.vector_load %arg11[%get3A_783] {strides = array<i32>} : memref<1024xi32, #tpu.memory_space<vmem>>, vector<16xi32>,
        %bitcast_convert_type3A_785 = tpu.bitcast %get3A_784 : vector<16xi32> -> vector<16xi32>
        %ge3A_786 = arith.cmpi uge, %bitcast_convert_type3A_785, %or3A : vector<16xi32>
        %select_n3A_787 = arith.select %ge3A_786, %broadcast_in_dim3A_4, %broadcast_in_dim3A_2 : vector<16xi1>, vector<16xi32>
        %add3A_788 = arith.addi %add3A_782, %select_n3A_787 : vector<16xi32>
        %get3A_789 = arith.constant 944 : index
        %get3A_790 = tpu.vector_load %arg11[%get3A_789] {strides = array<i32>} : memref<1024xi32, #tpu.memory_space<vmem>>, vector<16xi32>,
        %bitcast_convert_type3A_791 = tpu.bitcast %get3A_790 : vector<16xi32> -> vector<16xi32>
        %ge3A_792 = arith.cmpi uge, %bitcast_convert_type3A_791, %or3A : vector<16xi32>
        %select_n3A_793 = arith.select %ge3A_792, %broadcast_in_dim3A_4, %broadcast_in_dim3A_2 : vector<16xi1>, vector<16xi32>
        %add3A_794 = arith.addi %add3A_788, %select_n3A_793 : vector<16xi32>
        %iota3A_795 = tpu.iota {dimensions = array<i32: 0>} : vector<16xi32>
        %xor3A_796 = arith.constant 1 : i32
        %xor3A_797 = vector.broadcast %xor3A_796 : i32 to vector<16xi32>
        %xor3A_798 = arith.xori %iota3A_795, %xor3A_797 : vector<16xi32>
        %broadcast_in_dim3A_799 = vector.shape_cast %xor3A_798 : vector<16xi32> to vector<16x1xi32>
        %gather3A_800 = vector.shape_cast %broadcast_in_dim3A_799 : vector<16x1xi32> to vector<16xi32>
        %gather3A_801 = tpu.dynamic_gather %add3A_794[%gather3A_800] in [0] : vector<16xi32>, vector<16xi32> -> vector<16xi32>
        %add3A_802 = arith.addi %add3A_794, %gather3A_801 : vector<16xi32>
        %xor3A_803 = arith.constant 2 : i32
        %xor3A_804 = vector.broadcast %xor3A_803 : i32 to vector<16xi32>
        %xor3A_805 = arith.xori %iota3A_795, %xor3A_804 : vector<16xi32>
        %broadcast_in_dim3A_806 = vector.shape_cast %xor3A_805 : vector<16xi32> to vector<16x1xi32>
        %gather3A_807 = vector.shape_cast %broadcast_in_dim3A_806 : vector<16x1xi32> to vector<16xi32>
        %gather3A_808 = tpu.dynamic_gather %add3A_802[%gather3A_807] in [0] : vector<16xi32>, vector<16xi32> -> vector<16xi32>
        %add3A_809 = arith.addi %add3A_802, %gather3A_808 : vector<16xi32>
        %xor3A_810 = arith.constant 4 : i32
        %xor3A_811 = vector.broadcast %xor3A_810 : i32 to vector<16xi32>
        %xor3A_812 = arith.xori %iota3A_795, %xor3A_811 : vector<16xi32>
        %broadcast_in_dim3A_813 = vector.shape_cast %xor3A_812 : vector<16xi32> to vector<16x1xi32>
        %gather3A_814 = vector.shape_cast %broadcast_in_dim3A_813 : vector<16x1xi32> to vector<16xi32>
        %gather3A_815 = tpu.dynamic_gather %add3A_809[%gather3A_814] in [0] : vector<16xi32>, vector<16xi32> -> vector<16xi32>
        %add3A_816 = arith.addi %add3A_809, %gather3A_815 : vector<16xi32>
        %xor3A_817 = arith.constant 8 : i32
        %xor3A_818 = vector.broadcast %xor3A_817 : i32 to vector<16xi32>
        %xor3A_819 = arith.xori %iota3A_795, %xor3A_818 : vector<16xi32>
        %broadcast_in_dim3A_820 = vector.shape_cast %xor3A_819 : vector<16xi32> to vector<16x1xi32>
        %gather3A_821 = vector.shape_cast %broadcast_in_dim3A_820 : vector<16x1xi32> to vector<16xi32>
        %gather3A_822 = tpu.dynamic_gather %add3A_816[%gather3A_821] in [0] : vector<16xi32>, vector<16xi32> -> vector<16xi32>
        %add3A_823 = arith.addi %add3A_816, %gather3A_822 : vector<16xi32>
        %ge3A_824 = arith.cmpi sge, %add3A_823, %gather3A_704 : vector<16xi32>
        %select_n3A_825 = arith.select %ge3A_824, %or3A, %scan3A_769 : vector<16xi1>, vector<16xi32>
        %shift_right_logical3A = arith.shrui %scan3A_770, %broadcast_in_dim3A_194 : vector<16xi32>
        %scan3A_826 = arith.constant 1 : i32
        %scan3A_827 = arith.addi %scan3A_768, %scan3A_826 : i32
        %or3A_828 = arith.ori %select_n3A_825, %shift_right_logical3A : vector<16xi32>
        %get3A_829 = arith.constant 896 : index
        %get3A_830 = tpu.vector_load %arg11[%get3A_829] {strides = array<i32>} : memref<1024xi32, #tpu.memory_space<vmem>>, vector<16xi32>,
        %bitcast_convert_type3A_831 = tpu.bitcast %get3A_830 : vector<16xi32> -> vector<16xi32>
        %ge3A_832 = arith.cmpi uge, %bitcast_convert_type3A_831, %or3A_828 : vector<16xi32>
        %select_n3A_833 = arith.select %ge3A_832, %broadcast_in_dim3A_4, %broadcast_in_dim3A_2 : vector<16xi1>, vector<16xi32>
        %add3A_834 = arith.addi %broadcast_in_dim3A_2, %select_n3A_833 : vector<16xi32>
        %get3A_835 = arith.constant 912 : index
        %get3A_836 = tpu.vector_load %arg11[%get3A_835] {strides = array<i32>} : memref<1024xi32, #tpu.memory_space<vmem>>, vector<16xi32>,
        %bitcast_convert_type3A_837 = tpu.bitcast %get3A_836 : vector<16xi32> -> vector<16xi32>
        %ge3A_838 = arith.cmpi uge, %bitcast_convert_type3A_837, %or3A_828 : vector<16xi32>
        %select_n3A_839 = arith.select %ge3A_838, %broadcast_in_dim3A_4, %broadcast_in_dim3A_2 : vector<16xi1>, vector<16xi32>
        %add3A_840 = arith.addi %add3A_834, %select_n3A_839 : vector<16xi32>
        %get3A_841 = arith.constant 928 : index
        %get3A_842 = tpu.vector_load %arg11[%get3A_841] {strides = array<i32>} : memref<1024xi32, #tpu.memory_space<vmem>>, vector<16xi32>,
        %bitcast_convert_type3A_843 = tpu.bitcast %get3A_842 : vector<16xi32> -> vector<16xi32>
        %ge3A_844 = arith.cmpi uge, %bitcast_convert_type3A_843, %or3A_828 : vector<16xi32>
        %select_n3A_845 = arith.select %ge3A_844, %broadcast_in_dim3A_4, %broadcast_in_dim3A_2 : vector<16xi1>, vector<16xi32>
        %add3A_846 = arith.addi %add3A_840, %select_n3A_845 : vector<16xi32>
        %get3A_847 = arith.constant 944 : index
        %get3A_848 = tpu.vector_load %arg11[%get3A_847] {strides = array<i32>} : memref<1024xi32, #tpu.memory_space<vmem>>, vector<16xi32>,
        %bitcast_convert_type3A_849 = tpu.bitcast %get3A_848 : vector<16xi32> -> vector<16xi32>
        %ge3A_850 = arith.cmpi uge, %bitcast_convert_type3A_849, %or3A_828 : vector<16xi32>
        %select_n3A_851 = arith.select %ge3A_850, %broadcast_in_dim3A_4, %broadcast_in_dim3A_2 : vector<16xi1>, vector<16xi32>
        %add3A_852 = arith.addi %add3A_846, %select_n3A_851 : vector<16xi32>
        %iota3A_853 = tpu.iota {dimensions = array<i32: 0>} : vector<16xi32>
        %xor3A_854 = arith.constant 1 : i32
        %xor3A_855 = vector.broadcast %xor3A_854 : i32 to vector<16xi32>
        %xor3A_856 = arith.xori %iota3A_853, %xor3A_855 : vector<16xi32>
        %broadcast_in_dim3A_857 = vector.shape_cast %xor3A_856 : vector<16xi32> to vector<16x1xi32>
        %gather3A_858 = vector.shape_cast %broadcast_in_dim3A_857 : vector<16x1xi32> to vector<16xi32>
        %gather3A_859 = tpu.dynamic_gather %add3A_852[%gather3A_858] in [0] : vector<16xi32>, vector<16xi32> -> vector<16xi32>
        %add3A_860 = arith.addi %add3A_852, %gather3A_859 : vector<16xi32>
        %xor3A_861 = arith.constant 2 : i32
        %xor3A_862 = vector.broadcast %xor3A_861 : i32 to vector<16xi32>
        %xor3A_863 = arith.xori %iota3A_853, %xor3A_862 : vector<16xi32>
        %broadcast_in_dim3A_864 = vector.shape_cast %xor3A_863 : vector<16xi32> to vector<16x1xi32>
        %gather3A_865 = vector.shape_cast %broadcast_in_dim3A_864 : vector<16x1xi32> to vector<16xi32>
        %gather3A_866 = tpu.dynamic_gather %add3A_860[%gather3A_865] in [0] : vector<16xi32>, vector<16xi32> -> vector<16xi32>
        %add3A_867 = arith.addi %add3A_860, %gather3A_866 : vector<16xi32>
        %xor3A_868 = arith.constant 4 : i32
        %xor3A_869 = vector.broadcast %xor3A_868 : i32 to vector<16xi32>
        %xor3A_870 = arith.xori %iota3A_853, %xor3A_869 : vector<16xi32>
        %broadcast_in_dim3A_871 = vector.shape_cast %xor3A_870 : vector<16xi32> to vector<16x1xi32>
        %gather3A_872 = vector.shape_cast %broadcast_in_dim3A_871 : vector<16x1xi32> to vector<16xi32>
        %gather3A_873 = tpu.dynamic_gather %add3A_867[%gather3A_872] in [0] : vector<16xi32>, vector<16xi32> -> vector<16xi32>
        %add3A_874 = arith.addi %add3A_867, %gather3A_873 : vector<16xi32>
        %xor3A_875 = arith.constant 8 : i32
        %xor3A_876 = vector.broadcast %xor3A_875 : i32 to vector<16xi32>
        %xor3A_877 = arith.xori %iota3A_853, %xor3A_876 : vector<16xi32>
        %broadcast_in_dim3A_878 = vector.shape_cast %xor3A_877 : vector<16xi32> to vector<16x1xi32>
        %gather3A_879 = vector.shape_cast %broadcast_in_dim3A_878 : vector<16x1xi32> to vector<16xi32>
        %gather3A_880 = tpu.dynamic_gather %add3A_874[%gather3A_879] in [0] : vector<16xi32>, vector<16xi32> -> vector<16xi32>
        %add3A_881 = arith.addi %add3A_874, %gather3A_880 : vector<16xi32>
        %ge3A_882 = arith.cmpi sge, %add3A_881, %gather3A_704 : vector<16xi32>
        %select_n3A_883 = arith.select %ge3A_882, %or3A_828, %select_n3A_825 : vector<16xi1>, vector<16xi32>
        %shift_right_logical3A_884 = arith.shrui %shift_right_logical3A, %broadcast_in_dim3A_194 : vector<16xi32>
        scf.yield %select_n3A_883, %shift_right_logical3A_884 : vector<16xi32>, vector<16xi32>
      }
      %scan3A_714 = arith.constant 32 : i32
      %eq3A_715 = arith.constant 14 : i32
      %eq3A_716 = vector.broadcast %eq3A_715 : i32 to vector<16xi32>
      %eq3A_717 = arith.cmpi eq, %iota3A, %eq3A_716 : vector<16xi32>
      %select_n3A_718 = arith.select %eq3A_717, %scan3A_713#0, %select_n3A_683 : vector<16xi1>, vector<16xi32>
      %broadcast_in_dim3A_719 = arith.constant 15 : i32
      %broadcast_in_dim3A_720 = vector.broadcast %broadcast_in_dim3A_719 : i32 to vector<16xi32>
      %broadcast_in_dim3A_721 = vector.shape_cast %broadcast_in_dim3A_720 : vector<16xi32> to vector<16x1xi32>
      %gather3A_722 = vector.shape_cast %broadcast_in_dim3A_721 : vector<16x1xi32> to vector<16xi32>
      %gather3A_723 = tpu.dynamic_gather %scan3A_136#0[%gather3A_722] in [0] : vector<16xi32>, vector<16xi32> -> vector<16xi32>
      %while3A_724 = arith.constant 0 : i32
      %while3A_725 = arith.subi %select_n3A_179, %while3A_724 : i32
      %while3A_726 = arith.addi %while3A_724, %while3A_725 : i32
      %while3A_727 = arith.constant 1 : i32
      %while3A_728 = arith.divsi %while3A_725, %while3A_727 : i32
      %while3A_729 = arith.muli %while3A_728, %while3A_727 : i32
      %while3A_730 = arith.addi %while3A_724, %while3A_729 : i32
      %while3A_731 = arith.constant 1 : i32
      %while3A_732 = scf.for %while3A_768 = %while3A_724 to %while3A_730 step %while3A_731 iter_args(%while3A_769 = %broadcast_in_dim3A_2) -> (vector<16xi32>)  : i32 {
        %mul3A_770 = arith.constant 16 : i32
        %mul3A_771 = arith.muli %while3A_768, %mul3A_770 : i32
        %get3A_772 = arith.index_cast %mul3A_771 : i32 to index
        %get3A_773 = tpu.vector_load %arg10[%get3A_772] {strides = array<i32>} : memref<4128xi32, #tpu.memory_space<vmem>>, vector<16xi32>,
        %mul3A_774 = arith.constant 16 : i32
        %mul3A_775 = arith.muli %while3A_768, %mul3A_774 : i32
        %get3A_776 = arith.index_cast %mul3A_775 : i32 to index
        %get3A_777 = tpu.vector_load %arg9[%get3A_776] {strides = array<i32>} : memref<4128xi32, #tpu.memory_space<vmem>>, vector<16xi32>,
        %eq3A_778 = arith.cmpi eq, %get3A_773, %gather3A_723 : vector<16xi32>
        %select_n3A_779 = arith.select %eq3A_778, %broadcast_in_dim3A_4, %broadcast_in_dim3A_2 : vector<16xi1>, vector<16xi32>
        %broadcast_in_dim3A_780 = arith.constant true
        %broadcast_in_dim3A_781 = vector.broadcast %broadcast_in_dim3A_780 : i1 to vector<16xi1>
        %masked_cumsum3A = tpu.scan <sum>, %select_n3A_779 masked %broadcast_in_dim3A_781 : vector<16xi32>, vector<16xi1> -> vector<16xi32>
        %add3A_782 = arith.addi %while3A_769, %masked_cumsum3A : vector<16xi32>
        %sub3A_783 = arith.subi %add3A_782, %broadcast_in_dim3A_4 : vector<16xi32>
        %lt3A = arith.cmpi slt, %sub3A_783, %broadcast_in_dim3A_190 : vector<16xi32>
        %and3A_784 = arith.andi %eq3A_778, %lt3A : vector<16xi1>
        %add3A_785 = arith.constant 960 : i32
        %add3A_786 = vector.broadcast %add3A_785 : i32 to vector<16xi32>
        %add3A_787 = arith.addi %sub3A_783, %add3A_786 : vector<16xi32>
        tpu.vector_store_idx %arg11[%add3A_787], %get3A_777 masked %and3A_784 : memref<1024xi32, #tpu.memory_space<vmem>>[vector<16xi32>], vector<16xi32>, vector<16xi1>
        %all_reduce_population_count3A = tpu.all_reduce %eq3A_778 {dim = 0 : i64, kind = #tpu.reduction_kind<sum>} : vector<16xi1> -> vector<16xi32>
        %add3A_788 = arith.addi %while3A_769, %all_reduce_population_count3A : vector<16xi32>
        %min3A = arith.minsi %add3A_788, %broadcast_in_dim3A_190 : vector<16xi32>
        scf.yield %min3A : vector<16xi32>
      }
      %while3A_733 = arith.constant 1 : i32
      %while3A_734 = scf.for %while3A_768 = %while3A_730 to %while3A_726 step %while3A_733 iter_args(%while3A_769 = %while3A_732) -> (vector<16xi32>)  : i32 {
        %mul3A_770 = arith.constant 16 : i32
        %mul3A_771 = arith.muli %while3A_768, %mul3A_770 : i32
        %get3A_772 = arith.index_cast %mul3A_771 : i32 to index
        %get3A_773 = tpu.vector_load %arg10[%get3A_772] {strides = array<i32>} : memref<4128xi32, #tpu.memory_space<vmem>>, vector<16xi32>,
        %mul3A_774 = arith.constant 16 : i32
        %mul3A_775 = arith.muli %while3A_768, %mul3A_774 : i32
        %get3A_776 = arith.index_cast %mul3A_775 : i32 to index
        %get3A_777 = tpu.vector_load %arg9[%get3A_776] {strides = array<i32>} : memref<4128xi32, #tpu.memory_space<vmem>>, vector<16xi32>,
        %eq3A_778 = arith.cmpi eq, %get3A_773, %gather3A_723 : vector<16xi32>
        %select_n3A_779 = arith.select %eq3A_778, %broadcast_in_dim3A_4, %broadcast_in_dim3A_2 : vector<16xi1>, vector<16xi32>
        %broadcast_in_dim3A_780 = arith.constant true
        %broadcast_in_dim3A_781 = vector.broadcast %broadcast_in_dim3A_780 : i1 to vector<16xi1>
        %masked_cumsum3A = tpu.scan <sum>, %select_n3A_779 masked %broadcast_in_dim3A_781 : vector<16xi32>, vector<16xi1> -> vector<16xi32>
        %add3A_782 = arith.addi %while3A_769, %masked_cumsum3A : vector<16xi32>
        %sub3A_783 = arith.subi %add3A_782, %broadcast_in_dim3A_4 : vector<16xi32>
        %lt3A = arith.cmpi slt, %sub3A_783, %broadcast_in_dim3A_190 : vector<16xi32>
        %and3A_784 = arith.andi %eq3A_778, %lt3A : vector<16xi1>
        %add3A_785 = arith.constant 960 : i32
        %add3A_786 = vector.broadcast %add3A_785 : i32 to vector<16xi32>
        %add3A_787 = arith.addi %sub3A_783, %add3A_786 : vector<16xi32>
        tpu.vector_store_idx %arg11[%add3A_787], %get3A_777 masked %and3A_784 : memref<1024xi32, #tpu.memory_space<vmem>>[vector<16xi32>], vector<16xi32>, vector<16xi1>
        %all_reduce_population_count3A = tpu.all_reduce %eq3A_778 {dim = 0 : i64, kind = #tpu.reduction_kind<sum>} : vector<16xi1> -> vector<16xi32>
        %add3A_788 = arith.addi %while3A_769, %all_reduce_population_count3A : vector<16xi32>
        %min3A = arith.minsi %add3A_788, %broadcast_in_dim3A_190 : vector<16xi32>
        scf.yield %min3A : vector<16xi32>
      }
      %broadcast_in_dim3A_735 = arith.constant 15 : i32
      %broadcast_in_dim3A_736 = vector.broadcast %broadcast_in_dim3A_735 : i32 to vector<16xi32>
      %broadcast_in_dim3A_737 = vector.shape_cast %broadcast_in_dim3A_736 : vector<16xi32> to vector<16x1xi32>
      %gather3A_738 = vector.shape_cast %broadcast_in_dim3A_737 : vector<16x1xi32> to vector<16xi32>
      %gather3A_739 = tpu.dynamic_gather %add3A_188[%gather3A_738] in [0] : vector<16xi32>, vector<16xi32> -> vector<16xi32>
      %broadcast_in_dim3A_740 = arith.constant -2147483648 : i32
      %broadcast_in_dim3A_741 = vector.broadcast %broadcast_in_dim3A_740 : i32 to vector<16xi32>
      %broadcast_in_dim3A_742 = arith.constant 0 : i32
      %broadcast_in_dim3A_743 = vector.broadcast %broadcast_in_dim3A_742 : i32 to vector<16xi32>
      %scan3A_744 = arith.constant 0 : i32
      %scan3A_745 = arith.constant 32 : i32
      %scan3A_746 = arith.addi %scan3A_744, %scan3A_745 : i32
      %scan3A_747 = arith.constant 2 : i32
      %scan3A_748:2 = scf.for %scan3A_768 = %scan3A_744 to %scan3A_746 step %scan3A_747 iter_args(%scan3A_769 = %broadcast_in_dim3A_743, %scan3A_770 = %broadcast_in_dim3A_741) -> (vector<16xi32>, vector<16xi32>)  : i32 {
        %or3A = arith.ori %scan3A_769, %scan3A_770 : vector<16xi32>
        %get3A_771 = arith.constant 960 : index
        %get3A_772 = tpu.vector_load %arg11[%get3A_771] {strides = array<i32>} : memref<1024xi32, #tpu.memory_space<vmem>>, vector<16xi32>,
        %bitcast_convert_type3A_773 = tpu.bitcast %get3A_772 : vector<16xi32> -> vector<16xi32>
        %ge3A_774 = arith.cmpi uge, %bitcast_convert_type3A_773, %or3A : vector<16xi32>
        %select_n3A_775 = arith.select %ge3A_774, %broadcast_in_dim3A_4, %broadcast_in_dim3A_2 : vector<16xi1>, vector<16xi32>
        %add3A_776 = arith.addi %broadcast_in_dim3A_2, %select_n3A_775 : vector<16xi32>
        %get3A_777 = arith.constant 976 : index
        %get3A_778 = tpu.vector_load %arg11[%get3A_777] {strides = array<i32>} : memref<1024xi32, #tpu.memory_space<vmem>>, vector<16xi32>,
        %bitcast_convert_type3A_779 = tpu.bitcast %get3A_778 : vector<16xi32> -> vector<16xi32>
        %ge3A_780 = arith.cmpi uge, %bitcast_convert_type3A_779, %or3A : vector<16xi32>
        %select_n3A_781 = arith.select %ge3A_780, %broadcast_in_dim3A_4, %broadcast_in_dim3A_2 : vector<16xi1>, vector<16xi32>
        %add3A_782 = arith.addi %add3A_776, %select_n3A_781 : vector<16xi32>
        %get3A_783 = arith.constant 992 : index
        %get3A_784 = tpu.vector_load %arg11[%get3A_783] {strides = array<i32>} : memref<1024xi32, #tpu.memory_space<vmem>>, vector<16xi32>,
        %bitcast_convert_type3A_785 = tpu.bitcast %get3A_784 : vector<16xi32> -> vector<16xi32>
        %ge3A_786 = arith.cmpi uge, %bitcast_convert_type3A_785, %or3A : vector<16xi32>
        %select_n3A_787 = arith.select %ge3A_786, %broadcast_in_dim3A_4, %broadcast_in_dim3A_2 : vector<16xi1>, vector<16xi32>
        %add3A_788 = arith.addi %add3A_782, %select_n3A_787 : vector<16xi32>
        %get3A_789 = arith.constant 1008 : index
        %get3A_790 = tpu.vector_load %arg11[%get3A_789] {strides = array<i32>} : memref<1024xi32, #tpu.memory_space<vmem>>, vector<16xi32>,
        %bitcast_convert_type3A_791 = tpu.bitcast %get3A_790 : vector<16xi32> -> vector<16xi32>
        %ge3A_792 = arith.cmpi uge, %bitcast_convert_type3A_791, %or3A : vector<16xi32>
        %select_n3A_793 = arith.select %ge3A_792, %broadcast_in_dim3A_4, %broadcast_in_dim3A_2 : vector<16xi1>, vector<16xi32>
        %add3A_794 = arith.addi %add3A_788, %select_n3A_793 : vector<16xi32>
        %iota3A_795 = tpu.iota {dimensions = array<i32: 0>} : vector<16xi32>
        %xor3A_796 = arith.constant 1 : i32
        %xor3A_797 = vector.broadcast %xor3A_796 : i32 to vector<16xi32>
        %xor3A_798 = arith.xori %iota3A_795, %xor3A_797 : vector<16xi32>
        %broadcast_in_dim3A_799 = vector.shape_cast %xor3A_798 : vector<16xi32> to vector<16x1xi32>
        %gather3A_800 = vector.shape_cast %broadcast_in_dim3A_799 : vector<16x1xi32> to vector<16xi32>
        %gather3A_801 = tpu.dynamic_gather %add3A_794[%gather3A_800] in [0] : vector<16xi32>, vector<16xi32> -> vector<16xi32>
        %add3A_802 = arith.addi %add3A_794, %gather3A_801 : vector<16xi32>
        %xor3A_803 = arith.constant 2 : i32
        %xor3A_804 = vector.broadcast %xor3A_803 : i32 to vector<16xi32>
        %xor3A_805 = arith.xori %iota3A_795, %xor3A_804 : vector<16xi32>
        %broadcast_in_dim3A_806 = vector.shape_cast %xor3A_805 : vector<16xi32> to vector<16x1xi32>
        %gather3A_807 = vector.shape_cast %broadcast_in_dim3A_806 : vector<16x1xi32> to vector<16xi32>
        %gather3A_808 = tpu.dynamic_gather %add3A_802[%gather3A_807] in [0] : vector<16xi32>, vector<16xi32> -> vector<16xi32>
        %add3A_809 = arith.addi %add3A_802, %gather3A_808 : vector<16xi32>
        %xor3A_810 = arith.constant 4 : i32
        %xor3A_811 = vector.broadcast %xor3A_810 : i32 to vector<16xi32>
        %xor3A_812 = arith.xori %iota3A_795, %xor3A_811 : vector<16xi32>
        %broadcast_in_dim3A_813 = vector.shape_cast %xor3A_812 : vector<16xi32> to vector<16x1xi32>
        %gather3A_814 = vector.shape_cast %broadcast_in_dim3A_813 : vector<16x1xi32> to vector<16xi32>
        %gather3A_815 = tpu.dynamic_gather %add3A_809[%gather3A_814] in [0] : vector<16xi32>, vector<16xi32> -> vector<16xi32>
        %add3A_816 = arith.addi %add3A_809, %gather3A_815 : vector<16xi32>
        %xor3A_817 = arith.constant 8 : i32
        %xor3A_818 = vector.broadcast %xor3A_817 : i32 to vector<16xi32>
        %xor3A_819 = arith.xori %iota3A_795, %xor3A_818 : vector<16xi32>
        %broadcast_in_dim3A_820 = vector.shape_cast %xor3A_819 : vector<16xi32> to vector<16x1xi32>
        %gather3A_821 = vector.shape_cast %broadcast_in_dim3A_820 : vector<16x1xi32> to vector<16xi32>
        %gather3A_822 = tpu.dynamic_gather %add3A_816[%gather3A_821] in [0] : vector<16xi32>, vector<16xi32> -> vector<16xi32>
        %add3A_823 = arith.addi %add3A_816, %gather3A_822 : vector<16xi32>
        %ge3A_824 = arith.cmpi sge, %add3A_823, %gather3A_739 : vector<16xi32>
        %select_n3A_825 = arith.select %ge3A_824, %or3A, %scan3A_769 : vector<16xi1>, vector<16xi32>
        %shift_right_logical3A = arith.shrui %scan3A_770, %broadcast_in_dim3A_194 : vector<16xi32>
        %scan3A_826 = arith.constant 1 : i32
        %scan3A_827 = arith.addi %scan3A_768, %scan3A_826 : i32
        %or3A_828 = arith.ori %select_n3A_825, %shift_right_logical3A : vector<16xi32>
        %get3A_829 = arith.constant 960 : index
        %get3A_830 = tpu.vector_load %arg11[%get3A_829] {strides = array<i32>} : memref<1024xi32, #tpu.memory_space<vmem>>, vector<16xi32>,
        %bitcast_convert_type3A_831 = tpu.bitcast %get3A_830 : vector<16xi32> -> vector<16xi32>
        %ge3A_832 = arith.cmpi uge, %bitcast_convert_type3A_831, %or3A_828 : vector<16xi32>
        %select_n3A_833 = arith.select %ge3A_832, %broadcast_in_dim3A_4, %broadcast_in_dim3A_2 : vector<16xi1>, vector<16xi32>
        %add3A_834 = arith.addi %broadcast_in_dim3A_2, %select_n3A_833 : vector<16xi32>
        %get3A_835 = arith.constant 976 : index
        %get3A_836 = tpu.vector_load %arg11[%get3A_835] {strides = array<i32>} : memref<1024xi32, #tpu.memory_space<vmem>>, vector<16xi32>,
        %bitcast_convert_type3A_837 = tpu.bitcast %get3A_836 : vector<16xi32> -> vector<16xi32>
        %ge3A_838 = arith.cmpi uge, %bitcast_convert_type3A_837, %or3A_828 : vector<16xi32>
        %select_n3A_839 = arith.select %ge3A_838, %broadcast_in_dim3A_4, %broadcast_in_dim3A_2 : vector<16xi1>, vector<16xi32>
        %add3A_840 = arith.addi %add3A_834, %select_n3A_839 : vector<16xi32>
        %get3A_841 = arith.constant 992 : index
        %get3A_842 = tpu.vector_load %arg11[%get3A_841] {strides = array<i32>} : memref<1024xi32, #tpu.memory_space<vmem>>, vector<16xi32>,
        %bitcast_convert_type3A_843 = tpu.bitcast %get3A_842 : vector<16xi32> -> vector<16xi32>
        %ge3A_844 = arith.cmpi uge, %bitcast_convert_type3A_843, %or3A_828 : vector<16xi32>
        %select_n3A_845 = arith.select %ge3A_844, %broadcast_in_dim3A_4, %broadcast_in_dim3A_2 : vector<16xi1>, vector<16xi32>
        %add3A_846 = arith.addi %add3A_840, %select_n3A_845 : vector<16xi32>
        %get3A_847 = arith.constant 1008 : index
        %get3A_848 = tpu.vector_load %arg11[%get3A_847] {strides = array<i32>} : memref<1024xi32, #tpu.memory_space<vmem>>, vector<16xi32>,
        %bitcast_convert_type3A_849 = tpu.bitcast %get3A_848 : vector<16xi32> -> vector<16xi32>
        %ge3A_850 = arith.cmpi uge, %bitcast_convert_type3A_849, %or3A_828 : vector<16xi32>
        %select_n3A_851 = arith.select %ge3A_850, %broadcast_in_dim3A_4, %broadcast_in_dim3A_2 : vector<16xi1>, vector<16xi32>
        %add3A_852 = arith.addi %add3A_846, %select_n3A_851 : vector<16xi32>
        %iota3A_853 = tpu.iota {dimensions = array<i32: 0>} : vector<16xi32>
        %xor3A_854 = arith.constant 1 : i32
        %xor3A_855 = vector.broadcast %xor3A_854 : i32 to vector<16xi32>
        %xor3A_856 = arith.xori %iota3A_853, %xor3A_855 : vector<16xi32>
        %broadcast_in_dim3A_857 = vector.shape_cast %xor3A_856 : vector<16xi32> to vector<16x1xi32>
        %gather3A_858 = vector.shape_cast %broadcast_in_dim3A_857 : vector<16x1xi32> to vector<16xi32>
        %gather3A_859 = tpu.dynamic_gather %add3A_852[%gather3A_858] in [0] : vector<16xi32>, vector<16xi32> -> vector<16xi32>
        %add3A_860 = arith.addi %add3A_852, %gather3A_859 : vector<16xi32>
        %xor3A_861 = arith.constant 2 : i32
        %xor3A_862 = vector.broadcast %xor3A_861 : i32 to vector<16xi32>
        %xor3A_863 = arith.xori %iota3A_853, %xor3A_862 : vector<16xi32>
        %broadcast_in_dim3A_864 = vector.shape_cast %xor3A_863 : vector<16xi32> to vector<16x1xi32>
        %gather3A_865 = vector.shape_cast %broadcast_in_dim3A_864 : vector<16x1xi32> to vector<16xi32>
        %gather3A_866 = tpu.dynamic_gather %add3A_860[%gather3A_865] in [0] : vector<16xi32>, vector<16xi32> -> vector<16xi32>
        %add3A_867 = arith.addi %add3A_860, %gather3A_866 : vector<16xi32>
        %xor3A_868 = arith.constant 4 : i32
        %xor3A_869 = vector.broadcast %xor3A_868 : i32 to vector<16xi32>
        %xor3A_870 = arith.xori %iota3A_853, %xor3A_869 : vector<16xi32>
        %broadcast_in_dim3A_871 = vector.shape_cast %xor3A_870 : vector<16xi32> to vector<16x1xi32>
        %gather3A_872 = vector.shape_cast %broadcast_in_dim3A_871 : vector<16x1xi32> to vector<16xi32>
        %gather3A_873 = tpu.dynamic_gather %add3A_867[%gather3A_872] in [0] : vector<16xi32>, vector<16xi32> -> vector<16xi32>
        %add3A_874 = arith.addi %add3A_867, %gather3A_873 : vector<16xi32>
        %xor3A_875 = arith.constant 8 : i32
        %xor3A_876 = vector.broadcast %xor3A_875 : i32 to vector<16xi32>
        %xor3A_877 = arith.xori %iota3A_853, %xor3A_876 : vector<16xi32>
        %broadcast_in_dim3A_878 = vector.shape_cast %xor3A_877 : vector<16xi32> to vector<16x1xi32>
        %gather3A_879 = vector.shape_cast %broadcast_in_dim3A_878 : vector<16x1xi32> to vector<16xi32>
        %gather3A_880 = tpu.dynamic_gather %add3A_874[%gather3A_879] in [0] : vector<16xi32>, vector<16xi32> -> vector<16xi32>
        %add3A_881 = arith.addi %add3A_874, %gather3A_880 : vector<16xi32>
        %ge3A_882 = arith.cmpi sge, %add3A_881, %gather3A_739 : vector<16xi32>
        %select_n3A_883 = arith.select %ge3A_882, %or3A_828, %select_n3A_825 : vector<16xi1>, vector<16xi32>
        %shift_right_logical3A_884 = arith.shrui %shift_right_logical3A, %broadcast_in_dim3A_194 : vector<16xi32>
        scf.yield %select_n3A_883, %shift_right_logical3A_884 : vector<16xi32>, vector<16xi32>
      }
      %scan3A_749 = arith.constant 32 : i32
      %eq3A_750 = arith.constant 15 : i32
      %eq3A_751 = vector.broadcast %eq3A_750 : i32 to vector<16xi32>
      %eq3A_752 = arith.cmpi eq, %iota3A, %eq3A_751 : vector<16xi32>
      %select_n3A_753 = arith.select %eq3A_752, %scan3A_748#0, %select_n3A_718 : vector<16xi1>, vector<16xi32>
      "tpu.trace_stop"() : () -> ()
      %bitcast_convert_type3A_754 = tpu.bitcast %select_n3A_753 : vector<16xi32> -> vector<16xi32>
      %xor3A_755 = arith.constant -2147483648 : i32
      %xor3A_756 = vector.broadcast %xor3A_755 : i32 to vector<16xi32>
      %xor3A_757 = arith.xori %bitcast_convert_type3A_754, %xor3A_756 : vector<16xi32>
      %ge3A_758 = arith.constant 0 : i32
      %ge3A_759 = vector.broadcast %ge3A_758 : i32 to vector<16xi32>
      %ge3A_760 = arith.cmpi sge, %xor3A_757, %ge3A_759 : vector<16xi32>
      %xor3A_761 = arith.constant 2147483647 : i32
      %xor3A_762 = vector.broadcast %xor3A_761 : i32 to vector<16xi32>
      %xor3A_763 = arith.xori %xor3A_757, %xor3A_762 : vector<16xi32>
      %select_n3A_764 = arith.select %ge3A_760, %xor3A_757, %xor3A_763 : vector<16xi1>, vector<16xi32>
      %bitcast_convert_type3A_765 = tpu.bitcast %select_n3A_764 : vector<16xi32> -> vector<16xf32>
      %swap3A_766 = arith.constant 0 : index
      %swap3A_767 = tpu.vector_load %arg13[%swap3A_766] {strides = array<i32>} : memref<16xf32, #tpu.memory_space<vmem>>, vector<16xf32>,
      tpu.vector_store %arg13[%swap3A_766], %bitcast_convert_type3A_765 {strides = array<i32>} : memref<16xf32, #tpu.memory_space<vmem>>, vector<16xf32>,
      "tpu.region"() ({
        %run_scoped3A = tpu.sem_alloc : memref<!tpu.dma_semaphore, #tpu.memory_space<semaphore_mem>>
        %dma_start3A = arith.constant 0 : i32
        %dma_start3A_768 = tpu.memref_slice %arg4[%add3A_23, %dma_start3A] : memref<128x16xf32, #tpu.memory_space<hbm>> -> memref<1x16xf32, #tpu.memory_space<hbm>>
        %dma_start3A_769 = tpu.memref_squeeze %dma_start3A_768 : memref<1x16xf32, #tpu.memory_space<hbm>> -> memref<16xf32, #tpu.memory_space<hbm>>
        %dma_start3A_770 = arith.constant 0 : i32
        %dma_start3A_771 = tpu.memref_slice %arg4[%add3A_23, %dma_start3A_770] : memref<128x16xf32, #tpu.memory_space<hbm>> -> memref<1x16xf32, #tpu.memory_space<hbm>>
        %dma_start3A_772 = tpu.memref_squeeze %dma_start3A_771 : memref<1x16xf32, #tpu.memory_space<hbm>> -> memref<16xf32, #tpu.memory_space<hbm>>
        tpu.enqueue_dma source(%arg13 : memref<16xf32, #tpu.memory_space<vmem>>) target(%dma_start3A_772 : memref<16xf32, #tpu.memory_space<hbm>>) target_semaphore(%run_scoped3A : memref<!tpu.dma_semaphore, #tpu.memory_space<semaphore_mem>>)
        %dma_wait3A = arith.constant 0 : i32
        %dma_wait3A_773 = tpu.memref_slice %arg4[%add3A_23, %dma_wait3A] : memref<128x16xf32, #tpu.memory_space<hbm>> -> memref<1x16xf32, #tpu.memory_space<hbm>>
        %dma_wait3A_774 = tpu.memref_squeeze %dma_wait3A_773 : memref<1x16xf32, #tpu.memory_space<hbm>> -> memref<16xf32, #tpu.memory_space<hbm>>
        %dma_wait3A_775 = arith.constant 0 : i32
        %dma_wait3A_776 = tpu.memref_slice %arg4[%add3A_23, %dma_wait3A_775] : memref<128x16xf32, #tpu.memory_space<hbm>> -> memref<1x16xf32, #tpu.memory_space<hbm>>
        %dma_wait3A_777 = tpu.memref_squeeze %dma_wait3A_776 : memref<1x16xf32, #tpu.memory_space<hbm>> -> memref<16xf32, #tpu.memory_space<hbm>>
        tpu.wait_dma2 semaphore(%run_scoped3A : memref<!tpu.dma_semaphore, #tpu.memory_space<semaphore_mem>>) src(%arg13 : memref<16xf32, #tpu.memory_space<vmem>>) dst(%dma_wait3A_777 : memref<16xf32, #tpu.memory_space<hbm>>)
        tpu.yield
      }) : () -> ()
    }
    %scan3A_19 = arith.constant 4 : i32
    return
  }
}

</mosaic_0001>

<sc_bundles>
// kernel: kernel.3.cloned.1.call-start
scs
__scs_entry_jumppad:
0x0: {  	(pc) =	sbr.rel $0x88, $3  }
0x1: {  	(tag) =	ssettag $0x0;
	lr =	simm.s32 $0x1  }
0x2: {  	[smem:$0x3F9F] =	sst lr;
	_ =	strace $0xD0000000  }
0x3: {  	_ = 	snop  }
0x4: {  	_ = 	snop  }
0x5: {  	_ = 	snop  }
0x6: {  	_ = 	snop  }
0x7: {  	_ = 	snop  }
__scs_overlays_trampoline_lowered:
0x8: {  	[smem:$0x3FAE] =	sst s0  }
0x9: {  	[smem:$0x3FAF] =	sst s1  }
0xa: {  	[smem:$0x3FB0] =	sst s2  }
0xb: {  	[smem:$0x3FB1] =	sst s3  }
0xc: {  	[smem:$0x3FB2] =	sst s4  }
0xd: {  	[smem:$0x3FB3] =	sst s5  }
0xe: {  	[smem:$0x3FB4] =	sst s6  }
0xf: {  	[smem:$0x3FB5] =	sst s7  }
0x10: {  	[smem:$0x3FB6] =	sst s8  }
0x11: {  	[smem:$0x3FB7] =	sst s9;
	s0 =	simm.s32 @!p0 $0x0  }
0x12: {  	s1 =	sld [smem:$0x3F9D];
	s0 =	simm.s32 @p0 $0x1  }
0x13: {  	[smem:$0x3FB8] =	sst s0;
	s0 =	simm.s32 @!p1 $0x0  }
0x14: {  	s2 =	sld [smem:$0x3F9C];
	s0 =	simm.s32 @p1 $0x1  }
0x15: {  	[smem:$0x3FB9] =	sst s0;
	s0 =	simm.s32 @!p2 $0x0  }
0x16: {  	s3 =	sld [smem:$0x3FDB];
	s0 =	simm.s32 @p2 $0x1  }
0x17: {  	s4 =	simm.s32 $0x1BF5;
	[smem:$0x3FBB] =	sst s0  }
0x18: {  	s0 =	sld [smem:$0x3F9E];
	_ =	swait.ge [sflag:s4], $0x0  }
0x19: {  	s7 =	sld [smem:$0x3F9F]  }
0x1a: {  	s8 =	sadd.s32 $0xFFFFE003, lr  }
0x1b: {  	s9 =	sadd.s32 $0xFFFFFEF7, lr;
	s5 =	simm.s32 $0xFFFFFFFF;
	p2 =	slt.u32 s8, $0xFFFFF086  }
0x1c: {  	p1 =	slt.u32 s9, $0xF7A;
	s5 =	simm.s32 @!p2 $0x0  }
0x1d: {  	s5 =	simm.s32 @p1 $0x1;
	p0 =	seq.s32 s7, s2  }
0x1e: {  	s7 =	smul.u32 @!p0 $0xF7A, s2;
	p2 =	seq.s32 @!p0 s5, $0x0  }
0x1f: {  	s9 =	smul.u32 $0xF7A, s1;
	s8 =	simm.s32 @!p0 $0x1BF5;
	p2 =	por !p2, p0  }
0x20: {  	[sflag:s8] =	ssyncset.s32 @!p0 $0xFFFFF086;
	s6 =	sadd.s32 @!p0 s3, s7;
	s7 =	simm.s32 @!p0 $0x108  }
0x21: {  	s3 =	sadd.s32 s3, s9;
	s6 =	sadd.s32 @!p0 $0x88, s6;
	s7 =	simm.s32 @p2 $0x1082  }
0x22: {  	[simem:s7], [sflag:s8] =	dma.local @!p0 [hbm:s6], $0xF7A  }
0x23: {  	s9 =	sor.u32 $0xD0000000, s2;
	s6 =	simm.s32 $0x108;
	_ =	swait.ge @!p0 [sflag:s8], $0x0  }
0x24: {  	s3 =	sadd.s32 $0x88, s3;
	s6 =	simm.s32 @!p1 $0x1082;
	[sflag:s4] =	ssyncset.s32 $0xFFFFF086  }
0x25: {  	[simem:s6], [sflag:s4] =	dma.local [hbm:s3], $0xF7A  }
0x26: {  	[smem:$0x3F9F] =	sst s1;
	(tag) =	ssettag s2;
	_ =	strace s9  }
0x27: {  	s1 =	sld [smem:$0x3FAF]  }
0x28: {  	s2 =	sld [smem:$0x3FB0]  }
0x29: {  	s4 =	sld [smem:$0x3FB2]  }
0x2a: {  	p0 =	seq.s32 s5, $0x0;
	s5 =	sld [smem:$0x3FB3]  }
0x2b: {  	s6 =	sld [smem:$0x3FB4]  }
0x2c: {  	s7 =	sld [smem:$0x3FB5]  }
0x2d: {  	s3 =	simm.s32 $0x108;
	s8 =	sld [smem:$0x3FB6]  }
0x2e: {  	s3 =	simm.s32 @!p0 $0x1082;
	s9 =	sld [smem:$0x3FB7]  }
0x2f: {  	lr =	sadd.s32 s0, s3;
	s0 =	sld [smem:$0x3FAE]  }
0x30: {  	s3 =	sld [smem:$0x3FB1]  }
0x31: {  	[smem:$0x3FBA] =	sst s10  }
0x32: {  	s10 =	sld [smem:$0x3FB8];
	_ =	sdelay $0x3  }
0x33: {  	p0 =	seq.s32 s10, $0x1;
	s10 =	sld [smem:$0x3FBA];
	_ =	sdelay $0x3  }
0x34: {  	[smem:$0x3FBA] =	sst s10  }
0x35: {  	s10 =	sld [smem:$0x3FB9];
	_ =	sdelay $0x3  }
0x36: {  	p1 =	seq.s32 s10, $0x1;
	s10 =	sld [smem:$0x3FBA];
	_ =	sdelay $0x3  }
0x37: {  	[smem:$0x3FBA] =	sst s10  }
0x38: {  	s10 =	sld [smem:$0x3FBB]  }
0x39: {  	_ = 	snop;
	(pc) =	sbr.ind lr, $3  }
0x3a: {  	_ = 	snop  }
0x3b: {  	_ = 	snop  }
0x3c: {  	p2 =	seq.s32 s10, $0x1;
	s10 =	sld [smem:$0x3FBA]  }
0x3d: {  	_ =	shalt  }
0x3e: {  	_ =	shalt  }
0x3f: {  	_ =	shalt  }
0x40: {  	_ =	shalt  }
0x41: {  	_ =	shalt  }
0x42: {  	_ =	shalt  }
0x43: {  	_ =	shalt  }
0x44: {  	_ =	shalt  }
0x45: {  	_ =	shalt  }
0x46: {  	_ =	shalt  }
0x47: {  	_ =	shalt  }
0x48: {  	_ =	shalt  }
0x49: {  	_ =	shalt  }
0x4a: {  	_ =	shalt  }
0x4b: {  	_ =	shalt  }
0x4c: {  	_ =	shalt  }
0x4d: {  	_ =	shalt  }
0x4e: {  	_ =	shalt  }
0x4f: {  	_ =	shalt  }
0x50: {  	_ =	shalt  }
0x51: {  	_ =	shalt  }
0x52: {  	_ =	shalt  }
0x53: {  	_ =	shalt  }
0x54: {  	_ =	shalt  }
0x55: {  	_ =	shalt  }
0x56: {  	_ =	shalt  }
0x57: {  	_ =	shalt  }
0x58: {  	_ =	shalt  }
0x59: {  	_ =	shalt  }
0x5a: {  	_ =	shalt  }
0x5b: {  	_ =	shalt  }
0x5c: {  	_ =	shalt  }
0x5d: {  	_ =	shalt  }
0x5e: {  	_ =	shalt  }
0x5f: {  	_ =	shalt  }
0x60: {  	_ =	shalt  }
0x61: {  	_ =	shalt  }
0x62: {  	_ =	shalt  }
0x63: {  	_ =	shalt  }
0x64: {  	_ =	shalt  }
0x65: {  	_ =	shalt  }
0x66: {  	_ =	shalt  }
0x67: {  	_ =	shalt  }
0x68: {  	_ =	shalt  }
0x69: {  	_ =	shalt  }
0x6a: {  	_ =	shalt  }
0x6b: {  	_ =	shalt  }
0x6c: {  	_ =	shalt  }
0x6d: {  	_ =	shalt  }
0x6e: {  	_ =	shalt  }
0x6f: {  	_ =	shalt  }
0x70: {  	_ =	shalt  }
0x71: {  	_ =	shalt  }
0x72: {  	_ =	shalt  }
0x73: {  	_ =	shalt  }
0x74: {  	_ =	shalt  }
0x75: {  	_ =	shalt  }
0x76: {  	_ =	shalt  }
0x77: {  	_ =	shalt  }
0x78: {  	_ =	shalt  }
0x79: {  	_ =	shalt  }
0x7a: {  	_ =	shalt  }
0x7b: {  	_ =	shalt  }
0x7c: {  	_ =	shalt  }
0x7d: {  	_ =	shalt  }
0x7e: {  	_ =	shalt  }
0x7f: {  	_ =	shalt  }
0x80: {  	_ =	shalt  }
0x81: {  	_ =	shalt  }
0x82: {  	_ =	shalt  }
0x83: {  	_ =	shalt  }
0x84: {  	_ =	shalt  }
0x85: {  	_ =	shalt  }
0x86: {  	_ =	shalt  }
0x87: {  	_ =	shalt  }
.Lfunc_end0:
.L_simem_size_0:
called_computation_lowered:
.L_overlay_start_0:
0x88: {  	s2 =	sld [smem:$0x3FD9]  }
0x89: {  	s3 =	sld [smem:$0x3FFE];
	_ =	sdelay $0x1  }
0x8a: {  	s1 =	srdreg.scid  }
0x8b: {  	s0 =	sand.u32 $0x1, s1  }
0x8c: {  	s17 =	sshll.u32 s0, $0xA;
	s2 =	sadd.s32 s3, s2  }
0x8d: {  	s2 =	sadd.s32 s2, s17  }
0x8e: {  	[smem:$0x3FC6] =	sst s2  }
0x8f: {  	_ = 	snop  }
0x90: {  	s2 =	sld [smem:$0x3FC9]  }
0x91: {  	s18 =	sld [smem:$0x3FC8];
	(tm) =	ssettm $0x1  }
0x92: {  	s4 =	sld [smem:$0x3FFB];
	_ =	sdelay $0x3  }
0x93: {  	_ =	strace s4  }
0x94: {  	s4 =	sld [smem:$0x3FFC];
	_ =	sdelay $0x3  }
0x95: {  	_ =	strace s4  }
0x96: {  	s4 =	sld [smem:$0x3FFD];
	_ =	sdelay $0x3  }
0x97: {  	_ =	strace s4  }
0x98: {  	_ =	strace $0x8FFFFFFF  }
0x99: {  	s19 =	sld [smem:$0x3FDB];
	_ =	sdelay $0x1  }
0x9a: {  	s5 =	simm.s32 $_scs_section_size  }
0x9b: {  	s6 =	simm.s32 $_size__tile_overlayer_lowered;
	s7 =	simm.s32 $_tile_overlayer_lowered  }
0x9c: {  	s22 =	simm.s32 $0x1BFF;
	s21 =	sshll.u32 s7, $0x1;
	s4 =	sadd.s32 s5, s19  }
0x9d: {  	s8 =	simm.s32 $0x0;
	s20 =	sshll.u32 s6, $0x1;
	s6 =	sadd.s32 s21, s4  }
0x9e: {  	[timem:s8], [sflag:s22] =	dma.local [hbm:s6], s20  }
0x9f: {  	_ =	swait.ge [sflag:s22], s20  }
0xa0: {  	s5 =	ssub.s32 $0x0, s20;
	[sflag:s22] =	ssyncset.done $0x0  }
0xa1: {  	[sflag:s22] =	ssyncadd.s32 s5;
	_ =	sdelay $0x1  }
0xa2: {  	s23 =	simm.s32 $0x1B8B  }
0xa3: {  	_ =	swait.ge [sflag:s23], $0x1  }
0xa4: {  	[sflag:s23] =	ssyncset.done $0x0  }
0xa5: {  	s25 =	simm.s32 $0x1B8E;
	s24 =	sld [smem:$0x3FFE];
	[sflag:s23] =	ssyncadd.s32 $0xFFFFFFFF  }
0xa6: {  	s26 =	simm.s32 $execute0_lowered;
	[smem:$0x3FD2] =	sst s25  }
0xa7: {  	s6 =	sshll.u32 s26, $0x1;
	_ =	strace $0x80000046;
	[dreg:$0x1] =	wrdreg $0xFFFFFFFF  }
0xa8: {  	s28 =	simm.s32 $_size_execute0_lowered;
	s4 =	sadd.s32 s4, s6;
	[dreg:$0x0] =	wrdreg $0x0  }
0xa9: {  	s6 =	sshll.u32 s28, $0x1;
	[dreg:$0x2] =	wrdreg s4  }
0xaa: {  	[dreg:$0x3] =	wrdreg s6  }
0xab: {  	[dreg:$0x4] =	wrdreg $0xC0  }
0xac: {  	_ =	task [dreg:s8], $0x5FFFF  }
0xad: {  	[dreg:$0x1] =	wrdreg $0xFFFFFFFF  }
0xae: {  	[dreg:$0x0] =	wrdreg $0x60  }
0xaf: {  	[dreg:$0x2] =	wrdreg s2  }
0xb0: {  	[dreg:$0x3] =	wrdreg s18  }
0xb1: {  	[dreg:$0x4] =	wrdreg s24  }
0xb2: {  	[dreg:$0x5] =	wrdreg $0x9  }
0xb3: {  	_ =	task.clear_ibuf [dreg:s8], $0x6FFFF;
	_ =	strace $0x90000046  }
0xb4: {  	s29 =	simm.s32 $0x9;
	_ =	strace $0x8000004D  }
0xb5: {  	_ =	swait.ge [sflag:s29], $0x1  }
0xb6: {  	[sflag:s29] =	ssyncadd.s32 $0xFFFFFFFF  }
0xb7: {  	_ =	strace $0x9000004D  }
0xb8: {  	_ =	sfence  }
0xb9: {  	s30 =	sld [smem:$0x0];
	_ =	sdelay $0x2  }
0xba: {  	s31 =	sshll.u32 s1, $0xD;
	s1 =	sshrl.u32 s1, $0x2  }
0xbb: {  	s3 =	sand.u32 $0x4000, s31;
	s1 =	sadd.s32 s1, s30  }
0xbc: {  	s0 =	sor.u32 s3, s0;
	s1 =	sshll.u32 s1, $0x11  }
0xbd: {  	s0 =	sor.u32 s1, s0  }
0xbe: {  	s0 =	sadd.s32 $0x8F2B, s0  }
0xbf: {  	[sflag:s0] =	ssyncadd.remote.s32 $0x1  }
0xc0: {  	_ =	sfence.sel $0xFFFF  }
0xc1: {  	[dreg:$0x0] =	wrdreg $0xFFFFFFFF;
	(pc) =	sbr.abs _section_cstart, $3  }
0xc2: {  	[dreg:$0x1] =	wrdreg $0xFFFFFFFF  }
0xc3: {  	_ =	task.clear_ibuf [dreg:s8], $0x2FFFF;
	_ =	strace $0x9FFFFFFF  }
0xc4: {  	(tm) =	ssettm $0x7FFFFFFF  }
0xc5: {  	_ =	shalt  }
tec
execute0_lowered:
.L_overlay_start_1:
0x0: {  	(tag) =	ssettag $0x1  }
0x1: {  	v0 =	vimm.s32 $0xEFCDAB89;
	v1 =	vimm.s32 $0x0  }
0x2: {  	v3 =	vimm.s32 $0x67452301;
	v4 =	vimm.s32 $0xDCFE98BA;
	v5 =	vimm.s32 $0x54761032  }
0x3: {  	v6 =	vimm.s32 $0xBA98FEDC;
	v7 =	vimm.s32 $0x32107654;
	v8 =	vimm.s32 $0xFEDCBA98  }
0x4: {  	v9 =	vimm.s32 $0x76543210;
	vm0 =	vmmov $0x1;
	v10 =	vimm.s32 $0xFFFFFFFF  }
0x5: {  	v11 =	vimm.s32 $0x2;
	v12 =	vimm.s32 $0x3;
	v13 =	vimm.s32 $0x4  }
0x6: {  	v14 =	vimm.s32 $0x5;
	v15 =	vimm.s32 $0x6;
	v16 =	vimm.s32 $0x7  }
0x7: {  	v17 =	vimm.s32 $0x8;
	v18 =	vimm.s32 $0x9;
	v19 =	vimm.s32 $0xA  }
0x8: {  	s0 =	rddreg [dreg:$0x0];
	v20 =	vimm.s32 $0xB;
	v21 =	vimm.s32 $0xC;
	v22 =	vimm.s32 $0xD  }
0x9: {  	s1 =	rddreg [dreg:$0x1];
	v23 =	vimm.s32 $0xE;
	v24 =	vimm.s32 $0x80000000;
	v2 =	vunpack.c.l.s4.s8 v0  }
0xa: {  	s4 =	rddreg [dreg:$0x2];
	v3 =	vunpack.c.l.s4.s8 v3;
	v4 =	vunpack.c.l.s4.s8 v4;
	v5 =	vunpack.c.l.s4.s8 v5  }
0xb: {  	s5 =	srdreg.scid;
	s2 =	rddreg [dreg:$0x3];
	s3 =	simm.s32 $0x0;
	v6 =	vunpack.c.l.s4.s8 v6;
	v7 =	vunpack.c.l.s4.s8 v7;
	v2 =	vunpack.c.0.s8.s32 v2  }
0xc: {  	s10 =	simm.s32 $0x10580;
	s11 =	simm.s32 $0x1;
	s12 =	simm.s32 $0x80;
	v3 =	vunpack.c.0.s8.s32 v3;
	v4 =	vunpack.c.0.s8.s32 v4;
	v5 =	vunpack.c.0.s8.s32 v5  }
0xd: {  	s13 =	simm.s32 $0x400;
	s14 =	simm.s32 $0x8000;
	s15 =	simm.s32 $0xA000;
	v0 =	vimm.f32 $0.0e+00;
	v6 =	vunpack.c.0.s8.s32 v6;
	v7 =	vunpack.c.0.s8.s32 v7  }
0xe: {  	s16 =	simm.s32 $0xC080;
	s17 =	simm.s32 $0xE080;
	s18 =	simm.s32 $0xF100;
	v8 =	vunpack.c.l.s4.s8 v8;
	v2 =	vcombine.low v3, v2;
	v3 =	vcombine.low v5, v4  }
0xf: {  	s19 =	simm.s32 $0x10180;
	s20 =	simm.s32 $0x10600;
	s6 =	sand.u32 $0x1, s5;
	v4 =	vunpack.c.l.s4.s8 v9;
	v5 =	vcombine.low v7, v6;
	v7 =	vlaneseq.u32  }
0x10: {  	s21 =	simm.s32 $0x0;
	[smem:$0x7FF] =	sst s3;
	s7 =	ssub.s32 $0x2, s6;
	v6 =	vunpack.c.0.s8.s32 v8;
	v9 =	vimm.s32 $0x1;
	v7 =	vmul.u32 $0xFFFFFFFF, v7  }
0x11: {  	s4 =	sadd.s32 $0x400, s4;
	s5 =	stileid.u32;
	s8 =	sshrl.u32 s7, $0x1;
	v2 =	vand.u32 $0xF, v2;
	v8 =	vunpack.c.0.s8.s32 v4;
	v3 =	vand.u32 $0xF, v3  }
0x12: {  	_ =	strace $0x80000047;
	s6 =	sshll.u32 s6, $0x9;
	s9 =	ssub.s32 s7, s8;
	v4 =	vand.u32 $0xF, v5;
	v5 =	vand.u32 $0xF, v6;
	v6 =	vimm.f32 $1.000000000e+00  }
0x13: {  	s7 =	sshll.u32 s5, $0x12;
	s8 =	sshll.u32 s5, $0xA;
	s9 =	smax.u32 s9, $0x1;
	v7 =	vadd.s32 $0xF, v7;
	v5 =	vcombine.low v5, v8;
	v8 =	vimm.s32 $0xF  }
.LBB2_1:
0x14: {  	[tilespmem:s10], [sflag:$0x1] =	stream.linear.gather [hbm4b:s1+s3], $0x80, $0x38;
	[tilespmem:$0x10680] =	vst v63  }
0x15: {  	_ =	swait.ge [sflag:s11], $0x80  }
0x16: {  	[sflag:s11] =	ssyncset.done $0x0  }
0x17: {  	[sflag:s11] =	ssyncadd.s32 $0xFFFFFF80  }
0x18: {  	s22 =	simm.s32 $0x40;
	s23 =	simm.s32 $0x0;
	v25 =	vld [tilespmem:$0x10580]  }
.LBB2_2:
0x19: {  	p0 =	sne.s32 s22, $0x7FC0;
	[tilespmem:s23+$0x8000] =	vst v0;
	s24 =	smov.u32 s22;
	s22 =	sadd.s32 $0x40, s22  }
.Ltmp0:
0x1a: {  	[tilespmem:s23+$0xC080] =	vst v1;
	(pc) =	sbr.rel @p0 .LBB2_2-.Ltmp0, $2  }
0x1b: {  	_ =	sdelay $0x2  }
0x1c: {  	s23 =	sshra.s32 s24, $0x2  }
0x1d: {  	[tilespmem:s23+$0x8000] =	vst v0  }
0x1e: {  	[tilespmem:s23+$0xC080] =	vst v1  }
0x1f: {  	v26 =	vadd.s32 $0x1, v25;
	s22 =	simm.s32 $0x0;
	[tilespmem:$0xC000] =	vst v1  }
.LBB2_4:
0x20: {  	s23 =	sshll.u32 s22, $0x7  }
0x21: {  	s23 =	sadd.s32 s6, s23  }
0x22: {  	s24 =	sadd.s32 s7, s23  }
0x23: {  	s24 =	sshrl.u32 s24, $0x3  }
0x24: {  	s24 =	sadd.s32 s0, s24  }
0x25: {  	[tilespmem:s3], [sflag:$0x1] =	stream.strided.gather [hbm4b:s24+s12], $0x8000, s13, s12, $0x38;
	[tilespmem:$0x10680] =	vst v63  }
0x26: {  	_ =	swait.ge [sflag:s11], $0x8000  }
0x27: {  	[sflag:s11] =	ssyncset.done $0x0  }
0x28: {  	[sflag:s11] =	ssyncadd.s32 $0xFFFF8000  }
0x29: {  	s31 =	simm.s32 $0x20;
	_ =	strace $0x80000048  }
0x2a: {  	v27 =	vld [tilespmem:s31+$0x10]  }
0x2b: {  	v32 =	vld [tilespmem:s31+$0xFFFFFFE0]  }
0x2c: {  	v30 =	vld [tilespmem:s31+$0xFFFFFFF0]  }
0x2d: {  	v29 =	vld [tilespmem:s31+$0x0];
	_ =	sdelay $0x1  }
0x2e: {  	v33 =	vimm.s32 $0x7FFFFFFF;
	v31 =	vimm.s32 $0x80000000  }
0x2f: {  	v34 =	vxor.u32 $0x7FFFFFFF, v32;
	vm1 =	vlt.s32 v32, $0x0;
	v28 =	vxor.u32 $0x7FFFFFFF, v27  }
0x30: {  	v35 =	vxor.u32 $0x7FFFFFFF, v30;
	vm3 =	vlt.s32 v30, $0x0;
	v34 =	vsel vm1, v34, v32  }
0x31: {  	s25 =	simm.s32 $0x60;
	s24 =	simm.s32 $0x0;
	v32 =	vxor.u32 $0x7FFFFFFF, v29;
	vm2 =	vlt.s32 v33, v34;
	vm1 =	vgt.s32 v31, v34  }
.LBB2_5:
0x32: {  	v36 =	vld [tilespmem:s25+$0x10];
	v33 =	vsel vm2, v33, v34;
	v31 =	vsel vm1, v31, v34;
	v30 =	vsel vm3, v35, v30  }
0x33: {  	vm3 =	vlt.s32 v29, $0x0;
	v34 =	vld [tilespmem:s25+$0x0];
	vm1 =	vlt.s32 v33, v30;
	vm2 =	vgt.s32 v31, v30  }
0x34: {  	s24 =	sadd.s32 $0x4, s24;
	v29 =	vsel vm3, v32, v29;
	v35 =	vld [tilespmem:s25+$0xFFFFFFE0];
	v33 =	vsel vm1, v33, v30;
	v31 =	vsel vm2, v31, v30  }
0x35: {  	p0 =	slt.u32 s24, $0x7FC;
	vm3 =	vlt.s32 v27, $0x0;
	v30 =	vld [tilespmem:s25+$0xFFFFFFF0];
	vm1 =	vlt.s32 v33, v29;
	vm2 =	vgt.s32 v31, v29  }
0x36: {  	v28 =	vsel vm3, v28, v27;
	v32 =	vsel vm1, v33, v29;
	v37 =	vsel vm2, v31, v29  }
.Ltmp1:
0x37: {  	vm1 =	vlt.s32 v32, v28;
	vm2 =	vgt.s32 v37, v28;
	v27 =	vmov v36;
	(pc) =	sbr.rel @p0 .LBB2_5-.Ltmp1, $4  }
0x38: {  	v33 =	vsel vm1, v32, v28;
	v31 =	vsel vm2, v37, v28;
	v29 =	vmov v34  }
0x39: {  	v28 =	vxor.u32 $0x7FFFFFFF, v27;
	v32 =	vxor.u32 $0x7FFFFFFF, v35;
	vm1 =	vlt.s32 v35, $0x0  }
0x3a: {  	v34 =	vsel vm1, v32, v35;
	v35 =	vxor.u32 $0x7FFFFFFF, v30;
	v32 =	vxor.u32 $0x7FFFFFFF, v29  }
0x3b: {  	s25 =	sadd.s32 $0x40, s25;
	vm3 =	vlt.s32 v30, $0x0;
	vm2 =	vlt.s32 v33, v34;
	vm1 =	vgt.s32 v31, v34  }
0x3c: {  	v33 =	vsel vm2, v33, v34;
	v30 =	vsel vm3, v35, v30  }
0x3d: {  	vm3 =	vlt.s32 v29, $0x0;
	vm2 =	vlt.s32 v33, v30  }
0x3e: {  	v31 =	vsel vm1, v31, v34;
	v29 =	vsel vm3, v32, v29;
	v33 =	vsel vm2, v33, v30  }
0x3f: {  	vm1 =	vgt.s32 v31, v30;
	vm3 =	vlt.s32 v27, $0x0;
	vm2 =	vlt.s32 v33, v29  }
0x40: {  	v30 =	vsel vm1, v31, v30;
	v27 =	vsel vm3, v28, v27;
	v31 =	vsel vm2, v33, v29  }
0x41: {  	vm1 =	vgt.s32 v30, v29;
	vm2 =	vlt.s32 v31, v27  }
0x42: {  	v28 =	vsel vm1, v30, v29;
	v29 =	vsel vm2, v31, v27  }
0x43: {  	vm1 =	vgt.s32 v28, v27;
	v29 =	vxor.u32 $0xFFFFFFFF, v29  }
0x44: {  	v27 =	vsel vm1, v28, v27;
	v28 =	vperm.xlane v29, v2  }
0x45: {  	v30 =	vperm.xlane v27, v2  }
0x46: {  	vm1 =	vgt.s32 v29, v28  }
0x47: {  	v28 =	vsel vm1, v29, v28;
	vm1 =	vgt.s32 v27, v30  }
0x48: {  	v29 =	vperm.xlane v28, v3;
	v27 =	vsel vm1, v27, v30  }
0x49: {  	v30 =	vperm.xlane v27, v3  }
0x4a: {  	vm1 =	vgt.s32 v28, v29  }
0x4b: {  	v28 =	vsel vm1, v28, v29;
	vm1 =	vgt.s32 v27, v30  }
0x4c: {  	v29 =	vperm.xlane v28, v4;
	v27 =	vsel vm1, v27, v30  }
0x4d: {  	v30 =	vperm.xlane v27, v4  }
0x4e: {  	vm1 =	vgt.s32 v28, v29  }
0x4f: {  	v28 =	vsel vm1, v28, v29;
	vm1 =	vgt.s32 v27, v30  }
0x50: {  	v29 =	vperm.xlane v28, v5;
	v27 =	vsel vm1, v27, v30  }
0x51: {  	v30 =	vperm.xlane v27, v5  }
0x52: {  	vm1 =	vgt.s32 v28, v29  }
0x53: {  	v28 =	vsel vm1, v28, v29;
	vm1 =	vgt.s32 v27, v30  }
0x54: {  	v27 =	vsel vm1, v27, v30;
	v29 =	vshra.s32 v28, $0x1F  }
0x55: {  	v29 =	vor.u32 $0x80000000, v29;
	v30 =	vxor.u32 $0x7FFFFFFF, v27;
	vm1 =	vlt.s32 v27, $0x0  }
0x56: {  	v28 =	vxor.u32 v28, v29;
	v27 =	vsel vm1, v30, v27  }
0x57: {  	v27 =	vsub.f32 v27, v28;
	_ =	sdelay $0x1  }
0x58: {  	_ =	strace $0x90000048;
	v27 =	vmax.f32 v27, $1.000000000e-30  }
0x59: {  	(erf) = vrcp.f32 v27;
	_ =	sdelay $0x8  }
0x5a: {  	v27 =	vpop (erf)  }
0x5b: {  	s24 =	simm.s32 $0xFFFFFFFC;
	s25 =	simm.s32 $0x20;
	v29 =	vmul.f32 $8.192000000e+03, v27;
	_ =	strace $0x80000049  }
.LBB2_7:
0x5c: {  	v27 =	vld [tilespmem:s25+$0xFFFFFFE0];
	_ =	sdelay $0x4  }
0x5d: {  	v27 =	vsub.f32 v27, v28;
	_ =	sdelay $0x1  }
0x5e: {  	v27 =	vmul.f32 v27, v29;
	_ =	sdelay $0x1  }
0x5f: {  	v27 =	vtrunc.f32 v27  }
0x60: {  	v27 =	vcvt.f32.s32 v27;
	_ =	sdelay $0x1  }
0x61: {  	vm1 =	vlt.s32 v27, $0x1FFF  }
0x62: {  	v27 =	vnsel vm1, $0x1FFF, v27;
	_ =	sdelay $0x4  }
0x63: {  	[tilespmem:v27+s14+$0x0] =	vst.idx.add.f32.msk $0xffff, v6  }
0x64: {  	v27 =	vld [tilespmem:s25+$0xFFFFFFF0];
	_ =	sdelay $0x4  }
0x65: {  	v27 =	vsub.f32 v27, v28;
	_ =	sdelay $0x1  }
0x66: {  	v27 =	vmul.f32 v27, v29;
	_ =	sdelay $0x1  }
0x67: {  	v27 =	vtrunc.f32 v27  }
0x68: {  	v27 =	vcvt.f32.s32 v27;
	_ =	sdelay $0x1  }
0x69: {  	vm1 =	vlt.s32 v27, $0x1FFF  }
0x6a: {  	v27 =	vnsel vm1, $0x1FFF, v27;
	_ =	sdelay $0x4  }
0x6b: {  	[tilespmem:v27+s14+$0x0] =	vst.idx.add.f32.msk $0xffff, v6  }
0x6c: {  	v27 =	vld [tilespmem:s25+$0x0];
	_ =	sdelay $0x4  }
0x6d: {  	v27 =	vsub.f32 v27, v28;
	_ =	sdelay $0x1  }
0x6e: {  	v27 =	vmul.f32 v27, v29;
	_ =	sdelay $0x1  }
0x6f: {  	v27 =	vtrunc.f32 v27  }
0x70: {  	v27 =	vcvt.f32.s32 v27;
	_ =	sdelay $0x1  }
0x71: {  	vm1 =	vlt.s32 v27, $0x1FFF  }
0x72: {  	v27 =	vnsel vm1, $0x1FFF, v27;
	_ =	sdelay $0x4  }
0x73: {  	[tilespmem:v27+s14+$0x0] =	vst.idx.add.f32.msk $0xffff, v6  }
0x74: {  	v27 =	vld [tilespmem:s25+$0x10];
	_ =	sdelay $0x4  }
0x75: {  	v27 =	vsub.f32 v27, v28;
	_ =	sdelay $0x1  }
0x76: {  	v27 =	vmul.f32 v27, v29;
	_ =	sdelay $0x1  }
0x77: {  	v27 =	vtrunc.f32 v27  }
0x78: {  	v27 =	vcvt.f32.s32 v27;
	_ =	sdelay $0x1  }
0x79: {  	s24 =	sadd.s32 $0x4, s24;
	vm1 =	vlt.s32 v27, $0x1FFF  }
0x7a: {  	p0 =	slt.u32 s24, $0x7FC;
	v27 =	vnsel vm1, $0x1FFF, v27  }
.Ltmp2:
0x7b: {  	_ = 	snop;
	(pc) =	sbr.rel @p0 .LBB2_7-.Ltmp2, $2  }
0x7c: {  	_ =	sdelay $0x2  }
0x7d: {  	s25 =	sadd.s32 $0x40, s25;
	[tilespmem:v27+s14+$0x0] =	vst.idx.add.f32.msk $0xffff, v6  }
0x7e: {  	_ =	strace $0x90000049  }
0x7f: {  	s24 =	simm.s32 $0x9FF0;
	_ =	strace $0x8000004A  }
0x80: {  	v27 =	vld [tilespmem:s24+$0x0];
	_ =	sdelay $0x4  }
0x81: {  	v27 =	vtrunc.f32 v27  }
0x82: {  	v27 =	vcvt.f32.s32 v27;
	_ =	sdelay $0x1  }
0x83: {  	v27 =	vperm.xlane v27, v7;
	_ =	sdelay $0x1  }
0x84: {  	(xrf0) =	vadd.scan.msk.s32 $0xffff, v27;
	_ =	sdelay $0x5  }
0x85: {  	v27 =	vimm.s32 $0x0;
	v30, _, _ =	vpop (xrf0)  }
0x86: {  	v27 =	vadd.s32 v27, v30  }
0x87: {  	v30 =	vperm.xlane v27, v7  }
0x88: {  	s25 =	simm.s32 $0xBFF0  }
0x89: {  	[tilespmem:s25+$0x0] =	vst v30  }
0x8a: {  	v30 =	vld [tilespmem:s24+$0xFFFFFFF0];
	_ =	sdelay $0x4  }
0x8b: {  	v30 =	vtrunc.f32 v30  }
0x8c: {  	v30 =	vcvt.f32.s32 v30;
	_ =	sdelay $0x1  }
0x8d: {  	v30 =	vperm.xlane v30, v7;
	_ =	sdelay $0x1  }
0x8e: {  	(xrf0) =	vadd.scan.msk.s32 $0xffff, v30;
	_ =	sdelay $0x4  }
0x8f: {  	v27 =	vperm.xlane v27, v8  }
0x90: {  	v30, _, _ =	vpop (xrf0)  }
0x91: {  	v27 =	vadd.s32 v27, v30  }
0x92: {  	v30 =	vperm.xlane v27, v7  }
0x93: {  	[tilespmem:s24+$0x0] =	vst v0  }
0x94: {  	s26 =	simm.s32 $0x0;
	s28 =	simm.s32 $0x9FD0;
	v27 =	vperm.xlane v27, v8;
	[tilespmem:s25+$0xFFFFFFF0] =	vst v30  }
.LBB2_9:
0x95: {  	v30 =	vld [tilespmem:s28+$0x0];
	s26 =	sadd.s32 $0x2, s26;
	[tilespmem:s24+$0xFFFFFFF0] =	vst v0;
	s24 =	smov.u32 s28  }
0x96: {  	p0 =	slt.u32 s26, $0x1FE;
	_ =	sdelay $0x3  }
0x97: {  	v30 =	vtrunc.f32 v30  }
0x98: {  	v30 =	vcvt.f32.s32 v30;
	_ =	sdelay $0x1  }
0x99: {  	v30 =	vperm.xlane v30, v7;
	_ =	sdelay $0x1  }
0x9a: {  	(xrf0) =	vadd.scan.msk.s32 $0xffff, v30;
	_ =	sdelay $0x5  }
0x9b: {  	v30, _, _ =	vpop (xrf0)  }
0x9c: {  	v27 =	vadd.s32 v27, v30  }
0x9d: {  	v30 =	vperm.xlane v27, v7  }
0x9e: {  	s25 =	sadd.s32 $0xFFFFFFE0, s25  }
0x9f: {  	[tilespmem:s25+$0x0] =	vst v30  }
0xa0: {  	[tilespmem:s28+$0x0] =	vst v0;
	v30 =	vld [tilespmem:s28+$0xFFFFFFF0];
	_ =	sdelay $0x4  }
0xa1: {  	v30 =	vtrunc.f32 v30  }
0xa2: {  	v30 =	vcvt.f32.s32 v30;
	_ =	sdelay $0x1  }
0xa3: {  	v30 =	vperm.xlane v30, v7;
	_ =	sdelay $0x1  }
0xa4: {  	(xrf0) =	vadd.scan.msk.s32 $0xffff, v30;
	_ =	sdelay $0x4  }
0xa5: {  	v27 =	vperm.xlane v27, v8  }
.Ltmp3:
0xa6: {  	v30, _, _ =	vpop (xrf0);
	(pc) =	sbr.rel @p0 .LBB2_9-.Ltmp3, $3  }
0xa7: {  	v27 =	vadd.s32 v27, v30  }
0xa8: {  	v30 =	vperm.xlane v27, v7;
	v27 =	vperm.xlane v27, v8;
	_ =	sdelay $0x1  }
0xa9: {  	s28 =	sadd.s32 $0xFFFFFFE0, s28;
	[tilespmem:s25+$0xFFFFFFF0] =	vst v30  }
0xaa: {  	[tilespmem:s24+$0xFFFFFFF0] =	vst v0;
	v27 =	vimm.s32 $0x0;
	v30 =	vimm.s32 $0x2000  }
0xab: {  	s24 =	simm.s32 $0xC;
	_ =	strace $0x9000004A;
	v31 =	vadd.s32 v27, v30  }
.LBB2_11:
0xac: {  	p0 =	sne.s32 s24, $0x1;
	v32 =	vand.u32 $0x1, v31  }
0xad: {  	v33 =	vshrl.u32 v31, $0x1F;
	vm1 =	vlt.s32 v31, $0x1;
	vm2 =	veq.s32 v32, $0x1  }
0xae: {  	v31 =	vadd.s32 v33, v31;
	vm1 =	vmand vm1, vm2  }
0xaf: {  	v31 =	vshra.s32 v31, $0x1;
	v32 =	vsel vm1, $0xFFFFFFFF, v1  }
0xb0: {  	v31 =	vadd.s32 v32, v31;
	_ =	sdelay $0x4  }
0xb1: {  	v32 =	vld.idx.msk [tilespmem:v31+s15+$0x0], $0xffff;
	_ =	sdelay $0x3  }
.Ltmp4:
0xb2: {  	(pc) =	sbr.rel @p0 .LBB2_11-.Ltmp4, $4  }
0xb3: {  	_ = 	snop  }
0xb4: {  	vm1 =	vlt.s32 v32, v26  }
0xb5: {  	v27 =	vsel vm1, v27, v31;
	v30 =	vsel vm1, v31, v30  }
0xb6: {  	s24 =	sadd.s32 $0xFFFFFFFF, s24;
	v31 =	vadd.s32 v27, v30  }
0xb7: {  	v30 =	vand.u32 $0x1, v31  }
0xb8: {  	v32 =	vshrl.u32 v31, $0x1F;
	vm1 =	vlt.s32 v31, $0x1;
	vm2 =	veq.s32 v30, $0x1  }
0xb9: {  	v30 =	vadd.s32 v32, v31;
	vm1 =	vmand vm1, vm2  }
0xba: {  	v30 =	vshra.s32 v30, $0x1;
	v31 =	vsel vm1, $0xFFFFFFFF, v1  }
0xbb: {  	v30 =	vadd.s32 v31, v30;
	_ =	sdelay $0x4  }
0xbc: {  	v31 =	vld.idx.msk [tilespmem:v30+s15+$0x0], $0xffff;
	_ =	sdelay $0x4  }
0xbd: {  	vm1 =	vlt.s32 v31, v26  }
0xbe: {  	v27 =	vsel vm1, v27, v30  }
0xbf: {  	v30 =	vadd.s32 $0x1, v27;
	_ =	sdelay $0x4  }
0xc0: {  	v30 =	vld.idx.msk [tilespmem:v30+s15+$0x0], $0xffff;
	[tilespmem:v27+s16+$0x0] =	vst.idx.msk $0xffff, v9  }
0xc1: {  	s24 =	simm.s32 $0xFFFFFFFE;
	s25 =	simm.s32 $0x10;
	v31 =	vimm.s32 $0x0;
	_ =	strace $0x8000004B  }
.LBB2_13:
0xc2: {  	v32 =	vld [tilespmem:s25+$0xFFFFFFF0];
	_ =	sdelay $0x4  }
0xc3: {  	v33 =	vsub.f32 v32, v28;
	_ =	sdelay $0x1  }
0xc4: {  	v33 =	vmul.f32 v33, v29;
	_ =	sdelay $0x1  }
0xc5: {  	v33 =	vtrunc.f32 v33  }
0xc6: {  	v33 =	vcvt.f32.s32 v33;
	_ =	sdelay $0x1  }
0xc7: {  	vm1 =	vlt.s32 v33, $0x1FFF  }
0xc8: {  	v33 =	vnsel vm1, $0x1FFF, v33;
	_ =	sdelay $0x4  }
0xc9: {  	v34 =	vld.idx.msk [tilespmem:v33+s16+$0x0], $0xffff;
	_ =	sdelay $0x4  }
0xca: {  	vm1 =	vgt.s32 v34, $0x0  }
0xcb: {  	v34 =	vsel vm1, $0x1, v1  }
0xcc: {  	(xrf0) =	vadd.scan.msk.s32 $0xffff, v34;
	_ =	sdelay $0x5  }
0xcd: {  	v34, _, _ =	vpop (xrf0)  }
0xce: {  	v34 =	vadd.s32 v34, v31  }
0xcf: {  	v34 =	vadd.s32 $0xFFFFFFFF, v34  }
0xd0: {  	vm2 =	vlt.s32 v34, $0x1000  }
0xd1: {  	vm2 =	vmand vm1, vm2;
	_ =	sdelay $0x2  }
0xd2: {  	v35 =	vshra.s32 v32, $0x1F  }
0xd3: {  	v35 =	vor.u32 $0x80000000, v35  }
0xd4: {  	v32 =	vxor.u32 v32, v35  }
0xd5: {  	[tilespmem:v34+s17+$0x0] =	vst.idx.msk vm2, v32  }
0xd6: {  	[tilespmem:v34+s18+$0x0] =	vst.idx.msk vm2, v33  }
0xd7: {  	v32 =	vld [tilespmem:s25+$0x0];
	_ =	sdelay $0x4  }
0xd8: {  	v60 =	vsub.f32 v32, v28;
	_ =	sdelay $0x1  }
0xd9: {  	v33 =	vmul.f32 v60, v29;
	_ =	sdelay $0x1  }
0xda: {  	v33 =	vtrunc.f32 v33  }
0xdb: {  	v33 =	vcvt.f32.s32 v33;
	_ =	sdelay $0x1  }
0xdc: {  	vm2 =	vlt.s32 v33, $0x1FFF  }
0xdd: {  	v33 =	vnsel vm2, $0x1FFF, v33;
	_ =	sdelay $0x4  }
0xde: {  	v34 =	vld.idx.msk [tilespmem:v33+s16+$0x0], $0xffff;
	_ =	sdelay $0x4  }
0xdf: {  	vm2 =	vgt.s32 v34, $0x0  }
0xe0: {  	v34 =	vsel vm2, $0x1, v1  }
0xe1: {  	(xrf0) =	vadd.scan.msk.s32 $0xffff, v34;
	_ =	sdelay $0x1  }
0xe2: {  	v61 =	vmpcnt.ones.xlane vm1;
	_ =	sdelay $0x1  }
0xe3: {  	v31 =	vadd.s32 v31, v61  }
0xe4: {  	vm1 =	vlt.s32 v31, $0x1000  }
0xe5: {  	v31 =	vnsel vm1, $0x1000, v31;
	v62, _, _ =	vpop (xrf0)  }
0xe6: {  	v34 =	vadd.s32 v62, v31  }
0xe7: {  	v34 =	vadd.s32 $0xFFFFFFFF, v34  }
0xe8: {  	vm1 =	vlt.s32 v34, $0x1000  }
0xe9: {  	vm1 =	vmand vm2, vm1  }
0xea: {  	s24 =	sadd.s32 $0x2, s24  }
0xeb: {  	p0 =	slt.u32 s24, $0x7FE  }
.Ltmp5:
0xec: {  	v63 =	vshra.s32 v32, $0x1F;
	v36 =	vmpcnt.ones.xlane vm2;
	(pc) =	sbr.rel @p0 .LBB2_13-.Ltmp5, $4  }
0xed: {  	v35 =	vor.u32 $0x80000000, v63  }
0xee: {  	v32 =	vxor.u32 v32, v35;
	v31 =	vadd.s32 v31, v36  }
0xef: {  	vm2 =	vlt.s32 v31, $0x1000;
	[tilespmem:v34+s17+$0x0] =	vst.idx.msk vm1, v32  }
0xf0: {  	s25 =	sadd.s32 $0x20, s25;
	v31 =	vnsel vm2, $0x1000, v31;
	[tilespmem:v34+s18+$0x0] =	vst.idx.msk vm1, v33  }
0xf1: {  	_ =	strace $0x9000004B;
	v28 =	vnsel vm0, $0x0, v31  }
0xf2: {  	(xrf0) =	vadd.scan.msk.s32 $0xffff, v28;
	_ =	sdelay $0x5  }
0xf3: {  	v28, _, _ =	vpop (xrf0)  }
0xf4: {  	(v2sf) =	vpush v28, $0xF;
	_ =	sdelay $0xe  }
0xf5: {  	s24 =	spop (v2sf)  }
0xf6: {  	[tilespmem:s24+$0xE080] =	vst v1  }
0xf7: {  	[tilespmem:s24+$0xF100] =	vst v10  }
0xf8: {  	s26 =	simm.s32 $0x40;
	s25 =	simm.s32 $0x0;
	[tilespmem:v27+s16+$0x0] =	vst.idx.msk $0xffff, v1  }
.LBB2_15:
0xf9: {  	p0 =	sne.s32 s26, $0xFC0;
	[tilespmem:s25+$0x10180] =	vst v1;
	s25 =	smov.u32 s26;
	s26 =	sadd.s32 $0x40, s26  }
.Ltmp6:
0xfa: {  	(pc) =	sbr.rel @p0 .LBB2_15-.Ltmp6, $2  }
0xfb: {  	_ =	sdelay $0x2  }
0xfc: {  	s25 =	sshra.s32 s25, $0x2  }
0xfd: {  	s24 =	sadd.s32 $0xF, s24  }
0xfe: {  	s26 =	sand.u32 $0xF, s24  }
0xff: {  	s31 =	sshra.s32 s24, $0x1F;
	p1 =	slt.s32 s24, $0x1;
	p0 =	sne.s32 s26, $0x0  }
0x100: {  	s26 =	sshrl.u32 s31, $0x1C;
	p0 =	por !p1, !p0  }
0x101: {  	s24 =	sadd.s32 s26, s24;
	s26 =	simm.s32 $0x1;
	p0 =	por !p0, !p0  }
0x102: {  	s24 =	sshra.s32 s24, $0x4;
	s26 =	simm.s32 @!p0 $0x0  }
0x103: {  	s24 =	ssub.s32 s24, s26  }
0x104: {  	p0 =	slt.s32 s24, $0x1  }
.Ltmp7:
0x105: {  	_ = 	snop;
	(pc) =	sbr.rel @p0 .LBB2_20-.Ltmp7, $3  }
0x106: {  	_ =	sdelay $0x1  }
0x107: {  	[tilespmem:s25+$0x10180] =	vst v1  }
0x108: {  	_ =	strace $0x8000004C  }
0x109: {  	s25 =	simm.s32 $0xF100  }
0x10a: {  	v29 =	vld [tilespmem:s25+$0x0];
	_ =	sdelay $0x1  }
0x10b: {  	v31 =	vimm.s32 $0x0  }
0x10c: {  	v28 =	vperm.xlane v27, v31;
	_ =	sdelay $0x1  }
0x10d: {  	vm1 =	veq.s32 v29, v28  }
0x10e: {  	v29 =	vsel vm1, $0x1, v1  }
0x10f: {  	(xrf0) =	vadd.scan.msk.s32 $0xffff, v29;
	_ =	sdelay $0x5  }
0x110: {  	p1 =	sne.s32 s24, $0x1;
	v29 =	vmpcnt.ones.xlane vm1;
	v32, _, _ =	vpop (xrf0)  }
.Ltmp8:
0x111: {  	v32 =	vadd.s32 v32, v31;
	(pc) =	sbr.rel @!p1 .LBB2_19-.Ltmp8, $4  }
0x112: {  	v29 =	vadd.s32 v31, v29;
	v31 =	vadd.s32 $0xFFFFFFFF, v32  }
0x113: {  	vm3 =	vlt.s32 v31, $0x40  }
0x114: {  	s26 =	simm.s32 $0xE080;
	vm2 =	vlt.s32 v29, $0x40;
	vm1 =	vmand vm1, vm3  }
0x115: {  	s28 =	sadd.s32 $0xFFFFFFFF, s24;
	v29 =	vnsel vm2, $0x40, v29;
	v32 =	vld [tilespmem:s26+$0x0]  }
.LBB2_18:
0x116: {  	_ =	sdelay $0x3  }
0x117: {  	p1 =	sne.s32 s28, $0x1;
	s25 =	sadd.s32 $0x10, s25;
	s26 =	sadd.s32 $0x10, s26;
	[tilespmem:v31+s19+$0x0] =	vst.idx.msk vm1, v32;
	v31 =	vmov v29  }
0x118: {  	s28 =	sadd.s32 $0xFFFFFFFF, s28;
	v32 =	vld [tilespmem:s25+$0x0];
	_ =	sdelay $0x4  }
0x119: {  	vm1 =	veq.s32 v32, v28  }
0x11a: {  	v32 =	vsel vm1, $0x1, v1;
	v33 =	vmpcnt.ones.xlane vm1  }
0x11b: {  	(xrf0) =	vadd.scan.msk.s32 $0xffff, v32  }
0x11c: {  	v29 =	vadd.s32 v29, v33  }
0x11d: {  	vm2 =	vlt.s32 v29, $0x40  }
0x11e: {  	v29 =	vnsel vm2, $0x40, v29;
	_ =	sdelay $0x2  }
0x11f: {  	v32, _, _ =	vpop (xrf0)  }
.Ltmp9:
0x120: {  	v31 =	vadd.s32 v32, v31;
	(pc) =	sbr.rel @p1 .LBB2_18-.Ltmp9, $4  }
0x121: {  	v31 =	vadd.s32 $0xFFFFFFFF, v31  }
0x122: {  	vm2 =	vlt.s32 v31, $0x40  }
0x123: {  	vm1 =	vmand vm1, vm2  }
0x124: {  	v32 =	vld [tilespmem:s26+$0x0]  }
.LBB2_19:
0x125: {  	_ =	sdelay $0x4  }
0x126: {  	[tilespmem:v31+s19+$0x0] =	vst.idx.msk vm1, v32  }
.LBB2_20:
0x127: {  	v29 =	vld [tilespmem:$0x10180]  }
0x128: {  	v31 =	vld [tilespmem:$0x10190]  }
0x129: {  	v32 =	vld [tilespmem:$0x101A0]  }
0x12a: {  	v33 =	vld [tilespmem:$0x101B0]  }
0x12b: {  	v35 =	vimm.s32 $0x0;
	v34 =	vimm.s32 $0x80000000  }
0x12c: {  	v36 =	vor.u32 v35, v34  }
0x12d: {  	vm1 =	vge.u32 v29, v36;
	vm2 =	vge.u32 v31, v36  }
0x12e: {  	vm3 =	vge.u32 v32, v36;
	v28 =	vsel vm1, $0x1, v1;
	v37 =	vsel vm2, $0x1, v1  }
0x12f: {  	vm1 =	vge.u32 v33, v36;
	v57 =	vsel vm3, $0x1, v1;
	v28 =	vadd.s32 v28, v37  }
0x130: {  	v58 =	vsel vm1, $0x1, v1;
	v28 =	vadd.s32 v57, v28  }
0x131: {  	v28 =	vadd.s32 v58, v28  }
0x132: {  	v37 =	vperm.xlane v28, v2;
	_ =	sdelay $0x1  }
0x133: {  	v28 =	vadd.s32 v37, v28  }
0x134: {  	v37 =	vperm.xlane v28, v3;
	_ =	sdelay $0x1  }
0x135: {  	v28 =	vadd.s32 v37, v28  }
0x136: {  	v37 =	vperm.xlane v28, v4;
	_ =	sdelay $0x1  }
0x137: {  	v30 =	vsub.s32 v25, v30;
	v37 =	vadd.s32 v37, v28  }
0x138: {  	v28 =	vadd.s32 $0x1, v30;
	v38 =	vperm.xlane v37, v5  }
0x139: {  	v30 =	vperm.xlane v28, v35  }
0x13a: {  	v37 =	vadd.s32 v38, v37  }
0x13b: {  	vm1 =	vlt.s32 v37, v30  }
0x13c: {  	v59 =	vshrl.u32 v34, $0x1;
	v35 =	vsel vm1, v35, v36  }
0x13d: {  	v36 =	vor.u32 v59, v35  }
0x13e: {  	vm1 =	vge.u32 v29, v36;
	vm2 =	vge.u32 v31, v36  }
0x13f: {  	vm3 =	vge.u32 v32, v36;
	v60 =	vsel vm1, $0x1, v1;
	v61 =	vsel vm2, $0x1, v1  }
0x140: {  	vm1 =	vge.u32 v33, v36;
	v62 =	vsel vm3, $0x1, v1;
	v37 =	vadd.s32 v61, v60  }
0x141: {  	v63 =	vsel vm1, $0x1, v1;
	v37 =	vadd.s32 v62, v37  }
0x142: {  	v37 =	vadd.s32 v63, v37  }
0x143: {  	v38 =	vperm.xlane v37, v2;
	_ =	sdelay $0x1  }
0x144: {  	v37 =	vadd.s32 v38, v37  }
0x145: {  	v38 =	vperm.xlane v37, v3;
	_ =	sdelay $0x1  }
0x146: {  	v37 =	vadd.s32 v38, v37  }
0x147: {  	v38 =	vperm.xlane v37, v4;
	_ =	sdelay $0x1  }
0x148: {  	v37 =	vadd.s32 v38, v37  }
0x149: {  	v38 =	vperm.xlane v37, v5;
	_ =	sdelay $0x1  }
0x14a: {  	v37 =	vadd.s32 v38, v37  }
0x14b: {  	s25 =	simm.s32 $0x0;
	vm1 =	vlt.s32 v37, v30  }
.LBB2_21:
0x14c: {  	s25 =	sadd.s32 $0x2, s25;
	v35 =	vsel vm1, v35, v36;
	v34 =	vshrl.u32 v34, $0x2  }
0x14d: {  	v36 =	vor.u32 v35, v34;
	p1 =	slt.u32 s25, $0x1E  }
0x14e: {  	vm1 =	vge.u32 v29, v36;
	vm2 =	vge.u32 v31, v36;
	vm3 =	vge.u32 v32, v36  }
0x14f: {  	v37 =	vsel vm1, $0x1, v1;
	v38 =	vsel vm2, $0x1, v1;
	vm1 =	vge.u32 v33, v36  }
0x150: {  	v37 =	vadd.s32 v37, v38;
	v38 =	vsel vm3, $0x1, v1  }
0x151: {  	v37 =	vadd.s32 v38, v37;
	v38 =	vsel vm1, $0x1, v1  }
0x152: {  	v37 =	vadd.s32 v38, v37  }
0x153: {  	v38 =	vperm.xlane v37, v2;
	_ =	sdelay $0x1  }
0x154: {  	v37 =	vadd.s32 v38, v37  }
0x155: {  	v38 =	vperm.xlane v37, v3;
	_ =	sdelay $0x1  }
0x156: {  	v37 =	vadd.s32 v38, v37  }
0x157: {  	v38 =	vperm.xlane v37, v4;
	_ =	sdelay $0x1  }
0x158: {  	v37 =	vadd.s32 v38, v37  }
0x159: {  	v38 =	vperm.xlane v37, v5;
	_ =	sdelay $0x1  }
0x15a: {  	v37 =	vadd.s32 v38, v37  }
0x15b: {  	vm1 =	vlt.s32 v37, v30  }
0x15c: {  	v35 =	vsel vm1, v35, v36;
	v36 =	vshrl.u32 v34, $0x1  }
0x15d: {  	v36 =	vor.u32 v36, v35  }
0x15e: {  	vm1 =	vge.u32 v29, v36;
	vm2 =	vge.u32 v31, v36;
	vm3 =	vge.u32 v32, v36  }
0x15f: {  	v37 =	vsel vm1, $0x1, v1;
	v38 =	vsel vm2, $0x1, v1;
	vm1 =	vge.u32 v33, v36  }
0x160: {  	v37 =	vadd.s32 v38, v37;
	v38 =	vsel vm3, $0x1, v1  }
0x161: {  	v37 =	vadd.s32 v38, v37;
	v38 =	vsel vm1, $0x1, v1  }
0x162: {  	v37 =	vadd.s32 v38, v37  }
0x163: {  	v38 =	vperm.xlane v37, v2;
	_ =	sdelay $0x1  }
0x164: {  	v37 =	vadd.s32 v38, v37  }
0x165: {  	v38 =	vperm.xlane v37, v3;
	_ =	sdelay $0x1  }
0x166: {  	v37 =	vadd.s32 v38, v37  }
0x167: {  	v38 =	vperm.xlane v37, v4;
	_ =	sdelay $0x1  }
.Ltmp10:
0x168: {  	v37 =	vadd.s32 v38, v37;
	(pc) =	sbr.rel @p1 .LBB2_21-.Ltmp10, $3  }
0x169: {  	v38 =	vperm.xlane v37, v5;
	_ =	sdelay $0x1  }
0x16a: {  	v37 =	vadd.s32 v38, v37  }
0x16b: {  	vm1 =	vlt.s32 v37, v30  }
.Ltmp11:
0x16c: {  	(pc) =	sbr.rel @p0 .LBB2_26-.Ltmp11, $2  }
0x16d: {  	_ =	sdelay $0x2  }
0x16e: {  	v29 =	vsel vm1, v35, v36  }
0x16f: {  	s25 =	simm.s32 $0xF100  }
0x170: {  	v31 =	vld [tilespmem:s25+$0x0];
	_ =	sdelay $0x2  }
0x171: {  	v30 =	vperm.xlane v27, v9;
	_ =	sdelay $0x1  }
0x172: {  	vm1 =	veq.s32 v31, v30  }
0x173: {  	v31 =	vsel vm1, $0x1, v1  }
0x174: {  	(xrf0) =	vadd.scan.msk.s32 $0xffff, v31;
	_ =	sdelay $0x5  }
0x175: {  	p1 =	sne.s32 s24, $0x1;
	v31 =	vimm.s32 $0x0;
	v33, _, _ =	vpop (xrf0)  }
.Ltmp12:
0x176: {  	v32 =	vmpcnt.ones.xlane vm1;
	v33 =	vadd.s32 v31, v33;
	(pc) =	sbr.rel @!p1 .LBB2_25-.Ltmp12, $4  }
0x177: {  	v63 =	vadd.s32 $0xFFFFFFFF, v33  }
0x178: {  	v31 =	vadd.s32 v31, v32;
	vm3 =	vlt.s32 v63, $0x40  }
0x179: {  	s26 =	simm.s32 $0xE080;
	vm2 =	vlt.s32 v31, $0x40;
	vm1 =	vmand vm1, vm3  }
0x17a: {  	s28 =	sadd.s32 $0xFFFFFFFF, s24;
	v32 =	vld [tilespmem:s26+$0x0];
	v33 =	vadd.s32 $0x3F, v33;
	v31 =	vnsel vm2, $0x40, v31  }
.LBB2_24:
0x17b: {  	_ =	sdelay $0x3  }
0x17c: {  	p1 =	sne.s32 s28, $0x1;
	s25 =	sadd.s32 $0x10, s25;
	s26 =	sadd.s32 $0x10, s26;
	[tilespmem:v33+s19+$0x0] =	vst.idx.msk vm1, v32;
	v32 =	vmov v31  }
0x17d: {  	s28 =	sadd.s32 $0xFFFFFFFF, s28;
	v33 =	vld [tilespmem:s25+$0x0];
	_ =	sdelay $0x4  }
0x17e: {  	vm1 =	veq.s32 v33, v30  }
0x17f: {  	v33 =	vsel vm1, $0x1, v1;
	v34 =	vmpcnt.ones.xlane vm1  }
0x180: {  	(xrf0) =	vadd.scan.msk.s32 $0xffff, v33  }
0x181: {  	v31 =	vadd.s32 v31, v34  }
0x182: {  	vm2 =	vlt.s32 v31, $0x40  }
0x183: {  	v31 =	vnsel vm2, $0x40, v31;
	_ =	sdelay $0x2  }
0x184: {  	v33, _, _ =	vpop (xrf0)  }
.Ltmp13:
0x185: {  	v33 =	vadd.s32 v32, v33;
	(pc) =	sbr.rel @p1 .LBB2_24-.Ltmp13, $4  }
0x186: {  	v32 =	vadd.s32 $0xFFFFFFFF, v33  }
0x187: {  	vm2 =	vlt.s32 v32, $0x40  }
0x188: {  	vm1 =	vmand vm1, vm2  }
0x189: {  	v33 =	vadd.s32 $0x3F, v33;
	v32 =	vld [tilespmem:s26+$0x0]  }
.LBB2_25:
0x18a: {  	_ =	sdelay $0x4  }
0x18b: {  	[tilespmem:v33+s19+$0x0] =	vst.idx.msk vm1, v32  }
.LBB2_26:
0x18c: {  	v30 =	vld [tilespmem:$0x101C0]  }
0x18d: {  	v31 =	vld [tilespmem:$0x101D0]  }
0x18e: {  	v32 =	vld [tilespmem:$0x101E0]  }
0x18f: {  	v33 =	vld [tilespmem:$0x101F0]  }
0x190: {  	v36 =	vimm.s32 $0x0;
	v34 =	vimm.s32 $0x80000000  }
0x191: {  	v37 =	vor.u32 v36, v34  }
0x192: {  	vm1 =	vge.u32 v30, v37;
	vm2 =	vge.u32 v31, v37  }
0x193: {  	vm3 =	vge.u32 v32, v37;
	v35 =	vsel vm1, $0x1, v1;
	v38 =	vsel vm2, $0x1, v1  }
0x194: {  	vm1 =	vge.u32 v33, v37;
	v57 =	vsel vm3, $0x1, v1;
	v35 =	vadd.s32 v35, v38  }
0x195: {  	v58 =	vsel vm1, $0x1, v1;
	v35 =	vadd.s32 v57, v35  }
0x196: {  	v35 =	vadd.s32 v58, v35  }
0x197: {  	v38 =	vperm.xlane v35, v2;
	_ =	sdelay $0x1  }
0x198: {  	v35 =	vadd.s32 v38, v35  }
0x199: {  	v38 =	vperm.xlane v35, v3;
	_ =	sdelay $0x1  }
0x19a: {  	v35 =	vadd.s32 v38, v35  }
0x19b: {  	v38 =	vperm.xlane v35, v4;
	_ =	sdelay $0x1  }
0x19c: {  	v38 =	vadd.s32 v38, v35  }
0x19d: {  	v39 =	vperm.xlane v38, v5  }
0x19e: {  	v35 =	vperm.xlane v28, v9  }
0x19f: {  	v38 =	vadd.s32 v39, v38  }
0x1a0: {  	vm1 =	vlt.s32 v38, v35  }
0x1a1: {  	v59 =	vshrl.u32 v34, $0x1;
	v36 =	vsel vm1, v36, v37  }
0x1a2: {  	v37 =	vor.u32 v59, v36  }
0x1a3: {  	vm1 =	vge.u32 v30, v37;
	vm2 =	vge.u32 v31, v37  }
0x1a4: {  	vm3 =	vge.u32 v32, v37;
	v60 =	vsel vm1, $0x1, v1;
	v61 =	vsel vm2, $0x1, v1  }
0x1a5: {  	vm1 =	vge.u32 v33, v37;
	v62 =	vsel vm3, $0x1, v1;
	v38 =	vadd.s32 v61, v60  }
0x1a6: {  	v63 =	vsel vm1, $0x1, v1;
	v38 =	vadd.s32 v62, v38  }
0x1a7: {  	v38 =	vadd.s32 v63, v38  }
0x1a8: {  	v39 =	vperm.xlane v38, v2;
	_ =	sdelay $0x1  }
0x1a9: {  	v38 =	vadd.s32 v39, v38  }
0x1aa: {  	v39 =	vperm.xlane v38, v3;
	_ =	sdelay $0x1  }
0x1ab: {  	v38 =	vadd.s32 v39, v38  }
0x1ac: {  	v39 =	vperm.xlane v38, v4;
	_ =	sdelay $0x1  }
0x1ad: {  	v38 =	vadd.s32 v39, v38  }
0x1ae: {  	v39 =	vperm.xlane v38, v5;
	_ =	sdelay $0x1  }
0x1af: {  	v38 =	vadd.s32 v39, v38  }
0x1b0: {  	s25 =	simm.s32 $0x0;
	vm1 =	vlt.s32 v38, v35  }
.LBB2_27:
0x1b1: {  	s25 =	sadd.s32 $0x2, s25;
	v36 =	vsel vm1, v36, v37;
	v34 =	vshrl.u32 v34, $0x2  }
0x1b2: {  	v37 =	vor.u32 v36, v34;
	p1 =	slt.u32 s25, $0x1E  }
0x1b3: {  	vm1 =	vge.u32 v30, v37;
	vm2 =	vge.u32 v31, v37;
	vm3 =	vge.u32 v32, v37  }
0x1b4: {  	v38 =	vsel vm1, $0x1, v1;
	v39 =	vsel vm2, $0x1, v1;
	vm1 =	vge.u32 v33, v37  }
0x1b5: {  	v38 =	vadd.s32 v38, v39;
	v39 =	vsel vm3, $0x1, v1  }
0x1b6: {  	v38 =	vadd.s32 v39, v38;
	v39 =	vsel vm1, $0x1, v1  }
0x1b7: {  	v38 =	vadd.s32 v39, v38  }
0x1b8: {  	v39 =	vperm.xlane v38, v2;
	_ =	sdelay $0x1  }
0x1b9: {  	v38 =	vadd.s32 v39, v38  }
0x1ba: {  	v39 =	vperm.xlane v38, v3;
	_ =	sdelay $0x1  }
0x1bb: {  	v38 =	vadd.s32 v39, v38  }
0x1bc: {  	v39 =	vperm.xlane v38, v4;
	_ =	sdelay $0x1  }
0x1bd: {  	v38 =	vadd.s32 v39, v38  }
0x1be: {  	v39 =	vperm.xlane v38, v5;
	_ =	sdelay $0x1  }
0x1bf: {  	v38 =	vadd.s32 v39, v38  }
0x1c0: {  	vm1 =	vlt.s32 v38, v35  }
0x1c1: {  	v36 =	vsel vm1, v36, v37;
	v37 =	vshrl.u32 v34, $0x1  }
0x1c2: {  	v37 =	vor.u32 v37, v36  }
0x1c3: {  	vm1 =	vge.u32 v30, v37;
	vm2 =	vge.u32 v31, v37;
	vm3 =	vge.u32 v32, v37  }
0x1c4: {  	v38 =	vsel vm1, $0x1, v1;
	v39 =	vsel vm2, $0x1, v1;
	vm1 =	vge.u32 v33, v37  }
0x1c5: {  	v38 =	vadd.s32 v39, v38;
	v39 =	vsel vm3, $0x1, v1  }
0x1c6: {  	v38 =	vadd.s32 v39, v38;
	v39 =	vsel vm1, $0x1, v1  }
0x1c7: {  	v38 =	vadd.s32 v39, v38  }
0x1c8: {  	v39 =	vperm.xlane v38, v2;
	_ =	sdelay $0x1  }
0x1c9: {  	v38 =	vadd.s32 v39, v38  }
0x1ca: {  	v39 =	vperm.xlane v38, v3;
	_ =	sdelay $0x1  }
0x1cb: {  	v38 =	vadd.s32 v39, v38  }
0x1cc: {  	v39 =	vperm.xlane v38, v4;
	_ =	sdelay $0x1  }
.Ltmp14:
0x1cd: {  	v38 =	vadd.s32 v39, v38;
	(pc) =	sbr.rel @p1 .LBB2_27-.Ltmp14, $3  }
0x1ce: {  	v39 =	vperm.xlane v38, v5;
	_ =	sdelay $0x1  }
0x1cf: {  	v38 =	vadd.s32 v39, v38  }
0x1d0: {  	vm1 =	vlt.s32 v38, v35  }
.Ltmp15:
0x1d1: {  	(pc) =	sbr.rel @p0 .LBB2_32-.Ltmp15, $2  }
0x1d2: {  	_ =	sdelay $0x2  }
0x1d3: {  	v35 =	vsel vm1, v36, v37  }
0x1d4: {  	s25 =	simm.s32 $0xF100  }
0x1d5: {  	v31 =	vld [tilespmem:s25+$0x0];
	_ =	sdelay $0x2  }
0x1d6: {  	v30 =	vperm.xlane v27, v11;
	_ =	sdelay $0x1  }
0x1d7: {  	vm1 =	veq.s32 v31, v30  }
0x1d8: {  	v31 =	vsel vm1, $0x1, v1  }
0x1d9: {  	(xrf0) =	vadd.scan.msk.s32 $0xffff, v31;
	_ =	sdelay $0x5  }
0x1da: {  	p1 =	sne.s32 s24, $0x1;
	v31 =	vimm.s32 $0x0;
	v33, _, _ =	vpop (xrf0)  }
.Ltmp16:
0x1db: {  	v32 =	vmpcnt.ones.xlane vm1;
	v33 =	vadd.s32 v31, v33;
	(pc) =	sbr.rel @!p1 .LBB2_31-.Ltmp16, $4  }
0x1dc: {  	v63 =	vadd.s32 $0xFFFFFFFF, v33  }
0x1dd: {  	v31 =	vadd.s32 v31, v32;
	vm3 =	vlt.s32 v63, $0x40  }
0x1de: {  	s26 =	simm.s32 $0xE080;
	vm2 =	vlt.s32 v31, $0x40;
	vm1 =	vmand vm1, vm3  }
0x1df: {  	s28 =	sadd.s32 $0xFFFFFFFF, s24;
	v32 =	vld [tilespmem:s26+$0x0];
	v33 =	vadd.s32 $0x7F, v33;
	v31 =	vnsel vm2, $0x40, v31  }
.LBB2_30:
0x1e0: {  	_ =	sdelay $0x3  }
0x1e1: {  	p1 =	sne.s32 s28, $0x1;
	s25 =	sadd.s32 $0x10, s25;
	s26 =	sadd.s32 $0x10, s26;
	[tilespmem:v33+s19+$0x0] =	vst.idx.msk vm1, v32;
	v32 =	vmov v31  }
0x1e2: {  	s28 =	sadd.s32 $0xFFFFFFFF, s28;
	v33 =	vld [tilespmem:s25+$0x0];
	_ =	sdelay $0x4  }
0x1e3: {  	vm1 =	veq.s32 v33, v30  }
0x1e4: {  	v33 =	vsel vm1, $0x1, v1;
	v34 =	vmpcnt.ones.xlane vm1  }
0x1e5: {  	(xrf0) =	vadd.scan.msk.s32 $0xffff, v33  }
0x1e6: {  	v31 =	vadd.s32 v31, v34  }
0x1e7: {  	vm2 =	vlt.s32 v31, $0x40  }
0x1e8: {  	v31 =	vnsel vm2, $0x40, v31;
	_ =	sdelay $0x2  }
0x1e9: {  	v33, _, _ =	vpop (xrf0)  }
.Ltmp17:
0x1ea: {  	v33 =	vadd.s32 v32, v33;
	(pc) =	sbr.rel @p1 .LBB2_30-.Ltmp17, $4  }
0x1eb: {  	v32 =	vadd.s32 $0xFFFFFFFF, v33  }
0x1ec: {  	vm2 =	vlt.s32 v32, $0x40  }
0x1ed: {  	vm1 =	vmand vm1, vm2  }
0x1ee: {  	v33 =	vadd.s32 $0x7F, v33;
	v32 =	vld [tilespmem:s26+$0x0]  }
.LBB2_31:
0x1ef: {  	_ =	sdelay $0x4  }
0x1f0: {  	[tilespmem:v33+s19+$0x0] =	vst.idx.msk vm1, v32  }
.LBB2_32:
0x1f1: {  	v30 =	vld [tilespmem:$0x10200]  }
0x1f2: {  	v31 =	vld [tilespmem:$0x10210]  }
0x1f3: {  	v32 =	vld [tilespmem:$0x10220]  }
0x1f4: {  	v33 =	vld [tilespmem:$0x10230]  }
0x1f5: {  	v37 =	vimm.s32 $0x0;
	v34 =	vimm.s32 $0x80000000  }
0x1f6: {  	v38 =	vor.u32 v37, v34  }
0x1f7: {  	vm1 =	vge.u32 v30, v38;
	vm2 =	vge.u32 v31, v38  }
0x1f8: {  	vm3 =	vge.u32 v32, v38;
	v36 =	vsel vm1, $0x1, v1;
	v39 =	vsel vm2, $0x1, v1  }
0x1f9: {  	vm1 =	vge.u32 v33, v38;
	v57 =	vsel vm3, $0x1, v1;
	v36 =	vadd.s32 v36, v39  }
0x1fa: {  	v58 =	vsel vm1, $0x1, v1;
	v36 =	vadd.s32 v57, v36  }
0x1fb: {  	v36 =	vadd.s32 v58, v36  }
0x1fc: {  	v39 =	vperm.xlane v36, v2;
	_ =	sdelay $0x1  }
0x1fd: {  	v36 =	vadd.s32 v39, v36  }
0x1fe: {  	v39 =	vperm.xlane v36, v3;
	_ =	sdelay $0x1  }
0x1ff: {  	v36 =	vadd.s32 v39, v36  }
0x200: {  	v39 =	vperm.xlane v36, v4;
	_ =	sdelay $0x1  }
0x201: {  	v39 =	vadd.s32 v39, v36  }
0x202: {  	v40 =	vperm.xlane v39, v5  }
0x203: {  	v36 =	vperm.xlane v28, v11  }
0x204: {  	v39 =	vadd.s32 v40, v39  }
0x205: {  	vm1 =	vlt.s32 v39, v36  }
0x206: {  	v59 =	vshrl.u32 v34, $0x1;
	v37 =	vsel vm1, v37, v38  }
0x207: {  	v38 =	vor.u32 v59, v37  }
0x208: {  	vm1 =	vge.u32 v30, v38;
	vm2 =	vge.u32 v31, v38  }
0x209: {  	vm3 =	vge.u32 v32, v38;
	v60 =	vsel vm1, $0x1, v1;
	v61 =	vsel vm2, $0x1, v1  }
0x20a: {  	vm1 =	vge.u32 v33, v38;
	v62 =	vsel vm3, $0x1, v1;
	v39 =	vadd.s32 v61, v60  }
0x20b: {  	v63 =	vsel vm1, $0x1, v1;
	v39 =	vadd.s32 v62, v39  }
0x20c: {  	v39 =	vadd.s32 v63, v39  }
0x20d: {  	v40 =	vperm.xlane v39, v2;
	_ =	sdelay $0x1  }
0x20e: {  	v39 =	vadd.s32 v40, v39  }
0x20f: {  	v40 =	vperm.xlane v39, v3;
	_ =	sdelay $0x1  }
0x210: {  	v39 =	vadd.s32 v40, v39  }
0x211: {  	v40 =	vperm.xlane v39, v4;
	_ =	sdelay $0x1  }
0x212: {  	v39 =	vadd.s32 v40, v39  }
0x213: {  	v40 =	vperm.xlane v39, v5;
	_ =	sdelay $0x1  }
0x214: {  	v39 =	vadd.s32 v40, v39  }
0x215: {  	v29 =	vsel vm0, v29, v35;
	s25 =	simm.s32 $0x0;
	vm1 =	vlt.s32 v39, v36  }
.LBB2_33:
0x216: {  	s25 =	sadd.s32 $0x2, s25;
	v35 =	vsel vm1, v37, v38;
	v34 =	vshrl.u32 v34, $0x2  }
0x217: {  	v37 =	vor.u32 v35, v34;
	p1 =	slt.u32 s25, $0x1E  }
0x218: {  	vm1 =	vge.u32 v30, v37;
	vm2 =	vge.u32 v31, v37;
	vm3 =	vge.u32 v32, v37  }
0x219: {  	v38 =	vsel vm1, $0x1, v1;
	v39 =	vsel vm2, $0x1, v1;
	vm1 =	vge.u32 v33, v37  }
0x21a: {  	v38 =	vadd.s32 v38, v39;
	v39 =	vsel vm3, $0x1, v1  }
0x21b: {  	v38 =	vadd.s32 v39, v38;
	v39 =	vsel vm1, $0x1, v1  }
0x21c: {  	v38 =	vadd.s32 v39, v38  }
0x21d: {  	v39 =	vperm.xlane v38, v2;
	_ =	sdelay $0x1  }
0x21e: {  	v38 =	vadd.s32 v39, v38  }
0x21f: {  	v39 =	vperm.xlane v38, v3;
	_ =	sdelay $0x1  }
0x220: {  	v38 =	vadd.s32 v39, v38  }
0x221: {  	v39 =	vperm.xlane v38, v4;
	_ =	sdelay $0x1  }
0x222: {  	v38 =	vadd.s32 v39, v38  }
0x223: {  	v39 =	vperm.xlane v38, v5;
	_ =	sdelay $0x1  }
0x224: {  	v38 =	vadd.s32 v39, v38  }
0x225: {  	vm1 =	vlt.s32 v38, v36  }
0x226: {  	v37 =	vsel vm1, v35, v37;
	v35 =	vshrl.u32 v34, $0x1  }
0x227: {  	v38 =	vor.u32 v35, v37  }
0x228: {  	vm1 =	vge.u32 v30, v38;
	vm2 =	vge.u32 v31, v38;
	vm3 =	vge.u32 v32, v38  }
0x229: {  	v35 =	vsel vm1, $0x1, v1;
	v39 =	vsel vm2, $0x1, v1;
	vm1 =	vge.u32 v33, v38  }
0x22a: {  	v35 =	vadd.s32 v39, v35;
	v39 =	vsel vm3, $0x1, v1  }
0x22b: {  	v35 =	vadd.s32 v39, v35;
	v39 =	vsel vm1, $0x1, v1  }
0x22c: {  	v35 =	vadd.s32 v39, v35  }
0x22d: {  	v39 =	vperm.xlane v35, v2;
	_ =	sdelay $0x1  }
0x22e: {  	v35 =	vadd.s32 v39, v35  }
0x22f: {  	v39 =	vperm.xlane v35, v3;
	_ =	sdelay $0x1  }
0x230: {  	v35 =	vadd.s32 v39, v35  }
0x231: {  	v39 =	vperm.xlane v35, v4;
	_ =	sdelay $0x1  }
.Ltmp18:
0x232: {  	v35 =	vadd.s32 v39, v35;
	(pc) =	sbr.rel @p1 .LBB2_33-.Ltmp18, $3  }
0x233: {  	v39 =	vperm.xlane v35, v5;
	_ =	sdelay $0x1  }
0x234: {  	v35 =	vadd.s32 v39, v35  }
0x235: {  	vm1 =	vlt.s32 v35, v36  }
.Ltmp19:
0x236: {  	(pc) =	sbr.rel @p0 .LBB2_38-.Ltmp19, $2  }
0x237: {  	_ =	sdelay $0x2  }
0x238: {  	v35 =	vsel vm1, v37, v38  }
0x239: {  	s25 =	simm.s32 $0xF100  }
0x23a: {  	v31 =	vld [tilespmem:s25+$0x0];
	_ =	sdelay $0x2  }
0x23b: {  	v30 =	vperm.xlane v27, v12;
	_ =	sdelay $0x1  }
0x23c: {  	vm1 =	veq.s32 v31, v30  }
0x23d: {  	v31 =	vsel vm1, $0x1, v1  }
0x23e: {  	(xrf0) =	vadd.scan.msk.s32 $0xffff, v31;
	_ =	sdelay $0x5  }
0x23f: {  	p1 =	sne.s32 s24, $0x1;
	v31 =	vimm.s32 $0x0;
	v33, _, _ =	vpop (xrf0)  }
.Ltmp20:
0x240: {  	v32 =	vmpcnt.ones.xlane vm1;
	v33 =	vadd.s32 v31, v33;
	(pc) =	sbr.rel @!p1 .LBB2_37-.Ltmp20, $4  }
0x241: {  	v63 =	vadd.s32 $0xFFFFFFFF, v33  }
0x242: {  	v31 =	vadd.s32 v31, v32;
	vm3 =	vlt.s32 v63, $0x40  }
0x243: {  	s26 =	simm.s32 $0xE080;
	vm2 =	vlt.s32 v31, $0x40;
	vm1 =	vmand vm1, vm3  }
0x244: {  	s28 =	sadd.s32 $0xFFFFFFFF, s24;
	v32 =	vld [tilespmem:s26+$0x0];
	v33 =	vadd.s32 $0xBF, v33;
	v31 =	vnsel vm2, $0x40, v31  }
.LBB2_36:
0x245: {  	_ =	sdelay $0x3  }
0x246: {  	p1 =	sne.s32 s28, $0x1;
	s25 =	sadd.s32 $0x10, s25;
	s26 =	sadd.s32 $0x10, s26;
	[tilespmem:v33+s19+$0x0] =	vst.idx.msk vm1, v32;
	v32 =	vmov v31  }
0x247: {  	s28 =	sadd.s32 $0xFFFFFFFF, s28;
	v33 =	vld [tilespmem:s25+$0x0];
	_ =	sdelay $0x4  }
0x248: {  	vm1 =	veq.s32 v33, v30  }
0x249: {  	v33 =	vsel vm1, $0x1, v1;
	v34 =	vmpcnt.ones.xlane vm1  }
0x24a: {  	(xrf0) =	vadd.scan.msk.s32 $0xffff, v33  }
0x24b: {  	v31 =	vadd.s32 v31, v34  }
0x24c: {  	vm2 =	vlt.s32 v31, $0x40  }
0x24d: {  	v31 =	vnsel vm2, $0x40, v31;
	_ =	sdelay $0x2  }
0x24e: {  	v33, _, _ =	vpop (xrf0)  }
.Ltmp21:
0x24f: {  	v33 =	vadd.s32 v32, v33;
	(pc) =	sbr.rel @p1 .LBB2_36-.Ltmp21, $4  }
0x250: {  	v32 =	vadd.s32 $0xFFFFFFFF, v33  }
0x251: {  	vm2 =	vlt.s32 v32, $0x40  }
0x252: {  	vm1 =	vmand vm1, vm2  }
0x253: {  	v33 =	vadd.s32 $0xBF, v33;
	v32 =	vld [tilespmem:s26+$0x0]  }
.LBB2_37:
0x254: {  	_ =	sdelay $0x4  }
0x255: {  	[tilespmem:v33+s19+$0x0] =	vst.idx.msk vm1, v32  }
.LBB2_38:
0x256: {  	v30 =	vld [tilespmem:$0x10240]  }
0x257: {  	v31 =	vld [tilespmem:$0x10250]  }
0x258: {  	v32 =	vld [tilespmem:$0x10260]  }
0x259: {  	v33 =	vld [tilespmem:$0x10270]  }
0x25a: {  	v37 =	vimm.s32 $0x0;
	v34 =	vimm.s32 $0x80000000  }
0x25b: {  	v38 =	vor.u32 v37, v34  }
0x25c: {  	vm1 =	vge.u32 v30, v38;
	vm2 =	vge.u32 v31, v38  }
0x25d: {  	vm3 =	vge.u32 v32, v38;
	v36 =	vsel vm1, $0x1, v1;
	v39 =	vsel vm2, $0x1, v1  }
0x25e: {  	vm1 =	vge.u32 v33, v38;
	v57 =	vsel vm3, $0x1, v1;
	v36 =	vadd.s32 v36, v39  }
0x25f: {  	v58 =	vsel vm1, $0x1, v1;
	v36 =	vadd.s32 v57, v36  }
0x260: {  	v36 =	vadd.s32 v58, v36  }
0x261: {  	v39 =	vperm.xlane v36, v2;
	_ =	sdelay $0x1  }
0x262: {  	v36 =	vadd.s32 v39, v36  }
0x263: {  	v39 =	vperm.xlane v36, v3;
	_ =	sdelay $0x1  }
0x264: {  	v36 =	vadd.s32 v39, v36  }
0x265: {  	v39 =	vperm.xlane v36, v4;
	_ =	sdelay $0x1  }
0x266: {  	v39 =	vadd.s32 v39, v36  }
0x267: {  	v40 =	vperm.xlane v39, v5  }
0x268: {  	v36 =	vperm.xlane v28, v12  }
0x269: {  	v39 =	vadd.s32 v40, v39  }
0x26a: {  	vm1 =	vlt.s32 v39, v36  }
0x26b: {  	v59 =	vshrl.u32 v34, $0x1;
	v37 =	vsel vm1, v37, v38  }
0x26c: {  	v38 =	vor.u32 v59, v37  }
0x26d: {  	vm1 =	vge.u32 v30, v38;
	vm2 =	vge.u32 v31, v38  }
0x26e: {  	vm3 =	vge.u32 v32, v38;
	v60 =	vsel vm1, $0x1, v1;
	v61 =	vsel vm2, $0x1, v1  }
0x26f: {  	vm1 =	vge.u32 v33, v38;
	v62 =	vsel vm3, $0x1, v1;
	v39 =	vadd.s32 v61, v60  }
0x270: {  	v63 =	vsel vm1, $0x1, v1;
	v39 =	vadd.s32 v62, v39  }
0x271: {  	v39 =	vadd.s32 v63, v39  }
0x272: {  	v40 =	vperm.xlane v39, v2;
	_ =	sdelay $0x1  }
0x273: {  	v39 =	vadd.s32 v40, v39  }
0x274: {  	v40 =	vperm.xlane v39, v3;
	_ =	sdelay $0x1  }
0x275: {  	v39 =	vadd.s32 v40, v39  }
0x276: {  	v40 =	vperm.xlane v39, v4;
	_ =	sdelay $0x1  }
0x277: {  	v39 =	vadd.s32 v40, v39  }
0x278: {  	v40 =	vperm.xlane v39, v5;
	_ =	sdelay $0x1  }
0x279: {  	vm1 =	vmmov $0x3;
	v39 =	vadd.s32 v40, v39  }
0x27a: {  	s25 =	simm.s32 $0x0;
	v29 =	vsel vm1, v29, v35;
	vm1 =	vlt.s32 v39, v36  }
.LBB2_39:
0x27b: {  	s25 =	sadd.s32 $0x2, s25;
	v35 =	vsel vm1, v37, v38;
	v34 =	vshrl.u32 v34, $0x2  }
0x27c: {  	v37 =	vor.u32 v35, v34;
	p1 =	slt.u32 s25, $0x1E  }
0x27d: {  	vm1 =	vge.u32 v30, v37;
	vm2 =	vge.u32 v31, v37;
	vm3 =	vge.u32 v32, v37  }
0x27e: {  	v38 =	vsel vm1, $0x1, v1;
	v39 =	vsel vm2, $0x1, v1;
	vm1 =	vge.u32 v33, v37  }
0x27f: {  	v38 =	vadd.s32 v38, v39;
	v39 =	vsel vm3, $0x1, v1  }
0x280: {  	v38 =	vadd.s32 v39, v38;
	v39 =	vsel vm1, $0x1, v1  }
0x281: {  	v38 =	vadd.s32 v39, v38  }
0x282: {  	v39 =	vperm.xlane v38, v2;
	_ =	sdelay $0x1  }
0x283: {  	v38 =	vadd.s32 v39, v38  }
0x284: {  	v39 =	vperm.xlane v38, v3;
	_ =	sdelay $0x1  }
0x285: {  	v38 =	vadd.s32 v39, v38  }
0x286: {  	v39 =	vperm.xlane v38, v4;
	_ =	sdelay $0x1  }
0x287: {  	v38 =	vadd.s32 v39, v38  }
0x288: {  	v39 =	vperm.xlane v38, v5;
	_ =	sdelay $0x1  }
0x289: {  	v38 =	vadd.s32 v39, v38  }
0x28a: {  	vm1 =	vlt.s32 v38, v36  }
0x28b: {  	v37 =	vsel vm1, v35, v37;
	v35 =	vshrl.u32 v34, $0x1  }
0x28c: {  	v38 =	vor.u32 v35, v37  }
0x28d: {  	vm1 =	vge.u32 v30, v38;
	vm2 =	vge.u32 v31, v38;
	vm3 =	vge.u32 v32, v38  }
0x28e: {  	v35 =	vsel vm1, $0x1, v1;
	v39 =	vsel vm2, $0x1, v1;
	vm1 =	vge.u32 v33, v38  }
0x28f: {  	v35 =	vadd.s32 v39, v35;
	v39 =	vsel vm3, $0x1, v1  }
0x290: {  	v35 =	vadd.s32 v39, v35;
	v39 =	vsel vm1, $0x1, v1  }
0x291: {  	v35 =	vadd.s32 v39, v35  }
0x292: {  	v39 =	vperm.xlane v35, v2;
	_ =	sdelay $0x1  }
0x293: {  	v35 =	vadd.s32 v39, v35  }
0x294: {  	v39 =	vperm.xlane v35, v3;
	_ =	sdelay $0x1  }
0x295: {  	v35 =	vadd.s32 v39, v35  }
0x296: {  	v39 =	vperm.xlane v35, v4;
	_ =	sdelay $0x1  }
.Ltmp22:
0x297: {  	v35 =	vadd.s32 v39, v35;
	(pc) =	sbr.rel @p1 .LBB2_39-.Ltmp22, $3  }
0x298: {  	v39 =	vperm.xlane v35, v5;
	_ =	sdelay $0x1  }
0x299: {  	v35 =	vadd.s32 v39, v35  }
0x29a: {  	vm1 =	vlt.s32 v35, v36  }
.Ltmp23:
0x29b: {  	(pc) =	sbr.rel @p0 .LBB2_44-.Ltmp23, $2  }
0x29c: {  	_ =	sdelay $0x2  }
0x29d: {  	v35 =	vsel vm1, v37, v38  }
0x29e: {  	s25 =	simm.s32 $0xF100  }
0x29f: {  	v31 =	vld [tilespmem:s25+$0x0];
	_ =	sdelay $0x2  }
0x2a0: {  	v30 =	vperm.xlane v27, v13;
	_ =	sdelay $0x1  }
0x2a1: {  	vm1 =	veq.s32 v31, v30  }
0x2a2: {  	v31 =	vsel vm1, $0x1, v1  }
0x2a3: {  	(xrf0) =	vadd.scan.msk.s32 $0xffff, v31;
	_ =	sdelay $0x5  }
0x2a4: {  	p1 =	sne.s32 s24, $0x1;
	v31 =	vimm.s32 $0x0;
	v33, _, _ =	vpop (xrf0)  }
.Ltmp24:
0x2a5: {  	v32 =	vmpcnt.ones.xlane vm1;
	v33 =	vadd.s32 v31, v33;
	(pc) =	sbr.rel @!p1 .LBB2_43-.Ltmp24, $4  }
0x2a6: {  	v63 =	vadd.s32 $0xFFFFFFFF, v33  }
0x2a7: {  	v31 =	vadd.s32 v31, v32;
	vm3 =	vlt.s32 v63, $0x40  }
0x2a8: {  	s26 =	simm.s32 $0xE080;
	vm2 =	vlt.s32 v31, $0x40;
	vm1 =	vmand vm1, vm3  }
0x2a9: {  	s28 =	sadd.s32 $0xFFFFFFFF, s24;
	v32 =	vld [tilespmem:s26+$0x0];
	v33 =	vadd.s32 $0xFF, v33;
	v31 =	vnsel vm2, $0x40, v31  }
.LBB2_42:
0x2aa: {  	_ =	sdelay $0x3  }
0x2ab: {  	p1 =	sne.s32 s28, $0x1;
	s25 =	sadd.s32 $0x10, s25;
	s26 =	sadd.s32 $0x10, s26;
	[tilespmem:v33+s19+$0x0] =	vst.idx.msk vm1, v32;
	v32 =	vmov v31  }
0x2ac: {  	s28 =	sadd.s32 $0xFFFFFFFF, s28;
	v33 =	vld [tilespmem:s25+$0x0];
	_ =	sdelay $0x4  }
0x2ad: {  	vm1 =	veq.s32 v33, v30  }
0x2ae: {  	v33 =	vsel vm1, $0x1, v1;
	v34 =	vmpcnt.ones.xlane vm1  }
0x2af: {  	(xrf0) =	vadd.scan.msk.s32 $0xffff, v33  }
0x2b0: {  	v31 =	vadd.s32 v31, v34  }
0x2b1: {  	vm2 =	vlt.s32 v31, $0x40  }
0x2b2: {  	v31 =	vnsel vm2, $0x40, v31;
	_ =	sdelay $0x2  }
0x2b3: {  	v33, _, _ =	vpop (xrf0)  }
.Ltmp25:
0x2b4: {  	v33 =	vadd.s32 v32, v33;
	(pc) =	sbr.rel @p1 .LBB2_42-.Ltmp25, $4  }
0x2b5: {  	v32 =	vadd.s32 $0xFFFFFFFF, v33  }
0x2b6: {  	vm2 =	vlt.s32 v32, $0x40  }
0x2b7: {  	vm1 =	vmand vm1, vm2  }
0x2b8: {  	v33 =	vadd.s32 $0xFF, v33;
	v32 =	vld [tilespmem:s26+$0x0]  }
.LBB2_43:
0x2b9: {  	_ =	sdelay $0x4  }
0x2ba: {  	[tilespmem:v33+s19+$0x0] =	vst.idx.msk vm1, v32  }
.LBB2_44:
0x2bb: {  	v30 =	vld [tilespmem:$0x10280]  }
0x2bc: {  	v31 =	vld [tilespmem:$0x10290]  }
0x2bd: {  	v32 =	vld [tilespmem:$0x102A0]  }
0x2be: {  	v33 =	vld [tilespmem:$0x102B0]  }
0x2bf: {  	v37 =	vimm.s32 $0x0;
	v34 =	vimm.s32 $0x80000000  }
0x2c0: {  	v38 =	vor.u32 v37, v34  }
0x2c1: {  	vm1 =	vge.u32 v30, v38;
	vm2 =	vge.u32 v31, v38  }
0x2c2: {  	vm3 =	vge.u32 v32, v38;
	v36 =	vsel vm1, $0x1, v1;
	v39 =	vsel vm2, $0x1, v1  }
0x2c3: {  	vm1 =	vge.u32 v33, v38;
	v57 =	vsel vm3, $0x1, v1;
	v36 =	vadd.s32 v36, v39  }
0x2c4: {  	v58 =	vsel vm1, $0x1, v1;
	v36 =	vadd.s32 v57, v36  }
0x2c5: {  	v36 =	vadd.s32 v58, v36  }
0x2c6: {  	v39 =	vperm.xlane v36, v2;
	_ =	sdelay $0x1  }
0x2c7: {  	v36 =	vadd.s32 v39, v36  }
0x2c8: {  	v39 =	vperm.xlane v36, v3;
	_ =	sdelay $0x1  }
0x2c9: {  	v36 =	vadd.s32 v39, v36  }
0x2ca: {  	v39 =	vperm.xlane v36, v4;
	_ =	sdelay $0x1  }
0x2cb: {  	v39 =	vadd.s32 v39, v36  }
0x2cc: {  	v40 =	vperm.xlane v39, v5  }
0x2cd: {  	v36 =	vperm.xlane v28, v13  }
0x2ce: {  	v39 =	vadd.s32 v40, v39  }
0x2cf: {  	vm1 =	vlt.s32 v39, v36  }
0x2d0: {  	v59 =	vshrl.u32 v34, $0x1;
	v37 =	vsel vm1, v37, v38  }
0x2d1: {  	v38 =	vor.u32 v59, v37  }
0x2d2: {  	vm1 =	vge.u32 v30, v38;
	vm2 =	vge.u32 v31, v38  }
0x2d3: {  	vm3 =	vge.u32 v32, v38;
	v60 =	vsel vm1, $0x1, v1;
	v61 =	vsel vm2, $0x1, v1  }
0x2d4: {  	vm1 =	vge.u32 v33, v38;
	v62 =	vsel vm3, $0x1, v1;
	v39 =	vadd.s32 v61, v60  }
0x2d5: {  	v63 =	vsel vm1, $0x1, v1;
	v39 =	vadd.s32 v62, v39  }
0x2d6: {  	v39 =	vadd.s32 v63, v39  }
0x2d7: {  	v40 =	vperm.xlane v39, v2;
	_ =	sdelay $0x1  }
0x2d8: {  	v39 =	vadd.s32 v40, v39  }
0x2d9: {  	v40 =	vperm.xlane v39, v3;
	_ =	sdelay $0x1  }
0x2da: {  	v39 =	vadd.s32 v40, v39  }
0x2db: {  	v40 =	vperm.xlane v39, v4;
	_ =	sdelay $0x1  }
0x2dc: {  	v39 =	vadd.s32 v40, v39  }
0x2dd: {  	v40 =	vperm.xlane v39, v5;
	_ =	sdelay $0x1  }
0x2de: {  	vm1 =	vmmov $0x7;
	v39 =	vadd.s32 v40, v39  }
0x2df: {  	s25 =	simm.s32 $0x0;
	v29 =	vsel vm1, v29, v35;
	vm1 =	vlt.s32 v39, v36  }
.LBB2_45:
0x2e0: {  	s25 =	sadd.s32 $0x2, s25;
	v35 =	vsel vm1, v37, v38;
	v34 =	vshrl.u32 v34, $0x2  }
0x2e1: {  	v37 =	vor.u32 v35, v34;
	p1 =	slt.u32 s25, $0x1E  }
0x2e2: {  	vm1 =	vge.u32 v30, v37;
	vm2 =	vge.u32 v31, v37;
	vm3 =	vge.u32 v32, v37  }
0x2e3: {  	v38 =	vsel vm1, $0x1, v1;
	v39 =	vsel vm2, $0x1, v1;
	vm1 =	vge.u32 v33, v37  }
0x2e4: {  	v38 =	vadd.s32 v38, v39;
	v39 =	vsel vm3, $0x1, v1  }
0x2e5: {  	v38 =	vadd.s32 v39, v38;
	v39 =	vsel vm1, $0x1, v1  }
0x2e6: {  	v38 =	vadd.s32 v39, v38  }
0x2e7: {  	v39 =	vperm.xlane v38, v2;
	_ =	sdelay $0x1  }
0x2e8: {  	v38 =	vadd.s32 v39, v38  }
0x2e9: {  	v39 =	vperm.xlane v38, v3;
	_ =	sdelay $0x1  }
0x2ea: {  	v38 =	vadd.s32 v39, v38  }
0x2eb: {  	v39 =	vperm.xlane v38, v4;
	_ =	sdelay $0x1  }
0x2ec: {  	v38 =	vadd.s32 v39, v38  }
0x2ed: {  	v39 =	vperm.xlane v38, v5;
	_ =	sdelay $0x1  }
0x2ee: {  	v38 =	vadd.s32 v39, v38  }
0x2ef: {  	vm1 =	vlt.s32 v38, v36  }
0x2f0: {  	v37 =	vsel vm1, v35, v37;
	v35 =	vshrl.u32 v34, $0x1  }
0x2f1: {  	v38 =	vor.u32 v35, v37  }
0x2f2: {  	vm1 =	vge.u32 v30, v38;
	vm2 =	vge.u32 v31, v38;
	vm3 =	vge.u32 v32, v38  }
0x2f3: {  	v35 =	vsel vm1, $0x1, v1;
	v39 =	vsel vm2, $0x1, v1;
	vm1 =	vge.u32 v33, v38  }
0x2f4: {  	v35 =	vadd.s32 v39, v35;
	v39 =	vsel vm3, $0x1, v1  }
0x2f5: {  	v35 =	vadd.s32 v39, v35;
	v39 =	vsel vm1, $0x1, v1  }
0x2f6: {  	v35 =	vadd.s32 v39, v35  }
0x2f7: {  	v39 =	vperm.xlane v35, v2;
	_ =	sdelay $0x1  }
0x2f8: {  	v35 =	vadd.s32 v39, v35  }
0x2f9: {  	v39 =	vperm.xlane v35, v3;
	_ =	sdelay $0x1  }
0x2fa: {  	v35 =	vadd.s32 v39, v35  }
0x2fb: {  	v39 =	vperm.xlane v35, v4;
	_ =	sdelay $0x1  }
.Ltmp26:
0x2fc: {  	v35 =	vadd.s32 v39, v35;
	(pc) =	sbr.rel @p1 .LBB2_45-.Ltmp26, $3  }
0x2fd: {  	v39 =	vperm.xlane v35, v5;
	_ =	sdelay $0x1  }
0x2fe: {  	v35 =	vadd.s32 v39, v35  }
0x2ff: {  	vm1 =	vlt.s32 v35, v36  }
.Ltmp27:
0x300: {  	(pc) =	sbr.rel @p0 .LBB2_50-.Ltmp27, $2  }
0x301: {  	_ =	sdelay $0x2  }
0x302: {  	v35 =	vsel vm1, v37, v38  }
0x303: {  	s25 =	simm.s32 $0xF100  }
0x304: {  	v31 =	vld [tilespmem:s25+$0x0];
	_ =	sdelay $0x2  }
0x305: {  	v30 =	vperm.xlane v27, v14;
	_ =	sdelay $0x1  }
0x306: {  	vm1 =	veq.s32 v31, v30  }
0x307: {  	v31 =	vsel vm1, $0x1, v1  }
0x308: {  	(xrf0) =	vadd.scan.msk.s32 $0xffff, v31;
	_ =	sdelay $0x5  }
0x309: {  	p1 =	sne.s32 s24, $0x1;
	v31 =	vimm.s32 $0x0;
	v33, _, _ =	vpop (xrf0)  }
.Ltmp28:
0x30a: {  	v32 =	vmpcnt.ones.xlane vm1;
	v33 =	vadd.s32 v31, v33;
	(pc) =	sbr.rel @!p1 .LBB2_49-.Ltmp28, $4  }
0x30b: {  	v63 =	vadd.s32 $0xFFFFFFFF, v33  }
0x30c: {  	v31 =	vadd.s32 v31, v32;
	vm3 =	vlt.s32 v63, $0x40  }
0x30d: {  	s26 =	simm.s32 $0xE080;
	vm2 =	vlt.s32 v31, $0x40;
	vm1 =	vmand vm1, vm3  }
0x30e: {  	s28 =	sadd.s32 $0xFFFFFFFF, s24;
	v32 =	vld [tilespmem:s26+$0x0];
	v33 =	vadd.s32 $0x13F, v33;
	v31 =	vnsel vm2, $0x40, v31  }
.LBB2_48:
0x30f: {  	_ =	sdelay $0x3  }
0x310: {  	p1 =	sne.s32 s28, $0x1;
	s25 =	sadd.s32 $0x10, s25;
	s26 =	sadd.s32 $0x10, s26;
	[tilespmem:v33+s19+$0x0] =	vst.idx.msk vm1, v32;
	v32 =	vmov v31  }
0x311: {  	s28 =	sadd.s32 $0xFFFFFFFF, s28;
	v33 =	vld [tilespmem:s25+$0x0];
	_ =	sdelay $0x4  }
0x312: {  	vm1 =	veq.s32 v33, v30  }
0x313: {  	v33 =	vsel vm1, $0x1, v1;
	v34 =	vmpcnt.ones.xlane vm1  }
0x314: {  	(xrf0) =	vadd.scan.msk.s32 $0xffff, v33  }
0x315: {  	v31 =	vadd.s32 v31, v34  }
0x316: {  	vm2 =	vlt.s32 v31, $0x40  }
0x317: {  	v31 =	vnsel vm2, $0x40, v31;
	_ =	sdelay $0x2  }
0x318: {  	v33, _, _ =	vpop (xrf0)  }
.Ltmp29:
0x319: {  	v33 =	vadd.s32 v32, v33;
	(pc) =	sbr.rel @p1 .LBB2_48-.Ltmp29, $4  }
0x31a: {  	v32 =	vadd.s32 $0xFFFFFFFF, v33  }
0x31b: {  	vm2 =	vlt.s32 v32, $0x40  }
0x31c: {  	vm1 =	vmand vm1, vm2  }
0x31d: {  	v33 =	vadd.s32 $0x13F, v33;
	v32 =	vld [tilespmem:s26+$0x0]  }
.LBB2_49:
0x31e: {  	_ =	sdelay $0x4  }
0x31f: {  	[tilespmem:v33+s19+$0x0] =	vst.idx.msk vm1, v32  }
.LBB2_50:
0x320: {  	v30 =	vld [tilespmem:$0x102C0]  }
0x321: {  	v31 =	vld [tilespmem:$0x102D0]  }
0x322: {  	v32 =	vld [tilespmem:$0x102E0]  }
0x323: {  	v33 =	vld [tilespmem:$0x102F0]  }
0x324: {  	v37 =	vimm.s32 $0x0;
	v34 =	vimm.s32 $0x80000000  }
0x325: {  	v38 =	vor.u32 v37, v34  }
0x326: {  	vm1 =	vge.u32 v30, v38;
	vm2 =	vge.u32 v31, v38  }
0x327: {  	vm3 =	vge.u32 v32, v38;
	v36 =	vsel vm1, $0x1, v1;
	v39 =	vsel vm2, $0x1, v1  }
0x328: {  	vm1 =	vge.u32 v33, v38;
	v57 =	vsel vm3, $0x1, v1;
	v36 =	vadd.s32 v36, v39  }
0x329: {  	v58 =	vsel vm1, $0x1, v1;
	v36 =	vadd.s32 v57, v36  }
0x32a: {  	v36 =	vadd.s32 v58, v36  }
0x32b: {  	v39 =	vperm.xlane v36, v2;
	_ =	sdelay $0x1  }
0x32c: {  	v36 =	vadd.s32 v39, v36  }
0x32d: {  	v39 =	vperm.xlane v36, v3;
	_ =	sdelay $0x1  }
0x32e: {  	v36 =	vadd.s32 v39, v36  }
0x32f: {  	v39 =	vperm.xlane v36, v4;
	_ =	sdelay $0x1  }
0x330: {  	v39 =	vadd.s32 v39, v36  }
0x331: {  	v40 =	vperm.xlane v39, v5  }
0x332: {  	v36 =	vperm.xlane v28, v14  }
0x333: {  	v39 =	vadd.s32 v40, v39  }
0x334: {  	vm1 =	vlt.s32 v39, v36  }
0x335: {  	v59 =	vshrl.u32 v34, $0x1;
	v37 =	vsel vm1, v37, v38  }
0x336: {  	v38 =	vor.u32 v59, v37  }
0x337: {  	vm1 =	vge.u32 v30, v38;
	vm2 =	vge.u32 v31, v38  }
0x338: {  	vm3 =	vge.u32 v32, v38;
	v60 =	vsel vm1, $0x1, v1;
	v61 =	vsel vm2, $0x1, v1  }
0x339: {  	vm1 =	vge.u32 v33, v38;
	v62 =	vsel vm3, $0x1, v1;
	v39 =	vadd.s32 v61, v60  }
0x33a: {  	v63 =	vsel vm1, $0x1, v1;
	v39 =	vadd.s32 v62, v39  }
0x33b: {  	v39 =	vadd.s32 v63, v39  }
0x33c: {  	v40 =	vperm.xlane v39, v2;
	_ =	sdelay $0x1  }
0x33d: {  	v39 =	vadd.s32 v40, v39  }
0x33e: {  	v40 =	vperm.xlane v39, v3;
	_ =	sdelay $0x1  }
0x33f: {  	v39 =	vadd.s32 v40, v39  }
0x340: {  	v40 =	vperm.xlane v39, v4;
	_ =	sdelay $0x1  }
0x341: {  	v39 =	vadd.s32 v40, v39  }
0x342: {  	v40 =	vperm.xlane v39, v5;
	_ =	sdelay $0x1  }
0x343: {  	vm1 =	vmmov $0xf;
	v39 =	vadd.s32 v40, v39  }
0x344: {  	s25 =	simm.s32 $0x0;
	v29 =	vsel vm1, v29, v35;
	vm1 =	vlt.s32 v39, v36  }
.LBB2_51:
0x345: {  	s25 =	sadd.s32 $0x2, s25;
	v35 =	vsel vm1, v37, v38;
	v34 =	vshrl.u32 v34, $0x2  }
0x346: {  	v37 =	vor.u32 v35, v34;
	p1 =	slt.u32 s25, $0x1E  }
0x347: {  	vm1 =	vge.u32 v30, v37;
	vm2 =	vge.u32 v31, v37;
	vm3 =	vge.u32 v32, v37  }
0x348: {  	v38 =	vsel vm1, $0x1, v1;
	v39 =	vsel vm2, $0x1, v1;
	vm1 =	vge.u32 v33, v37  }
0x349: {  	v38 =	vadd.s32 v38, v39;
	v39 =	vsel vm3, $0x1, v1  }
0x34a: {  	v38 =	vadd.s32 v39, v38;
	v39 =	vsel vm1, $0x1, v1  }
0x34b: {  	v38 =	vadd.s32 v39, v38  }
0x34c: {  	v39 =	vperm.xlane v38, v2;
	_ =	sdelay $0x1  }
0x34d: {  	v38 =	vadd.s32 v39, v38  }
0x34e: {  	v39 =	vperm.xlane v38, v3;
	_ =	sdelay $0x1  }
0x34f: {  	v38 =	vadd.s32 v39, v38  }
0x350: {  	v39 =	vperm.xlane v38, v4;
	_ =	sdelay $0x1  }
0x351: {  	v38 =	vadd.s32 v39, v38  }
0x352: {  	v39 =	vperm.xlane v38, v5;
	_ =	sdelay $0x1  }
0x353: {  	v38 =	vadd.s32 v39, v38  }
0x354: {  	vm1 =	vlt.s32 v38, v36  }
0x355: {  	v37 =	vsel vm1, v35, v37;
	v35 =	vshrl.u32 v34, $0x1  }
0x356: {  	v38 =	vor.u32 v35, v37  }
0x357: {  	vm1 =	vge.u32 v30, v38;
	vm2 =	vge.u32 v31, v38;
	vm3 =	vge.u32 v32, v38  }
0x358: {  	v35 =	vsel vm1, $0x1, v1;
	v39 =	vsel vm2, $0x1, v1;
	vm1 =	vge.u32 v33, v38  }
0x359: {  	v35 =	vadd.s32 v39, v35;
	v39 =	vsel vm3, $0x1, v1  }
0x35a: {  	v35 =	vadd.s32 v39, v35;
	v39 =	vsel vm1, $0x1, v1  }
0x35b: {  	v35 =	vadd.s32 v39, v35  }
0x35c: {  	v39 =	vperm.xlane v35, v2;
	_ =	sdelay $0x1  }
0x35d: {  	v35 =	vadd.s32 v39, v35  }
0x35e: {  	v39 =	vperm.xlane v35, v3;
	_ =	sdelay $0x1  }
0x35f: {  	v35 =	vadd.s32 v39, v35  }
0x360: {  	v39 =	vperm.xlane v35, v4;
	_ =	sdelay $0x1  }
.Ltmp30:
0x361: {  	v35 =	vadd.s32 v39, v35;
	(pc) =	sbr.rel @p1 .LBB2_51-.Ltmp30, $3  }
0x362: {  	v39 =	vperm.xlane v35, v5;
	_ =	sdelay $0x1  }
0x363: {  	v35 =	vadd.s32 v39, v35  }
0x364: {  	vm1 =	vlt.s32 v35, v36  }
.Ltmp31:
0x365: {  	(pc) =	sbr.rel @p0 .LBB2_56-.Ltmp31, $2  }
0x366: {  	_ =	sdelay $0x2  }
0x367: {  	v35 =	vsel vm1, v37, v38  }
0x368: {  	s25 =	simm.s32 $0xF100  }
0x369: {  	v31 =	vld [tilespmem:s25+$0x0];
	_ =	sdelay $0x2  }
0x36a: {  	v30 =	vperm.xlane v27, v15;
	_ =	sdelay $0x1  }
0x36b: {  	vm1 =	veq.s32 v31, v30  }
0x36c: {  	v31 =	vsel vm1, $0x1, v1  }
0x36d: {  	(xrf0) =	vadd.scan.msk.s32 $0xffff, v31;
	_ =	sdelay $0x5  }
0x36e: {  	p1 =	sne.s32 s24, $0x1;
	v31 =	vimm.s32 $0x0;
	v33, _, _ =	vpop (xrf0)  }
.Ltmp32:
0x36f: {  	v32 =	vmpcnt.ones.xlane vm1;
	v33 =	vadd.s32 v31, v33;
	(pc) =	sbr.rel @!p1 .LBB2_55-.Ltmp32, $4  }
0x370: {  	v63 =	vadd.s32 $0xFFFFFFFF, v33  }
0x371: {  	v31 =	vadd.s32 v31, v32;
	vm3 =	vlt.s32 v63, $0x40  }
0x372: {  	s26 =	simm.s32 $0xE080;
	vm2 =	vlt.s32 v31, $0x40;
	vm1 =	vmand vm1, vm3  }
0x373: {  	s28 =	sadd.s32 $0xFFFFFFFF, s24;
	v32 =	vld [tilespmem:s26+$0x0];
	v33 =	vadd.s32 $0x17F, v33;
	v31 =	vnsel vm2, $0x40, v31  }
.LBB2_54:
0x374: {  	_ =	sdelay $0x3  }
0x375: {  	p1 =	sne.s32 s28, $0x1;
	s25 =	sadd.s32 $0x10, s25;
	s26 =	sadd.s32 $0x10, s26;
	[tilespmem:v33+s19+$0x0] =	vst.idx.msk vm1, v32;
	v32 =	vmov v31  }
0x376: {  	s28 =	sadd.s32 $0xFFFFFFFF, s28;
	v33 =	vld [tilespmem:s25+$0x0];
	_ =	sdelay $0x4  }
0x377: {  	vm1 =	veq.s32 v33, v30  }
0x378: {  	v33 =	vsel vm1, $0x1, v1;
	v34 =	vmpcnt.ones.xlane vm1  }
0x379: {  	(xrf0) =	vadd.scan.msk.s32 $0xffff, v33  }
0x37a: {  	v31 =	vadd.s32 v31, v34  }
0x37b: {  	vm2 =	vlt.s32 v31, $0x40  }
0x37c: {  	v31 =	vnsel vm2, $0x40, v31;
	_ =	sdelay $0x2  }
0x37d: {  	v33, _, _ =	vpop (xrf0)  }
.Ltmp33:
0x37e: {  	v33 =	vadd.s32 v32, v33;
	(pc) =	sbr.rel @p1 .LBB2_54-.Ltmp33, $4  }
0x37f: {  	v32 =	vadd.s32 $0xFFFFFFFF, v33  }
0x380: {  	vm2 =	vlt.s32 v32, $0x40  }
0x381: {  	vm1 =	vmand vm1, vm2  }
0x382: {  	v33 =	vadd.s32 $0x17F, v33;
	v32 =	vld [tilespmem:s26+$0x0]  }
.LBB2_55:
0x383: {  	_ =	sdelay $0x4  }
0x384: {  	[tilespmem:v33+s19+$0x0] =	vst.idx.msk vm1, v32  }
.LBB2_56:
0x385: {  	v30 =	vld [tilespmem:$0x10300]  }
0x386: {  	v31 =	vld [tilespmem:$0x10310]  }
0x387: {  	v32 =	vld [tilespmem:$0x10320]  }
0x388: {  	v33 =	vld [tilespmem:$0x10330]  }
0x389: {  	v37 =	vimm.s32 $0x0;
	v34 =	vimm.s32 $0x80000000  }
0x38a: {  	v38 =	vor.u32 v37, v34  }
0x38b: {  	vm1 =	vge.u32 v30, v38;
	vm2 =	vge.u32 v31, v38  }
0x38c: {  	vm3 =	vge.u32 v32, v38;
	v36 =	vsel vm1, $0x1, v1;
	v39 =	vsel vm2, $0x1, v1  }
0x38d: {  	vm1 =	vge.u32 v33, v38;
	v57 =	vsel vm3, $0x1, v1;
	v36 =	vadd.s32 v36, v39  }
0x38e: {  	v58 =	vsel vm1, $0x1, v1;
	v36 =	vadd.s32 v57, v36  }
0x38f: {  	v36 =	vadd.s32 v58, v36  }
0x390: {  	v39 =	vperm.xlane v36, v2;
	_ =	sdelay $0x1  }
0x391: {  	v36 =	vadd.s32 v39, v36  }
0x392: {  	v39 =	vperm.xlane v36, v3;
	_ =	sdelay $0x1  }
0x393: {  	v36 =	vadd.s32 v39, v36  }
0x394: {  	v39 =	vperm.xlane v36, v4;
	_ =	sdelay $0x1  }
0x395: {  	v39 =	vadd.s32 v39, v36  }
0x396: {  	v40 =	vperm.xlane v39, v5  }
0x397: {  	v36 =	vperm.xlane v28, v15  }
0x398: {  	v39 =	vadd.s32 v40, v39  }
0x399: {  	vm1 =	vlt.s32 v39, v36  }
0x39a: {  	v59 =	vshrl.u32 v34, $0x1;
	v37 =	vsel vm1, v37, v38  }
0x39b: {  	v38 =	vor.u32 v59, v37  }
0x39c: {  	vm1 =	vge.u32 v30, v38;
	vm2 =	vge.u32 v31, v38  }
0x39d: {  	vm3 =	vge.u32 v32, v38;
	v60 =	vsel vm1, $0x1, v1;
	v61 =	vsel vm2, $0x1, v1  }
0x39e: {  	vm1 =	vge.u32 v33, v38;
	v62 =	vsel vm3, $0x1, v1;
	v39 =	vadd.s32 v61, v60  }
0x39f: {  	v63 =	vsel vm1, $0x1, v1;
	v39 =	vadd.s32 v62, v39  }
0x3a0: {  	v39 =	vadd.s32 v63, v39  }
0x3a1: {  	v40 =	vperm.xlane v39, v2;
	_ =	sdelay $0x1  }
0x3a2: {  	v39 =	vadd.s32 v40, v39  }
0x3a3: {  	v40 =	vperm.xlane v39, v3;
	_ =	sdelay $0x1  }
0x3a4: {  	v39 =	vadd.s32 v40, v39  }
0x3a5: {  	v40 =	vperm.xlane v39, v4;
	_ =	sdelay $0x1  }
0x3a6: {  	v39 =	vadd.s32 v40, v39  }
0x3a7: {  	v40 =	vperm.xlane v39, v5;
	_ =	sdelay $0x1  }
0x3a8: {  	vm1 =	vmmov $0x1f;
	v39 =	vadd.s32 v40, v39  }
0x3a9: {  	s25 =	simm.s32 $0x0;
	v29 =	vsel vm1, v29, v35;
	vm1 =	vlt.s32 v39, v36  }
.LBB2_57:
0x3aa: {  	s25 =	sadd.s32 $0x2, s25;
	v35 =	vsel vm1, v37, v38;
	v34 =	vshrl.u32 v34, $0x2  }
0x3ab: {  	v37 =	vor.u32 v35, v34;
	p1 =	slt.u32 s25, $0x1E  }
0x3ac: {  	vm1 =	vge.u32 v30, v37;
	vm2 =	vge.u32 v31, v37;
	vm3 =	vge.u32 v32, v37  }
0x3ad: {  	v38 =	vsel vm1, $0x1, v1;
	v39 =	vsel vm2, $0x1, v1;
	vm1 =	vge.u32 v33, v37  }
0x3ae: {  	v38 =	vadd.s32 v38, v39;
	v39 =	vsel vm3, $0x1, v1  }
0x3af: {  	v38 =	vadd.s32 v39, v38;
	v39 =	vsel vm1, $0x1, v1  }
0x3b0: {  	v38 =	vadd.s32 v39, v38  }
0x3b1: {  	v39 =	vperm.xlane v38, v2;
	_ =	sdelay $0x1  }
0x3b2: {  	v38 =	vadd.s32 v39, v38  }
0x3b3: {  	v39 =	vperm.xlane v38, v3;
	_ =	sdelay $0x1  }
0x3b4: {  	v38 =	vadd.s32 v39, v38  }
0x3b5: {  	v39 =	vperm.xlane v38, v4;
	_ =	sdelay $0x1  }
0x3b6: {  	v38 =	vadd.s32 v39, v38  }
0x3b7: {  	v39 =	vperm.xlane v38, v5;
	_ =	sdelay $0x1  }
0x3b8: {  	v38 =	vadd.s32 v39, v38  }
0x3b9: {  	vm1 =	vlt.s32 v38, v36  }
0x3ba: {  	v37 =	vsel vm1, v35, v37;
	v35 =	vshrl.u32 v34, $0x1  }
0x3bb: {  	v38 =	vor.u32 v35, v37  }
0x3bc: {  	vm1 =	vge.u32 v30, v38;
	vm2 =	vge.u32 v31, v38;
	vm3 =	vge.u32 v32, v38  }
0x3bd: {  	v35 =	vsel vm1, $0x1, v1;
	v39 =	vsel vm2, $0x1, v1;
	vm1 =	vge.u32 v33, v38  }
0x3be: {  	v35 =	vadd.s32 v39, v35;
	v39 =	vsel vm3, $0x1, v1  }
0x3bf: {  	v35 =	vadd.s32 v39, v35;
	v39 =	vsel vm1, $0x1, v1  }
0x3c0: {  	v35 =	vadd.s32 v39, v35  }
0x3c1: {  	v39 =	vperm.xlane v35, v2;
	_ =	sdelay $0x1  }
0x3c2: {  	v35 =	vadd.s32 v39, v35  }
0x3c3: {  	v39 =	vperm.xlane v35, v3;
	_ =	sdelay $0x1  }
0x3c4: {  	v35 =	vadd.s32 v39, v35  }
0x3c5: {  	v39 =	vperm.xlane v35, v4;
	_ =	sdelay $0x1  }
.Ltmp34:
0x3c6: {  	v35 =	vadd.s32 v39, v35;
	(pc) =	sbr.rel @p1 .LBB2_57-.Ltmp34, $3  }
0x3c7: {  	v39 =	vperm.xlane v35, v5;
	_ =	sdelay $0x1  }
0x3c8: {  	v35 =	vadd.s32 v39, v35  }
0x3c9: {  	vm1 =	vlt.s32 v35, v36  }
.Ltmp35:
0x3ca: {  	(pc) =	sbr.rel @p0 .LBB2_62-.Ltmp35, $2  }
0x3cb: {  	_ =	sdelay $0x2  }
0x3cc: {  	v35 =	vsel vm1, v37, v38  }
0x3cd: {  	s25 =	simm.s32 $0xF100  }
0x3ce: {  	v31 =	vld [tilespmem:s25+$0x0];
	_ =	sdelay $0x2  }
0x3cf: {  	v30 =	vperm.xlane v27, v16;
	_ =	sdelay $0x1  }
0x3d0: {  	vm1 =	veq.s32 v31, v30  }
0x3d1: {  	v31 =	vsel vm1, $0x1, v1  }
0x3d2: {  	(xrf0) =	vadd.scan.msk.s32 $0xffff, v31;
	_ =	sdelay $0x5  }
0x3d3: {  	p1 =	sne.s32 s24, $0x1;
	v31 =	vimm.s32 $0x0;
	v33, _, _ =	vpop (xrf0)  }
.Ltmp36:
0x3d4: {  	v32 =	vmpcnt.ones.xlane vm1;
	v33 =	vadd.s32 v31, v33;
	(pc) =	sbr.rel @!p1 .LBB2_61-.Ltmp36, $4  }
0x3d5: {  	v63 =	vadd.s32 $0xFFFFFFFF, v33  }
0x3d6: {  	v31 =	vadd.s32 v31, v32;
	vm3 =	vlt.s32 v63, $0x40  }
0x3d7: {  	s26 =	simm.s32 $0xE080;
	vm2 =	vlt.s32 v31, $0x40;
	vm1 =	vmand vm1, vm3  }
0x3d8: {  	s28 =	sadd.s32 $0xFFFFFFFF, s24;
	v32 =	vld [tilespmem:s26+$0x0];
	v33 =	vadd.s32 $0x1BF, v33;
	v31 =	vnsel vm2, $0x40, v31  }
.LBB2_60:
0x3d9: {  	_ =	sdelay $0x3  }
0x3da: {  	p1 =	sne.s32 s28, $0x1;
	s25 =	sadd.s32 $0x10, s25;
	s26 =	sadd.s32 $0x10, s26;
	[tilespmem:v33+s19+$0x0] =	vst.idx.msk vm1, v32;
	v32 =	vmov v31  }
0x3db: {  	s28 =	sadd.s32 $0xFFFFFFFF, s28;
	v33 =	vld [tilespmem:s25+$0x0];
	_ =	sdelay $0x4  }
0x3dc: {  	vm1 =	veq.s32 v33, v30  }
0x3dd: {  	v33 =	vsel vm1, $0x1, v1;
	v34 =	vmpcnt.ones.xlane vm1  }
0x3de: {  	(xrf0) =	vadd.scan.msk.s32 $0xffff, v33  }
0x3df: {  	v31 =	vadd.s32 v31, v34  }
0x3e0: {  	vm2 =	vlt.s32 v31, $0x40  }
0x3e1: {  	v31 =	vnsel vm2, $0x40, v31;
	_ =	sdelay $0x2  }
0x3e2: {  	v33, _, _ =	vpop (xrf0)  }
.Ltmp37:
0x3e3: {  	v33 =	vadd.s32 v32, v33;
	(pc) =	sbr.rel @p1 .LBB2_60-.Ltmp37, $4  }
0x3e4: {  	v32 =	vadd.s32 $0xFFFFFFFF, v33  }
0x3e5: {  	vm2 =	vlt.s32 v32, $0x40  }
0x3e6: {  	vm1 =	vmand vm1, vm2  }
0x3e7: {  	v33 =	vadd.s32 $0x1BF, v33;
	v32 =	vld [tilespmem:s26+$0x0]  }
.LBB2_61:
0x3e8: {  	_ =	sdelay $0x4  }
0x3e9: {  	[tilespmem:v33+s19+$0x0] =	vst.idx.msk vm1, v32  }
.LBB2_62:
0x3ea: {  	v30 =	vld [tilespmem:$0x10340]  }
0x3eb: {  	v31 =	vld [tilespmem:$0x10350]  }
0x3ec: {  	v32 =	vld [tilespmem:$0x10360]  }
0x3ed: {  	v33 =	vld [tilespmem:$0x10370]  }
0x3ee: {  	v37 =	vimm.s32 $0x0;
	v34 =	vimm.s32 $0x80000000  }
0x3ef: {  	v38 =	vor.u32 v37, v34  }
0x3f0: {  	vm1 =	vge.u32 v30, v38;
	vm2 =	vge.u32 v31, v38  }
0x3f1: {  	vm3 =	vge.u32 v32, v38;
	v36 =	vsel vm1, $0x1, v1;
	v39 =	vsel vm2, $0x1, v1  }
0x3f2: {  	vm1 =	vge.u32 v33, v38;
	v57 =	vsel vm3, $0x1, v1;
	v36 =	vadd.s32 v36, v39  }
0x3f3: {  	v58 =	vsel vm1, $0x1, v1;
	v36 =	vadd.s32 v57, v36  }
0x3f4: {  	v36 =	vadd.s32 v58, v36  }
0x3f5: {  	v39 =	vperm.xlane v36, v2;
	_ =	sdelay $0x1  }
0x3f6: {  	v36 =	vadd.s32 v39, v36  }
0x3f7: {  	v39 =	vperm.xlane v36, v3;
	_ =	sdelay $0x1  }
0x3f8: {  	v36 =	vadd.s32 v39, v36  }
0x3f9: {  	v39 =	vperm.xlane v36, v4;
	_ =	sdelay $0x1  }
0x3fa: {  	v39 =	vadd.s32 v39, v36  }
0x3fb: {  	v40 =	vperm.xlane v39, v5  }
0x3fc: {  	v36 =	vperm.xlane v28, v16  }
0x3fd: {  	v39 =	vadd.s32 v40, v39  }
0x3fe: {  	vm1 =	vlt.s32 v39, v36  }
0x3ff: {  	v59 =	vshrl.u32 v34, $0x1;
	v37 =	vsel vm1, v37, v38  }
0x400: {  	v38 =	vor.u32 v59, v37  }
0x401: {  	vm1 =	vge.u32 v30, v38;
	vm2 =	vge.u32 v31, v38  }
0x402: {  	vm3 =	vge.u32 v32, v38;
	v60 =	vsel vm1, $0x1, v1;
	v61 =	vsel vm2, $0x1, v1  }
0x403: {  	vm1 =	vge.u32 v33, v38;
	v62 =	vsel vm3, $0x1, v1;
	v39 =	vadd.s32 v61, v60  }
0x404: {  	v63 =	vsel vm1, $0x1, v1;
	v39 =	vadd.s32 v62, v39  }
0x405: {  	v39 =	vadd.s32 v63, v39  }
0x406: {  	v40 =	vperm.xlane v39, v2;
	_ =	sdelay $0x1  }
0x407: {  	v39 =	vadd.s32 v40, v39  }
0x408: {  	v40 =	vperm.xlane v39, v3;
	_ =	sdelay $0x1  }
0x409: {  	v39 =	vadd.s32 v40, v39  }
0x40a: {  	v40 =	vperm.xlane v39, v4;
	_ =	sdelay $0x1  }
0x40b: {  	v39 =	vadd.s32 v40, v39  }
0x40c: {  	v40 =	vperm.xlane v39, v5;
	_ =	sdelay $0x1  }
0x40d: {  	vm1 =	vmmov $0x3f;
	v39 =	vadd.s32 v40, v39  }
0x40e: {  	s25 =	simm.s32 $0x0;
	v29 =	vsel vm1, v29, v35;
	vm1 =	vlt.s32 v39, v36  }
.LBB2_63:
0x40f: {  	s25 =	sadd.s32 $0x2, s25;
	v35 =	vsel vm1, v37, v38;
	v34 =	vshrl.u32 v34, $0x2  }
0x410: {  	v37 =	vor.u32 v35, v34;
	p1 =	slt.u32 s25, $0x1E  }
0x411: {  	vm1 =	vge.u32 v30, v37;
	vm2 =	vge.u32 v31, v37;
	vm3 =	vge.u32 v32, v37  }
0x412: {  	v38 =	vsel vm1, $0x1, v1;
	v39 =	vsel vm2, $0x1, v1;
	vm1 =	vge.u32 v33, v37  }
0x413: {  	v38 =	vadd.s32 v38, v39;
	v39 =	vsel vm3, $0x1, v1  }
0x414: {  	v38 =	vadd.s32 v39, v38;
	v39 =	vsel vm1, $0x1, v1  }
0x415: {  	v38 =	vadd.s32 v39, v38  }
0x416: {  	v39 =	vperm.xlane v38, v2;
	_ =	sdelay $0x1  }
0x417: {  	v38 =	vadd.s32 v39, v38  }
0x418: {  	v39 =	vperm.xlane v38, v3;
	_ =	sdelay $0x1  }
0x419: {  	v38 =	vadd.s32 v39, v38  }
0x41a: {  	v39 =	vperm.xlane v38, v4;
	_ =	sdelay $0x1  }
0x41b: {  	v38 =	vadd.s32 v39, v38  }
0x41c: {  	v39 =	vperm.xlane v38, v5;
	_ =	sdelay $0x1  }
0x41d: {  	v38 =	vadd.s32 v39, v38  }
0x41e: {  	vm1 =	vlt.s32 v38, v36  }
0x41f: {  	v37 =	vsel vm1, v35, v37;
	v35 =	vshrl.u32 v34, $0x1  }
0x420: {  	v38 =	vor.u32 v35, v37  }
0x421: {  	vm1 =	vge.u32 v30, v38;
	vm2 =	vge.u32 v31, v38;
	vm3 =	vge.u32 v32, v38  }
0x422: {  	v35 =	vsel vm1, $0x1, v1;
	v39 =	vsel vm2, $0x1, v1;
	vm1 =	vge.u32 v33, v38  }
0x423: {  	v35 =	vadd.s32 v39, v35;
	v39 =	vsel vm3, $0x1, v1  }
0x424: {  	v35 =	vadd.s32 v39, v35;
	v39 =	vsel vm1, $0x1, v1  }
0x425: {  	v35 =	vadd.s32 v39, v35  }
0x426: {  	v39 =	vperm.xlane v35, v2;
	_ =	sdelay $0x1  }
0x427: {  	v35 =	vadd.s32 v39, v35  }
0x428: {  	v39 =	vperm.xlane v35, v3;
	_ =	sdelay $0x1  }
0x429: {  	v35 =	vadd.s32 v39, v35  }
0x42a: {  	v39 =	vperm.xlane v35, v4;
	_ =	sdelay $0x1  }
.Ltmp38:
0x42b: {  	v35 =	vadd.s32 v39, v35;
	(pc) =	sbr.rel @p1 .LBB2_63-.Ltmp38, $3  }
0x42c: {  	v39 =	vperm.xlane v35, v5;
	_ =	sdelay $0x1  }
0x42d: {  	v35 =	vadd.s32 v39, v35  }
0x42e: {  	vm1 =	vlt.s32 v35, v36  }
.Ltmp39:
0x42f: {  	(pc) =	sbr.rel @p0 .LBB2_68-.Ltmp39, $2  }
0x430: {  	_ =	sdelay $0x2  }
0x431: {  	v35 =	vsel vm1, v37, v38  }
0x432: {  	s25 =	simm.s32 $0xF100  }
0x433: {  	v31 =	vld [tilespmem:s25+$0x0];
	_ =	sdelay $0x2  }
0x434: {  	v30 =	vperm.xlane v27, v17;
	_ =	sdelay $0x1  }
0x435: {  	vm1 =	veq.s32 v31, v30  }
0x436: {  	v31 =	vsel vm1, $0x1, v1  }
0x437: {  	(xrf0) =	vadd.scan.msk.s32 $0xffff, v31;
	_ =	sdelay $0x5  }
0x438: {  	p1 =	sne.s32 s24, $0x1;
	v31 =	vimm.s32 $0x0;
	v33, _, _ =	vpop (xrf0)  }
.Ltmp40:
0x439: {  	v32 =	vmpcnt.ones.xlane vm1;
	v33 =	vadd.s32 v31, v33;
	(pc) =	sbr.rel @!p1 .LBB2_67-.Ltmp40, $4  }
0x43a: {  	v63 =	vadd.s32 $0xFFFFFFFF, v33  }
0x43b: {  	v31 =	vadd.s32 v31, v32;
	vm3 =	vlt.s32 v63, $0x40  }
0x43c: {  	s26 =	simm.s32 $0xE080;
	vm2 =	vlt.s32 v31, $0x40;
	vm1 =	vmand vm1, vm3  }
0x43d: {  	s28 =	sadd.s32 $0xFFFFFFFF, s24;
	v32 =	vld [tilespmem:s26+$0x0];
	v33 =	vadd.s32 $0x1FF, v33;
	v31 =	vnsel vm2, $0x40, v31  }
.LBB2_66:
0x43e: {  	_ =	sdelay $0x3  }
0x43f: {  	p1 =	sne.s32 s28, $0x1;
	s25 =	sadd.s32 $0x10, s25;
	s26 =	sadd.s32 $0x10, s26;
	[tilespmem:v33+s19+$0x0] =	vst.idx.msk vm1, v32;
	v32 =	vmov v31  }
0x440: {  	s28 =	sadd.s32 $0xFFFFFFFF, s28;
	v33 =	vld [tilespmem:s25+$0x0];
	_ =	sdelay $0x4  }
0x441: {  	vm1 =	veq.s32 v33, v30  }
0x442: {  	v33 =	vsel vm1, $0x1, v1;
	v34 =	vmpcnt.ones.xlane vm1  }
0x443: {  	(xrf0) =	vadd.scan.msk.s32 $0xffff, v33  }
0x444: {  	v31 =	vadd.s32 v31, v34  }
0x445: {  	vm2 =	vlt.s32 v31, $0x40  }
0x446: {  	v31 =	vnsel vm2, $0x40, v31;
	_ =	sdelay $0x2  }
0x447: {  	v33, _, _ =	vpop (xrf0)  }
.Ltmp41:
0x448: {  	v33 =	vadd.s32 v32, v33;
	(pc) =	sbr.rel @p1 .LBB2_66-.Ltmp41, $4  }
0x449: {  	v32 =	vadd.s32 $0xFFFFFFFF, v33  }
0x44a: {  	vm2 =	vlt.s32 v32, $0x40  }
0x44b: {  	vm1 =	vmand vm1, vm2  }
0x44c: {  	v33 =	vadd.s32 $0x1FF, v33;
	v32 =	vld [tilespmem:s26+$0x0]  }
.LBB2_67:
0x44d: {  	_ =	sdelay $0x4  }
0x44e: {  	[tilespmem:v33+s19+$0x0] =	vst.idx.msk vm1, v32  }
.LBB2_68:
0x44f: {  	v30 =	vld [tilespmem:$0x10380]  }
0x450: {  	v31 =	vld [tilespmem:$0x10390]  }
0x451: {  	v32 =	vld [tilespmem:$0x103A0]  }
0x452: {  	v33 =	vld [tilespmem:$0x103B0]  }
0x453: {  	v37 =	vimm.s32 $0x0;
	v34 =	vimm.s32 $0x80000000  }
0x454: {  	v38 =	vor.u32 v37, v34  }
0x455: {  	vm1 =	vge.u32 v30, v38;
	vm2 =	vge.u32 v31, v38  }
0x456: {  	vm3 =	vge.u32 v32, v38;
	v36 =	vsel vm1, $0x1, v1;
	v39 =	vsel vm2, $0x1, v1  }
0x457: {  	vm1 =	vge.u32 v33, v38;
	v57 =	vsel vm3, $0x1, v1;
	v36 =	vadd.s32 v36, v39  }
0x458: {  	v58 =	vsel vm1, $0x1, v1;
	v36 =	vadd.s32 v57, v36  }
0x459: {  	v36 =	vadd.s32 v58, v36  }
0x45a: {  	v39 =	vperm.xlane v36, v2;
	_ =	sdelay $0x1  }
0x45b: {  	v36 =	vadd.s32 v39, v36  }
0x45c: {  	v39 =	vperm.xlane v36, v3;
	_ =	sdelay $0x1  }
0x45d: {  	v36 =	vadd.s32 v39, v36  }
0x45e: {  	v39 =	vperm.xlane v36, v4;
	_ =	sdelay $0x1  }
0x45f: {  	v39 =	vadd.s32 v39, v36  }
0x460: {  	v40 =	vperm.xlane v39, v5  }
0x461: {  	v36 =	vperm.xlane v28, v17  }
0x462: {  	v39 =	vadd.s32 v40, v39  }
0x463: {  	vm1 =	vlt.s32 v39, v36  }
0x464: {  	v59 =	vshrl.u32 v34, $0x1;
	v37 =	vsel vm1, v37, v38  }
0x465: {  	v38 =	vor.u32 v59, v37  }
0x466: {  	vm1 =	vge.u32 v30, v38;
	vm2 =	vge.u32 v31, v38  }
0x467: {  	vm3 =	vge.u32 v32, v38;
	v60 =	vsel vm1, $0x1, v1;
	v61 =	vsel vm2, $0x1, v1  }
0x468: {  	vm1 =	vge.u32 v33, v38;
	v62 =	vsel vm3, $0x1, v1;
	v39 =	vadd.s32 v61, v60  }
0x469: {  	v63 =	vsel vm1, $0x1, v1;
	v39 =	vadd.s32 v62, v39  }
0x46a: {  	v39 =	vadd.s32 v63, v39  }
0x46b: {  	v40 =	vperm.xlane v39, v2;
	_ =	sdelay $0x1  }
0x46c: {  	v39 =	vadd.s32 v40, v39  }
0x46d: {  	v40 =	vperm.xlane v39, v3;
	_ =	sdelay $0x1  }
0x46e: {  	v39 =	vadd.s32 v40, v39  }
0x46f: {  	v40 =	vperm.xlane v39, v4;
	_ =	sdelay $0x1  }
0x470: {  	v39 =	vadd.s32 v40, v39  }
0x471: {  	v40 =	vperm.xlane v39, v5;
	_ =	sdelay $0x1  }
0x472: {  	vm1 =	vmmov $0x7f;
	v39 =	vadd.s32 v40, v39  }
0x473: {  	s25 =	simm.s32 $0x0;
	v29 =	vsel vm1, v29, v35;
	vm1 =	vlt.s32 v39, v36  }
.LBB2_69:
0x474: {  	s25 =	sadd.s32 $0x2, s25;
	v35 =	vsel vm1, v37, v38;
	v34 =	vshrl.u32 v34, $0x2  }
0x475: {  	v37 =	vor.u32 v35, v34;
	p1 =	slt.u32 s25, $0x1E  }
0x476: {  	vm1 =	vge.u32 v30, v37;
	vm2 =	vge.u32 v31, v37;
	vm3 =	vge.u32 v32, v37  }
0x477: {  	v38 =	vsel vm1, $0x1, v1;
	v39 =	vsel vm2, $0x1, v1;
	vm1 =	vge.u32 v33, v37  }
0x478: {  	v38 =	vadd.s32 v38, v39;
	v39 =	vsel vm3, $0x1, v1  }
0x479: {  	v38 =	vadd.s32 v39, v38;
	v39 =	vsel vm1, $0x1, v1  }
0x47a: {  	v38 =	vadd.s32 v39, v38  }
0x47b: {  	v39 =	vperm.xlane v38, v2;
	_ =	sdelay $0x1  }
0x47c: {  	v38 =	vadd.s32 v39, v38  }
0x47d: {  	v39 =	vperm.xlane v38, v3;
	_ =	sdelay $0x1  }
0x47e: {  	v38 =	vadd.s32 v39, v38  }
0x47f: {  	v39 =	vperm.xlane v38, v4;
	_ =	sdelay $0x1  }
0x480: {  	v38 =	vadd.s32 v39, v38  }
0x481: {  	v39 =	vperm.xlane v38, v5;
	_ =	sdelay $0x1  }
0x482: {  	v38 =	vadd.s32 v39, v38  }
0x483: {  	vm1 =	vlt.s32 v38, v36  }
0x484: {  	v37 =	vsel vm1, v35, v37;
	v35 =	vshrl.u32 v34, $0x1  }
0x485: {  	v38 =	vor.u32 v35, v37  }
0x486: {  	vm1 =	vge.u32 v30, v38;
	vm2 =	vge.u32 v31, v38;
	vm3 =	vge.u32 v32, v38  }
0x487: {  	v35 =	vsel vm1, $0x1, v1;
	v39 =	vsel vm2, $0x1, v1;
	vm1 =	vge.u32 v33, v38  }
0x488: {  	v35 =	vadd.s32 v39, v35;
	v39 =	vsel vm3, $0x1, v1  }
0x489: {  	v35 =	vadd.s32 v39, v35;
	v39 =	vsel vm1, $0x1, v1  }
0x48a: {  	v35 =	vadd.s32 v39, v35  }
0x48b: {  	v39 =	vperm.xlane v35, v2;
	_ =	sdelay $0x1  }
0x48c: {  	v35 =	vadd.s32 v39, v35  }
0x48d: {  	v39 =	vperm.xlane v35, v3;
	_ =	sdelay $0x1  }
0x48e: {  	v35 =	vadd.s32 v39, v35  }
0x48f: {  	v39 =	vperm.xlane v35, v4;
	_ =	sdelay $0x1  }
.Ltmp42:
0x490: {  	v35 =	vadd.s32 v39, v35;
	(pc) =	sbr.rel @p1 .LBB2_69-.Ltmp42, $3  }
0x491: {  	v39 =	vperm.xlane v35, v5;
	_ =	sdelay $0x1  }
0x492: {  	v35 =	vadd.s32 v39, v35  }
0x493: {  	vm1 =	vlt.s32 v35, v36  }
.Ltmp43:
0x494: {  	(pc) =	sbr.rel @p0 .LBB2_74-.Ltmp43, $2  }
0x495: {  	_ =	sdelay $0x2  }
0x496: {  	v35 =	vsel vm1, v37, v38  }
0x497: {  	s25 =	simm.s32 $0xF100  }
0x498: {  	v31 =	vld [tilespmem:s25+$0x0];
	_ =	sdelay $0x2  }
0x499: {  	v30 =	vperm.xlane v27, v18;
	_ =	sdelay $0x1  }
0x49a: {  	vm1 =	veq.s32 v31, v30  }
0x49b: {  	v31 =	vsel vm1, $0x1, v1  }
0x49c: {  	(xrf0) =	vadd.scan.msk.s32 $0xffff, v31;
	_ =	sdelay $0x5  }
0x49d: {  	p1 =	sne.s32 s24, $0x1;
	v31 =	vimm.s32 $0x0;
	v33, _, _ =	vpop (xrf0)  }
.Ltmp44:
0x49e: {  	v32 =	vmpcnt.ones.xlane vm1;
	v33 =	vadd.s32 v31, v33;
	(pc) =	sbr.rel @!p1 .LBB2_73-.Ltmp44, $4  }
0x49f: {  	v63 =	vadd.s32 $0xFFFFFFFF, v33  }
0x4a0: {  	v31 =	vadd.s32 v31, v32;
	vm3 =	vlt.s32 v63, $0x40  }
0x4a1: {  	s26 =	simm.s32 $0xE080;
	vm2 =	vlt.s32 v31, $0x40;
	vm1 =	vmand vm1, vm3  }
0x4a2: {  	s28 =	sadd.s32 $0xFFFFFFFF, s24;
	v32 =	vld [tilespmem:s26+$0x0];
	v33 =	vadd.s32 $0x23F, v33;
	v31 =	vnsel vm2, $0x40, v31  }
.LBB2_72:
0x4a3: {  	_ =	sdelay $0x3  }
0x4a4: {  	p1 =	sne.s32 s28, $0x1;
	s25 =	sadd.s32 $0x10, s25;
	s26 =	sadd.s32 $0x10, s26;
	[tilespmem:v33+s19+$0x0] =	vst.idx.msk vm1, v32;
	v32 =	vmov v31  }
0x4a5: {  	s28 =	sadd.s32 $0xFFFFFFFF, s28;
	v33 =	vld [tilespmem:s25+$0x0];
	_ =	sdelay $0x4  }
0x4a6: {  	vm1 =	veq.s32 v33, v30  }
0x4a7: {  	v33 =	vsel vm1, $0x1, v1;
	v34 =	vmpcnt.ones.xlane vm1  }
0x4a8: {  	(xrf0) =	vadd.scan.msk.s32 $0xffff, v33  }
0x4a9: {  	v31 =	vadd.s32 v31, v34  }
0x4aa: {  	vm2 =	vlt.s32 v31, $0x40  }
0x4ab: {  	v31 =	vnsel vm2, $0x40, v31;
	_ =	sdelay $0x2  }
0x4ac: {  	v33, _, _ =	vpop (xrf0)  }
.Ltmp45:
0x4ad: {  	v33 =	vadd.s32 v32, v33;
	(pc) =	sbr.rel @p1 .LBB2_72-.Ltmp45, $4  }
0x4ae: {  	v32 =	vadd.s32 $0xFFFFFFFF, v33  }
0x4af: {  	vm2 =	vlt.s32 v32, $0x40  }
0x4b0: {  	vm1 =	vmand vm1, vm2  }
0x4b1: {  	v33 =	vadd.s32 $0x23F, v33;
	v32 =	vld [tilespmem:s26+$0x0]  }
.LBB2_73:
0x4b2: {  	_ =	sdelay $0x4  }
0x4b3: {  	[tilespmem:v33+s19+$0x0] =	vst.idx.msk vm1, v32  }
.LBB2_74:
0x4b4: {  	v30 =	vld [tilespmem:$0x103C0]  }
0x4b5: {  	v31 =	vld [tilespmem:$0x103D0]  }
0x4b6: {  	v32 =	vld [tilespmem:$0x103E0]  }
0x4b7: {  	v33 =	vld [tilespmem:$0x103F0]  }
0x4b8: {  	v37 =	vimm.s32 $0x0;
	v34 =	vimm.s32 $0x80000000  }
0x4b9: {  	v38 =	vor.u32 v37, v34  }
0x4ba: {  	vm1 =	vge.u32 v30, v38;
	vm2 =	vge.u32 v31, v38  }
0x4bb: {  	vm3 =	vge.u32 v32, v38;
	v36 =	vsel vm1, $0x1, v1;
	v39 =	vsel vm2, $0x1, v1  }
0x4bc: {  	vm1 =	vge.u32 v33, v38;
	v57 =	vsel vm3, $0x1, v1;
	v36 =	vadd.s32 v36, v39  }
0x4bd: {  	v58 =	vsel vm1, $0x1, v1;
	v36 =	vadd.s32 v57, v36  }
0x4be: {  	v36 =	vadd.s32 v58, v36  }
0x4bf: {  	v39 =	vperm.xlane v36, v2;
	_ =	sdelay $0x1  }
0x4c0: {  	v36 =	vadd.s32 v39, v36  }
0x4c1: {  	v39 =	vperm.xlane v36, v3;
	_ =	sdelay $0x1  }
0x4c2: {  	v36 =	vadd.s32 v39, v36  }
0x4c3: {  	v39 =	vperm.xlane v36, v4;
	_ =	sdelay $0x1  }
0x4c4: {  	v39 =	vadd.s32 v39, v36  }
0x4c5: {  	v40 =	vperm.xlane v39, v5  }
0x4c6: {  	v36 =	vperm.xlane v28, v18  }
0x4c7: {  	v39 =	vadd.s32 v40, v39  }
0x4c8: {  	vm1 =	vlt.s32 v39, v36  }
0x4c9: {  	v59 =	vshrl.u32 v34, $0x1;
	v37 =	vsel vm1, v37, v38  }
0x4ca: {  	v38 =	vor.u32 v59, v37  }
0x4cb: {  	vm1 =	vge.u32 v30, v38;
	vm2 =	vge.u32 v31, v38  }
0x4cc: {  	vm3 =	vge.u32 v32, v38;
	v60 =	vsel vm1, $0x1, v1;
	v61 =	vsel vm2, $0x1, v1  }
0x4cd: {  	vm1 =	vge.u32 v33, v38;
	v62 =	vsel vm3, $0x1, v1;
	v39 =	vadd.s32 v61, v60  }
0x4ce: {  	v63 =	vsel vm1, $0x1, v1;
	v39 =	vadd.s32 v62, v39  }
0x4cf: {  	v39 =	vadd.s32 v63, v39  }
0x4d0: {  	v40 =	vperm.xlane v39, v2;
	_ =	sdelay $0x1  }
0x4d1: {  	v39 =	vadd.s32 v40, v39  }
0x4d2: {  	v40 =	vperm.xlane v39, v3;
	_ =	sdelay $0x1  }
0x4d3: {  	v39 =	vadd.s32 v40, v39  }
0x4d4: {  	v40 =	vperm.xlane v39, v4;
	_ =	sdelay $0x1  }
0x4d5: {  	v39 =	vadd.s32 v40, v39  }
0x4d6: {  	v40 =	vperm.xlane v39, v5;
	_ =	sdelay $0x1  }
0x4d7: {  	vm1 =	vmmov $0xff;
	v39 =	vadd.s32 v40, v39  }
0x4d8: {  	s25 =	simm.s32 $0x0;
	v29 =	vsel vm1, v29, v35;
	vm1 =	vlt.s32 v39, v36  }
.LBB2_75:
0x4d9: {  	s25 =	sadd.s32 $0x2, s25;
	v35 =	vsel vm1, v37, v38;
	v34 =	vshrl.u32 v34, $0x2  }
0x4da: {  	v37 =	vor.u32 v35, v34;
	p1 =	slt.u32 s25, $0x1E  }
0x4db: {  	vm1 =	vge.u32 v30, v37;
	vm2 =	vge.u32 v31, v37;
	vm3 =	vge.u32 v32, v37  }
0x4dc: {  	v38 =	vsel vm1, $0x1, v1;
	v39 =	vsel vm2, $0x1, v1;
	vm1 =	vge.u32 v33, v37  }
0x4dd: {  	v38 =	vadd.s32 v38, v39;
	v39 =	vsel vm3, $0x1, v1  }
0x4de: {  	v38 =	vadd.s32 v39, v38;
	v39 =	vsel vm1, $0x1, v1  }
0x4df: {  	v38 =	vadd.s32 v39, v38  }
0x4e0: {  	v39 =	vperm.xlane v38, v2;
	_ =	sdelay $0x1  }
0x4e1: {  	v38 =	vadd.s32 v39, v38  }
0x4e2: {  	v39 =	vperm.xlane v38, v3;
	_ =	sdelay $0x1  }
0x4e3: {  	v38 =	vadd.s32 v39, v38  }
0x4e4: {  	v39 =	vperm.xlane v38, v4;
	_ =	sdelay $0x1  }
0x4e5: {  	v38 =	vadd.s32 v39, v38  }
0x4e6: {  	v39 =	vperm.xlane v38, v5;
	_ =	sdelay $0x1  }
0x4e7: {  	v38 =	vadd.s32 v39, v38  }
0x4e8: {  	vm1 =	vlt.s32 v38, v36  }
0x4e9: {  	v37 =	vsel vm1, v35, v37;
	v35 =	vshrl.u32 v34, $0x1  }
0x4ea: {  	v38 =	vor.u32 v35, v37  }
0x4eb: {  	vm1 =	vge.u32 v30, v38;
	vm2 =	vge.u32 v31, v38;
	vm3 =	vge.u32 v32, v38  }
0x4ec: {  	v35 =	vsel vm1, $0x1, v1;
	v39 =	vsel vm2, $0x1, v1;
	vm1 =	vge.u32 v33, v38  }
0x4ed: {  	v35 =	vadd.s32 v39, v35;
	v39 =	vsel vm3, $0x1, v1  }
0x4ee: {  	v35 =	vadd.s32 v39, v35;
	v39 =	vsel vm1, $0x1, v1  }
0x4ef: {  	v35 =	vadd.s32 v39, v35  }
0x4f0: {  	v39 =	vperm.xlane v35, v2;
	_ =	sdelay $0x1  }
0x4f1: {  	v35 =	vadd.s32 v39, v35  }
0x4f2: {  	v39 =	vperm.xlane v35, v3;
	_ =	sdelay $0x1  }
0x4f3: {  	v35 =	vadd.s32 v39, v35  }
0x4f4: {  	v39 =	vperm.xlane v35, v4;
	_ =	sdelay $0x1  }
.Ltmp46:
0x4f5: {  	v35 =	vadd.s32 v39, v35;
	(pc) =	sbr.rel @p1 .LBB2_75-.Ltmp46, $3  }
0x4f6: {  	v39 =	vperm.xlane v35, v5;
	_ =	sdelay $0x1  }
0x4f7: {  	v35 =	vadd.s32 v39, v35  }
0x4f8: {  	vm1 =	vlt.s32 v35, v36  }
.Ltmp47:
0x4f9: {  	(pc) =	sbr.rel @p0 .LBB2_80-.Ltmp47, $2  }
0x4fa: {  	_ =	sdelay $0x2  }
0x4fb: {  	v35 =	vsel vm1, v37, v38  }
0x4fc: {  	s25 =	simm.s32 $0xF100  }
0x4fd: {  	v31 =	vld [tilespmem:s25+$0x0];
	_ =	sdelay $0x2  }
0x4fe: {  	v30 =	vperm.xlane v27, v19;
	_ =	sdelay $0x1  }
0x4ff: {  	vm1 =	veq.s32 v31, v30  }
0x500: {  	v31 =	vsel vm1, $0x1, v1  }
0x501: {  	(xrf0) =	vadd.scan.msk.s32 $0xffff, v31;
	_ =	sdelay $0x5  }
0x502: {  	p1 =	sne.s32 s24, $0x1;
	v31 =	vimm.s32 $0x0;
	v33, _, _ =	vpop (xrf0)  }
.Ltmp48:
0x503: {  	v32 =	vmpcnt.ones.xlane vm1;
	v33 =	vadd.s32 v31, v33;
	(pc) =	sbr.rel @!p1 .LBB2_79-.Ltmp48, $4  }
0x504: {  	v63 =	vadd.s32 $0xFFFFFFFF, v33  }
0x505: {  	v31 =	vadd.s32 v31, v32;
	vm3 =	vlt.s32 v63, $0x40  }
0x506: {  	s26 =	simm.s32 $0xE080;
	vm2 =	vlt.s32 v31, $0x40;
	vm1 =	vmand vm1, vm3  }
0x507: {  	s28 =	sadd.s32 $0xFFFFFFFF, s24;
	v32 =	vld [tilespmem:s26+$0x0];
	v33 =	vadd.s32 $0x27F, v33;
	v31 =	vnsel vm2, $0x40, v31  }
.LBB2_78:
0x508: {  	_ =	sdelay $0x3  }
0x509: {  	p1 =	sne.s32 s28, $0x1;
	s25 =	sadd.s32 $0x10, s25;
	s26 =	sadd.s32 $0x10, s26;
	[tilespmem:v33+s19+$0x0] =	vst.idx.msk vm1, v32;
	v32 =	vmov v31  }
0x50a: {  	s28 =	sadd.s32 $0xFFFFFFFF, s28;
	v33 =	vld [tilespmem:s25+$0x0];
	_ =	sdelay $0x4  }
0x50b: {  	vm1 =	veq.s32 v33, v30  }
0x50c: {  	v33 =	vsel vm1, $0x1, v1;
	v34 =	vmpcnt.ones.xlane vm1  }
0x50d: {  	(xrf0) =	vadd.scan.msk.s32 $0xffff, v33  }
0x50e: {  	v31 =	vadd.s32 v31, v34  }
0x50f: {  	vm2 =	vlt.s32 v31, $0x40  }
0x510: {  	v31 =	vnsel vm2, $0x40, v31;
	_ =	sdelay $0x2  }
0x511: {  	v33, _, _ =	vpop (xrf0)  }
.Ltmp49:
0x512: {  	v33 =	vadd.s32 v32, v33;
	(pc) =	sbr.rel @p1 .LBB2_78-.Ltmp49, $4  }
0x513: {  	v32 =	vadd.s32 $0xFFFFFFFF, v33  }
0x514: {  	vm2 =	vlt.s32 v32, $0x40  }
0x515: {  	vm1 =	vmand vm1, vm2  }
0x516: {  	v33 =	vadd.s32 $0x27F, v33;
	v32 =	vld [tilespmem:s26+$0x0]  }
.LBB2_79:
0x517: {  	_ =	sdelay $0x4  }
0x518: {  	[tilespmem:v33+s19+$0x0] =	vst.idx.msk vm1, v32  }
.LBB2_80:
0x519: {  	v30 =	vld [tilespmem:$0x10400]  }
0x51a: {  	v31 =	vld [tilespmem:$0x10410]  }
0x51b: {  	v32 =	vld [tilespmem:$0x10420]  }
0x51c: {  	v33 =	vld [tilespmem:$0x10430]  }
0x51d: {  	v37 =	vimm.s32 $0x0;
	v34 =	vimm.s32 $0x80000000  }
0x51e: {  	v38 =	vor.u32 v37, v34  }
0x51f: {  	vm1 =	vge.u32 v30, v38;
	vm2 =	vge.u32 v31, v38  }
0x520: {  	vm3 =	vge.u32 v32, v38;
	v36 =	vsel vm1, $0x1, v1;
	v39 =	vsel vm2, $0x1, v1  }
0x521: {  	vm1 =	vge.u32 v33, v38;
	v57 =	vsel vm3, $0x1, v1;
	v36 =	vadd.s32 v36, v39  }
0x522: {  	v58 =	vsel vm1, $0x1, v1;
	v36 =	vadd.s32 v57, v36  }
0x523: {  	v36 =	vadd.s32 v58, v36  }
0x524: {  	v39 =	vperm.xlane v36, v2;
	_ =	sdelay $0x1  }
0x525: {  	v36 =	vadd.s32 v39, v36  }
0x526: {  	v39 =	vperm.xlane v36, v3;
	_ =	sdelay $0x1  }
0x527: {  	v36 =	vadd.s32 v39, v36  }
0x528: {  	v39 =	vperm.xlane v36, v4;
	_ =	sdelay $0x1  }
0x529: {  	v39 =	vadd.s32 v39, v36  }
0x52a: {  	v40 =	vperm.xlane v39, v5  }
0x52b: {  	v36 =	vperm.xlane v28, v19  }
0x52c: {  	v39 =	vadd.s32 v40, v39  }
0x52d: {  	vm1 =	vlt.s32 v39, v36  }
0x52e: {  	v59 =	vshrl.u32 v34, $0x1;
	v37 =	vsel vm1, v37, v38  }
0x52f: {  	v38 =	vor.u32 v59, v37  }
0x530: {  	vm1 =	vge.u32 v30, v38;
	vm2 =	vge.u32 v31, v38  }
0x531: {  	vm3 =	vge.u32 v32, v38;
	v60 =	vsel vm1, $0x1, v1;
	v61 =	vsel vm2, $0x1, v1  }
0x532: {  	vm1 =	vge.u32 v33, v38;
	v62 =	vsel vm3, $0x1, v1;
	v39 =	vadd.s32 v61, v60  }
0x533: {  	v63 =	vsel vm1, $0x1, v1;
	v39 =	vadd.s32 v62, v39  }
0x534: {  	v39 =	vadd.s32 v63, v39  }
0x535: {  	v40 =	vperm.xlane v39, v2;
	_ =	sdelay $0x1  }
0x536: {  	v39 =	vadd.s32 v40, v39  }
0x537: {  	v40 =	vperm.xlane v39, v3;
	_ =	sdelay $0x1  }
0x538: {  	v39 =	vadd.s32 v40, v39  }
0x539: {  	v40 =	vperm.xlane v39, v4;
	_ =	sdelay $0x1  }
0x53a: {  	v39 =	vadd.s32 v40, v39  }
0x53b: {  	v40 =	vperm.xlane v39, v5;
	_ =	sdelay $0x1  }
0x53c: {  	vm1 =	vmmov $0x1ff;
	v39 =	vadd.s32 v40, v39  }
0x53d: {  	s25 =	simm.s32 $0x0;
	v29 =	vsel vm1, v29, v35;
	vm1 =	vlt.s32 v39, v36  }
.LBB2_81:
0x53e: {  	s25 =	sadd.s32 $0x2, s25;
	v35 =	vsel vm1, v37, v38;
	v34 =	vshrl.u32 v34, $0x2  }
0x53f: {  	v37 =	vor.u32 v35, v34;
	p1 =	slt.u32 s25, $0x1E  }
0x540: {  	vm1 =	vge.u32 v30, v37;
	vm2 =	vge.u32 v31, v37;
	vm3 =	vge.u32 v32, v37  }
0x541: {  	v38 =	vsel vm1, $0x1, v1;
	v39 =	vsel vm2, $0x1, v1;
	vm1 =	vge.u32 v33, v37  }
0x542: {  	v38 =	vadd.s32 v38, v39;
	v39 =	vsel vm3, $0x1, v1  }
0x543: {  	v38 =	vadd.s32 v39, v38;
	v39 =	vsel vm1, $0x1, v1  }
0x544: {  	v38 =	vadd.s32 v39, v38  }
0x545: {  	v39 =	vperm.xlane v38, v2;
	_ =	sdelay $0x1  }
0x546: {  	v38 =	vadd.s32 v39, v38  }
0x547: {  	v39 =	vperm.xlane v38, v3;
	_ =	sdelay $0x1  }
0x548: {  	v38 =	vadd.s32 v39, v38  }
0x549: {  	v39 =	vperm.xlane v38, v4;
	_ =	sdelay $0x1  }
0x54a: {  	v38 =	vadd.s32 v39, v38  }
0x54b: {  	v39 =	vperm.xlane v38, v5;
	_ =	sdelay $0x1  }
0x54c: {  	v38 =	vadd.s32 v39, v38  }
0x54d: {  	vm1 =	vlt.s32 v38, v36  }
0x54e: {  	v37 =	vsel vm1, v35, v37;
	v35 =	vshrl.u32 v34, $0x1  }
0x54f: {  	v38 =	vor.u32 v35, v37  }
0x550: {  	vm1 =	vge.u32 v30, v38;
	vm2 =	vge.u32 v31, v38;
	vm3 =	vge.u32 v32, v38  }
0x551: {  	v35 =	vsel vm1, $0x1, v1;
	v39 =	vsel vm2, $0x1, v1;
	vm1 =	vge.u32 v33, v38  }
0x552: {  	v35 =	vadd.s32 v39, v35;
	v39 =	vsel vm3, $0x1, v1  }
0x553: {  	v35 =	vadd.s32 v39, v35;
	v39 =	vsel vm1, $0x1, v1  }
0x554: {  	v35 =	vadd.s32 v39, v35  }
0x555: {  	v39 =	vperm.xlane v35, v2;
	_ =	sdelay $0x1  }
0x556: {  	v35 =	vadd.s32 v39, v35  }
0x557: {  	v39 =	vperm.xlane v35, v3;
	_ =	sdelay $0x1  }
0x558: {  	v35 =	vadd.s32 v39, v35  }
0x559: {  	v39 =	vperm.xlane v35, v4;
	_ =	sdelay $0x1  }
.Ltmp50:
0x55a: {  	v35 =	vadd.s32 v39, v35;
	(pc) =	sbr.rel @p1 .LBB2_81-.Ltmp50, $3  }
0x55b: {  	v39 =	vperm.xlane v35, v5;
	_ =	sdelay $0x1  }
0x55c: {  	v35 =	vadd.s32 v39, v35  }
0x55d: {  	vm1 =	vlt.s32 v35, v36  }
.Ltmp51:
0x55e: {  	(pc) =	sbr.rel @p0 .LBB2_86-.Ltmp51, $2  }
0x55f: {  	_ =	sdelay $0x2  }
0x560: {  	v35 =	vsel vm1, v37, v38  }
0x561: {  	s25 =	simm.s32 $0xF100  }
0x562: {  	v31 =	vld [tilespmem:s25+$0x0];
	_ =	sdelay $0x2  }
0x563: {  	v30 =	vperm.xlane v27, v20;
	_ =	sdelay $0x1  }
0x564: {  	vm1 =	veq.s32 v31, v30  }
0x565: {  	v31 =	vsel vm1, $0x1, v1  }
0x566: {  	(xrf0) =	vadd.scan.msk.s32 $0xffff, v31;
	_ =	sdelay $0x5  }
0x567: {  	p1 =	sne.s32 s24, $0x1;
	v31 =	vimm.s32 $0x0;
	v33, _, _ =	vpop (xrf0)  }
.Ltmp52:
0x568: {  	v32 =	vmpcnt.ones.xlane vm1;
	v33 =	vadd.s32 v31, v33;
	(pc) =	sbr.rel @!p1 .LBB2_85-.Ltmp52, $4  }
0x569: {  	v63 =	vadd.s32 $0xFFFFFFFF, v33  }
0x56a: {  	v31 =	vadd.s32 v31, v32;
	vm3 =	vlt.s32 v63, $0x40  }
0x56b: {  	s26 =	simm.s32 $0xE080;
	vm2 =	vlt.s32 v31, $0x40;
	vm1 =	vmand vm1, vm3  }
0x56c: {  	s28 =	sadd.s32 $0xFFFFFFFF, s24;
	v32 =	vld [tilespmem:s26+$0x0];
	v33 =	vadd.s32 $0x2BF, v33;
	v31 =	vnsel vm2, $0x40, v31  }
.LBB2_84:
0x56d: {  	_ =	sdelay $0x3  }
0x56e: {  	p1 =	sne.s32 s28, $0x1;
	s25 =	sadd.s32 $0x10, s25;
	s26 =	sadd.s32 $0x10, s26;
	[tilespmem:v33+s19+$0x0] =	vst.idx.msk vm1, v32;
	v32 =	vmov v31  }
0x56f: {  	s28 =	sadd.s32 $0xFFFFFFFF, s28;
	v33 =	vld [tilespmem:s25+$0x0];
	_ =	sdelay $0x4  }
0x570: {  	vm1 =	veq.s32 v33, v30  }
0x571: {  	v33 =	vsel vm1, $0x1, v1;
	v34 =	vmpcnt.ones.xlane vm1  }
0x572: {  	(xrf0) =	vadd.scan.msk.s32 $0xffff, v33  }
0x573: {  	v31 =	vadd.s32 v31, v34  }
0x574: {  	vm2 =	vlt.s32 v31, $0x40  }
0x575: {  	v31 =	vnsel vm2, $0x40, v31;
	_ =	sdelay $0x2  }
0x576: {  	v33, _, _ =	vpop (xrf0)  }
.Ltmp53:
0x577: {  	v33 =	vadd.s32 v32, v33;
	(pc) =	sbr.rel @p1 .LBB2_84-.Ltmp53, $4  }
0x578: {  	v32 =	vadd.s32 $0xFFFFFFFF, v33  }
0x579: {  	vm2 =	vlt.s32 v32, $0x40  }
0x57a: {  	vm1 =	vmand vm1, vm2  }
0x57b: {  	v33 =	vadd.s32 $0x2BF, v33;
	v32 =	vld [tilespmem:s26+$0x0]  }
.LBB2_85:
0x57c: {  	_ =	sdelay $0x4  }
0x57d: {  	[tilespmem:v33+s19+$0x0] =	vst.idx.msk vm1, v32  }
.LBB2_86:
0x57e: {  	v30 =	vld [tilespmem:$0x10440]  }
0x57f: {  	v31 =	vld [tilespmem:$0x10450]  }
0x580: {  	v32 =	vld [tilespmem:$0x10460]  }
0x581: {  	v33 =	vld [tilespmem:$0x10470]  }
0x582: {  	v37 =	vimm.s32 $0x0;
	v34 =	vimm.s32 $0x80000000  }
0x583: {  	v38 =	vor.u32 v37, v34  }
0x584: {  	vm1 =	vge.u32 v30, v38;
	vm2 =	vge.u32 v31, v38  }
0x585: {  	vm3 =	vge.u32 v32, v38;
	v36 =	vsel vm1, $0x1, v1;
	v39 =	vsel vm2, $0x1, v1  }
0x586: {  	vm1 =	vge.u32 v33, v38;
	v57 =	vsel vm3, $0x1, v1;
	v36 =	vadd.s32 v36, v39  }
0x587: {  	v58 =	vsel vm1, $0x1, v1;
	v36 =	vadd.s32 v57, v36  }
0x588: {  	v36 =	vadd.s32 v58, v36  }
0x589: {  	v39 =	vperm.xlane v36, v2;
	_ =	sdelay $0x1  }
0x58a: {  	v36 =	vadd.s32 v39, v36  }
0x58b: {  	v39 =	vperm.xlane v36, v3;
	_ =	sdelay $0x1  }
0x58c: {  	v36 =	vadd.s32 v39, v36  }
0x58d: {  	v39 =	vperm.xlane v36, v4;
	_ =	sdelay $0x1  }
0x58e: {  	v39 =	vadd.s32 v39, v36  }
0x58f: {  	v40 =	vperm.xlane v39, v5  }
0x590: {  	v36 =	vperm.xlane v28, v20  }
0x591: {  	v39 =	vadd.s32 v40, v39  }
0x592: {  	vm1 =	vlt.s32 v39, v36  }
0x593: {  	v59 =	vshrl.u32 v34, $0x1;
	v37 =	vsel vm1, v37, v38  }
0x594: {  	v38 =	vor.u32 v59, v37  }
0x595: {  	vm1 =	vge.u32 v30, v38;
	vm2 =	vge.u32 v31, v38  }
0x596: {  	vm3 =	vge.u32 v32, v38;
	v60 =	vsel vm1, $0x1, v1;
	v61 =	vsel vm2, $0x1, v1  }
0x597: {  	vm1 =	vge.u32 v33, v38;
	v62 =	vsel vm3, $0x1, v1;
	v39 =	vadd.s32 v61, v60  }
0x598: {  	v63 =	vsel vm1, $0x1, v1;
	v39 =	vadd.s32 v62, v39  }
0x599: {  	v39 =	vadd.s32 v63, v39  }
0x59a: {  	v40 =	vperm.xlane v39, v2;
	_ =	sdelay $0x1  }
0x59b: {  	v39 =	vadd.s32 v40, v39  }
0x59c: {  	v40 =	vperm.xlane v39, v3;
	_ =	sdelay $0x1  }
0x59d: {  	v39 =	vadd.s32 v40, v39  }
0x59e: {  	v40 =	vperm.xlane v39, v4;
	_ =	sdelay $0x1  }
0x59f: {  	v39 =	vadd.s32 v40, v39  }
0x5a0: {  	v40 =	vperm.xlane v39, v5;
	_ =	sdelay $0x1  }
0x5a1: {  	vm1 =	vmmov $0x3ff;
	v39 =	vadd.s32 v40, v39  }
0x5a2: {  	s25 =	simm.s32 $0x0;
	v29 =	vsel vm1, v29, v35;
	vm1 =	vlt.s32 v39, v36  }
.LBB2_87:
0x5a3: {  	s25 =	sadd.s32 $0x2, s25;
	v35 =	vsel vm1, v37, v38;
	v34 =	vshrl.u32 v34, $0x2  }
0x5a4: {  	v37 =	vor.u32 v35, v34;
	p1 =	slt.u32 s25, $0x1E  }
0x5a5: {  	vm1 =	vge.u32 v30, v37;
	vm2 =	vge.u32 v31, v37;
	vm3 =	vge.u32 v32, v37  }
0x5a6: {  	v38 =	vsel vm1, $0x1, v1;
	v39 =	vsel vm2, $0x1, v1;
	vm1 =	vge.u32 v33, v37  }
0x5a7: {  	v38 =	vadd.s32 v38, v39;
	v39 =	vsel vm3, $0x1, v1  }
0x5a8: {  	v38 =	vadd.s32 v39, v38;
	v39 =	vsel vm1, $0x1, v1  }
0x5a9: {  	v38 =	vadd.s32 v39, v38  }
0x5aa: {  	v39 =	vperm.xlane v38, v2;
	_ =	sdelay $0x1  }
0x5ab: {  	v38 =	vadd.s32 v39, v38  }
0x5ac: {  	v39 =	vperm.xlane v38, v3;
	_ =	sdelay $0x1  }
0x5ad: {  	v38 =	vadd.s32 v39, v38  }
0x5ae: {  	v39 =	vperm.xlane v38, v4;
	_ =	sdelay $0x1  }
0x5af: {  	v38 =	vadd.s32 v39, v38  }
0x5b0: {  	v39 =	vperm.xlane v38, v5;
	_ =	sdelay $0x1  }
0x5b1: {  	v38 =	vadd.s32 v39, v38  }
0x5b2: {  	vm1 =	vlt.s32 v38, v36  }
0x5b3: {  	v37 =	vsel vm1, v35, v37;
	v35 =	vshrl.u32 v34, $0x1  }
0x5b4: {  	v38 =	vor.u32 v35, v37  }
0x5b5: {  	vm1 =	vge.u32 v30, v38;
	vm2 =	vge.u32 v31, v38;
	vm3 =	vge.u32 v32, v38  }
0x5b6: {  	v35 =	vsel vm1, $0x1, v1;
	v39 =	vsel vm2, $0x1, v1;
	vm1 =	vge.u32 v33, v38  }
0x5b7: {  	v35 =	vadd.s32 v39, v35;
	v39 =	vsel vm3, $0x1, v1  }
0x5b8: {  	v35 =	vadd.s32 v39, v35;
	v39 =	vsel vm1, $0x1, v1  }
0x5b9: {  	v35 =	vadd.s32 v39, v35  }
0x5ba: {  	v39 =	vperm.xlane v35, v2;
	_ =	sdelay $0x1  }
0x5bb: {  	v35 =	vadd.s32 v39, v35  }
0x5bc: {  	v39 =	vperm.xlane v35, v3;
	_ =	sdelay $0x1  }
0x5bd: {  	v35 =	vadd.s32 v39, v35  }
0x5be: {  	v39 =	vperm.xlane v35, v4;
	_ =	sdelay $0x1  }
.Ltmp54:
0x5bf: {  	v35 =	vadd.s32 v39, v35;
	(pc) =	sbr.rel @p1 .LBB2_87-.Ltmp54, $3  }
0x5c0: {  	v39 =	vperm.xlane v35, v5;
	_ =	sdelay $0x1  }
0x5c1: {  	v35 =	vadd.s32 v39, v35  }
0x5c2: {  	vm1 =	vlt.s32 v35, v36  }
.Ltmp55:
0x5c3: {  	(pc) =	sbr.rel @p0 .LBB2_92-.Ltmp55, $2  }
0x5c4: {  	_ =	sdelay $0x2  }
0x5c5: {  	v35 =	vsel vm1, v37, v38  }
0x5c6: {  	s25 =	simm.s32 $0xF100  }
0x5c7: {  	v31 =	vld [tilespmem:s25+$0x0];
	_ =	sdelay $0x2  }
0x5c8: {  	v30 =	vperm.xlane v27, v21;
	_ =	sdelay $0x1  }
0x5c9: {  	vm1 =	veq.s32 v31, v30  }
0x5ca: {  	v31 =	vsel vm1, $0x1, v1  }
0x5cb: {  	(xrf0) =	vadd.scan.msk.s32 $0xffff, v31;
	_ =	sdelay $0x5  }
0x5cc: {  	p1 =	sne.s32 s24, $0x1;
	v31 =	vimm.s32 $0x0;
	v33, _, _ =	vpop (xrf0)  }
.Ltmp56:
0x5cd: {  	v32 =	vmpcnt.ones.xlane vm1;
	v33 =	vadd.s32 v31, v33;
	(pc) =	sbr.rel @!p1 .LBB2_91-.Ltmp56, $4  }
0x5ce: {  	v63 =	vadd.s32 $0xFFFFFFFF, v33  }
0x5cf: {  	v31 =	vadd.s32 v31, v32;
	vm3 =	vlt.s32 v63, $0x40  }
0x5d0: {  	s26 =	simm.s32 $0xE080;
	vm2 =	vlt.s32 v31, $0x40;
	vm1 =	vmand vm1, vm3  }
0x5d1: {  	s28 =	sadd.s32 $0xFFFFFFFF, s24;
	v32 =	vld [tilespmem:s26+$0x0];
	v33 =	vadd.s32 $0x2FF, v33;
	v31 =	vnsel vm2, $0x40, v31  }
.LBB2_90:
0x5d2: {  	_ =	sdelay $0x3  }
0x5d3: {  	p1 =	sne.s32 s28, $0x1;
	s25 =	sadd.s32 $0x10, s25;
	s26 =	sadd.s32 $0x10, s26;
	[tilespmem:v33+s19+$0x0] =	vst.idx.msk vm1, v32;
	v32 =	vmov v31  }
0x5d4: {  	s28 =	sadd.s32 $0xFFFFFFFF, s28;
	v33 =	vld [tilespmem:s25+$0x0];
	_ =	sdelay $0x4  }
0x5d5: {  	vm1 =	veq.s32 v33, v30  }
0x5d6: {  	v33 =	vsel vm1, $0x1, v1;
	v34 =	vmpcnt.ones.xlane vm1  }
0x5d7: {  	(xrf0) =	vadd.scan.msk.s32 $0xffff, v33  }
0x5d8: {  	v31 =	vadd.s32 v31, v34  }
0x5d9: {  	vm2 =	vlt.s32 v31, $0x40  }
0x5da: {  	v31 =	vnsel vm2, $0x40, v31;
	_ =	sdelay $0x2  }
0x5db: {  	v33, _, _ =	vpop (xrf0)  }
.Ltmp57:
0x5dc: {  	v33 =	vadd.s32 v32, v33;
	(pc) =	sbr.rel @p1 .LBB2_90-.Ltmp57, $4  }
0x5dd: {  	v32 =	vadd.s32 $0xFFFFFFFF, v33  }
0x5de: {  	vm2 =	vlt.s32 v32, $0x40  }
0x5df: {  	vm1 =	vmand vm1, vm2  }
0x5e0: {  	v33 =	vadd.s32 $0x2FF, v33;
	v32 =	vld [tilespmem:s26+$0x0]  }
.LBB2_91:
0x5e1: {  	_ =	sdelay $0x4  }
0x5e2: {  	[tilespmem:v33+s19+$0x0] =	vst.idx.msk vm1, v32  }
.LBB2_92:
0x5e3: {  	v30 =	vld [tilespmem:$0x10480]  }
0x5e4: {  	v31 =	vld [tilespmem:$0x10490]  }
0x5e5: {  	v32 =	vld [tilespmem:$0x104A0]  }
0x5e6: {  	v33 =	vld [tilespmem:$0x104B0]  }
0x5e7: {  	v37 =	vimm.s32 $0x0;
	v34 =	vimm.s32 $0x80000000  }
0x5e8: {  	v38 =	vor.u32 v37, v34  }
0x5e9: {  	vm1 =	vge.u32 v30, v38;
	vm2 =	vge.u32 v31, v38  }
0x5ea: {  	vm3 =	vge.u32 v32, v38;
	v36 =	vsel vm1, $0x1, v1;
	v39 =	vsel vm2, $0x1, v1  }
0x5eb: {  	vm1 =	vge.u32 v33, v38;
	v57 =	vsel vm3, $0x1, v1;
	v36 =	vadd.s32 v36, v39  }
0x5ec: {  	v58 =	vsel vm1, $0x1, v1;
	v36 =	vadd.s32 v57, v36  }
0x5ed: {  	v36 =	vadd.s32 v58, v36  }
0x5ee: {  	v39 =	vperm.xlane v36, v2;
	_ =	sdelay $0x1  }
0x5ef: {  	v36 =	vadd.s32 v39, v36  }
0x5f0: {  	v39 =	vperm.xlane v36, v3;
	_ =	sdelay $0x1  }
0x5f1: {  	v36 =	vadd.s32 v39, v36  }
0x5f2: {  	v39 =	vperm.xlane v36, v4;
	_ =	sdelay $0x1  }
0x5f3: {  	v39 =	vadd.s32 v39, v36  }
0x5f4: {  	v40 =	vperm.xlane v39, v5  }
0x5f5: {  	v36 =	vperm.xlane v28, v21  }
0x5f6: {  	v39 =	vadd.s32 v40, v39  }
0x5f7: {  	vm1 =	vlt.s32 v39, v36  }
0x5f8: {  	v59 =	vshrl.u32 v34, $0x1;
	v37 =	vsel vm1, v37, v38  }
0x5f9: {  	v38 =	vor.u32 v59, v37  }
0x5fa: {  	vm1 =	vge.u32 v30, v38;
	vm2 =	vge.u32 v31, v38  }
0x5fb: {  	vm3 =	vge.u32 v32, v38;
	v60 =	vsel vm1, $0x1, v1;
	v61 =	vsel vm2, $0x1, v1  }
0x5fc: {  	vm1 =	vge.u32 v33, v38;
	v62 =	vsel vm3, $0x1, v1;
	v39 =	vadd.s32 v61, v60  }
0x5fd: {  	v63 =	vsel vm1, $0x1, v1;
	v39 =	vadd.s32 v62, v39  }
0x5fe: {  	v39 =	vadd.s32 v63, v39  }
0x5ff: {  	v40 =	vperm.xlane v39, v2;
	_ =	sdelay $0x1  }
0x600: {  	v39 =	vadd.s32 v40, v39  }
0x601: {  	v40 =	vperm.xlane v39, v3;
	_ =	sdelay $0x1  }
0x602: {  	v39 =	vadd.s32 v40, v39  }
0x603: {  	v40 =	vperm.xlane v39, v4;
	_ =	sdelay $0x1  }
0x604: {  	v39 =	vadd.s32 v40, v39  }
0x605: {  	v40 =	vperm.xlane v39, v5;
	_ =	sdelay $0x1  }
0x606: {  	vm1 =	vmmov $0x7ff;
	v39 =	vadd.s32 v40, v39  }
0x607: {  	s25 =	simm.s32 $0x0;
	v29 =	vsel vm1, v29, v35;
	vm1 =	vlt.s32 v39, v36  }
.LBB2_93:
0x608: {  	s25 =	sadd.s32 $0x2, s25;
	v35 =	vsel vm1, v37, v38;
	v34 =	vshrl.u32 v34, $0x2  }
0x609: {  	v37 =	vor.u32 v35, v34;
	p1 =	slt.u32 s25, $0x1E  }
0x60a: {  	vm1 =	vge.u32 v30, v37;
	vm2 =	vge.u32 v31, v37;
	vm3 =	vge.u32 v32, v37  }
0x60b: {  	v38 =	vsel vm1, $0x1, v1;
	v39 =	vsel vm2, $0x1, v1;
	vm1 =	vge.u32 v33, v37  }
0x60c: {  	v38 =	vadd.s32 v38, v39;
	v39 =	vsel vm3, $0x1, v1  }
0x60d: {  	v38 =	vadd.s32 v39, v38;
	v39 =	vsel vm1, $0x1, v1  }
0x60e: {  	v38 =	vadd.s32 v39, v38  }
0x60f: {  	v39 =	vperm.xlane v38, v2;
	_ =	sdelay $0x1  }
0x610: {  	v38 =	vadd.s32 v39, v38  }
0x611: {  	v39 =	vperm.xlane v38, v3;
	_ =	sdelay $0x1  }
0x612: {  	v38 =	vadd.s32 v39, v38  }
0x613: {  	v39 =	vperm.xlane v38, v4;
	_ =	sdelay $0x1  }
0x614: {  	v38 =	vadd.s32 v39, v38  }
0x615: {  	v39 =	vperm.xlane v38, v5;
	_ =	sdelay $0x1  }
0x616: {  	v38 =	vadd.s32 v39, v38  }
0x617: {  	vm1 =	vlt.s32 v38, v36  }
0x618: {  	v37 =	vsel vm1, v35, v37;
	v35 =	vshrl.u32 v34, $0x1  }
0x619: {  	v38 =	vor.u32 v35, v37  }
0x61a: {  	vm1 =	vge.u32 v30, v38;
	vm2 =	vge.u32 v31, v38;
	vm3 =	vge.u32 v32, v38  }
0x61b: {  	v35 =	vsel vm1, $0x1, v1;
	v39 =	vsel vm2, $0x1, v1;
	vm1 =	vge.u32 v33, v38  }
0x61c: {  	v35 =	vadd.s32 v39, v35;
	v39 =	vsel vm3, $0x1, v1  }
0x61d: {  	v35 =	vadd.s32 v39, v35;
	v39 =	vsel vm1, $0x1, v1  }
0x61e: {  	v35 =	vadd.s32 v39, v35  }
0x61f: {  	v39 =	vperm.xlane v35, v2;
	_ =	sdelay $0x1  }
0x620: {  	v35 =	vadd.s32 v39, v35  }
0x621: {  	v39 =	vperm.xlane v35, v3;
	_ =	sdelay $0x1  }
0x622: {  	v35 =	vadd.s32 v39, v35  }
0x623: {  	v39 =	vperm.xlane v35, v4;
	_ =	sdelay $0x1  }
.Ltmp58:
0x624: {  	v35 =	vadd.s32 v39, v35;
	(pc) =	sbr.rel @p1 .LBB2_93-.Ltmp58, $3  }
0x625: {  	v39 =	vperm.xlane v35, v5;
	_ =	sdelay $0x1  }
0x626: {  	v35 =	vadd.s32 v39, v35  }
0x627: {  	vm1 =	vlt.s32 v35, v36  }
.Ltmp59:
0x628: {  	(pc) =	sbr.rel @p0 .LBB2_98-.Ltmp59, $2  }
0x629: {  	_ =	sdelay $0x2  }
0x62a: {  	v35 =	vsel vm1, v37, v38  }
0x62b: {  	s25 =	simm.s32 $0xF100  }
0x62c: {  	v31 =	vld [tilespmem:s25+$0x0];
	_ =	sdelay $0x2  }
0x62d: {  	v30 =	vperm.xlane v27, v22;
	_ =	sdelay $0x1  }
0x62e: {  	vm1 =	veq.s32 v31, v30  }
0x62f: {  	v31 =	vsel vm1, $0x1, v1  }
0x630: {  	(xrf0) =	vadd.scan.msk.s32 $0xffff, v31;
	_ =	sdelay $0x5  }
0x631: {  	p1 =	sne.s32 s24, $0x1;
	v31 =	vimm.s32 $0x0;
	v33, _, _ =	vpop (xrf0)  }
.Ltmp60:
0x632: {  	v32 =	vmpcnt.ones.xlane vm1;
	v33 =	vadd.s32 v31, v33;
	(pc) =	sbr.rel @!p1 .LBB2_97-.Ltmp60, $4  }
0x633: {  	v63 =	vadd.s32 $0xFFFFFFFF, v33  }
0x634: {  	v31 =	vadd.s32 v31, v32;
	vm3 =	vlt.s32 v63, $0x40  }
0x635: {  	s26 =	simm.s32 $0xE080;
	vm2 =	vlt.s32 v31, $0x40;
	vm1 =	vmand vm1, vm3  }
0x636: {  	s28 =	sadd.s32 $0xFFFFFFFF, s24;
	v32 =	vld [tilespmem:s26+$0x0];
	v33 =	vadd.s32 $0x33F, v33;
	v31 =	vnsel vm2, $0x40, v31  }
.LBB2_96:
0x637: {  	_ =	sdelay $0x3  }
0x638: {  	p1 =	sne.s32 s28, $0x1;
	s25 =	sadd.s32 $0x10, s25;
	s26 =	sadd.s32 $0x10, s26;
	[tilespmem:v33+s19+$0x0] =	vst.idx.msk vm1, v32;
	v32 =	vmov v31  }
0x639: {  	s28 =	sadd.s32 $0xFFFFFFFF, s28;
	v33 =	vld [tilespmem:s25+$0x0];
	_ =	sdelay $0x4  }
0x63a: {  	vm1 =	veq.s32 v33, v30  }
0x63b: {  	v33 =	vsel vm1, $0x1, v1;
	v34 =	vmpcnt.ones.xlane vm1  }
0x63c: {  	(xrf0) =	vadd.scan.msk.s32 $0xffff, v33  }
0x63d: {  	v31 =	vadd.s32 v31, v34  }
0x63e: {  	vm2 =	vlt.s32 v31, $0x40  }
0x63f: {  	v31 =	vnsel vm2, $0x40, v31;
	_ =	sdelay $0x2  }
0x640: {  	v33, _, _ =	vpop (xrf0)  }
.Ltmp61:
0x641: {  	v33 =	vadd.s32 v32, v33;
	(pc) =	sbr.rel @p1 .LBB2_96-.Ltmp61, $4  }
0x642: {  	v32 =	vadd.s32 $0xFFFFFFFF, v33  }
0x643: {  	vm2 =	vlt.s32 v32, $0x40  }
0x644: {  	vm1 =	vmand vm1, vm2  }
0x645: {  	v33 =	vadd.s32 $0x33F, v33;
	v32 =	vld [tilespmem:s26+$0x0]  }
.LBB2_97:
0x646: {  	_ =	sdelay $0x4  }
0x647: {  	[tilespmem:v33+s19+$0x0] =	vst.idx.msk vm1, v32  }
.LBB2_98:
0x648: {  	v30 =	vld [tilespmem:$0x104C0]  }
0x649: {  	v31 =	vld [tilespmem:$0x104D0]  }
0x64a: {  	v32 =	vld [tilespmem:$0x104E0]  }
0x64b: {  	v33 =	vld [tilespmem:$0x104F0]  }
0x64c: {  	v37 =	vimm.s32 $0x0;
	v34 =	vimm.s32 $0x80000000  }
0x64d: {  	v38 =	vor.u32 v37, v34  }
0x64e: {  	vm1 =	vge.u32 v30, v38;
	vm2 =	vge.u32 v31, v38  }
0x64f: {  	vm3 =	vge.u32 v32, v38;
	v36 =	vsel vm1, $0x1, v1;
	v39 =	vsel vm2, $0x1, v1  }
0x650: {  	vm1 =	vge.u32 v33, v38;
	v57 =	vsel vm3, $0x1, v1;
	v36 =	vadd.s32 v36, v39  }
0x651: {  	v58 =	vsel vm1, $0x1, v1;
	v36 =	vadd.s32 v57, v36  }
0x652: {  	v36 =	vadd.s32 v58, v36  }
0x653: {  	v39 =	vperm.xlane v36, v2;
	_ =	sdelay $0x1  }
0x654: {  	v36 =	vadd.s32 v39, v36  }
0x655: {  	v39 =	vperm.xlane v36, v3;
	_ =	sdelay $0x1  }
0x656: {  	v36 =	vadd.s32 v39, v36  }
0x657: {  	v39 =	vperm.xlane v36, v4;
	_ =	sdelay $0x1  }
0x658: {  	v39 =	vadd.s32 v39, v36  }
0x659: {  	v40 =	vperm.xlane v39, v5  }
0x65a: {  	v36 =	vperm.xlane v28, v22  }
0x65b: {  	v39 =	vadd.s32 v40, v39  }
0x65c: {  	vm1 =	vlt.s32 v39, v36  }
0x65d: {  	v59 =	vshrl.u32 v34, $0x1;
	v37 =	vsel vm1, v37, v38  }
0x65e: {  	v38 =	vor.u32 v59, v37  }
0x65f: {  	vm1 =	vge.u32 v30, v38;
	vm2 =	vge.u32 v31, v38  }
0x660: {  	vm3 =	vge.u32 v32, v38;
	v60 =	vsel vm1, $0x1, v1;
	v61 =	vsel vm2, $0x1, v1  }
0x661: {  	vm1 =	vge.u32 v33, v38;
	v62 =	vsel vm3, $0x1, v1;
	v39 =	vadd.s32 v61, v60  }
0x662: {  	v63 =	vsel vm1, $0x1, v1;
	v39 =	vadd.s32 v62, v39  }
0x663: {  	v39 =	vadd.s32 v63, v39  }
0x664: {  	v40 =	vperm.xlane v39, v2;
	_ =	sdelay $0x1  }
0x665: {  	v39 =	vadd.s32 v40, v39  }
0x666: {  	v40 =	vperm.xlane v39, v3;
	_ =	sdelay $0x1  }
0x667: {  	v39 =	vadd.s32 v40, v39  }
0x668: {  	v40 =	vperm.xlane v39, v4;
	_ =	sdelay $0x1  }
0x669: {  	v39 =	vadd.s32 v40, v39  }
0x66a: {  	v40 =	vperm.xlane v39, v5;
	_ =	sdelay $0x1  }
0x66b: {  	vm1 =	vmmov $0xfff;
	v39 =	vadd.s32 v40, v39  }
0x66c: {  	s25 =	simm.s32 $0x0;
	v29 =	vsel vm1, v29, v35;
	vm1 =	vlt.s32 v39, v36  }
.LBB2_99:
0x66d: {  	s25 =	sadd.s32 $0x2, s25;
	v35 =	vsel vm1, v37, v38;
	v34 =	vshrl.u32 v34, $0x2  }
0x66e: {  	v37 =	vor.u32 v35, v34;
	p1 =	slt.u32 s25, $0x1E  }
0x66f: {  	vm1 =	vge.u32 v30, v37;
	vm2 =	vge.u32 v31, v37;
	vm3 =	vge.u32 v32, v37  }
0x670: {  	v38 =	vsel vm1, $0x1, v1;
	v39 =	vsel vm2, $0x1, v1;
	vm1 =	vge.u32 v33, v37  }
0x671: {  	v38 =	vadd.s32 v38, v39;
	v39 =	vsel vm3, $0x1, v1  }
0x672: {  	v38 =	vadd.s32 v39, v38;
	v39 =	vsel vm1, $0x1, v1  }
0x673: {  	v38 =	vadd.s32 v39, v38  }
0x674: {  	v39 =	vperm.xlane v38, v2;
	_ =	sdelay $0x1  }
0x675: {  	v38 =	vadd.s32 v39, v38  }
0x676: {  	v39 =	vperm.xlane v38, v3;
	_ =	sdelay $0x1  }
0x677: {  	v38 =	vadd.s32 v39, v38  }
0x678: {  	v39 =	vperm.xlane v38, v4;
	_ =	sdelay $0x1  }
0x679: {  	v38 =	vadd.s32 v39, v38  }
0x67a: {  	v39 =	vperm.xlane v38, v5;
	_ =	sdelay $0x1  }
0x67b: {  	v38 =	vadd.s32 v39, v38  }
0x67c: {  	vm1 =	vlt.s32 v38, v36  }
0x67d: {  	v37 =	vsel vm1, v35, v37;
	v35 =	vshrl.u32 v34, $0x1  }
0x67e: {  	v38 =	vor.u32 v35, v37  }
0x67f: {  	vm1 =	vge.u32 v30, v38;
	vm2 =	vge.u32 v31, v38;
	vm3 =	vge.u32 v32, v38  }
0x680: {  	v35 =	vsel vm1, $0x1, v1;
	v39 =	vsel vm2, $0x1, v1;
	vm1 =	vge.u32 v33, v38  }
0x681: {  	v35 =	vadd.s32 v39, v35;
	v39 =	vsel vm3, $0x1, v1  }
0x682: {  	v35 =	vadd.s32 v39, v35;
	v39 =	vsel vm1, $0x1, v1  }
0x683: {  	v35 =	vadd.s32 v39, v35  }
0x684: {  	v39 =	vperm.xlane v35, v2;
	_ =	sdelay $0x1  }
0x685: {  	v35 =	vadd.s32 v39, v35  }
0x686: {  	v39 =	vperm.xlane v35, v3;
	_ =	sdelay $0x1  }
0x687: {  	v35 =	vadd.s32 v39, v35  }
0x688: {  	v39 =	vperm.xlane v35, v4;
	_ =	sdelay $0x1  }
.Ltmp62:
0x689: {  	v35 =	vadd.s32 v39, v35;
	(pc) =	sbr.rel @p1 .LBB2_99-.Ltmp62, $3  }
0x68a: {  	v39 =	vperm.xlane v35, v5;
	_ =	sdelay $0x1  }
0x68b: {  	v35 =	vadd.s32 v39, v35  }
0x68c: {  	vm1 =	vlt.s32 v35, v36  }
.Ltmp63:
0x68d: {  	(pc) =	sbr.rel @p0 .LBB2_104-.Ltmp63, $2  }
0x68e: {  	_ =	sdelay $0x2  }
0x68f: {  	v35 =	vsel vm1, v37, v38  }
0x690: {  	s25 =	simm.s32 $0xF100  }
0x691: {  	v31 =	vld [tilespmem:s25+$0x0];
	_ =	sdelay $0x2  }
0x692: {  	v30 =	vperm.xlane v27, v23;
	_ =	sdelay $0x1  }
0x693: {  	vm1 =	veq.s32 v31, v30  }
0x694: {  	v31 =	vsel vm1, $0x1, v1  }
0x695: {  	(xrf0) =	vadd.scan.msk.s32 $0xffff, v31;
	_ =	sdelay $0x5  }
0x696: {  	p1 =	sne.s32 s24, $0x1;
	v31 =	vimm.s32 $0x0;
	v33, _, _ =	vpop (xrf0)  }
.Ltmp64:
0x697: {  	v32 =	vmpcnt.ones.xlane vm1;
	v33 =	vadd.s32 v31, v33;
	(pc) =	sbr.rel @!p1 .LBB2_103-.Ltmp64, $4  }
0x698: {  	v63 =	vadd.s32 $0xFFFFFFFF, v33  }
0x699: {  	v31 =	vadd.s32 v31, v32;
	vm3 =	vlt.s32 v63, $0x40  }
0x69a: {  	s26 =	simm.s32 $0xE080;
	vm2 =	vlt.s32 v31, $0x40;
	vm1 =	vmand vm1, vm3  }
0x69b: {  	s28 =	sadd.s32 $0xFFFFFFFF, s24;
	v32 =	vld [tilespmem:s26+$0x0];
	v33 =	vadd.s32 $0x37F, v33;
	v31 =	vnsel vm2, $0x40, v31  }
.LBB2_102:
0x69c: {  	_ =	sdelay $0x3  }
0x69d: {  	p1 =	sne.s32 s28, $0x1;
	s25 =	sadd.s32 $0x10, s25;
	s26 =	sadd.s32 $0x10, s26;
	[tilespmem:v33+s19+$0x0] =	vst.idx.msk vm1, v32;
	v32 =	vmov v31  }
0x69e: {  	s28 =	sadd.s32 $0xFFFFFFFF, s28;
	v33 =	vld [tilespmem:s25+$0x0];
	_ =	sdelay $0x4  }
0x69f: {  	vm1 =	veq.s32 v33, v30  }
0x6a0: {  	v33 =	vsel vm1, $0x1, v1;
	v34 =	vmpcnt.ones.xlane vm1  }
0x6a1: {  	(xrf0) =	vadd.scan.msk.s32 $0xffff, v33  }
0x6a2: {  	v31 =	vadd.s32 v31, v34  }
0x6a3: {  	vm2 =	vlt.s32 v31, $0x40  }
0x6a4: {  	v31 =	vnsel vm2, $0x40, v31;
	_ =	sdelay $0x2  }
0x6a5: {  	v33, _, _ =	vpop (xrf0)  }
.Ltmp65:
0x6a6: {  	v33 =	vadd.s32 v32, v33;
	(pc) =	sbr.rel @p1 .LBB2_102-.Ltmp65, $4  }
0x6a7: {  	v32 =	vadd.s32 $0xFFFFFFFF, v33  }
0x6a8: {  	vm2 =	vlt.s32 v32, $0x40  }
0x6a9: {  	vm1 =	vmand vm1, vm2  }
0x6aa: {  	v33 =	vadd.s32 $0x37F, v33;
	v32 =	vld [tilespmem:s26+$0x0]  }
.LBB2_103:
0x6ab: {  	_ =	sdelay $0x4  }
0x6ac: {  	[tilespmem:v33+s19+$0x0] =	vst.idx.msk vm1, v32  }
.LBB2_104:
0x6ad: {  	v30 =	vld [tilespmem:$0x10500]  }
0x6ae: {  	v31 =	vld [tilespmem:$0x10510]  }
0x6af: {  	v32 =	vld [tilespmem:$0x10520]  }
0x6b0: {  	v33 =	vld [tilespmem:$0x10530]  }
0x6b1: {  	v37 =	vimm.s32 $0x0;
	v34 =	vimm.s32 $0x80000000  }
0x6b2: {  	v38 =	vor.u32 v37, v34  }
0x6b3: {  	vm1 =	vge.u32 v30, v38;
	vm2 =	vge.u32 v31, v38  }
0x6b4: {  	vm3 =	vge.u32 v32, v38;
	v36 =	vsel vm1, $0x1, v1;
	v39 =	vsel vm2, $0x1, v1  }
0x6b5: {  	vm1 =	vge.u32 v33, v38;
	v57 =	vsel vm3, $0x1, v1;
	v36 =	vadd.s32 v36, v39  }
0x6b6: {  	v58 =	vsel vm1, $0x1, v1;
	v36 =	vadd.s32 v57, v36  }
0x6b7: {  	v36 =	vadd.s32 v58, v36  }
0x6b8: {  	v39 =	vperm.xlane v36, v2;
	_ =	sdelay $0x1  }
0x6b9: {  	v36 =	vadd.s32 v39, v36  }
0x6ba: {  	v39 =	vperm.xlane v36, v3;
	_ =	sdelay $0x1  }
0x6bb: {  	v36 =	vadd.s32 v39, v36  }
0x6bc: {  	v39 =	vperm.xlane v36, v4;
	_ =	sdelay $0x1  }
0x6bd: {  	v39 =	vadd.s32 v39, v36  }
0x6be: {  	v40 =	vperm.xlane v39, v5  }
0x6bf: {  	v36 =	vperm.xlane v28, v23  }
0x6c0: {  	v39 =	vadd.s32 v40, v39  }
0x6c1: {  	vm1 =	vlt.s32 v39, v36  }
0x6c2: {  	v59 =	vshrl.u32 v34, $0x1;
	v37 =	vsel vm1, v37, v38  }
0x6c3: {  	v38 =	vor.u32 v59, v37  }
0x6c4: {  	vm1 =	vge.u32 v30, v38;
	vm2 =	vge.u32 v31, v38  }
0x6c5: {  	vm3 =	vge.u32 v32, v38;
	v60 =	vsel vm1, $0x1, v1;
	v61 =	vsel vm2, $0x1, v1  }
0x6c6: {  	vm1 =	vge.u32 v33, v38;
	v62 =	vsel vm3, $0x1, v1;
	v39 =	vadd.s32 v61, v60  }
0x6c7: {  	v63 =	vsel vm1, $0x1, v1;
	v39 =	vadd.s32 v62, v39  }
0x6c8: {  	v39 =	vadd.s32 v63, v39  }
0x6c9: {  	v40 =	vperm.xlane v39, v2;
	_ =	sdelay $0x1  }
0x6ca: {  	v39 =	vadd.s32 v40, v39  }
0x6cb: {  	v40 =	vperm.xlane v39, v3;
	_ =	sdelay $0x1  }
0x6cc: {  	v39 =	vadd.s32 v40, v39  }
0x6cd: {  	v40 =	vperm.xlane v39, v4;
	_ =	sdelay $0x1  }
0x6ce: {  	v39 =	vadd.s32 v40, v39  }
0x6cf: {  	v40 =	vperm.xlane v39, v5;
	_ =	sdelay $0x1  }
0x6d0: {  	vm1 =	vmmov $0x1fff;
	v39 =	vadd.s32 v40, v39  }
0x6d1: {  	s25 =	simm.s32 $0x0;
	v29 =	vsel vm1, v29, v35;
	vm1 =	vlt.s32 v39, v36  }
.LBB2_105:
0x6d2: {  	s25 =	sadd.s32 $0x2, s25;
	v35 =	vsel vm1, v37, v38;
	v34 =	vshrl.u32 v34, $0x2  }
0x6d3: {  	v37 =	vor.u32 v35, v34;
	p1 =	slt.u32 s25, $0x1E  }
0x6d4: {  	vm1 =	vge.u32 v30, v37;
	vm2 =	vge.u32 v31, v37;
	vm3 =	vge.u32 v32, v37  }
0x6d5: {  	v38 =	vsel vm1, $0x1, v1;
	v39 =	vsel vm2, $0x1, v1;
	vm1 =	vge.u32 v33, v37  }
0x6d6: {  	v38 =	vadd.s32 v38, v39;
	v39 =	vsel vm3, $0x1, v1  }
0x6d7: {  	v38 =	vadd.s32 v39, v38;
	v39 =	vsel vm1, $0x1, v1  }
0x6d8: {  	v38 =	vadd.s32 v39, v38  }
0x6d9: {  	v39 =	vperm.xlane v38, v2;
	_ =	sdelay $0x1  }
0x6da: {  	v38 =	vadd.s32 v39, v38  }
0x6db: {  	v39 =	vperm.xlane v38, v3;
	_ =	sdelay $0x1  }
0x6dc: {  	v38 =	vadd.s32 v39, v38  }
0x6dd: {  	v39 =	vperm.xlane v38, v4;
	_ =	sdelay $0x1  }
0x6de: {  	v38 =	vadd.s32 v39, v38  }
0x6df: {  	v39 =	vperm.xlane v38, v5;
	_ =	sdelay $0x1  }
0x6e0: {  	v38 =	vadd.s32 v39, v38  }
0x6e1: {  	vm1 =	vlt.s32 v38, v36  }
0x6e2: {  	v37 =	vsel vm1, v35, v37;
	v35 =	vshrl.u32 v34, $0x1  }
0x6e3: {  	v38 =	vor.u32 v35, v37  }
0x6e4: {  	vm1 =	vge.u32 v30, v38;
	vm2 =	vge.u32 v31, v38;
	vm3 =	vge.u32 v32, v38  }
0x6e5: {  	v35 =	vsel vm1, $0x1, v1;
	v39 =	vsel vm2, $0x1, v1;
	vm1 =	vge.u32 v33, v38  }
0x6e6: {  	v35 =	vadd.s32 v39, v35;
	v39 =	vsel vm3, $0x1, v1  }
0x6e7: {  	v35 =	vadd.s32 v39, v35;
	v39 =	vsel vm1, $0x1, v1  }
0x6e8: {  	v35 =	vadd.s32 v39, v35  }
0x6e9: {  	v39 =	vperm.xlane v35, v2;
	_ =	sdelay $0x1  }
0x6ea: {  	v35 =	vadd.s32 v39, v35  }
0x6eb: {  	v39 =	vperm.xlane v35, v3;
	_ =	sdelay $0x1  }
0x6ec: {  	v35 =	vadd.s32 v39, v35  }
0x6ed: {  	v39 =	vperm.xlane v35, v4;
	_ =	sdelay $0x1  }
.Ltmp66:
0x6ee: {  	v35 =	vadd.s32 v39, v35;
	(pc) =	sbr.rel @p1 .LBB2_105-.Ltmp66, $3  }
0x6ef: {  	v39 =	vperm.xlane v35, v5;
	_ =	sdelay $0x1  }
0x6f0: {  	v35 =	vadd.s32 v39, v35  }
0x6f1: {  	vm1 =	vlt.s32 v35, v36  }
.Ltmp67:
0x6f2: {  	(pc) =	sbr.rel @p0 .LBB2_110-.Ltmp67, $2  }
0x6f3: {  	_ =	sdelay $0x2  }
0x6f4: {  	v34 =	vsel vm1, v37, v38  }
0x6f5: {  	s25 =	simm.s32 $0xF100  }
0x6f6: {  	v30 =	vld [tilespmem:s25+$0x0];
	_ =	sdelay $0x2  }
0x6f7: {  	v27 =	vperm.xlane v27, v8;
	_ =	sdelay $0x1  }
0x6f8: {  	vm1 =	veq.s32 v30, v27  }
0x6f9: {  	v30 =	vsel vm1, $0x1, v1  }
0x6fa: {  	(xrf0) =	vadd.scan.msk.s32 $0xffff, v30;
	_ =	sdelay $0x5  }
0x6fb: {  	p0 =	sne.s32 s24, $0x1;
	v31 =	vmpcnt.ones.xlane vm1;
	v30 =	vimm.s32 $0x0;
	v32, _, _ =	vpop (xrf0)  }
.Ltmp68:
0x6fc: {  	v32 =	vadd.s32 v30, v32;
	(pc) =	sbr.rel @!p0 .LBB2_109-.Ltmp68, $4  }
0x6fd: {  	v30 =	vadd.s32 v30, v31;
	v31 =	vadd.s32 $0xFFFFFFFF, v32  }
0x6fe: {  	vm3 =	vlt.s32 v31, $0x40  }
0x6ff: {  	s26 =	simm.s32 $0xE080;
	vm2 =	vlt.s32 v30, $0x40;
	vm1 =	vmand vm1, vm3  }
0x700: {  	s24 =	sadd.s32 $0xFFFFFFFF, s24;
	v32 =	vadd.s32 $0x3BF, v32;
	v30 =	vnsel vm2, $0x40, v30;
	v31 =	vld [tilespmem:s26+$0x0]  }
.LBB2_108:
0x701: {  	_ =	sdelay $0x3  }
0x702: {  	p0 =	sne.s32 s24, $0x1;
	s25 =	sadd.s32 $0x10, s25;
	s26 =	sadd.s32 $0x10, s26;
	[tilespmem:v32+s19+$0x0] =	vst.idx.msk vm1, v31;
	v31 =	vmov v30  }
0x703: {  	s24 =	sadd.s32 $0xFFFFFFFF, s24;
	v32 =	vld [tilespmem:s25+$0x0];
	_ =	sdelay $0x4  }
0x704: {  	vm1 =	veq.s32 v32, v27  }
0x705: {  	v32 =	vsel vm1, $0x1, v1;
	v33 =	vmpcnt.ones.xlane vm1  }
0x706: {  	(xrf0) =	vadd.scan.msk.s32 $0xffff, v32  }
0x707: {  	v30 =	vadd.s32 v30, v33  }
0x708: {  	vm2 =	vlt.s32 v30, $0x40  }
0x709: {  	v30 =	vnsel vm2, $0x40, v30;
	_ =	sdelay $0x2  }
0x70a: {  	v32, _, _ =	vpop (xrf0)  }
.Ltmp69:
0x70b: {  	v32 =	vadd.s32 v31, v32;
	(pc) =	sbr.rel @p0 .LBB2_108-.Ltmp69, $4  }
0x70c: {  	v31 =	vadd.s32 $0xFFFFFFFF, v32  }
0x70d: {  	vm2 =	vlt.s32 v31, $0x40  }
0x70e: {  	vm1 =	vmand vm1, vm2  }
0x70f: {  	v32 =	vadd.s32 $0x3BF, v32;
	v31 =	vld [tilespmem:s26+$0x0]  }
.LBB2_109:
0x710: {  	_ =	sdelay $0x4  }
0x711: {  	[tilespmem:v32+s19+$0x0] =	vst.idx.msk vm1, v31  }
.LBB2_110:
0x712: {  	v27 =	vld [tilespmem:$0x10540]  }
0x713: {  	v30 =	vld [tilespmem:$0x10550]  }
0x714: {  	v31 =	vld [tilespmem:$0x10560]  }
0x715: {  	v32 =	vld [tilespmem:$0x10570]  }
0x716: {  	v35 =	vimm.s32 $0x0;
	v33 =	vimm.s32 $0x80000000  }
0x717: {  	v36 =	vor.u32 v35, v33  }
0x718: {  	vm1 =	vge.u32 v27, v36;
	vm2 =	vge.u32 v30, v36  }
0x719: {  	vm3 =	vge.u32 v31, v36;
	v37 =	vsel vm1, $0x1, v1;
	v38 =	vsel vm2, $0x1, v1  }
0x71a: {  	vm1 =	vge.u32 v32, v36;
	v57 =	vsel vm3, $0x1, v1;
	v37 =	vadd.s32 v37, v38  }
0x71b: {  	v58 =	vsel vm1, $0x1, v1;
	v37 =	vadd.s32 v57, v37  }
0x71c: {  	v37 =	vadd.s32 v58, v37  }
0x71d: {  	v38 =	vperm.xlane v37, v2;
	_ =	sdelay $0x1  }
0x71e: {  	v37 =	vadd.s32 v38, v37  }
0x71f: {  	v38 =	vperm.xlane v37, v3;
	_ =	sdelay $0x1  }
0x720: {  	v37 =	vadd.s32 v38, v37  }
0x721: {  	v38 =	vperm.xlane v37, v4;
	_ =	sdelay $0x1  }
0x722: {  	v37 =	vadd.s32 v38, v37  }
0x723: {  	v38 =	vperm.xlane v37, v5  }
0x724: {  	v28 =	vperm.xlane v28, v8  }
0x725: {  	v37 =	vadd.s32 v38, v37  }
0x726: {  	vm1 =	vlt.s32 v37, v28  }
0x727: {  	v59 =	vshrl.u32 v33, $0x1;
	v35 =	vsel vm1, v35, v36  }
0x728: {  	v36 =	vor.u32 v59, v35  }
0x729: {  	vm1 =	vge.u32 v27, v36;
	vm2 =	vge.u32 v30, v36  }
0x72a: {  	vm3 =	vge.u32 v31, v36;
	v60 =	vsel vm1, $0x1, v1;
	v61 =	vsel vm2, $0x1, v1  }
0x72b: {  	vm1 =	vge.u32 v32, v36;
	v62 =	vsel vm3, $0x1, v1;
	v37 =	vadd.s32 v61, v60  }
0x72c: {  	v63 =	vsel vm1, $0x1, v1;
	v37 =	vadd.s32 v62, v37  }
0x72d: {  	v37 =	vadd.s32 v63, v37  }
0x72e: {  	v38 =	vperm.xlane v37, v2;
	_ =	sdelay $0x1  }
0x72f: {  	v37 =	vadd.s32 v38, v37  }
0x730: {  	v38 =	vperm.xlane v37, v3;
	_ =	sdelay $0x1  }
0x731: {  	v37 =	vadd.s32 v38, v37  }
0x732: {  	v38 =	vperm.xlane v37, v4;
	_ =	sdelay $0x1  }
0x733: {  	v37 =	vadd.s32 v38, v37  }
0x734: {  	v38 =	vperm.xlane v37, v5;
	_ =	sdelay $0x1  }
0x735: {  	vm1 =	vmmov $0x3fff;
	v37 =	vadd.s32 v38, v37  }
0x736: {  	s24 =	simm.s32 $0x0;
	v29 =	vsel vm1, v29, v34;
	vm1 =	vlt.s32 v37, v28  }
.LBB2_111:
0x737: {  	s24 =	sadd.s32 $0x2, s24;
	v34 =	vsel vm1, v35, v36;
	v33 =	vshrl.u32 v33, $0x2  }
0x738: {  	v35 =	vor.u32 v34, v33;
	p0 =	slt.u32 s24, $0x1E  }
0x739: {  	vm1 =	vge.u32 v27, v35;
	vm2 =	vge.u32 v30, v35;
	vm3 =	vge.u32 v31, v35  }
0x73a: {  	v36 =	vsel vm1, $0x1, v1;
	v37 =	vsel vm2, $0x1, v1;
	vm1 =	vge.u32 v32, v35  }
0x73b: {  	v36 =	vadd.s32 v36, v37;
	v37 =	vsel vm3, $0x1, v1  }
0x73c: {  	v36 =	vadd.s32 v37, v36;
	v37 =	vsel vm1, $0x1, v1  }
0x73d: {  	v36 =	vadd.s32 v37, v36  }
0x73e: {  	v37 =	vperm.xlane v36, v2;
	_ =	sdelay $0x1  }
0x73f: {  	v36 =	vadd.s32 v37, v36  }
0x740: {  	v37 =	vperm.xlane v36, v3;
	_ =	sdelay $0x1  }
0x741: {  	v36 =	vadd.s32 v37, v36  }
0x742: {  	v37 =	vperm.xlane v36, v4;
	_ =	sdelay $0x1  }
0x743: {  	v36 =	vadd.s32 v37, v36  }
0x744: {  	v37 =	vperm.xlane v36, v5;
	_ =	sdelay $0x1  }
0x745: {  	v36 =	vadd.s32 v37, v36  }
0x746: {  	vm1 =	vlt.s32 v36, v28  }
0x747: {  	v35 =	vsel vm1, v34, v35;
	v34 =	vshrl.u32 v33, $0x1  }
0x748: {  	v36 =	vor.u32 v34, v35  }
0x749: {  	vm1 =	vge.u32 v27, v36;
	vm2 =	vge.u32 v30, v36;
	vm3 =	vge.u32 v31, v36  }
0x74a: {  	v34 =	vsel vm1, $0x1, v1;
	v37 =	vsel vm2, $0x1, v1;
	vm1 =	vge.u32 v32, v36  }
0x74b: {  	v34 =	vadd.s32 v37, v34;
	v37 =	vsel vm3, $0x1, v1  }
0x74c: {  	v34 =	vadd.s32 v37, v34;
	v37 =	vsel vm1, $0x1, v1  }
0x74d: {  	v34 =	vadd.s32 v37, v34  }
0x74e: {  	v37 =	vperm.xlane v34, v2;
	_ =	sdelay $0x1  }
0x74f: {  	v34 =	vadd.s32 v37, v34  }
0x750: {  	v37 =	vperm.xlane v34, v3;
	_ =	sdelay $0x1  }
0x751: {  	v34 =	vadd.s32 v37, v34  }
0x752: {  	v37 =	vperm.xlane v34, v4;
	_ =	sdelay $0x1  }
.Ltmp70:
0x753: {  	v34 =	vadd.s32 v37, v34;
	(pc) =	sbr.rel @p0 .LBB2_111-.Ltmp70, $3  }
0x754: {  	v37 =	vperm.xlane v34, v5;
	_ =	sdelay $0x1  }
0x755: {  	v34 =	vadd.s32 v37, v34  }
0x756: {  	vm1 =	vlt.s32 v34, v28  }
0x757: {  	v27 =	vsel vm1, v35, v36;
	vm1 =	vmmov $0x7fff  }
0x758: {  	v27 =	vsel vm1, v29, v27  }
0x759: {  	vm1 =	vgt.s32 v27, $0xFFFFFFFF  }
0x75a: {  	s23 =	sadd.s32 s8, s23;
	s22 =	sadd.s32 $0x1, s22;
	v28 =	vsel vm1, $0xFFFFFFFF, v24  }
0x75b: {  	s23 =	sshrl.u32 s23, $0x3;
	p0 =	sne.s32 s22, $0x4;
	v27 =	vxor.u32 v27, v28  }
.Ltmp71:
0x75c: {  	_ =	strace $0x9000004C;
	s23 =	sadd.s32 s4, s23;
	[tilespmem:$0x10600] =	vst v27;
	(pc) =	sbr.rel @p0 .LBB2_4-.Ltmp71, $4  }
0x75d: {  	[hbm4b:s23+s3] =	stream.linear.scatter [tilespmem:s20], [sflag:$0x1], $0x80, $0x38;
	[tilespmem:$0x10680] =	vst v63  }
0x75e: {  	_ =	swait.ge [sflag:s11], $0x80  }
0x75f: {  	[sflag:s11] =	ssyncset.done $0x0  }
0x760: {  	[sflag:s11] =	ssyncadd.s32 $0xFFFFFF80  }
0x761: {  	s21 =	sadd.s32 $0x1, s21  }
0x762: {  	p0 =	sne.s32 s21, s9  }
.Ltmp72:
0x763: {  	_ = 	snop;
	(pc) =	sbr.rel @p0 .LBB2_1-.Ltmp72, $1  }
0x764: {  	_ =	sdelay $0x3  }
0x765: {  	_ =	sfence.sel $0x180000  }
0x766: {  	[bflag:$0x0] =	sbarrier.arrive $0xFFFF  }
0x767: {  	p0 =	sne.s32 s5, $0x0;
	_ =	strace $0x90000047  }
0x768: {  	s0 =	sadd.s32 @!p0 $0x100000, s2;
	[bflag:$0x2] =	sbarrier.arrive $0xFFFF  }
0x769: {  	[sflag:s0] =	ssyncadd.tile.s32 @!p0 $0x1;
	_ =	shalt  }
.Lfunc_end2:
_tile_overlayer_lowered:
.L_overlay_start_2:
0x76a: {  	(tag) =	ssettag $0x2  }
0x76b: {  	s0 =	rddreg [dreg:$0x0];
	s2 =	stileid.u32  }
0x76c: {  	s1 =	rddreg [dreg:$0x1];
	p0 =	sne.s32 s2, $0x0  }
0x76d: {  	s3 =	rddreg [dreg:$0x2];
	[bflag:$0x3] =	sbarrier.arrive $0xFFFF;
	s2 =	simm.s32 @!p0 $0x1C01  }
0x76e: {  	[timem:s3], [sflag:s2] =	dma.local @!p0 [hbm:s0], s1  }
0x76f: {  	s0 =	simm.s32 @!p0 $0x1  }
0x770: {  	_ =	swait.ge @!p0 [sflag:s0], s1  }
0x771: {  	s1 =	ssub.s32 @!p0 $0x0, s1;
	[sflag:s0] =	ssyncset.done @!p0 $0x0  }
0x772: {  	[sflag:s0] =	ssyncadd.s32 @!p0 s1  }
0x773: {  	[bflag:$0x3] =	sbarrier.arrive $0xFFFF  }
0x774: {  	_ =	shalt  }

</sc_bundles>
